<compile_context>
chip_gen: v7x
topology: tpu7x:2x2x1
jax: 0.10.2.dev20260603
libtpu: 0.0.44.dev20260713+nightly
codegen_flags: <defaults>
</compile_context>

<pallas_src>
import functools

import numpy as np

import jax
import jax.numpy as jnp
from jax import lax
from jax.experimental import pallas as pl
from jax.experimental.pallas import tpu as pltpu
from jax.experimental.pallas import tpu_sc as plsc

B, L, T, D = 1024, 50, 20, 64
N = B * L
NC, NS = 2, 16
NW = NC * NS
POS_PER_W = N // NW
CHUNK = 32
N_CHUNKS = POS_PER_W // CHUNK
IDX_ROWS = (CHUNK * T) // 128
UPM_V = 102
DP = D // 2


def _bf16_halves(w):
    lo = plsc.bitcast(jnp.left_shift(w, 16), jnp.float32)
    hi = plsc.bitcast(jnp.bitwise_and(w, jnp.int32(-65536)), jnp.float32)
    return lo, hi


def _sc_body(wmeta, wbrand, wcat, wupm, wdsub, midx, bidx, cidx,
             uidx, pidx, price, z1_out, z2_out,
             midx_v, bidx_all, cidx_all, uidx_all, pidx_all, price_all,
             wupm_v, wdsub_v, gbuf, bbuf, cbuf, z1buf, z2buf,
             sem_g, sem_i, sem_o):
    wid = lax.axis_index("s") * NC + lax.axis_index("c")
    base = wid * POS_PER_W
    chunk_base = wid * N_CHUNKS

    def fire_chunk(g_rel, p):
        for j in range(IDX_ROWS):
            pltpu.async_copy(
                wmeta.at[midx_v.at[p, j]],
                gbuf.at[p].at[pl.ds(j * 128, 128)], sem_g)
        loc = pl.ds(g_rel * CHUNK, CHUNK)
        pltpu.async_copy(wbrand.at[bidx_all.at[loc]], bbuf.at[p], sem_g)
        pltpu.async_copy(wcat.at[cidx_all.at[loc]], cbuf.at[p], sem_g)

    def wait_chunk(p):
        for j in range(IDX_ROWS):
            pltpu.make_async_copy(
                wmeta.at[midx_v.at[p, j]],
                gbuf.at[p].at[pl.ds(j * 128, 128)], sem_g).wait()
        pltpu.make_async_copy(wbrand.at[bidx_all.at[pl.ds(0, CHUNK)]],
                              bbuf.at[p], sem_g).wait()
        pltpu.make_async_copy(wcat.at[cidx_all.at[pl.ds(0, CHUNK)]],
                              cbuf.at[p], sem_g).wait()

    pltpu.sync_copy(bidx.at[pl.ds(base, POS_PER_W)], bidx_all)
    pltpu.sync_copy(cidx.at[pl.ds(base, POS_PER_W)], cidx_all)
    pltpu.sync_copy(uidx.at[pl.ds(base, POS_PER_W)],
                    uidx_all.at[pl.ds(0, POS_PER_W)])
    pltpu.sync_copy(pidx.at[pl.ds(base, POS_PER_W)],
                    pidx_all.at[pl.ds(0, POS_PER_W)])
    pltpu.sync_copy(price.at[pl.ds(base, POS_PER_W)],
                    price_all.at[pl.ds(0, POS_PER_W)])
    pltpu.sync_copy(wupm, wupm_v)
    pltpu.sync_copy(wdsub, wdsub_v)

    zeros16 = jnp.zeros((16,), jnp.float32)

    def zero_body(i, carry):
        for pp in range(2):
            for u in range(D // 16):
                z2buf[pp, i, pl.ds(D + u * 16, 16)] = zeros16
        return carry

    lax.fori_loop(0, CHUNK, zero_body, 0)

    pltpu.sync_copy(midx.at[chunk_base], midx_v.at[0])
    fire_chunk(0, 0)
    pltpu.async_copy(midx.at[chunk_base + 1], midx_v.at[1], sem_i)

    r_vecs = [wdsub_v[0, pl.ds(u * 16, 16)] for u in range(D // 16)]

    def outer_body(gg, carry):
        for b in range(2):
            g = gg * 2 + b
            p, np_ = b, 1 - b
            wait_chunk(p)

            @pl.when(g < N_CHUNKS - 1)
            def _():
                pltpu.make_async_copy(
                    midx.at[chunk_base + 1], midx_v.at[np_], sem_i).wait()
                fire_chunk(g + 1, np_)

            @pl.when(g < N_CHUNKS - 2)
            def _():
                pltpu.async_copy(
                    midx.at[chunk_base + g + 2], midx_v.at[p], sem_i)

            @pl.when(g >= 2)
            def _():
                pltpu.make_async_copy(
                    z1buf.at[p], z1_out.at[pl.ds(base, CHUNK)], sem_o).wait()
                pltpu.make_async_copy(
                    z2buf.at[p], z2_out.at[pl.ds(base, CHUNK)], sem_o).wait()

            def pos_body(i, carry2):
                base_row = i * T
                loc = g * CHUNK + i
                pu = uidx_all[pl.ds(loc, 16)][0]
                pg = pidx_all[pl.ds(loc, 16)][0]
                pr = price_all[pl.ds(loc, 16)][0]
                for v in range(DP // 16):
                    col = pl.ds(v * 16, 16)
                    ae, ao = _bf16_halves(gbuf[p, base_row, col])
                    for t in range(1, T):
                        he, ho = _bf16_halves(gbuf[p, base_row + t, col])
                        ae = ae + he
                        ao = ao + ho
                    be, bo = _bf16_halves(bbuf[p, i, col])
                    ce, co = _bf16_halves(cbuf[p, i, col])
                    z1buf[p, i, pl.ds(v * 16, 16)] = (
                        ae * (1.0 / T) + be + ce)
                    z1buf[p, i, pl.ds(32 + v * 16, 16)] = (
                        ao * (1.0 / T) + bo + co)
                for u in range(D // 16):
                    col = pl.ds(u * 16, 16)
                    z1buf[p, i, pl.ds(D + u * 16, 16)] = wupm_v[pu, col]
                    z2buf[p, i, col] = wdsub_v[1 + pg, col] + pr * r_vecs[u]
                return carry2

            lax.fori_loop(0, CHUNK, pos_body, 0)
            pltpu.async_copy(
                z1buf.at[p], z1_out.at[pl.ds(base + g * CHUNK, CHUNK)], sem_o)
            pltpu.async_copy(
                z2buf.at[p], z2_out.at[pl.ds(base + g * CHUNK, CHUNK)], sem_o)
        return carry

    lax.fori_loop(0, N_CHUNKS // 2, outer_body, 0)
    for _ in range(2):
        pltpu.make_async_copy(
            z1buf.at[0], z1_out.at[pl.ds(base, CHUNK)], sem_o).wait()
        pltpu.make_async_copy(
            z2buf.at[0], z2_out.at[pl.ds(base, CHUNK)], sem_o).wait()


@jax.jit
def _sc_gather_sum(wmeta, wbrand, wcat, wupm, wdsub, midx, bidx, cidx,
                   uidx, pidx, price):
    mesh = plsc.VectorSubcoreMesh(core_axis_name="c", subcore_axis_name="s")
    return pl.kernel(
        _sc_body,
        out_type=(jax.ShapeDtypeStruct((N, 2 * D), jnp.float32),
                  jax.ShapeDtypeStruct((N, 2 * D), jnp.float32)),
        mesh=mesh,
        compiler_params=pltpu.CompilerParams(use_tc_tiling_on_sc=False,
                                             needs_layout_passes=False),
        scratch_types=[
            pltpu.VMEM((2, IDX_ROWS, 128), jnp.int32),
            pltpu.VMEM((POS_PER_W,), jnp.int32),
            pltpu.VMEM((POS_PER_W,), jnp.int32),
            pltpu.VMEM((POS_PER_W + 16,), jnp.int32),
            pltpu.VMEM((POS_PER_W + 16,), jnp.int32),
            pltpu.VMEM((POS_PER_W + 16,), jnp.float32),
            pltpu.VMEM((UPM_V, D), jnp.float32),
            pltpu.VMEM((33, D), jnp.float32),
            pltpu.VMEM((2, CHUNK * T, DP), jnp.int32),
            pltpu.VMEM((2, CHUNK, DP), jnp.int32),
            pltpu.VMEM((2, CHUNK, DP), jnp.int32),
            pltpu.VMEM((2, CHUNK, 2 * D), jnp.float32),
            pltpu.VMEM((2, CHUNK, 2 * D), jnp.float32),
            pltpu.SemaphoreType.DMA,
            pltpu.SemaphoreType.DMA,
            pltpu.SemaphoreType.DMA,
        ],
    )(wmeta, wbrand, wcat, wupm, wdsub, midx, bidx, cidx, uidx, pidx, price)


RB = 64
TC_R = RB * L


def _tc_body(z1_ref, z2_ref, w2_ref, b_ref, o_ref):
    acc = jnp.dot(z1_ref[:], w2_ref[:], preferred_element_type=jnp.float32)
    acc += z2_ref[:][:, :D]
    acc += b_ref[:]
    o_ref[:] = acc.reshape(RB, L, D)


@jax.jit
def _tc_dense(z1, z2, w2, b):
    return pl.pallas_call(
        _tc_body,
        grid=(B // RB,),
        in_specs=[
            pl.BlockSpec((TC_R, 2 * D), lambda i: (i, 0)),
            pl.BlockSpec((TC_R, 2 * D), lambda i: (i, 0)),
            pl.BlockSpec((2 * D, D), lambda i: (0, 0)),
            pl.BlockSpec((1, D), lambda i: (0, 0)),
        ],
        out_specs=pl.BlockSpec((RB, L, D), lambda i: (i, 0, 0)),
        out_shape=jax.ShapeDtypeStruct((B, L, D), jnp.float32),
    )(z1, z2, w2, b)


def _pack_bf16(w):
    xb = w.astype(jnp.bfloat16)
    lo = lax.bitcast_convert_type(xb[:, :DP], jnp.uint16).astype(jnp.uint32)
    hi = lax.bitcast_convert_type(xb[:, DP:], jnp.uint16).astype(jnp.uint32)
    return lax.bitcast_convert_type(
        jnp.bitwise_or(jnp.left_shift(hi, 16), lo), jnp.int32)


def kernel(metadata_entry, brand_entry, category_entry, price_entry,
           user_product_match_entry, program_types_input,
           W_meta, W_brand, W_cat, W_upm, W_dense, b_dense):
    midx = metadata_entry.astype(jnp.int32).reshape(
        NW * N_CHUNKS, IDX_ROWS, 128)
    bidx = brand_entry.astype(jnp.int32).reshape(N)
    cidx = category_entry.astype(jnp.int32).reshape(N)
    uidx = user_product_match_entry.astype(jnp.int32).reshape(N)
    pidx = program_types_input.astype(jnp.int32).reshape(N)
    price = price_entry.astype(jnp.float32).reshape(N)
    wdsub = W_dense[D:D + 1 + 32]
    z1, z2 = _sc_gather_sum(_pack_bf16(W_meta), _pack_bf16(W_brand),
                            _pack_bf16(W_cat), W_upm, wdsub,
                            midx, bidx, cidx, uidx, pidx, price)
    w2 = jnp.concatenate([W_dense[:D], W_dense[D + 1 + 32:]], axis=0)
    return _tc_dense(z1, z2, w2, b_dense.reshape(1, D))

# --- scband reference (transcript-rebuilt; emitter-appended) ---
"""Pipeline reference for scband-product-features-encoder-27977416966436 (READ-ONLY COPY).

The authoritative reference and input builder live on the scoring server;
editing this copy changes nothing except your own understanding.
"""

import jax, jax.numpy as jnp
import numpy as np

B, L, T, D = 1024, 50, 20, 64
META_V = 100000 + 2
BRAND_V = 100000 + 2
CAT_V = 1000 + 1
PROG_V = 100 + 2        # user_product_match_embs table size (program_types_vocab_len + 2)
OH_DEPTH = 30 + 2       # one-hot depth (user_product_match_vocab_len + 2)
CONCAT_D = D + 1 + OH_DEPTH + D


def setup_inputs(seed: int = 0) -> dict:
    key = jax.random.key(seed)
    ks = jax.random.split(key, 12)
    metadata_entry = jax.random.randint(ks[0], (B, L, T), 0, META_V, dtype=jnp.int64) if jax.config.read('jax_enable_x64') else jax.random.randint(ks[0], (B, L, T), 0, META_V, dtype=jnp.int32)
    brand_entry = jax.random.randint(ks[1], (B, L), 0, BRAND_V)
    category_entry = jax.random.randint(ks[2], (B, L), 0, CAT_V)
    price_entry = jax.random.uniform(ks[3], (B, L), dtype=jnp.float32)
    user_product_match_entry = jax.random.randint(ks[4], (B, L), 0, PROG_V)
    program_types_input = jax.random.randint(ks[5], (B, L), 0, OH_DEPTH)
    W_meta = jax.random.normal(ks[6], (META_V, D), dtype=jnp.float32) * 0.05
    W_brand = jax.random.normal(ks[7], (BRAND_V, D), dtype=jnp.float32) * 0.05
    W_cat = jax.random.normal(ks[8], (CAT_V, D), dtype=jnp.float32) * 0.05
    W_upm = jax.random.normal(ks[9], (PROG_V, D), dtype=jnp.float32) * 0.05
    W_dense = jax.random.normal(ks[10], (CONCAT_D, D), dtype=jnp.float32) * 0.05
    b_dense = jnp.zeros((D,), dtype=jnp.float32)
    return {
        'metadata_entry': metadata_entry,
        'brand_entry': brand_entry,
        'category_entry': category_entry,
        'price_entry': price_entry,
        'user_product_match_entry': user_product_match_entry,
        'program_types_input': program_types_input,
        'W_meta': W_meta,
        'W_brand': W_brand,
        'W_cat': W_cat,
        'W_upm': W_upm,
        'W_dense': W_dense,
        'b_dense': b_dense,
    }


def reference(metadata_entry, brand_entry, category_entry, price_entry,
              user_product_match_entry, program_types_input,
              W_meta, W_brand, W_cat, W_upm, W_dense, b_dense):
    # metadata: embed [B, L, T] -> [B, L, T, D], mean over token axis (axis=2)
    meta_emb = jnp.mean(jnp.take(W_meta, metadata_entry, axis=0), axis=2)
    brand_emb = jnp.take(W_brand, brand_entry, axis=0)
    cat_emb = jnp.take(W_cat, category_entry, axis=0)
    sum_prod_embs = meta_emb + brand_emb + cat_emb
    prog_oh = jax.nn.one_hot(program_types_input, OH_DEPTH, dtype=jnp.float32)
    upm_emb = jnp.take(W_upm, user_product_match_entry, axis=0)
    concat_prod_embs = jnp.concatenate(
        [sum_prod_embs, price_entry[..., None], prog_oh, upm_emb], axis=-1)
    return concat_prod_embs @ W_dense + b_dense

if __name__ == "__main__":
    import jax
    _d = setup_inputs()
    print(jax.jit(kernel)(*tuple(_d.values())))

</pallas_src>

<mosaic_0001>
#map = affine_map<(d0, d1) -> (0, 0)>
#map1 = affine_map<(d0, d1) -> (0, 0, 0)>
#map2 = affine_map<(d0, d1) -> (0)>
module attributes {stable_mosaic.version = 14 : i64} {
  func.func @_sc_body(%arg0: i32, %arg1: i32, %arg2: memref<100002x32xi32, #tpu.memory_space<hbm>>, %arg3: memref<100002x32xi32, #tpu.memory_space<hbm>>, %arg4: memref<1001x32xi32, #tpu.memory_space<hbm>>, %arg5: memref<102x64xf32, #tpu.memory_space<hbm>>, %arg6: memref<33x64xf32, #tpu.memory_space<hbm>>, %arg7: memref<1600x5x128xi32, #tpu.memory_space<hbm>>, %arg8: memref<51200xi32, #tpu.memory_space<hbm>>, %arg9: memref<51200xi32, #tpu.memory_space<hbm>>, %arg10: memref<51200xi32, #tpu.memory_space<hbm>>, %arg11: memref<51200xi32, #tpu.memory_space<hbm>>, %arg12: memref<51200xf32, #tpu.memory_space<hbm>>, %arg13: memref<51200x128xf32, #tpu.memory_space<hbm>>, %arg14: memref<51200x128xf32, #tpu.memory_space<hbm>>, %arg15: memref<2x5x128xi32, #tpu.memory_space<vmem>>, %arg16: memref<1600xi32, #tpu.memory_space<vmem>>, %arg17: memref<1600xi32, #tpu.memory_space<vmem>>, %arg18: memref<1616xi32, #tpu.memory_space<vmem>>, %arg19: memref<1616xi32, #tpu.memory_space<vmem>>, %arg20: memref<1616xf32, #tpu.memory_space<vmem>>, %arg21: memref<102x64xf32, #tpu.memory_space<vmem>>, %arg22: memref<33x64xf32, #tpu.memory_space<vmem>>, %arg23: memref<2x640x32xi32, #tpu.memory_space<vmem>>, %arg24: memref<2x32x32xi32, #tpu.memory_space<vmem>>, %arg25: memref<2x32x32xi32, #tpu.memory_space<vmem>>, %arg26: memref<2x32x128xf32, #tpu.memory_space<vmem>>, %arg27: memref<2x32x128xf32, #tpu.memory_space<vmem>>, %arg28: memref<!tpu.dma_semaphore, #tpu.memory_space<semaphore_mem>>, %arg29: memref<!tpu.dma_semaphore, #tpu.memory_space<semaphore_mem>>, %arg30: memref<!tpu.dma_semaphore, #tpu.memory_space<semaphore_mem>>) attributes {dimension_semantics = [#tpu.dimension_semantics<core_parallel>, #tpu.dimension_semantics<subcore_parallel>], iteration_bounds = array<i64: 2, 16>, scalar_prefetch = 0 : i64, scratch_operands = 16 : i64, tpu.core_type = #tpu.core_type<sc_vector_subcore>, window_params = [{transform_indices = #map}, {transform_indices = #map}, {transform_indices = #map}, {transform_indices = #map}, {transform_indices = #map}, {transform_indices = #map1}, {transform_indices = #map2}, {transform_indices = #map2}, {transform_indices = #map2}, {transform_indices = #map2}, {transform_indices = #map2}, {transform_indices = #map}, {transform_indices = #map}]} {
    %mul3A = arith.constant 2 : i32
    %mul3A_0 = arith.muli %arg1, %mul3A : i32
    %add3A = arith.addi %mul3A_0, %arg0 : i32
    %mul3A_1 = arith.constant 1600 : i32
    %mul3A_2 = arith.muli %add3A, %mul3A_1 : i32
    %mul3A_3 = arith.constant 50 : i32
    %mul3A_4 = arith.muli %add3A, %mul3A_3 : i32
    "tpu.region"() ({
      %run_scoped3A_201 = tpu.sem_alloc : memref<!tpu.dma_semaphore, #tpu.memory_space<semaphore_mem>>
      %dma_start3A_202 = tpu.memref_slice %arg8[%mul3A_2] : memref<51200xi32, #tpu.memory_space<hbm>> -> memref<1600xi32, #tpu.memory_space<hbm>>
      %dma_start3A_203 = tpu.memref_slice %arg8[%mul3A_2] : memref<51200xi32, #tpu.memory_space<hbm>> -> memref<1600xi32, #tpu.memory_space<hbm>>
      tpu.enqueue_dma source(%dma_start3A_203 : memref<1600xi32, #tpu.memory_space<hbm>>) target(%arg16 : memref<1600xi32, #tpu.memory_space<vmem>>) target_semaphore(%run_scoped3A_201 : memref<!tpu.dma_semaphore, #tpu.memory_space<semaphore_mem>>)
      %dma_wait3A_204 = tpu.memref_slice %arg8[%mul3A_2] : memref<51200xi32, #tpu.memory_space<hbm>> -> memref<1600xi32, #tpu.memory_space<hbm>>
      %dma_wait3A_205 = tpu.memref_slice %arg8[%mul3A_2] : memref<51200xi32, #tpu.memory_space<hbm>> -> memref<1600xi32, #tpu.memory_space<hbm>>
      tpu.wait_dma2 semaphore(%run_scoped3A_201 : memref<!tpu.dma_semaphore, #tpu.memory_space<semaphore_mem>>) src(%dma_wait3A_205 : memref<1600xi32, #tpu.memory_space<hbm>>) dst(%arg16 : memref<1600xi32, #tpu.memory_space<vmem>>)
      tpu.yield
    }) : () -> ()
    "tpu.region"() ({
      %run_scoped3A_201 = tpu.sem_alloc : memref<!tpu.dma_semaphore, #tpu.memory_space<semaphore_mem>>
      %dma_start3A_202 = tpu.memref_slice %arg9[%mul3A_2] : memref<51200xi32, #tpu.memory_space<hbm>> -> memref<1600xi32, #tpu.memory_space<hbm>>
      %dma_start3A_203 = tpu.memref_slice %arg9[%mul3A_2] : memref<51200xi32, #tpu.memory_space<hbm>> -> memref<1600xi32, #tpu.memory_space<hbm>>
      tpu.enqueue_dma source(%dma_start3A_203 : memref<1600xi32, #tpu.memory_space<hbm>>) target(%arg17 : memref<1600xi32, #tpu.memory_space<vmem>>) target_semaphore(%run_scoped3A_201 : memref<!tpu.dma_semaphore, #tpu.memory_space<semaphore_mem>>)
      %dma_wait3A_204 = tpu.memref_slice %arg9[%mul3A_2] : memref<51200xi32, #tpu.memory_space<hbm>> -> memref<1600xi32, #tpu.memory_space<hbm>>
      %dma_wait3A_205 = tpu.memref_slice %arg9[%mul3A_2] : memref<51200xi32, #tpu.memory_space<hbm>> -> memref<1600xi32, #tpu.memory_space<hbm>>
      tpu.wait_dma2 semaphore(%run_scoped3A_201 : memref<!tpu.dma_semaphore, #tpu.memory_space<semaphore_mem>>) src(%dma_wait3A_205 : memref<1600xi32, #tpu.memory_space<hbm>>) dst(%arg17 : memref<1600xi32, #tpu.memory_space<vmem>>)
      tpu.yield
    }) : () -> ()
    "tpu.region"() ({
      %run_scoped3A_201 = tpu.sem_alloc : memref<!tpu.dma_semaphore, #tpu.memory_space<semaphore_mem>>
      %dma_start3A_202 = arith.constant 0 : i32
      %dma_start3A_203 = tpu.memref_slice %arg18[%dma_start3A_202] : memref<1616xi32, #tpu.memory_space<vmem>> -> memref<1600xi32, #tpu.memory_space<vmem>>
      %dma_start3A_204 = tpu.memref_slice %arg10[%mul3A_2] : memref<51200xi32, #tpu.memory_space<hbm>> -> memref<1600xi32, #tpu.memory_space<hbm>>
      %dma_start3A_205 = arith.constant 0 : i32
      %dma_start3A_206 = tpu.memref_slice %arg18[%dma_start3A_205] : memref<1616xi32, #tpu.memory_space<vmem>> -> memref<1600xi32, #tpu.memory_space<vmem>>
      %dma_start3A_207 = tpu.memref_slice %arg10[%mul3A_2] : memref<51200xi32, #tpu.memory_space<hbm>> -> memref<1600xi32, #tpu.memory_space<hbm>>
      tpu.enqueue_dma source(%dma_start3A_207 : memref<1600xi32, #tpu.memory_space<hbm>>) target(%dma_start3A_206 : memref<1600xi32, #tpu.memory_space<vmem>>) target_semaphore(%run_scoped3A_201 : memref<!tpu.dma_semaphore, #tpu.memory_space<semaphore_mem>>)
      %dma_wait3A_208 = arith.constant 0 : i32
      %dma_wait3A_209 = tpu.memref_slice %arg18[%dma_wait3A_208] : memref<1616xi32, #tpu.memory_space<vmem>> -> memref<1600xi32, #tpu.memory_space<vmem>>
      %dma_wait3A_210 = tpu.memref_slice %arg10[%mul3A_2] : memref<51200xi32, #tpu.memory_space<hbm>> -> memref<1600xi32, #tpu.memory_space<hbm>>
      %dma_wait3A_211 = arith.constant 0 : i32
      %dma_wait3A_212 = tpu.memref_slice %arg18[%dma_wait3A_211] : memref<1616xi32, #tpu.memory_space<vmem>> -> memref<1600xi32, #tpu.memory_space<vmem>>
      %dma_wait3A_213 = tpu.memref_slice %arg10[%mul3A_2] : memref<51200xi32, #tpu.memory_space<hbm>> -> memref<1600xi32, #tpu.memory_space<hbm>>
      tpu.wait_dma2 semaphore(%run_scoped3A_201 : memref<!tpu.dma_semaphore, #tpu.memory_space<semaphore_mem>>) src(%dma_wait3A_213 : memref<1600xi32, #tpu.memory_space<hbm>>) dst(%dma_wait3A_212 : memref<1600xi32, #tpu.memory_space<vmem>>)
      tpu.yield
    }) : () -> ()
    "tpu.region"() ({
      %run_scoped3A_201 = tpu.sem_alloc : memref<!tpu.dma_semaphore, #tpu.memory_space<semaphore_mem>>
      %dma_start3A_202 = arith.constant 0 : i32
      %dma_start3A_203 = tpu.memref_slice %arg19[%dma_start3A_202] : memref<1616xi32, #tpu.memory_space<vmem>> -> memref<1600xi32, #tpu.memory_space<vmem>>
      %dma_start3A_204 = tpu.memref_slice %arg11[%mul3A_2] : memref<51200xi32, #tpu.memory_space<hbm>> -> memref<1600xi32, #tpu.memory_space<hbm>>
      %dma_start3A_205 = arith.constant 0 : i32
      %dma_start3A_206 = tpu.memref_slice %arg19[%dma_start3A_205] : memref<1616xi32, #tpu.memory_space<vmem>> -> memref<1600xi32, #tpu.memory_space<vmem>>
      %dma_start3A_207 = tpu.memref_slice %arg11[%mul3A_2] : memref<51200xi32, #tpu.memory_space<hbm>> -> memref<1600xi32, #tpu.memory_space<hbm>>
      tpu.enqueue_dma source(%dma_start3A_207 : memref<1600xi32, #tpu.memory_space<hbm>>) target(%dma_start3A_206 : memref<1600xi32, #tpu.memory_space<vmem>>) target_semaphore(%run_scoped3A_201 : memref<!tpu.dma_semaphore, #tpu.memory_space<semaphore_mem>>)
      %dma_wait3A_208 = arith.constant 0 : i32
      %dma_wait3A_209 = tpu.memref_slice %arg19[%dma_wait3A_208] : memref<1616xi32, #tpu.memory_space<vmem>> -> memref<1600xi32, #tpu.memory_space<vmem>>
      %dma_wait3A_210 = tpu.memref_slice %arg11[%mul3A_2] : memref<51200xi32, #tpu.memory_space<hbm>> -> memref<1600xi32, #tpu.memory_space<hbm>>
      %dma_wait3A_211 = arith.constant 0 : i32
      %dma_wait3A_212 = tpu.memref_slice %arg19[%dma_wait3A_211] : memref<1616xi32, #tpu.memory_space<vmem>> -> memref<1600xi32, #tpu.memory_space<vmem>>
      %dma_wait3A_213 = tpu.memref_slice %arg11[%mul3A_2] : memref<51200xi32, #tpu.memory_space<hbm>> -> memref<1600xi32, #tpu.memory_space<hbm>>
      tpu.wait_dma2 semaphore(%run_scoped3A_201 : memref<!tpu.dma_semaphore, #tpu.memory_space<semaphore_mem>>) src(%dma_wait3A_213 : memref<1600xi32, #tpu.memory_space<hbm>>) dst(%dma_wait3A_212 : memref<1600xi32, #tpu.memory_space<vmem>>)
      tpu.yield
    }) : () -> ()
    "tpu.region"() ({
      %run_scoped3A_201 = tpu.sem_alloc : memref<!tpu.dma_semaphore, #tpu.memory_space<semaphore_mem>>
      %dma_start3A_202 = arith.constant 0 : i32
      %dma_start3A_203 = tpu.memref_slice %arg20[%dma_start3A_202] : memref<1616xf32, #tpu.memory_space<vmem>> -> memref<1600xf32, #tpu.memory_space<vmem>>
      %dma_start3A_204 = tpu.memref_slice %arg12[%mul3A_2] : memref<51200xf32, #tpu.memory_space<hbm>> -> memref<1600xf32, #tpu.memory_space<hbm>>
      %dma_start3A_205 = arith.constant 0 : i32
      %dma_start3A_206 = tpu.memref_slice %arg20[%dma_start3A_205] : memref<1616xf32, #tpu.memory_space<vmem>> -> memref<1600xf32, #tpu.memory_space<vmem>>
      %dma_start3A_207 = tpu.memref_slice %arg12[%mul3A_2] : memref<51200xf32, #tpu.memory_space<hbm>> -> memref<1600xf32, #tpu.memory_space<hbm>>
      tpu.enqueue_dma source(%dma_start3A_207 : memref<1600xf32, #tpu.memory_space<hbm>>) target(%dma_start3A_206 : memref<1600xf32, #tpu.memory_space<vmem>>) target_semaphore(%run_scoped3A_201 : memref<!tpu.dma_semaphore, #tpu.memory_space<semaphore_mem>>)
      %dma_wait3A_208 = arith.constant 0 : i32
      %dma_wait3A_209 = tpu.memref_slice %arg20[%dma_wait3A_208] : memref<1616xf32, #tpu.memory_space<vmem>> -> memref<1600xf32, #tpu.memory_space<vmem>>
      %dma_wait3A_210 = tpu.memref_slice %arg12[%mul3A_2] : memref<51200xf32, #tpu.memory_space<hbm>> -> memref<1600xf32, #tpu.memory_space<hbm>>
      %dma_wait3A_211 = arith.constant 0 : i32
      %dma_wait3A_212 = tpu.memref_slice %arg20[%dma_wait3A_211] : memref<1616xf32, #tpu.memory_space<vmem>> -> memref<1600xf32, #tpu.memory_space<vmem>>
      %dma_wait3A_213 = tpu.memref_slice %arg12[%mul3A_2] : memref<51200xf32, #tpu.memory_space<hbm>> -> memref<1600xf32, #tpu.memory_space<hbm>>
      tpu.wait_dma2 semaphore(%run_scoped3A_201 : memref<!tpu.dma_semaphore, #tpu.memory_space<semaphore_mem>>) src(%dma_wait3A_213 : memref<1600xf32, #tpu.memory_space<hbm>>) dst(%dma_wait3A_212 : memref<1600xf32, #tpu.memory_space<vmem>>)
      tpu.yield
    }) : () -> ()
    "tpu.region"() ({
      %run_scoped3A_201 = tpu.sem_alloc : memref<!tpu.dma_semaphore, #tpu.memory_space<semaphore_mem>>
      tpu.enqueue_dma source(%arg5 : memref<102x64xf32, #tpu.memory_space<hbm>>) target(%arg21 : memref<102x64xf32, #tpu.memory_space<vmem>>) target_semaphore(%run_scoped3A_201 : memref<!tpu.dma_semaphore, #tpu.memory_space<semaphore_mem>>)
      tpu.wait_dma2 semaphore(%run_scoped3A_201 : memref<!tpu.dma_semaphore, #tpu.memory_space<semaphore_mem>>) src(%arg5 : memref<102x64xf32, #tpu.memory_space<hbm>>) dst(%arg21 : memref<102x64xf32, #tpu.memory_space<vmem>>)
      tpu.yield
    }) : () -> ()
    "tpu.region"() ({
      %run_scoped3A_201 = tpu.sem_alloc : memref<!tpu.dma_semaphore, #tpu.memory_space<semaphore_mem>>
      tpu.enqueue_dma source(%arg6 : memref<33x64xf32, #tpu.memory_space<hbm>>) target(%arg22 : memref<33x64xf32, #tpu.memory_space<vmem>>) target_semaphore(%run_scoped3A_201 : memref<!tpu.dma_semaphore, #tpu.memory_space<semaphore_mem>>)
      tpu.wait_dma2 semaphore(%run_scoped3A_201 : memref<!tpu.dma_semaphore, #tpu.memory_space<semaphore_mem>>) src(%arg6 : memref<33x64xf32, #tpu.memory_space<hbm>>) dst(%arg22 : memref<33x64xf32, #tpu.memory_space<vmem>>)
      tpu.yield
    }) : () -> ()
    %broadcast_in_dim3A = arith.constant 0.000000e+00 : f32
    %broadcast_in_dim3A_5 = vector.broadcast %broadcast_in_dim3A : f32 to vector<16xf32>
    %scan3A = arith.constant 0 : i32
    %scan3A_6 = arith.constant 0 : i32
    %scan3A_7 = arith.constant 32 : i32
    %scan3A_8 = arith.addi %scan3A_6, %scan3A_7 : i32
    %scan3A_9 = arith.constant 1 : i32
    scf.for %scan3A_201 = %scan3A_6 to %scan3A_8 step %scan3A_9  : i32 {
      %swap3A = arith.constant 0 : i32
      %swap3A_202 = arith.index_cast %swap3A : i32 to index
      %swap3A_203 = arith.index_cast %scan3A_201 : i32 to index
      %swap3A_204 = arith.constant 64 : index
      %swap3A_205 = tpu.vector_load %arg27[%swap3A_202, %swap3A_203, %swap3A_204] {strides = array<i32>} : memref<2x32x128xf32, #tpu.memory_space<vmem>>, vector<16xf32>,
      tpu.vector_store %arg27[%swap3A_202, %swap3A_203, %swap3A_204], %broadcast_in_dim3A_5 {strides = array<i32>} : memref<2x32x128xf32, #tpu.memory_space<vmem>>, vector<16xf32>,
      %swap3A_206 = arith.constant 0 : i32
      %swap3A_207 = arith.index_cast %swap3A_206 : i32 to index
      %swap3A_208 = arith.index_cast %scan3A_201 : i32 to index
      %swap3A_209 = arith.constant 80 : index
      %swap3A_210 = tpu.vector_load %arg27[%swap3A_207, %swap3A_208, %swap3A_209] {strides = array<i32>} : memref<2x32x128xf32, #tpu.memory_space<vmem>>, vector<16xf32>,
      tpu.vector_store %arg27[%swap3A_207, %swap3A_208, %swap3A_209], %broadcast_in_dim3A_5 {strides = array<i32>} : memref<2x32x128xf32, #tpu.memory_space<vmem>>, vector<16xf32>,
      %swap3A_211 = arith.constant 0 : i32
      %swap3A_212 = arith.index_cast %swap3A_211 : i32 to index
      %swap3A_213 = arith.index_cast %scan3A_201 : i32 to index
      %swap3A_214 = arith.constant 96 : index
      %swap3A_215 = tpu.vector_load %arg27[%swap3A_212, %swap3A_213, %swap3A_214] {strides = array<i32>} : memref<2x32x128xf32, #tpu.memory_space<vmem>>, vector<16xf32>,
      tpu.vector_store %arg27[%swap3A_212, %swap3A_213, %swap3A_214], %broadcast_in_dim3A_5 {strides = array<i32>} : memref<2x32x128xf32, #tpu.memory_space<vmem>>, vector<16xf32>,
      %swap3A_216 = arith.constant 0 : i32
      %swap3A_217 = arith.index_cast %swap3A_216 : i32 to index
      %swap3A_218 = arith.index_cast %scan3A_201 : i32 to index
      %swap3A_219 = arith.constant 112 : index
      %swap3A_220 = tpu.vector_load %arg27[%swap3A_217, %swap3A_218, %swap3A_219] {strides = array<i32>} : memref<2x32x128xf32, #tpu.memory_space<vmem>>, vector<16xf32>,
      tpu.vector_store %arg27[%swap3A_217, %swap3A_218, %swap3A_219], %broadcast_in_dim3A_5 {strides = array<i32>} : memref<2x32x128xf32, #tpu.memory_space<vmem>>, vector<16xf32>,
      %swap3A_221 = arith.constant 1 : i32
      %swap3A_222 = arith.index_cast %swap3A_221 : i32 to index
      %swap3A_223 = arith.index_cast %scan3A_201 : i32 to index
      %swap3A_224 = arith.constant 64 : index
      %swap3A_225 = tpu.vector_load %arg27[%swap3A_222, %swap3A_223, %swap3A_224] {strides = array<i32>} : memref<2x32x128xf32, #tpu.memory_space<vmem>>, vector<16xf32>,
      tpu.vector_store %arg27[%swap3A_222, %swap3A_223, %swap3A_224], %broadcast_in_dim3A_5 {strides = array<i32>} : memref<2x32x128xf32, #tpu.memory_space<vmem>>, vector<16xf32>,
      %swap3A_226 = arith.constant 1 : i32
      %swap3A_227 = arith.index_cast %swap3A_226 : i32 to index
      %swap3A_228 = arith.index_cast %scan3A_201 : i32 to index
      %swap3A_229 = arith.constant 80 : index
      %swap3A_230 = tpu.vector_load %arg27[%swap3A_227, %swap3A_228, %swap3A_229] {strides = array<i32>} : memref<2x32x128xf32, #tpu.memory_space<vmem>>, vector<16xf32>,
      tpu.vector_store %arg27[%swap3A_227, %swap3A_228, %swap3A_229], %broadcast_in_dim3A_5 {strides = array<i32>} : memref<2x32x128xf32, #tpu.memory_space<vmem>>, vector<16xf32>,
      %swap3A_231 = arith.constant 1 : i32
      %swap3A_232 = arith.index_cast %swap3A_231 : i32 to index
      %swap3A_233 = arith.index_cast %scan3A_201 : i32 to index
      %swap3A_234 = arith.constant 96 : index
      %swap3A_235 = tpu.vector_load %arg27[%swap3A_232, %swap3A_233, %swap3A_234] {strides = array<i32>} : memref<2x32x128xf32, #tpu.memory_space<vmem>>, vector<16xf32>,
      tpu.vector_store %arg27[%swap3A_232, %swap3A_233, %swap3A_234], %broadcast_in_dim3A_5 {strides = array<i32>} : memref<2x32x128xf32, #tpu.memory_space<vmem>>, vector<16xf32>,
      %swap3A_236 = arith.constant 1 : i32
      %swap3A_237 = arith.index_cast %swap3A_236 : i32 to index
      %swap3A_238 = arith.index_cast %scan3A_201 : i32 to index
      %swap3A_239 = arith.constant 112 : index
      %swap3A_240 = tpu.vector_load %arg27[%swap3A_237, %swap3A_238, %swap3A_239] {strides = array<i32>} : memref<2x32x128xf32, #tpu.memory_space<vmem>>, vector<16xf32>,
      tpu.vector_store %arg27[%swap3A_237, %swap3A_238, %swap3A_239], %broadcast_in_dim3A_5 {strides = array<i32>} : memref<2x32x128xf32, #tpu.memory_space<vmem>>, vector<16xf32>,
    }
    %scan3A_10 = arith.constant 32 : i32
    %run_scoped3A = arith.constant 0 : i32
    "tpu.region"() ({
      %run_scoped3A_201 = tpu.sem_alloc : memref<!tpu.dma_semaphore, #tpu.memory_space<semaphore_mem>>
      %dma_start3A_202 = arith.constant 0 : i32
      %dma_start3A_203 = arith.constant 0 : i32
      %dma_start3A_204 = tpu.memref_slice %arg15[%run_scoped3A, %dma_start3A_202, %dma_start3A_203] : memref<2x5x128xi32, #tpu.memory_space<vmem>> -> memref<1x5x128xi32, #tpu.memory_space<vmem>>
      %dma_start3A_205 = tpu.memref_squeeze %dma_start3A_204 : memref<1x5x128xi32, #tpu.memory_space<vmem>> -> memref<5x128xi32, #tpu.memory_space<vmem>>
      %dma_start3A_206 = arith.constant 0 : i32
      %dma_start3A_207 = arith.constant 0 : i32
      %dma_start3A_208 = tpu.memref_slice %arg7[%mul3A_4, %dma_start3A_206, %dma_start3A_207] : memref<1600x5x128xi32, #tpu.memory_space<hbm>> -> memref<1x5x128xi32, #tpu.memory_space<hbm>>
      %dma_start3A_209 = tpu.memref_squeeze %dma_start3A_208 : memref<1x5x128xi32, #tpu.memory_space<hbm>> -> memref<5x128xi32, #tpu.memory_space<hbm>>
      %dma_start3A_210 = arith.constant 0 : i32
      %dma_start3A_211 = arith.constant 0 : i32
      %dma_start3A_212 = tpu.memref_slice %arg15[%run_scoped3A, %dma_start3A_210, %dma_start3A_211] : memref<2x5x128xi32, #tpu.memory_space<vmem>> -> memref<1x5x128xi32, #tpu.memory_space<vmem>>
      %dma_start3A_213 = tpu.memref_squeeze %dma_start3A_212 : memref<1x5x128xi32, #tpu.memory_space<vmem>> -> memref<5x128xi32, #tpu.memory_space<vmem>>
      %dma_start3A_214 = arith.constant 0 : i32
      %dma_start3A_215 = arith.constant 0 : i32
      %dma_start3A_216 = tpu.memref_slice %arg7[%mul3A_4, %dma_start3A_214, %dma_start3A_215] : memref<1600x5x128xi32, #tpu.memory_space<hbm>> -> memref<1x5x128xi32, #tpu.memory_space<hbm>>
      %dma_start3A_217 = tpu.memref_squeeze %dma_start3A_216 : memref<1x5x128xi32, #tpu.memory_space<hbm>> -> memref<5x128xi32, #tpu.memory_space<hbm>>
      tpu.enqueue_dma source(%dma_start3A_217 : memref<5x128xi32, #tpu.memory_space<hbm>>) target(%dma_start3A_213 : memref<5x128xi32, #tpu.memory_space<vmem>>) target_semaphore(%run_scoped3A_201 : memref<!tpu.dma_semaphore, #tpu.memory_space<semaphore_mem>>)
      %dma_wait3A_218 = arith.constant 0 : i32
      %dma_wait3A_219 = arith.constant 0 : i32
      %dma_wait3A_220 = tpu.memref_slice %arg15[%run_scoped3A, %dma_wait3A_218, %dma_wait3A_219] : memref<2x5x128xi32, #tpu.memory_space<vmem>> -> memref<1x5x128xi32, #tpu.memory_space<vmem>>
      %dma_wait3A_221 = tpu.memref_squeeze %dma_wait3A_220 : memref<1x5x128xi32, #tpu.memory_space<vmem>> -> memref<5x128xi32, #tpu.memory_space<vmem>>
      %dma_wait3A_222 = arith.constant 0 : i32
      %dma_wait3A_223 = arith.constant 0 : i32
      %dma_wait3A_224 = tpu.memref_slice %arg7[%mul3A_4, %dma_wait3A_222, %dma_wait3A_223] : memref<1600x5x128xi32, #tpu.memory_space<hbm>> -> memref<1x5x128xi32, #tpu.memory_space<hbm>>
      %dma_wait3A_225 = tpu.memref_squeeze %dma_wait3A_224 : memref<1x5x128xi32, #tpu.memory_space<hbm>> -> memref<5x128xi32, #tpu.memory_space<hbm>>
      %dma_wait3A_226 = arith.constant 0 : i32
      %dma_wait3A_227 = arith.constant 0 : i32
      %dma_wait3A_228 = tpu.memref_slice %arg15[%run_scoped3A, %dma_wait3A_226, %dma_wait3A_227] : memref<2x5x128xi32, #tpu.memory_space<vmem>> -> memref<1x5x128xi32, #tpu.memory_space<vmem>>
      %dma_wait3A_229 = tpu.memref_squeeze %dma_wait3A_228 : memref<1x5x128xi32, #tpu.memory_space<vmem>> -> memref<5x128xi32, #tpu.memory_space<vmem>>
      %dma_wait3A_230 = arith.constant 0 : i32
      %dma_wait3A_231 = arith.constant 0 : i32
      %dma_wait3A_232 = tpu.memref_slice %arg7[%mul3A_4, %dma_wait3A_230, %dma_wait3A_231] : memref<1600x5x128xi32, #tpu.memory_space<hbm>> -> memref<1x5x128xi32, #tpu.memory_space<hbm>>
      %dma_wait3A_233 = tpu.memref_squeeze %dma_wait3A_232 : memref<1x5x128xi32, #tpu.memory_space<hbm>> -> memref<5x128xi32, #tpu.memory_space<hbm>>
      tpu.wait_dma2 semaphore(%run_scoped3A_201 : memref<!tpu.dma_semaphore, #tpu.memory_space<semaphore_mem>>) src(%dma_wait3A_233 : memref<5x128xi32, #tpu.memory_space<hbm>>) dst(%dma_wait3A_229 : memref<5x128xi32, #tpu.memory_space<vmem>>)
      tpu.yield
    }) : () -> ()
    %dma_start3A = arith.constant 0 : i32
    %dma_start3A_11 = arith.constant 0 : i32
    %dma_start3A_12 = arith.constant 0 : i32
    %dma_start3A_13 = arith.constant 0 : i32
    %dma_start3A_14 = arith.constant 0 : i32
    %dma_start3A_15 = tpu.memref_slice %arg23[%dma_start3A_12, %dma_start3A_13, %dma_start3A_14] : memref<2x640x32xi32, #tpu.memory_space<vmem>> -> memref<1x640x32xi32, #tpu.memory_space<vmem>>
    %dma_start3A_16 = tpu.memref_squeeze %dma_start3A_15 : memref<1x640x32xi32, #tpu.memory_space<vmem>> -> memref<640x32xi32, #tpu.memory_space<vmem>>
    %dma_start3A_17 = arith.constant 0 : i32
    %dma_start3A_18 = arith.constant 0 : i32
    %dma_start3A_19 = tpu.memref_slice %dma_start3A_16[%dma_start3A_17, %dma_start3A_18] : memref<640x32xi32, #tpu.memory_space<vmem>> -> memref<128x32xi32, #tpu.memory_space<vmem>>
    %dma_start3A_20 = arith.constant 0 : i32
    %dma_start3A_21 = tpu.memref_slice %arg15[%dma_start3A, %dma_start3A_11, %dma_start3A_20] : memref<2x5x128xi32, #tpu.memory_space<vmem>> -> memref<1x1x128xi32, #tpu.memory_space<vmem>>
    %dma_start3A_22 = tpu.memref_squeeze %dma_start3A_21 : memref<1x1x128xi32, #tpu.memory_space<vmem>> -> memref<128xi32, #tpu.memory_space<vmem>>
    %dma_start3A_23 = arith.constant 0 : i32
    %dma_start3A_24 = arith.constant 0 : i32
    %dma_start3A_25 = tpu.memref_slice %arg2[%dma_start3A_23, %dma_start3A_24] : memref<100002x32xi32, #tpu.memory_space<hbm>> -> memref<100002x32xi32, #tpu.memory_space<hbm>>
    tpu.enqueue_indirect_dma source(%dma_start3A_25 : memref<100002x32xi32, #tpu.memory_space<hbm>>) target(%dma_start3A_19 : memref<128x32xi32, #tpu.memory_space<vmem>>) offsets(%dma_start3A_22 : memref<128xi32, #tpu.memory_space<vmem>>) semaphore(%arg28 : memref<!tpu.dma_semaphore, #tpu.memory_space<semaphore_mem>>)
    %dma_start3A_26 = arith.constant 0 : i32
    %dma_start3A_27 = arith.constant 1 : i32
    %dma_start3A_28 = arith.constant 0 : i32
    %dma_start3A_29 = arith.constant 0 : i32
    %dma_start3A_30 = arith.constant 0 : i32
    %dma_start3A_31 = tpu.memref_slice %arg23[%dma_start3A_28, %dma_start3A_29, %dma_start3A_30] : memref<2x640x32xi32, #tpu.memory_space<vmem>> -> memref<1x640x32xi32, #tpu.memory_space<vmem>>
    %dma_start3A_32 = tpu.memref_squeeze %dma_start3A_31 : memref<1x640x32xi32, #tpu.memory_space<vmem>> -> memref<640x32xi32, #tpu.memory_space<vmem>>
    %dma_start3A_33 = arith.constant 128 : i32
    %dma_start3A_34 = arith.constant 0 : i32
    %dma_start3A_35 = tpu.memref_slice %dma_start3A_32[%dma_start3A_33, %dma_start3A_34] : memref<640x32xi32, #tpu.memory_space<vmem>> -> memref<128x32xi32, #tpu.memory_space<vmem>>
    %dma_start3A_36 = arith.constant 0 : i32
    %dma_start3A_37 = tpu.memref_slice %arg15[%dma_start3A_26, %dma_start3A_27, %dma_start3A_36] : memref<2x5x128xi32, #tpu.memory_space<vmem>> -> memref<1x1x128xi32, #tpu.memory_space<vmem>>
    %dma_start3A_38 = tpu.memref_squeeze %dma_start3A_37 : memref<1x1x128xi32, #tpu.memory_space<vmem>> -> memref<128xi32, #tpu.memory_space<vmem>>
    %dma_start3A_39 = arith.constant 0 : i32
    %dma_start3A_40 = arith.constant 0 : i32
    %dma_start3A_41 = tpu.memref_slice %arg2[%dma_start3A_39, %dma_start3A_40] : memref<100002x32xi32, #tpu.memory_space<hbm>> -> memref<100002x32xi32, #tpu.memory_space<hbm>>
    tpu.enqueue_indirect_dma source(%dma_start3A_41 : memref<100002x32xi32, #tpu.memory_space<hbm>>) target(%dma_start3A_35 : memref<128x32xi32, #tpu.memory_space<vmem>>) offsets(%dma_start3A_38 : memref<128xi32, #tpu.memory_space<vmem>>) semaphore(%arg28 : memref<!tpu.dma_semaphore, #tpu.memory_space<semaphore_mem>>)
    %dma_start3A_42 = arith.constant 0 : i32
    %dma_start3A_43 = arith.constant 2 : i32
    %dma_start3A_44 = arith.constant 0 : i32
    %dma_start3A_45 = arith.constant 0 : i32
    %dma_start3A_46 = arith.constant 0 : i32
    %dma_start3A_47 = tpu.memref_slice %arg23[%dma_start3A_44, %dma_start3A_45, %dma_start3A_46] : memref<2x640x32xi32, #tpu.memory_space<vmem>> -> memref<1x640x32xi32, #tpu.memory_space<vmem>>
    %dma_start3A_48 = tpu.memref_squeeze %dma_start3A_47 : memref<1x640x32xi32, #tpu.memory_space<vmem>> -> memref<640x32xi32, #tpu.memory_space<vmem>>
    %dma_start3A_49 = arith.constant 256 : i32
    %dma_start3A_50 = arith.constant 0 : i32
    %dma_start3A_51 = tpu.memref_slice %dma_start3A_48[%dma_start3A_49, %dma_start3A_50] : memref<640x32xi32, #tpu.memory_space<vmem>> -> memref<128x32xi32, #tpu.memory_space<vmem>>
    %dma_start3A_52 = arith.constant 0 : i32
    %dma_start3A_53 = tpu.memref_slice %arg15[%dma_start3A_42, %dma_start3A_43, %dma_start3A_52] : memref<2x5x128xi32, #tpu.memory_space<vmem>> -> memref<1x1x128xi32, #tpu.memory_space<vmem>>
    %dma_start3A_54 = tpu.memref_squeeze %dma_start3A_53 : memref<1x1x128xi32, #tpu.memory_space<vmem>> -> memref<128xi32, #tpu.memory_space<vmem>>
    %dma_start3A_55 = arith.constant 0 : i32
    %dma_start3A_56 = arith.constant 0 : i32
    %dma_start3A_57 = tpu.memref_slice %arg2[%dma_start3A_55, %dma_start3A_56] : memref<100002x32xi32, #tpu.memory_space<hbm>> -> memref<100002x32xi32, #tpu.memory_space<hbm>>
    tpu.enqueue_indirect_dma source(%dma_start3A_57 : memref<100002x32xi32, #tpu.memory_space<hbm>>) target(%dma_start3A_51 : memref<128x32xi32, #tpu.memory_space<vmem>>) offsets(%dma_start3A_54 : memref<128xi32, #tpu.memory_space<vmem>>) semaphore(%arg28 : memref<!tpu.dma_semaphore, #tpu.memory_space<semaphore_mem>>)
    %dma_start3A_58 = arith.constant 0 : i32
    %dma_start3A_59 = arith.constant 3 : i32
    %dma_start3A_60 = arith.constant 0 : i32
    %dma_start3A_61 = arith.constant 0 : i32
    %dma_start3A_62 = arith.constant 0 : i32
    %dma_start3A_63 = tpu.memref_slice %arg23[%dma_start3A_60, %dma_start3A_61, %dma_start3A_62] : memref<2x640x32xi32, #tpu.memory_space<vmem>> -> memref<1x640x32xi32, #tpu.memory_space<vmem>>
    %dma_start3A_64 = tpu.memref_squeeze %dma_start3A_63 : memref<1x640x32xi32, #tpu.memory_space<vmem>> -> memref<640x32xi32, #tpu.memory_space<vmem>>
    %dma_start3A_65 = arith.constant 384 : i32
    %dma_start3A_66 = arith.constant 0 : i32
    %dma_start3A_67 = tpu.memref_slice %dma_start3A_64[%dma_start3A_65, %dma_start3A_66] : memref<640x32xi32, #tpu.memory_space<vmem>> -> memref<128x32xi32, #tpu.memory_space<vmem>>
    %dma_start3A_68 = arith.constant 0 : i32
    %dma_start3A_69 = tpu.memref_slice %arg15[%dma_start3A_58, %dma_start3A_59, %dma_start3A_68] : memref<2x5x128xi32, #tpu.memory_space<vmem>> -> memref<1x1x128xi32, #tpu.memory_space<vmem>>
    %dma_start3A_70 = tpu.memref_squeeze %dma_start3A_69 : memref<1x1x128xi32, #tpu.memory_space<vmem>> -> memref<128xi32, #tpu.memory_space<vmem>>
    %dma_start3A_71 = arith.constant 0 : i32
    %dma_start3A_72 = arith.constant 0 : i32
    %dma_start3A_73 = tpu.memref_slice %arg2[%dma_start3A_71, %dma_start3A_72] : memref<100002x32xi32, #tpu.memory_space<hbm>> -> memref<100002x32xi32, #tpu.memory_space<hbm>>
    tpu.enqueue_indirect_dma source(%dma_start3A_73 : memref<100002x32xi32, #tpu.memory_space<hbm>>) target(%dma_start3A_67 : memref<128x32xi32, #tpu.memory_space<vmem>>) offsets(%dma_start3A_70 : memref<128xi32, #tpu.memory_space<vmem>>) semaphore(%arg28 : memref<!tpu.dma_semaphore, #tpu.memory_space<semaphore_mem>>)
    %dma_start3A_74 = arith.constant 0 : i32
    %dma_start3A_75 = arith.constant 4 : i32
    %dma_start3A_76 = arith.constant 0 : i32
    %dma_start3A_77 = arith.constant 0 : i32
    %dma_start3A_78 = arith.constant 0 : i32
    %dma_start3A_79 = tpu.memref_slice %arg23[%dma_start3A_76, %dma_start3A_77, %dma_start3A_78] : memref<2x640x32xi32, #tpu.memory_space<vmem>> -> memref<1x640x32xi32, #tpu.memory_space<vmem>>
    %dma_start3A_80 = tpu.memref_squeeze %dma_start3A_79 : memref<1x640x32xi32, #tpu.memory_space<vmem>> -> memref<640x32xi32, #tpu.memory_space<vmem>>
    %dma_start3A_81 = arith.constant 512 : i32
    %dma_start3A_82 = arith.constant 0 : i32
    %dma_start3A_83 = tpu.memref_slice %dma_start3A_80[%dma_start3A_81, %dma_start3A_82] : memref<640x32xi32, #tpu.memory_space<vmem>> -> memref<128x32xi32, #tpu.memory_space<vmem>>
    %dma_start3A_84 = arith.constant 0 : i32
    %dma_start3A_85 = tpu.memref_slice %arg15[%dma_start3A_74, %dma_start3A_75, %dma_start3A_84] : memref<2x5x128xi32, #tpu.memory_space<vmem>> -> memref<1x1x128xi32, #tpu.memory_space<vmem>>
    %dma_start3A_86 = tpu.memref_squeeze %dma_start3A_85 : memref<1x1x128xi32, #tpu.memory_space<vmem>> -> memref<128xi32, #tpu.memory_space<vmem>>
    %dma_start3A_87 = arith.constant 0 : i32
    %dma_start3A_88 = arith.constant 0 : i32
    %dma_start3A_89 = tpu.memref_slice %arg2[%dma_start3A_87, %dma_start3A_88] : memref<100002x32xi32, #tpu.memory_space<hbm>> -> memref<100002x32xi32, #tpu.memory_space<hbm>>
    tpu.enqueue_indirect_dma source(%dma_start3A_89 : memref<100002x32xi32, #tpu.memory_space<hbm>>) target(%dma_start3A_83 : memref<128x32xi32, #tpu.memory_space<vmem>>) offsets(%dma_start3A_86 : memref<128xi32, #tpu.memory_space<vmem>>) semaphore(%arg28 : memref<!tpu.dma_semaphore, #tpu.memory_space<semaphore_mem>>)
    %dma_start3A_90 = arith.constant 0 : i32
    %dma_start3A_91 = arith.constant 0 : i32
    %dma_start3A_92 = arith.constant 0 : i32
    %dma_start3A_93 = tpu.memref_slice %arg24[%dma_start3A_90, %dma_start3A_91, %dma_start3A_92] : memref<2x32x32xi32, #tpu.memory_space<vmem>> -> memref<1x32x32xi32, #tpu.memory_space<vmem>>
    %dma_start3A_94 = tpu.memref_squeeze %dma_start3A_93 : memref<1x32x32xi32, #tpu.memory_space<vmem>> -> memref<32x32xi32, #tpu.memory_space<vmem>>
    %dma_start3A_95 = arith.constant 0 : i32
    %dma_start3A_96 = tpu.memref_slice %arg16[%dma_start3A_95] : memref<1600xi32, #tpu.memory_space<vmem>> -> memref<32xi32, #tpu.memory_space<vmem>>
    %dma_start3A_97 = arith.constant 0 : i32
    %dma_start3A_98 = arith.constant 0 : i32
    %dma_start3A_99 = tpu.memref_slice %arg3[%dma_start3A_97, %dma_start3A_98] : memref<100002x32xi32, #tpu.memory_space<hbm>> -> memref<100002x32xi32, #tpu.memory_space<hbm>>
    tpu.enqueue_indirect_dma source(%dma_start3A_99 : memref<100002x32xi32, #tpu.memory_space<hbm>>) target(%dma_start3A_94 : memref<32x32xi32, #tpu.memory_space<vmem>>) offsets(%dma_start3A_96 : memref<32xi32, #tpu.memory_space<vmem>>) semaphore(%arg28 : memref<!tpu.dma_semaphore, #tpu.memory_space<semaphore_mem>>)
    %dma_start3A_100 = arith.constant 0 : i32
    %dma_start3A_101 = arith.constant 0 : i32
    %dma_start3A_102 = arith.constant 0 : i32
    %dma_start3A_103 = tpu.memref_slice %arg25[%dma_start3A_100, %dma_start3A_101, %dma_start3A_102] : memref<2x32x32xi32, #tpu.memory_space<vmem>> -> memref<1x32x32xi32, #tpu.memory_space<vmem>>
    %dma_start3A_104 = tpu.memref_squeeze %dma_start3A_103 : memref<1x32x32xi32, #tpu.memory_space<vmem>> -> memref<32x32xi32, #tpu.memory_space<vmem>>
    %dma_start3A_105 = arith.constant 0 : i32
    %dma_start3A_106 = tpu.memref_slice %arg17[%dma_start3A_105] : memref<1600xi32, #tpu.memory_space<vmem>> -> memref<32xi32, #tpu.memory_space<vmem>>
    %dma_start3A_107 = arith.constant 0 : i32
    %dma_start3A_108 = arith.constant 0 : i32
    %dma_start3A_109 = tpu.memref_slice %arg4[%dma_start3A_107, %dma_start3A_108] : memref<1001x32xi32, #tpu.memory_space<hbm>> -> memref<1001x32xi32, #tpu.memory_space<hbm>>
    tpu.enqueue_indirect_dma source(%dma_start3A_109 : memref<1001x32xi32, #tpu.memory_space<hbm>>) target(%dma_start3A_104 : memref<32x32xi32, #tpu.memory_space<vmem>>) offsets(%dma_start3A_106 : memref<32xi32, #tpu.memory_space<vmem>>) semaphore(%arg28 : memref<!tpu.dma_semaphore, #tpu.memory_space<semaphore_mem>>)
    %add3A_110 = arith.constant 1 : i32
    %add3A_111 = arith.addi %mul3A_4, %add3A_110 : i32
    %dma_start3A_112 = arith.constant 1 : i32
    %dma_start3A_113 = arith.constant 0 : i32
    %dma_start3A_114 = arith.constant 0 : i32
    %dma_start3A_115 = tpu.memref_slice %arg15[%dma_start3A_112, %dma_start3A_113, %dma_start3A_114] : memref<2x5x128xi32, #tpu.memory_space<vmem>> -> memref<1x5x128xi32, #tpu.memory_space<vmem>>
    %dma_start3A_116 = tpu.memref_squeeze %dma_start3A_115 : memref<1x5x128xi32, #tpu.memory_space<vmem>> -> memref<5x128xi32, #tpu.memory_space<vmem>>
    %dma_start3A_117 = arith.constant 0 : i32
    %dma_start3A_118 = arith.constant 0 : i32
    %dma_start3A_119 = tpu.memref_slice %arg7[%add3A_111, %dma_start3A_117, %dma_start3A_118] : memref<1600x5x128xi32, #tpu.memory_space<hbm>> -> memref<1x5x128xi32, #tpu.memory_space<hbm>>
    %dma_start3A_120 = tpu.memref_squeeze %dma_start3A_119 : memref<1x5x128xi32, #tpu.memory_space<hbm>> -> memref<5x128xi32, #tpu.memory_space<hbm>>
    %dma_start3A_121 = arith.constant 0 : i32
    %dma_start3A_122 = arith.constant 0 : i32
    %dma_start3A_123 = tpu.memref_slice %arg15[%dma_start3A_112, %dma_start3A_121, %dma_start3A_122] : memref<2x5x128xi32, #tpu.memory_space<vmem>> -> memref<1x5x128xi32, #tpu.memory_space<vmem>>
    %dma_start3A_124 = tpu.memref_squeeze %dma_start3A_123 : memref<1x5x128xi32, #tpu.memory_space<vmem>> -> memref<5x128xi32, #tpu.memory_space<vmem>>
    %dma_start3A_125 = arith.constant 0 : i32
    %dma_start3A_126 = arith.constant 0 : i32
    %dma_start3A_127 = tpu.memref_slice %arg7[%add3A_111, %dma_start3A_125, %dma_start3A_126] : memref<1600x5x128xi32, #tpu.memory_space<hbm>> -> memref<1x5x128xi32, #tpu.memory_space<hbm>>
    %dma_start3A_128 = tpu.memref_squeeze %dma_start3A_127 : memref<1x5x128xi32, #tpu.memory_space<hbm>> -> memref<5x128xi32, #tpu.memory_space<hbm>>
    tpu.enqueue_dma source(%dma_start3A_128 : memref<5x128xi32, #tpu.memory_space<hbm>>) target(%dma_start3A_124 : memref<5x128xi32, #tpu.memory_space<vmem>>) target_semaphore(%arg29 : memref<!tpu.dma_semaphore, #tpu.memory_space<semaphore_mem>>)
    %get3A = arith.constant 0 : i32
    %get3A_129 = arith.index_cast %get3A : i32 to index
    %get3A_130 = arith.constant 0 : index
    %get3A_131 = tpu.vector_load %arg22[%get3A_129, %get3A_130] {strides = array<i32>} : memref<33x64xf32, #tpu.memory_space<vmem>>, vector<16xf32>,
    %get3A_132 = arith.constant 0 : i32
    %get3A_133 = arith.index_cast %get3A_132 : i32 to index
    %get3A_134 = arith.constant 16 : index
    %get3A_135 = tpu.vector_load %arg22[%get3A_133, %get3A_134] {strides = array<i32>} : memref<33x64xf32, #tpu.memory_space<vmem>>, vector<16xf32>,
    %get3A_136 = arith.constant 0 : i32
    %get3A_137 = arith.index_cast %get3A_136 : i32 to index
    %get3A_138 = arith.constant 32 : index
    %get3A_139 = tpu.vector_load %arg22[%get3A_137, %get3A_138] {strides = array<i32>} : memref<33x64xf32, #tpu.memory_space<vmem>>, vector<16xf32>,
    %get3A_140 = arith.constant 0 : i32
    %get3A_141 = arith.index_cast %get3A_140 : i32 to index
    %get3A_142 = arith.constant 48 : index
    %get3A_143 = tpu.vector_load %arg22[%get3A_141, %get3A_142] {strides = array<i32>} : memref<33x64xf32, #tpu.memory_space<vmem>>, vector<16xf32>,
    %scan3A_144 = arith.constant 0 : i32
    %scan3A_145 = arith.constant 0 : i32
    %scan3A_146 = arith.constant 25 : i32
    %scan3A_147 = arith.addi %scan3A_145, %scan3A_146 : i32
    %scan3A_148 = arith.constant 1 : i32
    scf.for %scan3A_201 = %scan3A_145 to %scan3A_147 step %scan3A_148  : i32 {
      %mul3A_202 = arith.constant 2 : i32
      %mul3A_203 = arith.muli %scan3A_201, %mul3A_202 : i32
      %add3A_204 = arith.constant 0 : i32
      %add3A_205 = arith.addi %mul3A_203, %add3A_204 : i32
      %dma_wait3A_206 = arith.constant 0 : i32
      %dma_wait3A_207 = arith.constant 0 : i32
      %dma_wait3A_208 = arith.constant 0 : i32
      %dma_wait3A_209 = arith.constant 0 : i32
      %dma_wait3A_210 = arith.constant 0 : i32
      %dma_wait3A_211 = tpu.memref_slice %arg23[%dma_wait3A_208, %dma_wait3A_209, %dma_wait3A_210] : memref<2x640x32xi32, #tpu.memory_space<vmem>> -> memref<1x640x32xi32, #tpu.memory_space<vmem>>
      %dma_wait3A_212 = tpu.memref_squeeze %dma_wait3A_211 : memref<1x640x32xi32, #tpu.memory_space<vmem>> -> memref<640x32xi32, #tpu.memory_space<vmem>>
      %dma_wait3A_213 = arith.constant 0 : i32
      %dma_wait3A_214 = arith.constant 0 : i32
      %dma_wait3A_215 = tpu.memref_slice %dma_wait3A_212[%dma_wait3A_213, %dma_wait3A_214] : memref<640x32xi32, #tpu.memory_space<vmem>> -> memref<128x32xi32, #tpu.memory_space<vmem>>
      %dma_wait3A_216 = arith.constant 0 : i32
      %dma_wait3A_217 = tpu.memref_slice %arg15[%dma_wait3A_206, %dma_wait3A_207, %dma_wait3A_216] : memref<2x5x128xi32, #tpu.memory_space<vmem>> -> memref<1x1x128xi32, #tpu.memory_space<vmem>>
      %dma_wait3A_218 = tpu.memref_squeeze %dma_wait3A_217 : memref<1x1x128xi32, #tpu.memory_space<vmem>> -> memref<128xi32, #tpu.memory_space<vmem>>
      %dma_wait3A_219 = arith.constant 0 : i32
      %dma_wait3A_220 = arith.constant 0 : i32
      %dma_wait3A_221 = tpu.memref_slice %arg2[%dma_wait3A_219, %dma_wait3A_220] : memref<100002x32xi32, #tpu.memory_space<hbm>> -> memref<100002x32xi32, #tpu.memory_space<hbm>>
      tpu.wait_indirect_dma semaphore(%arg28 : memref<!tpu.dma_semaphore, #tpu.memory_space<semaphore_mem>>) src(%dma_wait3A_221 : memref<100002x32xi32, #tpu.memory_space<hbm>>) dst(%dma_wait3A_215 : memref<128x32xi32, #tpu.memory_space<vmem>>)
      %dma_wait3A_222 = arith.constant 0 : i32
      %dma_wait3A_223 = arith.constant 1 : i32
      %dma_wait3A_224 = arith.constant 0 : i32
      %dma_wait3A_225 = arith.constant 0 : i32
      %dma_wait3A_226 = arith.constant 0 : i32
      %dma_wait3A_227 = tpu.memref_slice %arg23[%dma_wait3A_224, %dma_wait3A_225, %dma_wait3A_226] : memref<2x640x32xi32, #tpu.memory_space<vmem>> -> memref<1x640x32xi32, #tpu.memory_space<vmem>>
      %dma_wait3A_228 = tpu.memref_squeeze %dma_wait3A_227 : memref<1x640x32xi32, #tpu.memory_space<vmem>> -> memref<640x32xi32, #tpu.memory_space<vmem>>
      %dma_wait3A_229 = arith.constant 128 : i32
      %dma_wait3A_230 = arith.constant 0 : i32
      %dma_wait3A_231 = tpu.memref_slice %dma_wait3A_228[%dma_wait3A_229, %dma_wait3A_230] : memref<640x32xi32, #tpu.memory_space<vmem>> -> memref<128x32xi32, #tpu.memory_space<vmem>>
      %dma_wait3A_232 = arith.constant 0 : i32
      %dma_wait3A_233 = tpu.memref_slice %arg15[%dma_wait3A_222, %dma_wait3A_223, %dma_wait3A_232] : memref<2x5x128xi32, #tpu.memory_space<vmem>> -> memref<1x1x128xi32, #tpu.memory_space<vmem>>
      %dma_wait3A_234 = tpu.memref_squeeze %dma_wait3A_233 : memref<1x1x128xi32, #tpu.memory_space<vmem>> -> memref<128xi32, #tpu.memory_space<vmem>>
      %dma_wait3A_235 = arith.constant 0 : i32
      %dma_wait3A_236 = arith.constant 0 : i32
      %dma_wait3A_237 = tpu.memref_slice %arg2[%dma_wait3A_235, %dma_wait3A_236] : memref<100002x32xi32, #tpu.memory_space<hbm>> -> memref<100002x32xi32, #tpu.memory_space<hbm>>
      tpu.wait_indirect_dma semaphore(%arg28 : memref<!tpu.dma_semaphore, #tpu.memory_space<semaphore_mem>>) src(%dma_wait3A_237 : memref<100002x32xi32, #tpu.memory_space<hbm>>) dst(%dma_wait3A_231 : memref<128x32xi32, #tpu.memory_space<vmem>>)
      %dma_wait3A_238 = arith.constant 0 : i32
      %dma_wait3A_239 = arith.constant 2 : i32
      %dma_wait3A_240 = arith.constant 0 : i32
      %dma_wait3A_241 = arith.constant 0 : i32
      %dma_wait3A_242 = arith.constant 0 : i32
      %dma_wait3A_243 = tpu.memref_slice %arg23[%dma_wait3A_240, %dma_wait3A_241, %dma_wait3A_242] : memref<2x640x32xi32, #tpu.memory_space<vmem>> -> memref<1x640x32xi32, #tpu.memory_space<vmem>>
      %dma_wait3A_244 = tpu.memref_squeeze %dma_wait3A_243 : memref<1x640x32xi32, #tpu.memory_space<vmem>> -> memref<640x32xi32, #tpu.memory_space<vmem>>
      %dma_wait3A_245 = arith.constant 256 : i32
      %dma_wait3A_246 = arith.constant 0 : i32
      %dma_wait3A_247 = tpu.memref_slice %dma_wait3A_244[%dma_wait3A_245, %dma_wait3A_246] : memref<640x32xi32, #tpu.memory_space<vmem>> -> memref<128x32xi32, #tpu.memory_space<vmem>>
      %dma_wait3A_248 = arith.constant 0 : i32
      %dma_wait3A_249 = tpu.memref_slice %arg15[%dma_wait3A_238, %dma_wait3A_239, %dma_wait3A_248] : memref<2x5x128xi32, #tpu.memory_space<vmem>> -> memref<1x1x128xi32, #tpu.memory_space<vmem>>
      %dma_wait3A_250 = tpu.memref_squeeze %dma_wait3A_249 : memref<1x1x128xi32, #tpu.memory_space<vmem>> -> memref<128xi32, #tpu.memory_space<vmem>>
      %dma_wait3A_251 = arith.constant 0 : i32
      %dma_wait3A_252 = arith.constant 0 : i32
      %dma_wait3A_253 = tpu.memref_slice %arg2[%dma_wait3A_251, %dma_wait3A_252] : memref<100002x32xi32, #tpu.memory_space<hbm>> -> memref<100002x32xi32, #tpu.memory_space<hbm>>
      tpu.wait_indirect_dma semaphore(%arg28 : memref<!tpu.dma_semaphore, #tpu.memory_space<semaphore_mem>>) src(%dma_wait3A_253 : memref<100002x32xi32, #tpu.memory_space<hbm>>) dst(%dma_wait3A_247 : memref<128x32xi32, #tpu.memory_space<vmem>>)
      %dma_wait3A_254 = arith.constant 0 : i32
      %dma_wait3A_255 = arith.constant 3 : i32
      %dma_wait3A_256 = arith.constant 0 : i32
      %dma_wait3A_257 = arith.constant 0 : i32
      %dma_wait3A_258 = arith.constant 0 : i32
      %dma_wait3A_259 = tpu.memref_slice %arg23[%dma_wait3A_256, %dma_wait3A_257, %dma_wait3A_258] : memref<2x640x32xi32, #tpu.memory_space<vmem>> -> memref<1x640x32xi32, #tpu.memory_space<vmem>>
      %dma_wait3A_260 = tpu.memref_squeeze %dma_wait3A_259 : memref<1x640x32xi32, #tpu.memory_space<vmem>> -> memref<640x32xi32, #tpu.memory_space<vmem>>
      %dma_wait3A_261 = arith.constant 384 : i32
      %dma_wait3A_262 = arith.constant 0 : i32
      %dma_wait3A_263 = tpu.memref_slice %dma_wait3A_260[%dma_wait3A_261, %dma_wait3A_262] : memref<640x32xi32, #tpu.memory_space<vmem>> -> memref<128x32xi32, #tpu.memory_space<vmem>>
      %dma_wait3A_264 = arith.constant 0 : i32
      %dma_wait3A_265 = tpu.memref_slice %arg15[%dma_wait3A_254, %dma_wait3A_255, %dma_wait3A_264] : memref<2x5x128xi32, #tpu.memory_space<vmem>> -> memref<1x1x128xi32, #tpu.memory_space<vmem>>
      %dma_wait3A_266 = tpu.memref_squeeze %dma_wait3A_265 : memref<1x1x128xi32, #tpu.memory_space<vmem>> -> memref<128xi32, #tpu.memory_space<vmem>>
      %dma_wait3A_267 = arith.constant 0 : i32
      %dma_wait3A_268 = arith.constant 0 : i32
      %dma_wait3A_269 = tpu.memref_slice %arg2[%dma_wait3A_267, %dma_wait3A_268] : memref<100002x32xi32, #tpu.memory_space<hbm>> -> memref<100002x32xi32, #tpu.memory_space<hbm>>
      tpu.wait_indirect_dma semaphore(%arg28 : memref<!tpu.dma_semaphore, #tpu.memory_space<semaphore_mem>>) src(%dma_wait3A_269 : memref<100002x32xi32, #tpu.memory_space<hbm>>) dst(%dma_wait3A_263 : memref<128x32xi32, #tpu.memory_space<vmem>>)
      %dma_wait3A_270 = arith.constant 0 : i32
      %dma_wait3A_271 = arith.constant 4 : i32
      %dma_wait3A_272 = arith.constant 0 : i32
      %dma_wait3A_273 = arith.constant 0 : i32
      %dma_wait3A_274 = arith.constant 0 : i32
      %dma_wait3A_275 = tpu.memref_slice %arg23[%dma_wait3A_272, %dma_wait3A_273, %dma_wait3A_274] : memref<2x640x32xi32, #tpu.memory_space<vmem>> -> memref<1x640x32xi32, #tpu.memory_space<vmem>>
      %dma_wait3A_276 = tpu.memref_squeeze %dma_wait3A_275 : memref<1x640x32xi32, #tpu.memory_space<vmem>> -> memref<640x32xi32, #tpu.memory_space<vmem>>
      %dma_wait3A_277 = arith.constant 512 : i32
      %dma_wait3A_278 = arith.constant 0 : i32
      %dma_wait3A_279 = tpu.memref_slice %dma_wait3A_276[%dma_wait3A_277, %dma_wait3A_278] : memref<640x32xi32, #tpu.memory_space<vmem>> -> memref<128x32xi32, #tpu.memory_space<vmem>>
      %dma_wait3A_280 = arith.constant 0 : i32
      %dma_wait3A_281 = tpu.memref_slice %arg15[%dma_wait3A_270, %dma_wait3A_271, %dma_wait3A_280] : memref<2x5x128xi32, #tpu.memory_space<vmem>> -> memref<1x1x128xi32, #tpu.memory_space<vmem>>
      %dma_wait3A_282 = tpu.memref_squeeze %dma_wait3A_281 : memref<1x1x128xi32, #tpu.memory_space<vmem>> -> memref<128xi32, #tpu.memory_space<vmem>>
      %dma_wait3A_283 = arith.constant 0 : i32
      %dma_wait3A_284 = arith.constant 0 : i32
      %dma_wait3A_285 = tpu.memref_slice %arg2[%dma_wait3A_283, %dma_wait3A_284] : memref<100002x32xi32, #tpu.memory_space<hbm>> -> memref<100002x32xi32, #tpu.memory_space<hbm>>
      tpu.wait_indirect_dma semaphore(%arg28 : memref<!tpu.dma_semaphore, #tpu.memory_space<semaphore_mem>>) src(%dma_wait3A_285 : memref<100002x32xi32, #tpu.memory_space<hbm>>) dst(%dma_wait3A_279 : memref<128x32xi32, #tpu.memory_space<vmem>>)
      %dma_wait3A_286 = arith.constant 0 : i32
      %dma_wait3A_287 = arith.constant 0 : i32
      %dma_wait3A_288 = arith.constant 0 : i32
      %dma_wait3A_289 = tpu.memref_slice %arg24[%dma_wait3A_286, %dma_wait3A_287, %dma_wait3A_288] : memref<2x32x32xi32, #tpu.memory_space<vmem>> -> memref<1x32x32xi32, #tpu.memory_space<vmem>>
      %dma_wait3A_290 = tpu.memref_squeeze %dma_wait3A_289 : memref<1x32x32xi32, #tpu.memory_space<vmem>> -> memref<32x32xi32, #tpu.memory_space<vmem>>
      %dma_wait3A_291 = arith.constant 0 : i32
      %dma_wait3A_292 = tpu.memref_slice %arg16[%dma_wait3A_291] : memref<1600xi32, #tpu.memory_space<vmem>> -> memref<32xi32, #tpu.memory_space<vmem>>
      %dma_wait3A_293 = arith.constant 0 : i32
      %dma_wait3A_294 = arith.constant 0 : i32
      %dma_wait3A_295 = tpu.memref_slice %arg3[%dma_wait3A_293, %dma_wait3A_294] : memref<100002x32xi32, #tpu.memory_space<hbm>> -> memref<100002x32xi32, #tpu.memory_space<hbm>>
      tpu.wait_indirect_dma semaphore(%arg28 : memref<!tpu.dma_semaphore, #tpu.memory_space<semaphore_mem>>) src(%dma_wait3A_295 : memref<100002x32xi32, #tpu.memory_space<hbm>>) dst(%dma_wait3A_290 : memref<32x32xi32, #tpu.memory_space<vmem>>)
      %dma_wait3A_296 = arith.constant 0 : i32
      %dma_wait3A_297 = arith.constant 0 : i32
      %dma_wait3A_298 = arith.constant 0 : i32
      %dma_wait3A_299 = tpu.memref_slice %arg25[%dma_wait3A_296, %dma_wait3A_297, %dma_wait3A_298] : memref<2x32x32xi32, #tpu.memory_space<vmem>> -> memref<1x32x32xi32, #tpu.memory_space<vmem>>
      %dma_wait3A_300 = tpu.memref_squeeze %dma_wait3A_299 : memref<1x32x32xi32, #tpu.memory_space<vmem>> -> memref<32x32xi32, #tpu.memory_space<vmem>>
      %dma_wait3A_301 = arith.constant 0 : i32
      %dma_wait3A_302 = tpu.memref_slice %arg17[%dma_wait3A_301] : memref<1600xi32, #tpu.memory_space<vmem>> -> memref<32xi32, #tpu.memory_space<vmem>>
      %dma_wait3A_303 = arith.constant 0 : i32
      %dma_wait3A_304 = arith.constant 0 : i32
      %dma_wait3A_305 = tpu.memref_slice %arg4[%dma_wait3A_303, %dma_wait3A_304] : memref<1001x32xi32, #tpu.memory_space<hbm>> -> memref<1001x32xi32, #tpu.memory_space<hbm>>
      tpu.wait_indirect_dma semaphore(%arg28 : memref<!tpu.dma_semaphore, #tpu.memory_space<semaphore_mem>>) src(%dma_wait3A_305 : memref<1001x32xi32, #tpu.memory_space<hbm>>) dst(%dma_wait3A_300 : memref<32x32xi32, #tpu.memory_space<vmem>>)
      %lt3A = arith.constant 49 : i32
      %lt3A_306 = arith.cmpi slt, %add3A_205, %lt3A : i32
      %convert_element_type3A = arith.extui %lt3A_306 : i1 to i32
      %cond3A = arith.constant 0 : i32
      %cond3A_307 = arith.cmpi ne, %convert_element_type3A, %cond3A : i32
      scf.if %cond3A_307 {
        %add3A_512 = arith.constant 1 : i32
        %add3A_513 = arith.addi %mul3A_4, %add3A_512 : i32
        %dma_wait3A_514 = arith.constant 1 : i32
        %dma_wait3A_515 = arith.constant 0 : i32
        %dma_wait3A_516 = arith.constant 0 : i32
        %dma_wait3A_517 = tpu.memref_slice %arg15[%dma_wait3A_514, %dma_wait3A_515, %dma_wait3A_516] : memref<2x5x128xi32, #tpu.memory_space<vmem>> -> memref<1x5x128xi32, #tpu.memory_space<vmem>>
        %dma_wait3A_518 = tpu.memref_squeeze %dma_wait3A_517 : memref<1x5x128xi32, #tpu.memory_space<vmem>> -> memref<5x128xi32, #tpu.memory_space<vmem>>
        %dma_wait3A_519 = arith.constant 0 : i32
        %dma_wait3A_520 = arith.constant 0 : i32
        %dma_wait3A_521 = tpu.memref_slice %arg7[%add3A_513, %dma_wait3A_519, %dma_wait3A_520] : memref<1600x5x128xi32, #tpu.memory_space<hbm>> -> memref<1x5x128xi32, #tpu.memory_space<hbm>>
        %dma_wait3A_522 = tpu.memref_squeeze %dma_wait3A_521 : memref<1x5x128xi32, #tpu.memory_space<hbm>> -> memref<5x128xi32, #tpu.memory_space<hbm>>
        %dma_wait3A_523 = arith.constant 0 : i32
        %dma_wait3A_524 = arith.constant 0 : i32
        %dma_wait3A_525 = tpu.memref_slice %arg15[%dma_wait3A_514, %dma_wait3A_523, %dma_wait3A_524] : memref<2x5x128xi32, #tpu.memory_space<vmem>> -> memref<1x5x128xi32, #tpu.memory_space<vmem>>
        %dma_wait3A_526 = tpu.memref_squeeze %dma_wait3A_525 : memref<1x5x128xi32, #tpu.memory_space<vmem>> -> memref<5x128xi32, #tpu.memory_space<vmem>>
        %dma_wait3A_527 = arith.constant 0 : i32
        %dma_wait3A_528 = arith.constant 0 : i32
        %dma_wait3A_529 = tpu.memref_slice %arg7[%add3A_513, %dma_wait3A_527, %dma_wait3A_528] : memref<1600x5x128xi32, #tpu.memory_space<hbm>> -> memref<1x5x128xi32, #tpu.memory_space<hbm>>
        %dma_wait3A_530 = tpu.memref_squeeze %dma_wait3A_529 : memref<1x5x128xi32, #tpu.memory_space<hbm>> -> memref<5x128xi32, #tpu.memory_space<hbm>>
        tpu.wait_dma2 semaphore(%arg29 : memref<!tpu.dma_semaphore, #tpu.memory_space<semaphore_mem>>) src(%dma_wait3A_530 : memref<5x128xi32, #tpu.memory_space<hbm>>) dst(%dma_wait3A_526 : memref<5x128xi32, #tpu.memory_space<vmem>>)
        %add3A_531 = arith.constant 1 : i32
        %add3A_532 = arith.addi %add3A_205, %add3A_531 : i32
        %dma_start3A_533 = arith.constant 1 : i32
        %dma_start3A_534 = arith.constant 0 : i32
        %dma_start3A_535 = arith.constant 1 : i32
        %dma_start3A_536 = arith.constant 0 : i32
        %dma_start3A_537 = arith.constant 0 : i32
        %dma_start3A_538 = tpu.memref_slice %arg23[%dma_start3A_535, %dma_start3A_536, %dma_start3A_537] : memref<2x640x32xi32, #tpu.memory_space<vmem>> -> memref<1x640x32xi32, #tpu.memory_space<vmem>>
        %dma_start3A_539 = tpu.memref_squeeze %dma_start3A_538 : memref<1x640x32xi32, #tpu.memory_space<vmem>> -> memref<640x32xi32, #tpu.memory_space<vmem>>
        %dma_start3A_540 = arith.constant 0 : i32
        %dma_start3A_541 = arith.constant 0 : i32
        %dma_start3A_542 = tpu.memref_slice %dma_start3A_539[%dma_start3A_540, %dma_start3A_541] : memref<640x32xi32, #tpu.memory_space<vmem>> -> memref<128x32xi32, #tpu.memory_space<vmem>>
        %dma_start3A_543 = arith.constant 0 : i32
        %dma_start3A_544 = tpu.memref_slice %arg15[%dma_start3A_533, %dma_start3A_534, %dma_start3A_543] : memref<2x5x128xi32, #tpu.memory_space<vmem>> -> memref<1x1x128xi32, #tpu.memory_space<vmem>>
        %dma_start3A_545 = tpu.memref_squeeze %dma_start3A_544 : memref<1x1x128xi32, #tpu.memory_space<vmem>> -> memref<128xi32, #tpu.memory_space<vmem>>
        %dma_start3A_546 = arith.constant 0 : i32
        %dma_start3A_547 = arith.constant 0 : i32
        %dma_start3A_548 = tpu.memref_slice %arg2[%dma_start3A_546, %dma_start3A_547] : memref<100002x32xi32, #tpu.memory_space<hbm>> -> memref<100002x32xi32, #tpu.memory_space<hbm>>
        tpu.enqueue_indirect_dma source(%dma_start3A_548 : memref<100002x32xi32, #tpu.memory_space<hbm>>) target(%dma_start3A_542 : memref<128x32xi32, #tpu.memory_space<vmem>>) offsets(%dma_start3A_545 : memref<128xi32, #tpu.memory_space<vmem>>) semaphore(%arg28 : memref<!tpu.dma_semaphore, #tpu.memory_space<semaphore_mem>>)
        %dma_start3A_549 = arith.constant 1 : i32
        %dma_start3A_550 = arith.constant 1 : i32
        %dma_start3A_551 = arith.constant 1 : i32
        %dma_start3A_552 = arith.constant 0 : i32
        %dma_start3A_553 = arith.constant 0 : i32
        %dma_start3A_554 = tpu.memref_slice %arg23[%dma_start3A_551, %dma_start3A_552, %dma_start3A_553] : memref<2x640x32xi32, #tpu.memory_space<vmem>> -> memref<1x640x32xi32, #tpu.memory_space<vmem>>
        %dma_start3A_555 = tpu.memref_squeeze %dma_start3A_554 : memref<1x640x32xi32, #tpu.memory_space<vmem>> -> memref<640x32xi32, #tpu.memory_space<vmem>>
        %dma_start3A_556 = arith.constant 128 : i32
        %dma_start3A_557 = arith.constant 0 : i32
        %dma_start3A_558 = tpu.memref_slice %dma_start3A_555[%dma_start3A_556, %dma_start3A_557] : memref<640x32xi32, #tpu.memory_space<vmem>> -> memref<128x32xi32, #tpu.memory_space<vmem>>
        %dma_start3A_559 = arith.constant 0 : i32
        %dma_start3A_560 = tpu.memref_slice %arg15[%dma_start3A_549, %dma_start3A_550, %dma_start3A_559] : memref<2x5x128xi32, #tpu.memory_space<vmem>> -> memref<1x1x128xi32, #tpu.memory_space<vmem>>
        %dma_start3A_561 = tpu.memref_squeeze %dma_start3A_560 : memref<1x1x128xi32, #tpu.memory_space<vmem>> -> memref<128xi32, #tpu.memory_space<vmem>>
        %dma_start3A_562 = arith.constant 0 : i32
        %dma_start3A_563 = arith.constant 0 : i32
        %dma_start3A_564 = tpu.memref_slice %arg2[%dma_start3A_562, %dma_start3A_563] : memref<100002x32xi32, #tpu.memory_space<hbm>> -> memref<100002x32xi32, #tpu.memory_space<hbm>>
        tpu.enqueue_indirect_dma source(%dma_start3A_564 : memref<100002x32xi32, #tpu.memory_space<hbm>>) target(%dma_start3A_558 : memref<128x32xi32, #tpu.memory_space<vmem>>) offsets(%dma_start3A_561 : memref<128xi32, #tpu.memory_space<vmem>>) semaphore(%arg28 : memref<!tpu.dma_semaphore, #tpu.memory_space<semaphore_mem>>)
        %dma_start3A_565 = arith.constant 1 : i32
        %dma_start3A_566 = arith.constant 2 : i32
        %dma_start3A_567 = arith.constant 1 : i32
        %dma_start3A_568 = arith.constant 0 : i32
        %dma_start3A_569 = arith.constant 0 : i32
        %dma_start3A_570 = tpu.memref_slice %arg23[%dma_start3A_567, %dma_start3A_568, %dma_start3A_569] : memref<2x640x32xi32, #tpu.memory_space<vmem>> -> memref<1x640x32xi32, #tpu.memory_space<vmem>>
        %dma_start3A_571 = tpu.memref_squeeze %dma_start3A_570 : memref<1x640x32xi32, #tpu.memory_space<vmem>> -> memref<640x32xi32, #tpu.memory_space<vmem>>
        %dma_start3A_572 = arith.constant 256 : i32
        %dma_start3A_573 = arith.constant 0 : i32
        %dma_start3A_574 = tpu.memref_slice %dma_start3A_571[%dma_start3A_572, %dma_start3A_573] : memref<640x32xi32, #tpu.memory_space<vmem>> -> memref<128x32xi32, #tpu.memory_space<vmem>>
        %dma_start3A_575 = arith.constant 0 : i32
        %dma_start3A_576 = tpu.memref_slice %arg15[%dma_start3A_565, %dma_start3A_566, %dma_start3A_575] : memref<2x5x128xi32, #tpu.memory_space<vmem>> -> memref<1x1x128xi32, #tpu.memory_space<vmem>>
        %dma_start3A_577 = tpu.memref_squeeze %dma_start3A_576 : memref<1x1x128xi32, #tpu.memory_space<vmem>> -> memref<128xi32, #tpu.memory_space<vmem>>
        %dma_start3A_578 = arith.constant 0 : i32
        %dma_start3A_579 = arith.constant 0 : i32
        %dma_start3A_580 = tpu.memref_slice %arg2[%dma_start3A_578, %dma_start3A_579] : memref<100002x32xi32, #tpu.memory_space<hbm>> -> memref<100002x32xi32, #tpu.memory_space<hbm>>
        tpu.enqueue_indirect_dma source(%dma_start3A_580 : memref<100002x32xi32, #tpu.memory_space<hbm>>) target(%dma_start3A_574 : memref<128x32xi32, #tpu.memory_space<vmem>>) offsets(%dma_start3A_577 : memref<128xi32, #tpu.memory_space<vmem>>) semaphore(%arg28 : memref<!tpu.dma_semaphore, #tpu.memory_space<semaphore_mem>>)
        %dma_start3A_581 = arith.constant 1 : i32
        %dma_start3A_582 = arith.constant 3 : i32
        %dma_start3A_583 = arith.constant 1 : i32
        %dma_start3A_584 = arith.constant 0 : i32
        %dma_start3A_585 = arith.constant 0 : i32
        %dma_start3A_586 = tpu.memref_slice %arg23[%dma_start3A_583, %dma_start3A_584, %dma_start3A_585] : memref<2x640x32xi32, #tpu.memory_space<vmem>> -> memref<1x640x32xi32, #tpu.memory_space<vmem>>
        %dma_start3A_587 = tpu.memref_squeeze %dma_start3A_586 : memref<1x640x32xi32, #tpu.memory_space<vmem>> -> memref<640x32xi32, #tpu.memory_space<vmem>>
        %dma_start3A_588 = arith.constant 384 : i32
        %dma_start3A_589 = arith.constant 0 : i32
        %dma_start3A_590 = tpu.memref_slice %dma_start3A_587[%dma_start3A_588, %dma_start3A_589] : memref<640x32xi32, #tpu.memory_space<vmem>> -> memref<128x32xi32, #tpu.memory_space<vmem>>
        %dma_start3A_591 = arith.constant 0 : i32
        %dma_start3A_592 = tpu.memref_slice %arg15[%dma_start3A_581, %dma_start3A_582, %dma_start3A_591] : memref<2x5x128xi32, #tpu.memory_space<vmem>> -> memref<1x1x128xi32, #tpu.memory_space<vmem>>
        %dma_start3A_593 = tpu.memref_squeeze %dma_start3A_592 : memref<1x1x128xi32, #tpu.memory_space<vmem>> -> memref<128xi32, #tpu.memory_space<vmem>>
        %dma_start3A_594 = arith.constant 0 : i32
        %dma_start3A_595 = arith.constant 0 : i32
        %dma_start3A_596 = tpu.memref_slice %arg2[%dma_start3A_594, %dma_start3A_595] : memref<100002x32xi32, #tpu.memory_space<hbm>> -> memref<100002x32xi32, #tpu.memory_space<hbm>>
        tpu.enqueue_indirect_dma source(%dma_start3A_596 : memref<100002x32xi32, #tpu.memory_space<hbm>>) target(%dma_start3A_590 : memref<128x32xi32, #tpu.memory_space<vmem>>) offsets(%dma_start3A_593 : memref<128xi32, #tpu.memory_space<vmem>>) semaphore(%arg28 : memref<!tpu.dma_semaphore, #tpu.memory_space<semaphore_mem>>)
        %dma_start3A_597 = arith.constant 1 : i32
        %dma_start3A_598 = arith.constant 4 : i32
        %dma_start3A_599 = arith.constant 1 : i32
        %dma_start3A_600 = arith.constant 0 : i32
        %dma_start3A_601 = arith.constant 0 : i32
        %dma_start3A_602 = tpu.memref_slice %arg23[%dma_start3A_599, %dma_start3A_600, %dma_start3A_601] : memref<2x640x32xi32, #tpu.memory_space<vmem>> -> memref<1x640x32xi32, #tpu.memory_space<vmem>>
        %dma_start3A_603 = tpu.memref_squeeze %dma_start3A_602 : memref<1x640x32xi32, #tpu.memory_space<vmem>> -> memref<640x32xi32, #tpu.memory_space<vmem>>
        %dma_start3A_604 = arith.constant 512 : i32
        %dma_start3A_605 = arith.constant 0 : i32
        %dma_start3A_606 = tpu.memref_slice %dma_start3A_603[%dma_start3A_604, %dma_start3A_605] : memref<640x32xi32, #tpu.memory_space<vmem>> -> memref<128x32xi32, #tpu.memory_space<vmem>>
        %dma_start3A_607 = arith.constant 0 : i32
        %dma_start3A_608 = tpu.memref_slice %arg15[%dma_start3A_597, %dma_start3A_598, %dma_start3A_607] : memref<2x5x128xi32, #tpu.memory_space<vmem>> -> memref<1x1x128xi32, #tpu.memory_space<vmem>>
        %dma_start3A_609 = tpu.memref_squeeze %dma_start3A_608 : memref<1x1x128xi32, #tpu.memory_space<vmem>> -> memref<128xi32, #tpu.memory_space<vmem>>
        %dma_start3A_610 = arith.constant 0 : i32
        %dma_start3A_611 = arith.constant 0 : i32
        %dma_start3A_612 = tpu.memref_slice %arg2[%dma_start3A_610, %dma_start3A_611] : memref<100002x32xi32, #tpu.memory_space<hbm>> -> memref<100002x32xi32, #tpu.memory_space<hbm>>
        tpu.enqueue_indirect_dma source(%dma_start3A_612 : memref<100002x32xi32, #tpu.memory_space<hbm>>) target(%dma_start3A_606 : memref<128x32xi32, #tpu.memory_space<vmem>>) offsets(%dma_start3A_609 : memref<128xi32, #tpu.memory_space<vmem>>) semaphore(%arg28 : memref<!tpu.dma_semaphore, #tpu.memory_space<semaphore_mem>>)
        %mul3A_613 = arith.constant 32 : i32
        %mul3A_614 = arith.muli %add3A_532, %mul3A_613 : i32
        %dma_start3A_615 = arith.constant 1 : i32
        %dma_start3A_616 = arith.constant 0 : i32
        %dma_start3A_617 = arith.constant 0 : i32
        %dma_start3A_618 = tpu.memref_slice %arg24[%dma_start3A_615, %dma_start3A_616, %dma_start3A_617] : memref<2x32x32xi32, #tpu.memory_space<vmem>> -> memref<1x32x32xi32, #tpu.memory_space<vmem>>
        %dma_start3A_619 = tpu.memref_squeeze %dma_start3A_618 : memref<1x32x32xi32, #tpu.memory_space<vmem>> -> memref<32x32xi32, #tpu.memory_space<vmem>>
        %dma_start3A_620 = tpu.memref_slice %arg16[%mul3A_614] : memref<1600xi32, #tpu.memory_space<vmem>> -> memref<32xi32, #tpu.memory_space<vmem>>
        %dma_start3A_621 = arith.constant 0 : i32
        %dma_start3A_622 = arith.constant 0 : i32
        %dma_start3A_623 = tpu.memref_slice %arg3[%dma_start3A_621, %dma_start3A_622] : memref<100002x32xi32, #tpu.memory_space<hbm>> -> memref<100002x32xi32, #tpu.memory_space<hbm>>
        tpu.enqueue_indirect_dma source(%dma_start3A_623 : memref<100002x32xi32, #tpu.memory_space<hbm>>) target(%dma_start3A_619 : memref<32x32xi32, #tpu.memory_space<vmem>>) offsets(%dma_start3A_620 : memref<32xi32, #tpu.memory_space<vmem>>) semaphore(%arg28 : memref<!tpu.dma_semaphore, #tpu.memory_space<semaphore_mem>>)
        %dma_start3A_624 = arith.constant 1 : i32
        %dma_start3A_625 = arith.constant 0 : i32
        %dma_start3A_626 = arith.constant 0 : i32
        %dma_start3A_627 = tpu.memref_slice %arg25[%dma_start3A_624, %dma_start3A_625, %dma_start3A_626] : memref<2x32x32xi32, #tpu.memory_space<vmem>> -> memref<1x32x32xi32, #tpu.memory_space<vmem>>
        %dma_start3A_628 = tpu.memref_squeeze %dma_start3A_627 : memref<1x32x32xi32, #tpu.memory_space<vmem>> -> memref<32x32xi32, #tpu.memory_space<vmem>>
        %dma_start3A_629 = tpu.memref_slice %arg17[%mul3A_614] : memref<1600xi32, #tpu.memory_space<vmem>> -> memref<32xi32, #tpu.memory_space<vmem>>
        %dma_start3A_630 = arith.constant 0 : i32
        %dma_start3A_631 = arith.constant 0 : i32
        %dma_start3A_632 = tpu.memref_slice %arg4[%dma_start3A_630, %dma_start3A_631] : memref<1001x32xi32, #tpu.memory_space<hbm>> -> memref<1001x32xi32, #tpu.memory_space<hbm>>
        tpu.enqueue_indirect_dma source(%dma_start3A_632 : memref<1001x32xi32, #tpu.memory_space<hbm>>) target(%dma_start3A_628 : memref<32x32xi32, #tpu.memory_space<vmem>>) offsets(%dma_start3A_629 : memref<32xi32, #tpu.memory_space<vmem>>) semaphore(%arg28 : memref<!tpu.dma_semaphore, #tpu.memory_space<semaphore_mem>>)
      } else {
      }
      %lt3A_308 = arith.constant 48 : i32
      %lt3A_309 = arith.cmpi slt, %add3A_205, %lt3A_308 : i32
      %convert_element_type3A_310 = arith.extui %lt3A_309 : i1 to i32
      %cond3A_311 = arith.constant 0 : i32
      %cond3A_312 = arith.cmpi ne, %convert_element_type3A_310, %cond3A_311 : i32
      scf.if %cond3A_312 {
        %add3A_512 = arith.addi %mul3A_4, %add3A_205 : i32
        %add3A_513 = arith.constant 2 : i32
        %add3A_514 = arith.addi %add3A_512, %add3A_513 : i32
        %dma_start3A_515 = arith.constant 0 : i32
        %dma_start3A_516 = arith.constant 0 : i32
        %dma_start3A_517 = arith.constant 0 : i32
        %dma_start3A_518 = tpu.memref_slice %arg15[%dma_start3A_515, %dma_start3A_516, %dma_start3A_517] : memref<2x5x128xi32, #tpu.memory_space<vmem>> -> memref<1x5x128xi32, #tpu.memory_space<vmem>>
        %dma_start3A_519 = tpu.memref_squeeze %dma_start3A_518 : memref<1x5x128xi32, #tpu.memory_space<vmem>> -> memref<5x128xi32, #tpu.memory_space<vmem>>
        %dma_start3A_520 = arith.constant 0 : i32
        %dma_start3A_521 = arith.constant 0 : i32
        %dma_start3A_522 = tpu.memref_slice %arg7[%add3A_514, %dma_start3A_520, %dma_start3A_521] : memref<1600x5x128xi32, #tpu.memory_space<hbm>> -> memref<1x5x128xi32, #tpu.memory_space<hbm>>
        %dma_start3A_523 = tpu.memref_squeeze %dma_start3A_522 : memref<1x5x128xi32, #tpu.memory_space<hbm>> -> memref<5x128xi32, #tpu.memory_space<hbm>>
        %dma_start3A_524 = arith.constant 0 : i32
        %dma_start3A_525 = arith.constant 0 : i32
        %dma_start3A_526 = tpu.memref_slice %arg15[%dma_start3A_515, %dma_start3A_524, %dma_start3A_525] : memref<2x5x128xi32, #tpu.memory_space<vmem>> -> memref<1x5x128xi32, #tpu.memory_space<vmem>>
        %dma_start3A_527 = tpu.memref_squeeze %dma_start3A_526 : memref<1x5x128xi32, #tpu.memory_space<vmem>> -> memref<5x128xi32, #tpu.memory_space<vmem>>
        %dma_start3A_528 = arith.constant 0 : i32
        %dma_start3A_529 = arith.constant 0 : i32
        %dma_start3A_530 = tpu.memref_slice %arg7[%add3A_514, %dma_start3A_528, %dma_start3A_529] : memref<1600x5x128xi32, #tpu.memory_space<hbm>> -> memref<1x5x128xi32, #tpu.memory_space<hbm>>
        %dma_start3A_531 = tpu.memref_squeeze %dma_start3A_530 : memref<1x5x128xi32, #tpu.memory_space<hbm>> -> memref<5x128xi32, #tpu.memory_space<hbm>>
        tpu.enqueue_dma source(%dma_start3A_531 : memref<5x128xi32, #tpu.memory_space<hbm>>) target(%dma_start3A_527 : memref<5x128xi32, #tpu.memory_space<vmem>>) target_semaphore(%arg29 : memref<!tpu.dma_semaphore, #tpu.memory_space<semaphore_mem>>)
      } else {
      }
      %ge3A = arith.constant 2 : i32
      %ge3A_313 = arith.cmpi sge, %add3A_205, %ge3A : i32
      %convert_element_type3A_314 = arith.extui %ge3A_313 : i1 to i32
      %cond3A_315 = arith.constant 0 : i32
      %cond3A_316 = arith.cmpi ne, %convert_element_type3A_314, %cond3A_315 : i32
      scf.if %cond3A_316 {
        %dma_wait3A_512 = arith.constant 0 : i32
        %dma_wait3A_513 = arith.constant 0 : i32
        %dma_wait3A_514 = arith.constant 0 : i32
        %dma_wait3A_515 = tpu.memref_slice %arg26[%dma_wait3A_512, %dma_wait3A_513, %dma_wait3A_514] : memref<2x32x128xf32, #tpu.memory_space<vmem>> -> memref<1x32x128xf32, #tpu.memory_space<vmem>>
        %dma_wait3A_516 = tpu.memref_squeeze %dma_wait3A_515 : memref<1x32x128xf32, #tpu.memory_space<vmem>> -> memref<32x128xf32, #tpu.memory_space<vmem>>
        %dma_wait3A_517 = arith.constant 0 : i32
        %dma_wait3A_518 = tpu.memref_slice %arg13[%mul3A_2, %dma_wait3A_517] : memref<51200x128xf32, #tpu.memory_space<hbm>> -> memref<32x128xf32, #tpu.memory_space<hbm>>
        %dma_wait3A_519 = arith.constant 0 : i32
        %dma_wait3A_520 = tpu.memref_slice %arg13[%mul3A_2, %dma_wait3A_519] : memref<51200x128xf32, #tpu.memory_space<hbm>> -> memref<32x128xf32, #tpu.memory_space<hbm>>
        %dma_wait3A_521 = arith.constant 0 : i32
        %dma_wait3A_522 = arith.constant 0 : i32
        %dma_wait3A_523 = tpu.memref_slice %arg26[%dma_wait3A_512, %dma_wait3A_521, %dma_wait3A_522] : memref<2x32x128xf32, #tpu.memory_space<vmem>> -> memref<1x32x128xf32, #tpu.memory_space<vmem>>
        %dma_wait3A_524 = tpu.memref_squeeze %dma_wait3A_523 : memref<1x32x128xf32, #tpu.memory_space<vmem>> -> memref<32x128xf32, #tpu.memory_space<vmem>>
        tpu.wait_dma2 semaphore(%arg30 : memref<!tpu.dma_semaphore, #tpu.memory_space<semaphore_mem>>) src(%dma_wait3A_524 : memref<32x128xf32, #tpu.memory_space<vmem>>) dst(%dma_wait3A_520 : memref<32x128xf32, #tpu.memory_space<hbm>>)
        %dma_wait3A_525 = arith.constant 0 : i32
        %dma_wait3A_526 = arith.constant 0 : i32
        %dma_wait3A_527 = arith.constant 0 : i32
        %dma_wait3A_528 = tpu.memref_slice %arg27[%dma_wait3A_525, %dma_wait3A_526, %dma_wait3A_527] : memref<2x32x128xf32, #tpu.memory_space<vmem>> -> memref<1x32x128xf32, #tpu.memory_space<vmem>>
        %dma_wait3A_529 = tpu.memref_squeeze %dma_wait3A_528 : memref<1x32x128xf32, #tpu.memory_space<vmem>> -> memref<32x128xf32, #tpu.memory_space<vmem>>
        %dma_wait3A_530 = arith.constant 0 : i32
        %dma_wait3A_531 = tpu.memref_slice %arg14[%mul3A_2, %dma_wait3A_530] : memref<51200x128xf32, #tpu.memory_space<hbm>> -> memref<32x128xf32, #tpu.memory_space<hbm>>
        %dma_wait3A_532 = arith.constant 0 : i32
        %dma_wait3A_533 = tpu.memref_slice %arg14[%mul3A_2, %dma_wait3A_532] : memref<51200x128xf32, #tpu.memory_space<hbm>> -> memref<32x128xf32, #tpu.memory_space<hbm>>
        %dma_wait3A_534 = arith.constant 0 : i32
        %dma_wait3A_535 = arith.constant 0 : i32
        %dma_wait3A_536 = tpu.memref_slice %arg27[%dma_wait3A_525, %dma_wait3A_534, %dma_wait3A_535] : memref<2x32x128xf32, #tpu.memory_space<vmem>> -> memref<1x32x128xf32, #tpu.memory_space<vmem>>
        %dma_wait3A_537 = tpu.memref_squeeze %dma_wait3A_536 : memref<1x32x128xf32, #tpu.memory_space<vmem>> -> memref<32x128xf32, #tpu.memory_space<vmem>>
        tpu.wait_dma2 semaphore(%arg30 : memref<!tpu.dma_semaphore, #tpu.memory_space<semaphore_mem>>) src(%dma_wait3A_537 : memref<32x128xf32, #tpu.memory_space<vmem>>) dst(%dma_wait3A_533 : memref<32x128xf32, #tpu.memory_space<hbm>>)
      } else {
      }
      %scan3A_317 = arith.constant 0 : i32
      %scan3A_318 = arith.constant 0 : i32
      %scan3A_319 = arith.constant 32 : i32
      %scan3A_320 = arith.addi %scan3A_318, %scan3A_319 : i32
      %scan3A_321 = arith.constant 1 : i32
      scf.for %scan3A_512 = %scan3A_318 to %scan3A_320 step %scan3A_321  : i32 {
        %mul3A_513 = arith.constant 20 : i32
        %mul3A_514 = arith.muli %scan3A_512, %mul3A_513 : i32
        %mul3A_515 = arith.constant 32 : i32
        %mul3A_516 = arith.muli %add3A_205, %mul3A_515 : i32
        %add3A_517 = arith.addi %mul3A_516, %scan3A_512 : i32
        %get3A_518 = arith.index_cast %add3A_517 : i32 to index
        %get3A_519 = tpu.vector_load %arg18[%get3A_518] {strides = array<i32>} : memref<1616xi32, #tpu.memory_space<vmem>>, vector<16xi32>,
        %slice3A = vector.extract_strided_slice %get3A_519 {offsets = [0], sizes = [1], strides = [1]} : vector<16xi32> to vector<1xi32>
        %squeeze3A = vector.extract %slice3A[0] : i32 from vector<1xi32>
        %get3A_520 = arith.index_cast %add3A_517 : i32 to index
        %get3A_521 = tpu.vector_load %arg19[%get3A_520] {strides = array<i32>} : memref<1616xi32, #tpu.memory_space<vmem>>, vector<16xi32>,
        %slice3A_522 = vector.extract_strided_slice %get3A_521 {offsets = [0], sizes = [1], strides = [1]} : vector<16xi32> to vector<1xi32>
        %squeeze3A_523 = vector.extract %slice3A_522[0] : i32 from vector<1xi32>
        %get3A_524 = arith.index_cast %add3A_517 : i32 to index
        %get3A_525 = tpu.vector_load %arg20[%get3A_524] {strides = array<i32>} : memref<1616xf32, #tpu.memory_space<vmem>>, vector<16xf32>,
        %slice3A_526 = vector.extract_strided_slice %get3A_525 {offsets = [0], sizes = [1], strides = [1]} : vector<16xf32> to vector<1xf32>
        %squeeze3A_527 = vector.extract %slice3A_526[0] : f32 from vector<1xf32>
        %get3A_528 = arith.constant 0 : i32
        %get3A_529 = arith.index_cast %get3A_528 : i32 to index
        %get3A_530 = arith.index_cast %mul3A_514 : i32 to index
        %get3A_531 = arith.constant 0 : index
        %get3A_532 = tpu.vector_load %arg23[%get3A_529, %get3A_530, %get3A_531] {strides = array<i32>} : memref<2x640x32xi32, #tpu.memory_space<vmem>>, vector<16xi32>,
        %shift_left3A = arith.constant 16 : i32
        %shift_left3A_533 = vector.broadcast %shift_left3A : i32 to vector<16xi32>
        %shift_left3A_534 = arith.shli %get3A_532, %shift_left3A_533 : vector<16xi32>
        %bitcast3A = vector.bitcast %shift_left3A_534 : vector<16xi32> to vector<16xf32>
        %and3A = arith.constant -65536 : i32
        %and3A_535 = vector.broadcast %and3A : i32 to vector<16xi32>
        %and3A_536 = arith.andi %get3A_532, %and3A_535 : vector<16xi32>
        %bitcast3A_537 = vector.bitcast %and3A_536 : vector<16xi32> to vector<16xf32>
        %add3A_538 = arith.constant 1 : i32
        %add3A_539 = arith.addi %mul3A_514, %add3A_538 : i32
        %get3A_540 = arith.constant 0 : i32
        %get3A_541 = arith.index_cast %get3A_540 : i32 to index
        %get3A_542 = arith.index_cast %add3A_539 : i32 to index
        %get3A_543 = arith.constant 0 : index
        %get3A_544 = tpu.vector_load %arg23[%get3A_541, %get3A_542, %get3A_543] {strides = array<i32>} : memref<2x640x32xi32, #tpu.memory_space<vmem>>, vector<16xi32>,
        %shift_left3A_545 = arith.constant 16 : i32
        %shift_left3A_546 = vector.broadcast %shift_left3A_545 : i32 to vector<16xi32>
        %shift_left3A_547 = arith.shli %get3A_544, %shift_left3A_546 : vector<16xi32>
        %bitcast3A_548 = vector.bitcast %shift_left3A_547 : vector<16xi32> to vector<16xf32>
        %and3A_549 = arith.constant -65536 : i32
        %and3A_550 = vector.broadcast %and3A_549 : i32 to vector<16xi32>
        %and3A_551 = arith.andi %get3A_544, %and3A_550 : vector<16xi32>
        %bitcast3A_552 = vector.bitcast %and3A_551 : vector<16xi32> to vector<16xf32>
        %add3A_553 = arith.addf %bitcast3A, %bitcast3A_548 : vector<16xf32>
        %add3A_554 = arith.addf %bitcast3A_537, %bitcast3A_552 : vector<16xf32>
        %add3A_555 = arith.constant 2 : i32
        %add3A_556 = arith.addi %mul3A_514, %add3A_555 : i32
        %get3A_557 = arith.constant 0 : i32
        %get3A_558 = arith.index_cast %get3A_557 : i32 to index
        %get3A_559 = arith.index_cast %add3A_556 : i32 to index
        %get3A_560 = arith.constant 0 : index
        %get3A_561 = tpu.vector_load %arg23[%get3A_558, %get3A_559, %get3A_560] {strides = array<i32>} : memref<2x640x32xi32, #tpu.memory_space<vmem>>, vector<16xi32>,
        %shift_left3A_562 = arith.constant 16 : i32
        %shift_left3A_563 = vector.broadcast %shift_left3A_562 : i32 to vector<16xi32>
        %shift_left3A_564 = arith.shli %get3A_561, %shift_left3A_563 : vector<16xi32>
        %bitcast3A_565 = vector.bitcast %shift_left3A_564 : vector<16xi32> to vector<16xf32>
        %and3A_566 = arith.constant -65536 : i32
        %and3A_567 = vector.broadcast %and3A_566 : i32 to vector<16xi32>
        %and3A_568 = arith.andi %get3A_561, %and3A_567 : vector<16xi32>
        %bitcast3A_569 = vector.bitcast %and3A_568 : vector<16xi32> to vector<16xf32>
        %add3A_570 = arith.addf %add3A_553, %bitcast3A_565 : vector<16xf32>
        %add3A_571 = arith.addf %add3A_554, %bitcast3A_569 : vector<16xf32>
        %add3A_572 = arith.constant 3 : i32
        %add3A_573 = arith.addi %mul3A_514, %add3A_572 : i32
        %get3A_574 = arith.constant 0 : i32
        %get3A_575 = arith.index_cast %get3A_574 : i32 to index
        %get3A_576 = arith.index_cast %add3A_573 : i32 to index
        %get3A_577 = arith.constant 0 : index
        %get3A_578 = tpu.vector_load %arg23[%get3A_575, %get3A_576, %get3A_577] {strides = array<i32>} : memref<2x640x32xi32, #tpu.memory_space<vmem>>, vector<16xi32>,
        %shift_left3A_579 = arith.constant 16 : i32
        %shift_left3A_580 = vector.broadcast %shift_left3A_579 : i32 to vector<16xi32>
        %shift_left3A_581 = arith.shli %get3A_578, %shift_left3A_580 : vector<16xi32>
        %bitcast3A_582 = vector.bitcast %shift_left3A_581 : vector<16xi32> to vector<16xf32>
        %and3A_583 = arith.constant -65536 : i32
        %and3A_584 = vector.broadcast %and3A_583 : i32 to vector<16xi32>
        %and3A_585 = arith.andi %get3A_578, %and3A_584 : vector<16xi32>
        %bitcast3A_586 = vector.bitcast %and3A_585 : vector<16xi32> to vector<16xf32>
        %add3A_587 = arith.addf %add3A_570, %bitcast3A_582 : vector<16xf32>
        %add3A_588 = arith.addf %add3A_571, %bitcast3A_586 : vector<16xf32>
        %add3A_589 = arith.constant 4 : i32
        %add3A_590 = arith.addi %mul3A_514, %add3A_589 : i32
        %get3A_591 = arith.constant 0 : i32
        %get3A_592 = arith.index_cast %get3A_591 : i32 to index
        %get3A_593 = arith.index_cast %add3A_590 : i32 to index
        %get3A_594 = arith.constant 0 : index
        %get3A_595 = tpu.vector_load %arg23[%get3A_592, %get3A_593, %get3A_594] {strides = array<i32>} : memref<2x640x32xi32, #tpu.memory_space<vmem>>, vector<16xi32>,
        %shift_left3A_596 = arith.constant 16 : i32
        %shift_left3A_597 = vector.broadcast %shift_left3A_596 : i32 to vector<16xi32>
        %shift_left3A_598 = arith.shli %get3A_595, %shift_left3A_597 : vector<16xi32>
        %bitcast3A_599 = vector.bitcast %shift_left3A_598 : vector<16xi32> to vector<16xf32>
        %and3A_600 = arith.constant -65536 : i32
        %and3A_601 = vector.broadcast %and3A_600 : i32 to vector<16xi32>
        %and3A_602 = arith.andi %get3A_595, %and3A_601 : vector<16xi32>
        %bitcast3A_603 = vector.bitcast %and3A_602 : vector<16xi32> to vector<16xf32>
        %add3A_604 = arith.addf %add3A_587, %bitcast3A_599 : vector<16xf32>
        %add3A_605 = arith.addf %add3A_588, %bitcast3A_603 : vector<16xf32>
        %add3A_606 = arith.constant 5 : i32
        %add3A_607 = arith.addi %mul3A_514, %add3A_606 : i32
        %get3A_608 = arith.constant 0 : i32
        %get3A_609 = arith.index_cast %get3A_608 : i32 to index
        %get3A_610 = arith.index_cast %add3A_607 : i32 to index
        %get3A_611 = arith.constant 0 : index
        %get3A_612 = tpu.vector_load %arg23[%get3A_609, %get3A_610, %get3A_611] {strides = array<i32>} : memref<2x640x32xi32, #tpu.memory_space<vmem>>, vector<16xi32>,
        %shift_left3A_613 = arith.constant 16 : i32
        %shift_left3A_614 = vector.broadcast %shift_left3A_613 : i32 to vector<16xi32>
        %shift_left3A_615 = arith.shli %get3A_612, %shift_left3A_614 : vector<16xi32>
        %bitcast3A_616 = vector.bitcast %shift_left3A_615 : vector<16xi32> to vector<16xf32>
        %and3A_617 = arith.constant -65536 : i32
        %and3A_618 = vector.broadcast %and3A_617 : i32 to vector<16xi32>
        %and3A_619 = arith.andi %get3A_612, %and3A_618 : vector<16xi32>
        %bitcast3A_620 = vector.bitcast %and3A_619 : vector<16xi32> to vector<16xf32>
        %add3A_621 = arith.addf %add3A_604, %bitcast3A_616 : vector<16xf32>
        %add3A_622 = arith.addf %add3A_605, %bitcast3A_620 : vector<16xf32>
        %add3A_623 = arith.constant 6 : i32
        %add3A_624 = arith.addi %mul3A_514, %add3A_623 : i32
        %get3A_625 = arith.constant 0 : i32
        %get3A_626 = arith.index_cast %get3A_625 : i32 to index
        %get3A_627 = arith.index_cast %add3A_624 : i32 to index
        %get3A_628 = arith.constant 0 : index
        %get3A_629 = tpu.vector_load %arg23[%get3A_626, %get3A_627, %get3A_628] {strides = array<i32>} : memref<2x640x32xi32, #tpu.memory_space<vmem>>, vector<16xi32>,
        %shift_left3A_630 = arith.constant 16 : i32
        %shift_left3A_631 = vector.broadcast %shift_left3A_630 : i32 to vector<16xi32>
        %shift_left3A_632 = arith.shli %get3A_629, %shift_left3A_631 : vector<16xi32>
        %bitcast3A_633 = vector.bitcast %shift_left3A_632 : vector<16xi32> to vector<16xf32>
        %and3A_634 = arith.constant -65536 : i32
        %and3A_635 = vector.broadcast %and3A_634 : i32 to vector<16xi32>
        %and3A_636 = arith.andi %get3A_629, %and3A_635 : vector<16xi32>
        %bitcast3A_637 = vector.bitcast %and3A_636 : vector<16xi32> to vector<16xf32>
        %add3A_638 = arith.addf %add3A_621, %bitcast3A_633 : vector<16xf32>
        %add3A_639 = arith.addf %add3A_622, %bitcast3A_637 : vector<16xf32>
        %add3A_640 = arith.constant 7 : i32
        %add3A_641 = arith.addi %mul3A_514, %add3A_640 : i32
        %get3A_642 = arith.constant 0 : i32
        %get3A_643 = arith.index_cast %get3A_642 : i32 to index
        %get3A_644 = arith.index_cast %add3A_641 : i32 to index
        %get3A_645 = arith.constant 0 : index
        %get3A_646 = tpu.vector_load %arg23[%get3A_643, %get3A_644, %get3A_645] {strides = array<i32>} : memref<2x640x32xi32, #tpu.memory_space<vmem>>, vector<16xi32>,
        %shift_left3A_647 = arith.constant 16 : i32
        %shift_left3A_648 = vector.broadcast %shift_left3A_647 : i32 to vector<16xi32>
        %shift_left3A_649 = arith.shli %get3A_646, %shift_left3A_648 : vector<16xi32>
        %bitcast3A_650 = vector.bitcast %shift_left3A_649 : vector<16xi32> to vector<16xf32>
        %and3A_651 = arith.constant -65536 : i32
        %and3A_652 = vector.broadcast %and3A_651 : i32 to vector<16xi32>
        %and3A_653 = arith.andi %get3A_646, %and3A_652 : vector<16xi32>
        %bitcast3A_654 = vector.bitcast %and3A_653 : vector<16xi32> to vector<16xf32>
        %add3A_655 = arith.addf %add3A_638, %bitcast3A_650 : vector<16xf32>
        %add3A_656 = arith.addf %add3A_639, %bitcast3A_654 : vector<16xf32>
        %add3A_657 = arith.constant 8 : i32
        %add3A_658 = arith.addi %mul3A_514, %add3A_657 : i32
        %get3A_659 = arith.constant 0 : i32
        %get3A_660 = arith.index_cast %get3A_659 : i32 to index
        %get3A_661 = arith.index_cast %add3A_658 : i32 to index
        %get3A_662 = arith.constant 0 : index
        %get3A_663 = tpu.vector_load %arg23[%get3A_660, %get3A_661, %get3A_662] {strides = array<i32>} : memref<2x640x32xi32, #tpu.memory_space<vmem>>, vector<16xi32>,
        %shift_left3A_664 = arith.constant 16 : i32
        %shift_left3A_665 = vector.broadcast %shift_left3A_664 : i32 to vector<16xi32>
        %shift_left3A_666 = arith.shli %get3A_663, %shift_left3A_665 : vector<16xi32>
        %bitcast3A_667 = vector.bitcast %shift_left3A_666 : vector<16xi32> to vector<16xf32>
        %and3A_668 = arith.constant -65536 : i32
        %and3A_669 = vector.broadcast %and3A_668 : i32 to vector<16xi32>
        %and3A_670 = arith.andi %get3A_663, %and3A_669 : vector<16xi32>
        %bitcast3A_671 = vector.bitcast %and3A_670 : vector<16xi32> to vector<16xf32>
        %add3A_672 = arith.addf %add3A_655, %bitcast3A_667 : vector<16xf32>
        %add3A_673 = arith.addf %add3A_656, %bitcast3A_671 : vector<16xf32>
        %add3A_674 = arith.constant 9 : i32
        %add3A_675 = arith.addi %mul3A_514, %add3A_674 : i32
        %get3A_676 = arith.constant 0 : i32
        %get3A_677 = arith.index_cast %get3A_676 : i32 to index
        %get3A_678 = arith.index_cast %add3A_675 : i32 to index
        %get3A_679 = arith.constant 0 : index
        %get3A_680 = tpu.vector_load %arg23[%get3A_677, %get3A_678, %get3A_679] {strides = array<i32>} : memref<2x640x32xi32, #tpu.memory_space<vmem>>, vector<16xi32>,
        %shift_left3A_681 = arith.constant 16 : i32
        %shift_left3A_682 = vector.broadcast %shift_left3A_681 : i32 to vector<16xi32>
        %shift_left3A_683 = arith.shli %get3A_680, %shift_left3A_682 : vector<16xi32>
        %bitcast3A_684 = vector.bitcast %shift_left3A_683 : vector<16xi32> to vector<16xf32>
        %and3A_685 = arith.constant -65536 : i32
        %and3A_686 = vector.broadcast %and3A_685 : i32 to vector<16xi32>
        %and3A_687 = arith.andi %get3A_680, %and3A_686 : vector<16xi32>
        %bitcast3A_688 = vector.bitcast %and3A_687 : vector<16xi32> to vector<16xf32>
        %add3A_689 = arith.addf %add3A_672, %bitcast3A_684 : vector<16xf32>
        %add3A_690 = arith.addf %add3A_673, %bitcast3A_688 : vector<16xf32>
        %add3A_691 = arith.constant 10 : i32
        %add3A_692 = arith.addi %mul3A_514, %add3A_691 : i32
        %get3A_693 = arith.constant 0 : i32
        %get3A_694 = arith.index_cast %get3A_693 : i32 to index
        %get3A_695 = arith.index_cast %add3A_692 : i32 to index
        %get3A_696 = arith.constant 0 : index
        %get3A_697 = tpu.vector_load %arg23[%get3A_694, %get3A_695, %get3A_696] {strides = array<i32>} : memref<2x640x32xi32, #tpu.memory_space<vmem>>, vector<16xi32>,
        %shift_left3A_698 = arith.constant 16 : i32
        %shift_left3A_699 = vector.broadcast %shift_left3A_698 : i32 to vector<16xi32>
        %shift_left3A_700 = arith.shli %get3A_697, %shift_left3A_699 : vector<16xi32>
        %bitcast3A_701 = vector.bitcast %shift_left3A_700 : vector<16xi32> to vector<16xf32>
        %and3A_702 = arith.constant -65536 : i32
        %and3A_703 = vector.broadcast %and3A_702 : i32 to vector<16xi32>
        %and3A_704 = arith.andi %get3A_697, %and3A_703 : vector<16xi32>
        %bitcast3A_705 = vector.bitcast %and3A_704 : vector<16xi32> to vector<16xf32>
        %add3A_706 = arith.addf %add3A_689, %bitcast3A_701 : vector<16xf32>
        %add3A_707 = arith.addf %add3A_690, %bitcast3A_705 : vector<16xf32>
        %add3A_708 = arith.constant 11 : i32
        %add3A_709 = arith.addi %mul3A_514, %add3A_708 : i32
        %get3A_710 = arith.constant 0 : i32
        %get3A_711 = arith.index_cast %get3A_710 : i32 to index
        %get3A_712 = arith.index_cast %add3A_709 : i32 to index
        %get3A_713 = arith.constant 0 : index
        %get3A_714 = tpu.vector_load %arg23[%get3A_711, %get3A_712, %get3A_713] {strides = array<i32>} : memref<2x640x32xi32, #tpu.memory_space<vmem>>, vector<16xi32>,
        %shift_left3A_715 = arith.constant 16 : i32
        %shift_left3A_716 = vector.broadcast %shift_left3A_715 : i32 to vector<16xi32>
        %shift_left3A_717 = arith.shli %get3A_714, %shift_left3A_716 : vector<16xi32>
        %bitcast3A_718 = vector.bitcast %shift_left3A_717 : vector<16xi32> to vector<16xf32>
        %and3A_719 = arith.constant -65536 : i32
        %and3A_720 = vector.broadcast %and3A_719 : i32 to vector<16xi32>
        %and3A_721 = arith.andi %get3A_714, %and3A_720 : vector<16xi32>
        %bitcast3A_722 = vector.bitcast %and3A_721 : vector<16xi32> to vector<16xf32>
        %add3A_723 = arith.addf %add3A_706, %bitcast3A_718 : vector<16xf32>
        %add3A_724 = arith.addf %add3A_707, %bitcast3A_722 : vector<16xf32>
        %add3A_725 = arith.constant 12 : i32
        %add3A_726 = arith.addi %mul3A_514, %add3A_725 : i32
        %get3A_727 = arith.constant 0 : i32
        %get3A_728 = arith.index_cast %get3A_727 : i32 to index
        %get3A_729 = arith.index_cast %add3A_726 : i32 to index
        %get3A_730 = arith.constant 0 : index
        %get3A_731 = tpu.vector_load %arg23[%get3A_728, %get3A_729, %get3A_730] {strides = array<i32>} : memref<2x640x32xi32, #tpu.memory_space<vmem>>, vector<16xi32>,
        %shift_left3A_732 = arith.constant 16 : i32
        %shift_left3A_733 = vector.broadcast %shift_left3A_732 : i32 to vector<16xi32>
        %shift_left3A_734 = arith.shli %get3A_731, %shift_left3A_733 : vector<16xi32>
        %bitcast3A_735 = vector.bitcast %shift_left3A_734 : vector<16xi32> to vector<16xf32>
        %and3A_736 = arith.constant -65536 : i32
        %and3A_737 = vector.broadcast %and3A_736 : i32 to vector<16xi32>
        %and3A_738 = arith.andi %get3A_731, %and3A_737 : vector<16xi32>
        %bitcast3A_739 = vector.bitcast %and3A_738 : vector<16xi32> to vector<16xf32>
        %add3A_740 = arith.addf %add3A_723, %bitcast3A_735 : vector<16xf32>
        %add3A_741 = arith.addf %add3A_724, %bitcast3A_739 : vector<16xf32>
        %add3A_742 = arith.constant 13 : i32
        %add3A_743 = arith.addi %mul3A_514, %add3A_742 : i32
        %get3A_744 = arith.constant 0 : i32
        %get3A_745 = arith.index_cast %get3A_744 : i32 to index
        %get3A_746 = arith.index_cast %add3A_743 : i32 to index
        %get3A_747 = arith.constant 0 : index
        %get3A_748 = tpu.vector_load %arg23[%get3A_745, %get3A_746, %get3A_747] {strides = array<i32>} : memref<2x640x32xi32, #tpu.memory_space<vmem>>, vector<16xi32>,
        %shift_left3A_749 = arith.constant 16 : i32
        %shift_left3A_750 = vector.broadcast %shift_left3A_749 : i32 to vector<16xi32>
        %shift_left3A_751 = arith.shli %get3A_748, %shift_left3A_750 : vector<16xi32>
        %bitcast3A_752 = vector.bitcast %shift_left3A_751 : vector<16xi32> to vector<16xf32>
        %and3A_753 = arith.constant -65536 : i32
        %and3A_754 = vector.broadcast %and3A_753 : i32 to vector<16xi32>
        %and3A_755 = arith.andi %get3A_748, %and3A_754 : vector<16xi32>
        %bitcast3A_756 = vector.bitcast %and3A_755 : vector<16xi32> to vector<16xf32>
        %add3A_757 = arith.addf %add3A_740, %bitcast3A_752 : vector<16xf32>
        %add3A_758 = arith.addf %add3A_741, %bitcast3A_756 : vector<16xf32>
        %add3A_759 = arith.constant 14 : i32
        %add3A_760 = arith.addi %mul3A_514, %add3A_759 : i32
        %get3A_761 = arith.constant 0 : i32
        %get3A_762 = arith.index_cast %get3A_761 : i32 to index
        %get3A_763 = arith.index_cast %add3A_760 : i32 to index
        %get3A_764 = arith.constant 0 : index
        %get3A_765 = tpu.vector_load %arg23[%get3A_762, %get3A_763, %get3A_764] {strides = array<i32>} : memref<2x640x32xi32, #tpu.memory_space<vmem>>, vector<16xi32>,
        %shift_left3A_766 = arith.constant 16 : i32
        %shift_left3A_767 = vector.broadcast %shift_left3A_766 : i32 to vector<16xi32>
        %shift_left3A_768 = arith.shli %get3A_765, %shift_left3A_767 : vector<16xi32>
        %bitcast3A_769 = vector.bitcast %shift_left3A_768 : vector<16xi32> to vector<16xf32>
        %and3A_770 = arith.constant -65536 : i32
        %and3A_771 = vector.broadcast %and3A_770 : i32 to vector<16xi32>
        %and3A_772 = arith.andi %get3A_765, %and3A_771 : vector<16xi32>
        %bitcast3A_773 = vector.bitcast %and3A_772 : vector<16xi32> to vector<16xf32>
        %add3A_774 = arith.addf %add3A_757, %bitcast3A_769 : vector<16xf32>
        %add3A_775 = arith.addf %add3A_758, %bitcast3A_773 : vector<16xf32>
        %add3A_776 = arith.constant 15 : i32
        %add3A_777 = arith.addi %mul3A_514, %add3A_776 : i32
        %get3A_778 = arith.constant 0 : i32
        %get3A_779 = arith.index_cast %get3A_778 : i32 to index
        %get3A_780 = arith.index_cast %add3A_777 : i32 to index
        %get3A_781 = arith.constant 0 : index
        %get3A_782 = tpu.vector_load %arg23[%get3A_779, %get3A_780, %get3A_781] {strides = array<i32>} : memref<2x640x32xi32, #tpu.memory_space<vmem>>, vector<16xi32>,
        %shift_left3A_783 = arith.constant 16 : i32
        %shift_left3A_784 = vector.broadcast %shift_left3A_783 : i32 to vector<16xi32>
        %shift_left3A_785 = arith.shli %get3A_782, %shift_left3A_784 : vector<16xi32>
        %bitcast3A_786 = vector.bitcast %shift_left3A_785 : vector<16xi32> to vector<16xf32>
        %and3A_787 = arith.constant -65536 : i32
        %and3A_788 = vector.broadcast %and3A_787 : i32 to vector<16xi32>
        %and3A_789 = arith.andi %get3A_782, %and3A_788 : vector<16xi32>
        %bitcast3A_790 = vector.bitcast %and3A_789 : vector<16xi32> to vector<16xf32>
        %add3A_791 = arith.addf %add3A_774, %bitcast3A_786 : vector<16xf32>
        %add3A_792 = arith.addf %add3A_775, %bitcast3A_790 : vector<16xf32>
        %add3A_793 = arith.constant 16 : i32
        %add3A_794 = arith.addi %mul3A_514, %add3A_793 : i32
        %get3A_795 = arith.constant 0 : i32
        %get3A_796 = arith.index_cast %get3A_795 : i32 to index
        %get3A_797 = arith.index_cast %add3A_794 : i32 to index
        %get3A_798 = arith.constant 0 : index
        %get3A_799 = tpu.vector_load %arg23[%get3A_796, %get3A_797, %get3A_798] {strides = array<i32>} : memref<2x640x32xi32, #tpu.memory_space<vmem>>, vector<16xi32>,
        %shift_left3A_800 = arith.constant 16 : i32
        %shift_left3A_801 = vector.broadcast %shift_left3A_800 : i32 to vector<16xi32>
        %shift_left3A_802 = arith.shli %get3A_799, %shift_left3A_801 : vector<16xi32>
        %bitcast3A_803 = vector.bitcast %shift_left3A_802 : vector<16xi32> to vector<16xf32>
        %and3A_804 = arith.constant -65536 : i32
        %and3A_805 = vector.broadcast %and3A_804 : i32 to vector<16xi32>
        %and3A_806 = arith.andi %get3A_799, %and3A_805 : vector<16xi32>
        %bitcast3A_807 = vector.bitcast %and3A_806 : vector<16xi32> to vector<16xf32>
        %add3A_808 = arith.addf %add3A_791, %bitcast3A_803 : vector<16xf32>
        %add3A_809 = arith.addf %add3A_792, %bitcast3A_807 : vector<16xf32>
        %add3A_810 = arith.constant 17 : i32
        %add3A_811 = arith.addi %mul3A_514, %add3A_810 : i32
        %get3A_812 = arith.constant 0 : i32
        %get3A_813 = arith.index_cast %get3A_812 : i32 to index
        %get3A_814 = arith.index_cast %add3A_811 : i32 to index
        %get3A_815 = arith.constant 0 : index
        %get3A_816 = tpu.vector_load %arg23[%get3A_813, %get3A_814, %get3A_815] {strides = array<i32>} : memref<2x640x32xi32, #tpu.memory_space<vmem>>, vector<16xi32>,
        %shift_left3A_817 = arith.constant 16 : i32
        %shift_left3A_818 = vector.broadcast %shift_left3A_817 : i32 to vector<16xi32>
        %shift_left3A_819 = arith.shli %get3A_816, %shift_left3A_818 : vector<16xi32>
        %bitcast3A_820 = vector.bitcast %shift_left3A_819 : vector<16xi32> to vector<16xf32>
        %and3A_821 = arith.constant -65536 : i32
        %and3A_822 = vector.broadcast %and3A_821 : i32 to vector<16xi32>
        %and3A_823 = arith.andi %get3A_816, %and3A_822 : vector<16xi32>
        %bitcast3A_824 = vector.bitcast %and3A_823 : vector<16xi32> to vector<16xf32>
        %add3A_825 = arith.addf %add3A_808, %bitcast3A_820 : vector<16xf32>
        %add3A_826 = arith.addf %add3A_809, %bitcast3A_824 : vector<16xf32>
        %add3A_827 = arith.constant 18 : i32
        %add3A_828 = arith.addi %mul3A_514, %add3A_827 : i32
        %get3A_829 = arith.constant 0 : i32
        %get3A_830 = arith.index_cast %get3A_829 : i32 to index
        %get3A_831 = arith.index_cast %add3A_828 : i32 to index
        %get3A_832 = arith.constant 0 : index
        %get3A_833 = tpu.vector_load %arg23[%get3A_830, %get3A_831, %get3A_832] {strides = array<i32>} : memref<2x640x32xi32, #tpu.memory_space<vmem>>, vector<16xi32>,
        %shift_left3A_834 = arith.constant 16 : i32
        %shift_left3A_835 = vector.broadcast %shift_left3A_834 : i32 to vector<16xi32>
        %shift_left3A_836 = arith.shli %get3A_833, %shift_left3A_835 : vector<16xi32>
        %bitcast3A_837 = vector.bitcast %shift_left3A_836 : vector<16xi32> to vector<16xf32>
        %and3A_838 = arith.constant -65536 : i32
        %and3A_839 = vector.broadcast %and3A_838 : i32 to vector<16xi32>
        %and3A_840 = arith.andi %get3A_833, %and3A_839 : vector<16xi32>
        %bitcast3A_841 = vector.bitcast %and3A_840 : vector<16xi32> to vector<16xf32>
        %add3A_842 = arith.addf %add3A_825, %bitcast3A_837 : vector<16xf32>
        %add3A_843 = arith.addf %add3A_826, %bitcast3A_841 : vector<16xf32>
        %add3A_844 = arith.constant 19 : i32
        %add3A_845 = arith.addi %mul3A_514, %add3A_844 : i32
        %get3A_846 = arith.constant 0 : i32
        %get3A_847 = arith.index_cast %get3A_846 : i32 to index
        %get3A_848 = arith.index_cast %add3A_845 : i32 to index
        %get3A_849 = arith.constant 0 : index
        %get3A_850 = tpu.vector_load %arg23[%get3A_847, %get3A_848, %get3A_849] {strides = array<i32>} : memref<2x640x32xi32, #tpu.memory_space<vmem>>, vector<16xi32>,
        %shift_left3A_851 = arith.constant 16 : i32
        %shift_left3A_852 = vector.broadcast %shift_left3A_851 : i32 to vector<16xi32>
        %shift_left3A_853 = arith.shli %get3A_850, %shift_left3A_852 : vector<16xi32>
        %bitcast3A_854 = vector.bitcast %shift_left3A_853 : vector<16xi32> to vector<16xf32>
        %and3A_855 = arith.constant -65536 : i32
        %and3A_856 = vector.broadcast %and3A_855 : i32 to vector<16xi32>
        %and3A_857 = arith.andi %get3A_850, %and3A_856 : vector<16xi32>
        %bitcast3A_858 = vector.bitcast %and3A_857 : vector<16xi32> to vector<16xf32>
        %add3A_859 = arith.addf %add3A_842, %bitcast3A_854 : vector<16xf32>
        %add3A_860 = arith.addf %add3A_843, %bitcast3A_858 : vector<16xf32>
        %get3A_861 = arith.constant 0 : i32
        %get3A_862 = arith.index_cast %get3A_861 : i32 to index
        %get3A_863 = arith.index_cast %scan3A_512 : i32 to index
        %get3A_864 = arith.constant 0 : index
        %get3A_865 = tpu.vector_load %arg24[%get3A_862, %get3A_863, %get3A_864] {strides = array<i32>} : memref<2x32x32xi32, #tpu.memory_space<vmem>>, vector<16xi32>,
        %shift_left3A_866 = arith.constant 16 : i32
        %shift_left3A_867 = vector.broadcast %shift_left3A_866 : i32 to vector<16xi32>
        %shift_left3A_868 = arith.shli %get3A_865, %shift_left3A_867 : vector<16xi32>
        %bitcast3A_869 = vector.bitcast %shift_left3A_868 : vector<16xi32> to vector<16xf32>
        %and3A_870 = arith.constant -65536 : i32
        %and3A_871 = vector.broadcast %and3A_870 : i32 to vector<16xi32>
        %and3A_872 = arith.andi %get3A_865, %and3A_871 : vector<16xi32>
        %bitcast3A_873 = vector.bitcast %and3A_872 : vector<16xi32> to vector<16xf32>
        %get3A_874 = arith.constant 0 : i32
        %get3A_875 = arith.index_cast %get3A_874 : i32 to index
        %get3A_876 = arith.index_cast %scan3A_512 : i32 to index
        %get3A_877 = arith.constant 0 : index
        %get3A_878 = tpu.vector_load %arg25[%get3A_875, %get3A_876, %get3A_877] {strides = array<i32>} : memref<2x32x32xi32, #tpu.memory_space<vmem>>, vector<16xi32>,
        %shift_left3A_879 = arith.constant 16 : i32
        %shift_left3A_880 = vector.broadcast %shift_left3A_879 : i32 to vector<16xi32>
        %shift_left3A_881 = arith.shli %get3A_878, %shift_left3A_880 : vector<16xi32>
        %bitcast3A_882 = vector.bitcast %shift_left3A_881 : vector<16xi32> to vector<16xf32>
        %and3A_883 = arith.constant -65536 : i32
        %and3A_884 = vector.broadcast %and3A_883 : i32 to vector<16xi32>
        %and3A_885 = arith.andi %get3A_878, %and3A_884 : vector<16xi32>
        %bitcast3A_886 = vector.bitcast %and3A_885 : vector<16xi32> to vector<16xf32>
        %mul3A_887 = arith.constant 5.000000e-02 : f32
        %mul3A_888 = vector.broadcast %mul3A_887 : f32 to vector<16xf32>
        %mul3A_889 = arith.mulf %add3A_859, %mul3A_888 : vector<16xf32>
        %add3A_890 = arith.addf %mul3A_889, %bitcast3A_869 : vector<16xf32>
        %add3A_891 = arith.addf %add3A_890, %bitcast3A_882 : vector<16xf32>
        %swap3A = arith.constant 0 : i32
        %swap3A_892 = arith.index_cast %swap3A : i32 to index
        %swap3A_893 = arith.index_cast %scan3A_512 : i32 to index
        %swap3A_894 = arith.constant 0 : index
        %swap3A_895 = tpu.vector_load %arg26[%swap3A_892, %swap3A_893, %swap3A_894] {strides = array<i32>} : memref<2x32x128xf32, #tpu.memory_space<vmem>>, vector<16xf32>,
        tpu.vector_store %arg26[%swap3A_892, %swap3A_893, %swap3A_894], %add3A_891 {strides = array<i32>} : memref<2x32x128xf32, #tpu.memory_space<vmem>>, vector<16xf32>,
        %mul3A_896 = arith.constant 5.000000e-02 : f32
        %mul3A_897 = vector.broadcast %mul3A_896 : f32 to vector<16xf32>
        %mul3A_898 = arith.mulf %add3A_860, %mul3A_897 : vector<16xf32>
        %add3A_899 = arith.addf %mul3A_898, %bitcast3A_873 : vector<16xf32>
        %add3A_900 = arith.addf %add3A_899, %bitcast3A_886 : vector<16xf32>
        %swap3A_901 = arith.constant 0 : i32
        %swap3A_902 = arith.index_cast %swap3A_901 : i32 to index
        %swap3A_903 = arith.index_cast %scan3A_512 : i32 to index
        %swap3A_904 = arith.constant 32 : index
        %swap3A_905 = tpu.vector_load %arg26[%swap3A_902, %swap3A_903, %swap3A_904] {strides = array<i32>} : memref<2x32x128xf32, #tpu.memory_space<vmem>>, vector<16xf32>,
        tpu.vector_store %arg26[%swap3A_902, %swap3A_903, %swap3A_904], %add3A_900 {strides = array<i32>} : memref<2x32x128xf32, #tpu.memory_space<vmem>>, vector<16xf32>,
        %get3A_906 = arith.constant 0 : i32
        %get3A_907 = arith.index_cast %get3A_906 : i32 to index
        %get3A_908 = arith.index_cast %mul3A_514 : i32 to index
        %get3A_909 = arith.constant 16 : index
        %get3A_910 = tpu.vector_load %arg23[%get3A_907, %get3A_908, %get3A_909] {strides = array<i32>} : memref<2x640x32xi32, #tpu.memory_space<vmem>>, vector<16xi32>,
        %shift_left3A_911 = arith.constant 16 : i32
        %shift_left3A_912 = vector.broadcast %shift_left3A_911 : i32 to vector<16xi32>
        %shift_left3A_913 = arith.shli %get3A_910, %shift_left3A_912 : vector<16xi32>
        %bitcast3A_914 = vector.bitcast %shift_left3A_913 : vector<16xi32> to vector<16xf32>
        %and3A_915 = arith.constant -65536 : i32
        %and3A_916 = vector.broadcast %and3A_915 : i32 to vector<16xi32>
        %and3A_917 = arith.andi %get3A_910, %and3A_916 : vector<16xi32>
        %bitcast3A_918 = vector.bitcast %and3A_917 : vector<16xi32> to vector<16xf32>
        %add3A_919 = arith.constant 1 : i32
        %add3A_920 = arith.addi %mul3A_514, %add3A_919 : i32
        %get3A_921 = arith.constant 0 : i32
        %get3A_922 = arith.index_cast %get3A_921 : i32 to index
        %get3A_923 = arith.index_cast %add3A_920 : i32 to index
        %get3A_924 = arith.constant 16 : index
        %get3A_925 = tpu.vector_load %arg23[%get3A_922, %get3A_923, %get3A_924] {strides = array<i32>} : memref<2x640x32xi32, #tpu.memory_space<vmem>>, vector<16xi32>,
        %shift_left3A_926 = arith.constant 16 : i32
        %shift_left3A_927 = vector.broadcast %shift_left3A_926 : i32 to vector<16xi32>
        %shift_left3A_928 = arith.shli %get3A_925, %shift_left3A_927 : vector<16xi32>
        %bitcast3A_929 = vector.bitcast %shift_left3A_928 : vector<16xi32> to vector<16xf32>
        %and3A_930 = arith.constant -65536 : i32
        %and3A_931 = vector.broadcast %and3A_930 : i32 to vector<16xi32>
        %and3A_932 = arith.andi %get3A_925, %and3A_931 : vector<16xi32>
        %bitcast3A_933 = vector.bitcast %and3A_932 : vector<16xi32> to vector<16xf32>
        %add3A_934 = arith.addf %bitcast3A_914, %bitcast3A_929 : vector<16xf32>
        %add3A_935 = arith.addf %bitcast3A_918, %bitcast3A_933 : vector<16xf32>
        %add3A_936 = arith.constant 2 : i32
        %add3A_937 = arith.addi %mul3A_514, %add3A_936 : i32
        %get3A_938 = arith.constant 0 : i32
        %get3A_939 = arith.index_cast %get3A_938 : i32 to index
        %get3A_940 = arith.index_cast %add3A_937 : i32 to index
        %get3A_941 = arith.constant 16 : index
        %get3A_942 = tpu.vector_load %arg23[%get3A_939, %get3A_940, %get3A_941] {strides = array<i32>} : memref<2x640x32xi32, #tpu.memory_space<vmem>>, vector<16xi32>,
        %shift_left3A_943 = arith.constant 16 : i32
        %shift_left3A_944 = vector.broadcast %shift_left3A_943 : i32 to vector<16xi32>
        %shift_left3A_945 = arith.shli %get3A_942, %shift_left3A_944 : vector<16xi32>
        %bitcast3A_946 = vector.bitcast %shift_left3A_945 : vector<16xi32> to vector<16xf32>
        %and3A_947 = arith.constant -65536 : i32
        %and3A_948 = vector.broadcast %and3A_947 : i32 to vector<16xi32>
        %and3A_949 = arith.andi %get3A_942, %and3A_948 : vector<16xi32>
        %bitcast3A_950 = vector.bitcast %and3A_949 : vector<16xi32> to vector<16xf32>
        %add3A_951 = arith.addf %add3A_934, %bitcast3A_946 : vector<16xf32>
        %add3A_952 = arith.addf %add3A_935, %bitcast3A_950 : vector<16xf32>
        %add3A_953 = arith.constant 3 : i32
        %add3A_954 = arith.addi %mul3A_514, %add3A_953 : i32
        %get3A_955 = arith.constant 0 : i32
        %get3A_956 = arith.index_cast %get3A_955 : i32 to index
        %get3A_957 = arith.index_cast %add3A_954 : i32 to index
        %get3A_958 = arith.constant 16 : index
        %get3A_959 = tpu.vector_load %arg23[%get3A_956, %get3A_957, %get3A_958] {strides = array<i32>} : memref<2x640x32xi32, #tpu.memory_space<vmem>>, vector<16xi32>,
        %shift_left3A_960 = arith.constant 16 : i32
        %shift_left3A_961 = vector.broadcast %shift_left3A_960 : i32 to vector<16xi32>
        %shift_left3A_962 = arith.shli %get3A_959, %shift_left3A_961 : vector<16xi32>
        %bitcast3A_963 = vector.bitcast %shift_left3A_962 : vector<16xi32> to vector<16xf32>
        %and3A_964 = arith.constant -65536 : i32
        %and3A_965 = vector.broadcast %and3A_964 : i32 to vector<16xi32>
        %and3A_966 = arith.andi %get3A_959, %and3A_965 : vector<16xi32>
        %bitcast3A_967 = vector.bitcast %and3A_966 : vector<16xi32> to vector<16xf32>
        %add3A_968 = arith.addf %add3A_951, %bitcast3A_963 : vector<16xf32>
        %add3A_969 = arith.addf %add3A_952, %bitcast3A_967 : vector<16xf32>
        %add3A_970 = arith.constant 4 : i32
        %add3A_971 = arith.addi %mul3A_514, %add3A_970 : i32
        %get3A_972 = arith.constant 0 : i32
        %get3A_973 = arith.index_cast %get3A_972 : i32 to index
        %get3A_974 = arith.index_cast %add3A_971 : i32 to index
        %get3A_975 = arith.constant 16 : index
        %get3A_976 = tpu.vector_load %arg23[%get3A_973, %get3A_974, %get3A_975] {strides = array<i32>} : memref<2x640x32xi32, #tpu.memory_space<vmem>>, vector<16xi32>,
        %shift_left3A_977 = arith.constant 16 : i32
        %shift_left3A_978 = vector.broadcast %shift_left3A_977 : i32 to vector<16xi32>
        %shift_left3A_979 = arith.shli %get3A_976, %shift_left3A_978 : vector<16xi32>
        %bitcast3A_980 = vector.bitcast %shift_left3A_979 : vector<16xi32> to vector<16xf32>
        %and3A_981 = arith.constant -65536 : i32
        %and3A_982 = vector.broadcast %and3A_981 : i32 to vector<16xi32>
        %and3A_983 = arith.andi %get3A_976, %and3A_982 : vector<16xi32>
        %bitcast3A_984 = vector.bitcast %and3A_983 : vector<16xi32> to vector<16xf32>
        %add3A_985 = arith.addf %add3A_968, %bitcast3A_980 : vector<16xf32>
        %add3A_986 = arith.addf %add3A_969, %bitcast3A_984 : vector<16xf32>
        %add3A_987 = arith.constant 5 : i32
        %add3A_988 = arith.addi %mul3A_514, %add3A_987 : i32
        %get3A_989 = arith.constant 0 : i32
        %get3A_990 = arith.index_cast %get3A_989 : i32 to index
        %get3A_991 = arith.index_cast %add3A_988 : i32 to index
        %get3A_992 = arith.constant 16 : index
        %get3A_993 = tpu.vector_load %arg23[%get3A_990, %get3A_991, %get3A_992] {strides = array<i32>} : memref<2x640x32xi32, #tpu.memory_space<vmem>>, vector<16xi32>,
        %shift_left3A_994 = arith.constant 16 : i32
        %shift_left3A_995 = vector.broadcast %shift_left3A_994 : i32 to vector<16xi32>
        %shift_left3A_996 = arith.shli %get3A_993, %shift_left3A_995 : vector<16xi32>
        %bitcast3A_997 = vector.bitcast %shift_left3A_996 : vector<16xi32> to vector<16xf32>
        %and3A_998 = arith.constant -65536 : i32
        %and3A_999 = vector.broadcast %and3A_998 : i32 to vector<16xi32>
        %and3A_1000 = arith.andi %get3A_993, %and3A_999 : vector<16xi32>
        %bitcast3A_1001 = vector.bitcast %and3A_1000 : vector<16xi32> to vector<16xf32>
        %add3A_1002 = arith.addf %add3A_985, %bitcast3A_997 : vector<16xf32>
        %add3A_1003 = arith.addf %add3A_986, %bitcast3A_1001 : vector<16xf32>
        %add3A_1004 = arith.constant 6 : i32
        %add3A_1005 = arith.addi %mul3A_514, %add3A_1004 : i32
        %get3A_1006 = arith.constant 0 : i32
        %get3A_1007 = arith.index_cast %get3A_1006 : i32 to index
        %get3A_1008 = arith.index_cast %add3A_1005 : i32 to index
        %get3A_1009 = arith.constant 16 : index
        %get3A_1010 = tpu.vector_load %arg23[%get3A_1007, %get3A_1008, %get3A_1009] {strides = array<i32>} : memref<2x640x32xi32, #tpu.memory_space<vmem>>, vector<16xi32>,
        %shift_left3A_1011 = arith.constant 16 : i32
        %shift_left3A_1012 = vector.broadcast %shift_left3A_1011 : i32 to vector<16xi32>
        %shift_left3A_1013 = arith.shli %get3A_1010, %shift_left3A_1012 : vector<16xi32>
        %bitcast3A_1014 = vector.bitcast %shift_left3A_1013 : vector<16xi32> to vector<16xf32>
        %and3A_1015 = arith.constant -65536 : i32
        %and3A_1016 = vector.broadcast %and3A_1015 : i32 to vector<16xi32>
        %and3A_1017 = arith.andi %get3A_1010, %and3A_1016 : vector<16xi32>
        %bitcast3A_1018 = vector.bitcast %and3A_1017 : vector<16xi32> to vector<16xf32>
        %add3A_1019 = arith.addf %add3A_1002, %bitcast3A_1014 : vector<16xf32>
        %add3A_1020 = arith.addf %add3A_1003, %bitcast3A_1018 : vector<16xf32>
        %add3A_1021 = arith.constant 7 : i32
        %add3A_1022 = arith.addi %mul3A_514, %add3A_1021 : i32
        %get3A_1023 = arith.constant 0 : i32
        %get3A_1024 = arith.index_cast %get3A_1023 : i32 to index
        %get3A_1025 = arith.index_cast %add3A_1022 : i32 to index
        %get3A_1026 = arith.constant 16 : index
        %get3A_1027 = tpu.vector_load %arg23[%get3A_1024, %get3A_1025, %get3A_1026] {strides = array<i32>} : memref<2x640x32xi32, #tpu.memory_space<vmem>>, vector<16xi32>,
        %shift_left3A_1028 = arith.constant 16 : i32
        %shift_left3A_1029 = vector.broadcast %shift_left3A_1028 : i32 to vector<16xi32>
        %shift_left3A_1030 = arith.shli %get3A_1027, %shift_left3A_1029 : vector<16xi32>
        %bitcast3A_1031 = vector.bitcast %shift_left3A_1030 : vector<16xi32> to vector<16xf32>
        %and3A_1032 = arith.constant -65536 : i32
        %and3A_1033 = vector.broadcast %and3A_1032 : i32 to vector<16xi32>
        %and3A_1034 = arith.andi %get3A_1027, %and3A_1033 : vector<16xi32>
        %bitcast3A_1035 = vector.bitcast %and3A_1034 : vector<16xi32> to vector<16xf32>
        %add3A_1036 = arith.addf %add3A_1019, %bitcast3A_1031 : vector<16xf32>
        %add3A_1037 = arith.addf %add3A_1020, %bitcast3A_1035 : vector<16xf32>
        %add3A_1038 = arith.constant 8 : i32
        %add3A_1039 = arith.addi %mul3A_514, %add3A_1038 : i32
        %get3A_1040 = arith.constant 0 : i32
        %get3A_1041 = arith.index_cast %get3A_1040 : i32 to index
        %get3A_1042 = arith.index_cast %add3A_1039 : i32 to index
        %get3A_1043 = arith.constant 16 : index
        %get3A_1044 = tpu.vector_load %arg23[%get3A_1041, %get3A_1042, %get3A_1043] {strides = array<i32>} : memref<2x640x32xi32, #tpu.memory_space<vmem>>, vector<16xi32>,
        %shift_left3A_1045 = arith.constant 16 : i32
        %shift_left3A_1046 = vector.broadcast %shift_left3A_1045 : i32 to vector<16xi32>
        %shift_left3A_1047 = arith.shli %get3A_1044, %shift_left3A_1046 : vector<16xi32>
        %bitcast3A_1048 = vector.bitcast %shift_left3A_1047 : vector<16xi32> to vector<16xf32>
        %and3A_1049 = arith.constant -65536 : i32
        %and3A_1050 = vector.broadcast %and3A_1049 : i32 to vector<16xi32>
        %and3A_1051 = arith.andi %get3A_1044, %and3A_1050 : vector<16xi32>
        %bitcast3A_1052 = vector.bitcast %and3A_1051 : vector<16xi32> to vector<16xf32>
        %add3A_1053 = arith.addf %add3A_1036, %bitcast3A_1048 : vector<16xf32>
        %add3A_1054 = arith.addf %add3A_1037, %bitcast3A_1052 : vector<16xf32>
        %add3A_1055 = arith.constant 9 : i32
        %add3A_1056 = arith.addi %mul3A_514, %add3A_1055 : i32
        %get3A_1057 = arith.constant 0 : i32
        %get3A_1058 = arith.index_cast %get3A_1057 : i32 to index
        %get3A_1059 = arith.index_cast %add3A_1056 : i32 to index
        %get3A_1060 = arith.constant 16 : index
        %get3A_1061 = tpu.vector_load %arg23[%get3A_1058, %get3A_1059, %get3A_1060] {strides = array<i32>} : memref<2x640x32xi32, #tpu.memory_space<vmem>>, vector<16xi32>,
        %shift_left3A_1062 = arith.constant 16 : i32
        %shift_left3A_1063 = vector.broadcast %shift_left3A_1062 : i32 to vector<16xi32>
        %shift_left3A_1064 = arith.shli %get3A_1061, %shift_left3A_1063 : vector<16xi32>
        %bitcast3A_1065 = vector.bitcast %shift_left3A_1064 : vector<16xi32> to vector<16xf32>
        %and3A_1066 = arith.constant -65536 : i32
        %and3A_1067 = vector.broadcast %and3A_1066 : i32 to vector<16xi32>
        %and3A_1068 = arith.andi %get3A_1061, %and3A_1067 : vector<16xi32>
        %bitcast3A_1069 = vector.bitcast %and3A_1068 : vector<16xi32> to vector<16xf32>
        %add3A_1070 = arith.addf %add3A_1053, %bitcast3A_1065 : vector<16xf32>
        %add3A_1071 = arith.addf %add3A_1054, %bitcast3A_1069 : vector<16xf32>
        %add3A_1072 = arith.constant 10 : i32
        %add3A_1073 = arith.addi %mul3A_514, %add3A_1072 : i32
        %get3A_1074 = arith.constant 0 : i32
        %get3A_1075 = arith.index_cast %get3A_1074 : i32 to index
        %get3A_1076 = arith.index_cast %add3A_1073 : i32 to index
        %get3A_1077 = arith.constant 16 : index
        %get3A_1078 = tpu.vector_load %arg23[%get3A_1075, %get3A_1076, %get3A_1077] {strides = array<i32>} : memref<2x640x32xi32, #tpu.memory_space<vmem>>, vector<16xi32>,
        %shift_left3A_1079 = arith.constant 16 : i32
        %shift_left3A_1080 = vector.broadcast %shift_left3A_1079 : i32 to vector<16xi32>
        %shift_left3A_1081 = arith.shli %get3A_1078, %shift_left3A_1080 : vector<16xi32>
        %bitcast3A_1082 = vector.bitcast %shift_left3A_1081 : vector<16xi32> to vector<16xf32>
        %and3A_1083 = arith.constant -65536 : i32
        %and3A_1084 = vector.broadcast %and3A_1083 : i32 to vector<16xi32>
        %and3A_1085 = arith.andi %get3A_1078, %and3A_1084 : vector<16xi32>
        %bitcast3A_1086 = vector.bitcast %and3A_1085 : vector<16xi32> to vector<16xf32>
        %add3A_1087 = arith.addf %add3A_1070, %bitcast3A_1082 : vector<16xf32>
        %add3A_1088 = arith.addf %add3A_1071, %bitcast3A_1086 : vector<16xf32>
        %add3A_1089 = arith.constant 11 : i32
        %add3A_1090 = arith.addi %mul3A_514, %add3A_1089 : i32
        %get3A_1091 = arith.constant 0 : i32
        %get3A_1092 = arith.index_cast %get3A_1091 : i32 to index
        %get3A_1093 = arith.index_cast %add3A_1090 : i32 to index
        %get3A_1094 = arith.constant 16 : index
        %get3A_1095 = tpu.vector_load %arg23[%get3A_1092, %get3A_1093, %get3A_1094] {strides = array<i32>} : memref<2x640x32xi32, #tpu.memory_space<vmem>>, vector<16xi32>,
        %shift_left3A_1096 = arith.constant 16 : i32
        %shift_left3A_1097 = vector.broadcast %shift_left3A_1096 : i32 to vector<16xi32>
        %shift_left3A_1098 = arith.shli %get3A_1095, %shift_left3A_1097 : vector<16xi32>
        %bitcast3A_1099 = vector.bitcast %shift_left3A_1098 : vector<16xi32> to vector<16xf32>
        %and3A_1100 = arith.constant -65536 : i32
        %and3A_1101 = vector.broadcast %and3A_1100 : i32 to vector<16xi32>
        %and3A_1102 = arith.andi %get3A_1095, %and3A_1101 : vector<16xi32>
        %bitcast3A_1103 = vector.bitcast %and3A_1102 : vector<16xi32> to vector<16xf32>
        %add3A_1104 = arith.addf %add3A_1087, %bitcast3A_1099 : vector<16xf32>
        %add3A_1105 = arith.addf %add3A_1088, %bitcast3A_1103 : vector<16xf32>
        %add3A_1106 = arith.constant 12 : i32
        %add3A_1107 = arith.addi %mul3A_514, %add3A_1106 : i32
        %get3A_1108 = arith.constant 0 : i32
        %get3A_1109 = arith.index_cast %get3A_1108 : i32 to index
        %get3A_1110 = arith.index_cast %add3A_1107 : i32 to index
        %get3A_1111 = arith.constant 16 : index
        %get3A_1112 = tpu.vector_load %arg23[%get3A_1109, %get3A_1110, %get3A_1111] {strides = array<i32>} : memref<2x640x32xi32, #tpu.memory_space<vmem>>, vector<16xi32>,
        %shift_left3A_1113 = arith.constant 16 : i32
        %shift_left3A_1114 = vector.broadcast %shift_left3A_1113 : i32 to vector<16xi32>
        %shift_left3A_1115 = arith.shli %get3A_1112, %shift_left3A_1114 : vector<16xi32>
        %bitcast3A_1116 = vector.bitcast %shift_left3A_1115 : vector<16xi32> to vector<16xf32>
        %and3A_1117 = arith.constant -65536 : i32
        %and3A_1118 = vector.broadcast %and3A_1117 : i32 to vector<16xi32>
        %and3A_1119 = arith.andi %get3A_1112, %and3A_1118 : vector<16xi32>
        %bitcast3A_1120 = vector.bitcast %and3A_1119 : vector<16xi32> to vector<16xf32>
        %add3A_1121 = arith.addf %add3A_1104, %bitcast3A_1116 : vector<16xf32>
        %add3A_1122 = arith.addf %add3A_1105, %bitcast3A_1120 : vector<16xf32>
        %add3A_1123 = arith.constant 13 : i32
        %add3A_1124 = arith.addi %mul3A_514, %add3A_1123 : i32
        %get3A_1125 = arith.constant 0 : i32
        %get3A_1126 = arith.index_cast %get3A_1125 : i32 to index
        %get3A_1127 = arith.index_cast %add3A_1124 : i32 to index
        %get3A_1128 = arith.constant 16 : index
        %get3A_1129 = tpu.vector_load %arg23[%get3A_1126, %get3A_1127, %get3A_1128] {strides = array<i32>} : memref<2x640x32xi32, #tpu.memory_space<vmem>>, vector<16xi32>,
        %shift_left3A_1130 = arith.constant 16 : i32
        %shift_left3A_1131 = vector.broadcast %shift_left3A_1130 : i32 to vector<16xi32>
        %shift_left3A_1132 = arith.shli %get3A_1129, %shift_left3A_1131 : vector<16xi32>
        %bitcast3A_1133 = vector.bitcast %shift_left3A_1132 : vector<16xi32> to vector<16xf32>
        %and3A_1134 = arith.constant -65536 : i32
        %and3A_1135 = vector.broadcast %and3A_1134 : i32 to vector<16xi32>
        %and3A_1136 = arith.andi %get3A_1129, %and3A_1135 : vector<16xi32>
        %bitcast3A_1137 = vector.bitcast %and3A_1136 : vector<16xi32> to vector<16xf32>
        %add3A_1138 = arith.addf %add3A_1121, %bitcast3A_1133 : vector<16xf32>
        %add3A_1139 = arith.addf %add3A_1122, %bitcast3A_1137 : vector<16xf32>
        %add3A_1140 = arith.constant 14 : i32
        %add3A_1141 = arith.addi %mul3A_514, %add3A_1140 : i32
        %get3A_1142 = arith.constant 0 : i32
        %get3A_1143 = arith.index_cast %get3A_1142 : i32 to index
        %get3A_1144 = arith.index_cast %add3A_1141 : i32 to index
        %get3A_1145 = arith.constant 16 : index
        %get3A_1146 = tpu.vector_load %arg23[%get3A_1143, %get3A_1144, %get3A_1145] {strides = array<i32>} : memref<2x640x32xi32, #tpu.memory_space<vmem>>, vector<16xi32>,
        %shift_left3A_1147 = arith.constant 16 : i32
        %shift_left3A_1148 = vector.broadcast %shift_left3A_1147 : i32 to vector<16xi32>
        %shift_left3A_1149 = arith.shli %get3A_1146, %shift_left3A_1148 : vector<16xi32>
        %bitcast3A_1150 = vector.bitcast %shift_left3A_1149 : vector<16xi32> to vector<16xf32>
        %and3A_1151 = arith.constant -65536 : i32
        %and3A_1152 = vector.broadcast %and3A_1151 : i32 to vector<16xi32>
        %and3A_1153 = arith.andi %get3A_1146, %and3A_1152 : vector<16xi32>
        %bitcast3A_1154 = vector.bitcast %and3A_1153 : vector<16xi32> to vector<16xf32>
        %add3A_1155 = arith.addf %add3A_1138, %bitcast3A_1150 : vector<16xf32>
        %add3A_1156 = arith.addf %add3A_1139, %bitcast3A_1154 : vector<16xf32>
        %add3A_1157 = arith.constant 15 : i32
        %add3A_1158 = arith.addi %mul3A_514, %add3A_1157 : i32
        %get3A_1159 = arith.constant 0 : i32
        %get3A_1160 = arith.index_cast %get3A_1159 : i32 to index
        %get3A_1161 = arith.index_cast %add3A_1158 : i32 to index
        %get3A_1162 = arith.constant 16 : index
        %get3A_1163 = tpu.vector_load %arg23[%get3A_1160, %get3A_1161, %get3A_1162] {strides = array<i32>} : memref<2x640x32xi32, #tpu.memory_space<vmem>>, vector<16xi32>,
        %shift_left3A_1164 = arith.constant 16 : i32
        %shift_left3A_1165 = vector.broadcast %shift_left3A_1164 : i32 to vector<16xi32>
        %shift_left3A_1166 = arith.shli %get3A_1163, %shift_left3A_1165 : vector<16xi32>
        %bitcast3A_1167 = vector.bitcast %shift_left3A_1166 : vector<16xi32> to vector<16xf32>
        %and3A_1168 = arith.constant -65536 : i32
        %and3A_1169 = vector.broadcast %and3A_1168 : i32 to vector<16xi32>
        %and3A_1170 = arith.andi %get3A_1163, %and3A_1169 : vector<16xi32>
        %bitcast3A_1171 = vector.bitcast %and3A_1170 : vector<16xi32> to vector<16xf32>
        %add3A_1172 = arith.addf %add3A_1155, %bitcast3A_1167 : vector<16xf32>
        %add3A_1173 = arith.addf %add3A_1156, %bitcast3A_1171 : vector<16xf32>
        %add3A_1174 = arith.constant 16 : i32
        %add3A_1175 = arith.addi %mul3A_514, %add3A_1174 : i32
        %get3A_1176 = arith.constant 0 : i32
        %get3A_1177 = arith.index_cast %get3A_1176 : i32 to index
        %get3A_1178 = arith.index_cast %add3A_1175 : i32 to index
        %get3A_1179 = arith.constant 16 : index
        %get3A_1180 = tpu.vector_load %arg23[%get3A_1177, %get3A_1178, %get3A_1179] {strides = array<i32>} : memref<2x640x32xi32, #tpu.memory_space<vmem>>, vector<16xi32>,
        %shift_left3A_1181 = arith.constant 16 : i32
        %shift_left3A_1182 = vector.broadcast %shift_left3A_1181 : i32 to vector<16xi32>
        %shift_left3A_1183 = arith.shli %get3A_1180, %shift_left3A_1182 : vector<16xi32>
        %bitcast3A_1184 = vector.bitcast %shift_left3A_1183 : vector<16xi32> to vector<16xf32>
        %and3A_1185 = arith.constant -65536 : i32
        %and3A_1186 = vector.broadcast %and3A_1185 : i32 to vector<16xi32>
        %and3A_1187 = arith.andi %get3A_1180, %and3A_1186 : vector<16xi32>
        %bitcast3A_1188 = vector.bitcast %and3A_1187 : vector<16xi32> to vector<16xf32>
        %add3A_1189 = arith.addf %add3A_1172, %bitcast3A_1184 : vector<16xf32>
        %add3A_1190 = arith.addf %add3A_1173, %bitcast3A_1188 : vector<16xf32>
        %add3A_1191 = arith.constant 17 : i32
        %add3A_1192 = arith.addi %mul3A_514, %add3A_1191 : i32
        %get3A_1193 = arith.constant 0 : i32
        %get3A_1194 = arith.index_cast %get3A_1193 : i32 to index
        %get3A_1195 = arith.index_cast %add3A_1192 : i32 to index
        %get3A_1196 = arith.constant 16 : index
        %get3A_1197 = tpu.vector_load %arg23[%get3A_1194, %get3A_1195, %get3A_1196] {strides = array<i32>} : memref<2x640x32xi32, #tpu.memory_space<vmem>>, vector<16xi32>,
        %shift_left3A_1198 = arith.constant 16 : i32
        %shift_left3A_1199 = vector.broadcast %shift_left3A_1198 : i32 to vector<16xi32>
        %shift_left3A_1200 = arith.shli %get3A_1197, %shift_left3A_1199 : vector<16xi32>
        %bitcast3A_1201 = vector.bitcast %shift_left3A_1200 : vector<16xi32> to vector<16xf32>
        %and3A_1202 = arith.constant -65536 : i32
        %and3A_1203 = vector.broadcast %and3A_1202 : i32 to vector<16xi32>
        %and3A_1204 = arith.andi %get3A_1197, %and3A_1203 : vector<16xi32>
        %bitcast3A_1205 = vector.bitcast %and3A_1204 : vector<16xi32> to vector<16xf32>
        %add3A_1206 = arith.addf %add3A_1189, %bitcast3A_1201 : vector<16xf32>
        %add3A_1207 = arith.addf %add3A_1190, %bitcast3A_1205 : vector<16xf32>
        %add3A_1208 = arith.constant 18 : i32
        %add3A_1209 = arith.addi %mul3A_514, %add3A_1208 : i32
        %get3A_1210 = arith.constant 0 : i32
        %get3A_1211 = arith.index_cast %get3A_1210 : i32 to index
        %get3A_1212 = arith.index_cast %add3A_1209 : i32 to index
        %get3A_1213 = arith.constant 16 : index
        %get3A_1214 = tpu.vector_load %arg23[%get3A_1211, %get3A_1212, %get3A_1213] {strides = array<i32>} : memref<2x640x32xi32, #tpu.memory_space<vmem>>, vector<16xi32>,
        %shift_left3A_1215 = arith.constant 16 : i32
        %shift_left3A_1216 = vector.broadcast %shift_left3A_1215 : i32 to vector<16xi32>
        %shift_left3A_1217 = arith.shli %get3A_1214, %shift_left3A_1216 : vector<16xi32>
        %bitcast3A_1218 = vector.bitcast %shift_left3A_1217 : vector<16xi32> to vector<16xf32>
        %and3A_1219 = arith.constant -65536 : i32
        %and3A_1220 = vector.broadcast %and3A_1219 : i32 to vector<16xi32>
        %and3A_1221 = arith.andi %get3A_1214, %and3A_1220 : vector<16xi32>
        %bitcast3A_1222 = vector.bitcast %and3A_1221 : vector<16xi32> to vector<16xf32>
        %add3A_1223 = arith.addf %add3A_1206, %bitcast3A_1218 : vector<16xf32>
        %add3A_1224 = arith.addf %add3A_1207, %bitcast3A_1222 : vector<16xf32>
        %add3A_1225 = arith.constant 19 : i32
        %add3A_1226 = arith.addi %mul3A_514, %add3A_1225 : i32
        %get3A_1227 = arith.constant 0 : i32
        %get3A_1228 = arith.index_cast %get3A_1227 : i32 to index
        %get3A_1229 = arith.index_cast %add3A_1226 : i32 to index
        %get3A_1230 = arith.constant 16 : index
        %get3A_1231 = tpu.vector_load %arg23[%get3A_1228, %get3A_1229, %get3A_1230] {strides = array<i32>} : memref<2x640x32xi32, #tpu.memory_space<vmem>>, vector<16xi32>,
        %shift_left3A_1232 = arith.constant 16 : i32
        %shift_left3A_1233 = vector.broadcast %shift_left3A_1232 : i32 to vector<16xi32>
        %shift_left3A_1234 = arith.shli %get3A_1231, %shift_left3A_1233 : vector<16xi32>
        %bitcast3A_1235 = vector.bitcast %shift_left3A_1234 : vector<16xi32> to vector<16xf32>
        %and3A_1236 = arith.constant -65536 : i32
        %and3A_1237 = vector.broadcast %and3A_1236 : i32 to vector<16xi32>
        %and3A_1238 = arith.andi %get3A_1231, %and3A_1237 : vector<16xi32>
        %bitcast3A_1239 = vector.bitcast %and3A_1238 : vector<16xi32> to vector<16xf32>
        %add3A_1240 = arith.addf %add3A_1223, %bitcast3A_1235 : vector<16xf32>
        %add3A_1241 = arith.addf %add3A_1224, %bitcast3A_1239 : vector<16xf32>
        %get3A_1242 = arith.constant 0 : i32
        %get3A_1243 = arith.index_cast %get3A_1242 : i32 to index
        %get3A_1244 = arith.index_cast %scan3A_512 : i32 to index
        %get3A_1245 = arith.constant 16 : index
        %get3A_1246 = tpu.vector_load %arg24[%get3A_1243, %get3A_1244, %get3A_1245] {strides = array<i32>} : memref<2x32x32xi32, #tpu.memory_space<vmem>>, vector<16xi32>,
        %shift_left3A_1247 = arith.constant 16 : i32
        %shift_left3A_1248 = vector.broadcast %shift_left3A_1247 : i32 to vector<16xi32>
        %shift_left3A_1249 = arith.shli %get3A_1246, %shift_left3A_1248 : vector<16xi32>
        %bitcast3A_1250 = vector.bitcast %shift_left3A_1249 : vector<16xi32> to vector<16xf32>
        %and3A_1251 = arith.constant -65536 : i32
        %and3A_1252 = vector.broadcast %and3A_1251 : i32 to vector<16xi32>
        %and3A_1253 = arith.andi %get3A_1246, %and3A_1252 : vector<16xi32>
        %bitcast3A_1254 = vector.bitcast %and3A_1253 : vector<16xi32> to vector<16xf32>
        %get3A_1255 = arith.constant 0 : i32
        %get3A_1256 = arith.index_cast %get3A_1255 : i32 to index
        %get3A_1257 = arith.index_cast %scan3A_512 : i32 to index
        %get3A_1258 = arith.constant 16 : index
        %get3A_1259 = tpu.vector_load %arg25[%get3A_1256, %get3A_1257, %get3A_1258] {strides = array<i32>} : memref<2x32x32xi32, #tpu.memory_space<vmem>>, vector<16xi32>,
        %shift_left3A_1260 = arith.constant 16 : i32
        %shift_left3A_1261 = vector.broadcast %shift_left3A_1260 : i32 to vector<16xi32>
        %shift_left3A_1262 = arith.shli %get3A_1259, %shift_left3A_1261 : vector<16xi32>
        %bitcast3A_1263 = vector.bitcast %shift_left3A_1262 : vector<16xi32> to vector<16xf32>
        %and3A_1264 = arith.constant -65536 : i32
        %and3A_1265 = vector.broadcast %and3A_1264 : i32 to vector<16xi32>
        %and3A_1266 = arith.andi %get3A_1259, %and3A_1265 : vector<16xi32>
        %bitcast3A_1267 = vector.bitcast %and3A_1266 : vector<16xi32> to vector<16xf32>
        %mul3A_1268 = arith.constant 5.000000e-02 : f32
        %mul3A_1269 = vector.broadcast %mul3A_1268 : f32 to vector<16xf32>
        %mul3A_1270 = arith.mulf %add3A_1240, %mul3A_1269 : vector<16xf32>
        %add3A_1271 = arith.addf %mul3A_1270, %bitcast3A_1250 : vector<16xf32>
        %add3A_1272 = arith.addf %add3A_1271, %bitcast3A_1263 : vector<16xf32>
        %swap3A_1273 = arith.constant 0 : i32
        %swap3A_1274 = arith.index_cast %swap3A_1273 : i32 to index
        %swap3A_1275 = arith.index_cast %scan3A_512 : i32 to index
        %swap3A_1276 = arith.constant 16 : index
        %swap3A_1277 = tpu.vector_load %arg26[%swap3A_1274, %swap3A_1275, %swap3A_1276] {strides = array<i32>} : memref<2x32x128xf32, #tpu.memory_space<vmem>>, vector<16xf32>,
        tpu.vector_store %arg26[%swap3A_1274, %swap3A_1275, %swap3A_1276], %add3A_1272 {strides = array<i32>} : memref<2x32x128xf32, #tpu.memory_space<vmem>>, vector<16xf32>,
        %mul3A_1278 = arith.constant 5.000000e-02 : f32
        %mul3A_1279 = vector.broadcast %mul3A_1278 : f32 to vector<16xf32>
        %mul3A_1280 = arith.mulf %add3A_1241, %mul3A_1279 : vector<16xf32>
        %add3A_1281 = arith.addf %mul3A_1280, %bitcast3A_1254 : vector<16xf32>
        %add3A_1282 = arith.addf %add3A_1281, %bitcast3A_1267 : vector<16xf32>
        %swap3A_1283 = arith.constant 0 : i32
        %swap3A_1284 = arith.index_cast %swap3A_1283 : i32 to index
        %swap3A_1285 = arith.index_cast %scan3A_512 : i32 to index
        %swap3A_1286 = arith.constant 48 : index
        %swap3A_1287 = tpu.vector_load %arg26[%swap3A_1284, %swap3A_1285, %swap3A_1286] {strides = array<i32>} : memref<2x32x128xf32, #tpu.memory_space<vmem>>, vector<16xf32>,
        tpu.vector_store %arg26[%swap3A_1284, %swap3A_1285, %swap3A_1286], %add3A_1282 {strides = array<i32>} : memref<2x32x128xf32, #tpu.memory_space<vmem>>, vector<16xf32>,
        %get3A_1288 = arith.index_cast %squeeze3A : i32 to index
        %get3A_1289 = arith.constant 0 : index
        %get3A_1290 = tpu.vector_load %arg21[%get3A_1288, %get3A_1289] {strides = array<i32>} : memref<102x64xf32, #tpu.memory_space<vmem>>, vector<16xf32>,
        %swap3A_1291 = arith.constant 0 : i32
        %swap3A_1292 = arith.index_cast %swap3A_1291 : i32 to index
        %swap3A_1293 = arith.index_cast %scan3A_512 : i32 to index
        %swap3A_1294 = arith.constant 64 : index
        %swap3A_1295 = tpu.vector_load %arg26[%swap3A_1292, %swap3A_1293, %swap3A_1294] {strides = array<i32>} : memref<2x32x128xf32, #tpu.memory_space<vmem>>, vector<16xf32>,
        tpu.vector_store %arg26[%swap3A_1292, %swap3A_1293, %swap3A_1294], %get3A_1290 {strides = array<i32>} : memref<2x32x128xf32, #tpu.memory_space<vmem>>, vector<16xf32>,
        %add3A_1296 = arith.constant 1 : i32
        %add3A_1297 = arith.addi %add3A_1296, %squeeze3A_523 : i32
        %get3A_1298 = arith.index_cast %add3A_1297 : i32 to index
        %get3A_1299 = arith.constant 0 : index
        %get3A_1300 = tpu.vector_load %arg22[%get3A_1298, %get3A_1299] {strides = array<i32>} : memref<33x64xf32, #tpu.memory_space<vmem>>, vector<16xf32>,
        %mul3A_1301 = vector.broadcast %squeeze3A_527 : f32 to vector<16xf32>
        %mul3A_1302 = arith.mulf %mul3A_1301, %get3A_131 : vector<16xf32>
        %add3A_1303 = arith.addf %get3A_1300, %mul3A_1302 : vector<16xf32>
        %swap3A_1304 = arith.constant 0 : i32
        %swap3A_1305 = arith.index_cast %swap3A_1304 : i32 to index
        %swap3A_1306 = arith.index_cast %scan3A_512 : i32 to index
        %swap3A_1307 = arith.constant 0 : index
        %swap3A_1308 = tpu.vector_load %arg27[%swap3A_1305, %swap3A_1306, %swap3A_1307] {strides = array<i32>} : memref<2x32x128xf32, #tpu.memory_space<vmem>>, vector<16xf32>,
        tpu.vector_store %arg27[%swap3A_1305, %swap3A_1306, %swap3A_1307], %add3A_1303 {strides = array<i32>} : memref<2x32x128xf32, #tpu.memory_space<vmem>>, vector<16xf32>,
        %get3A_1309 = arith.index_cast %squeeze3A : i32 to index
        %get3A_1310 = arith.constant 16 : index
        %get3A_1311 = tpu.vector_load %arg21[%get3A_1309, %get3A_1310] {strides = array<i32>} : memref<102x64xf32, #tpu.memory_space<vmem>>, vector<16xf32>,
        %swap3A_1312 = arith.constant 0 : i32
        %swap3A_1313 = arith.index_cast %swap3A_1312 : i32 to index
        %swap3A_1314 = arith.index_cast %scan3A_512 : i32 to index
        %swap3A_1315 = arith.constant 80 : index
        %swap3A_1316 = tpu.vector_load %arg26[%swap3A_1313, %swap3A_1314, %swap3A_1315] {strides = array<i32>} : memref<2x32x128xf32, #tpu.memory_space<vmem>>, vector<16xf32>,
        tpu.vector_store %arg26[%swap3A_1313, %swap3A_1314, %swap3A_1315], %get3A_1311 {strides = array<i32>} : memref<2x32x128xf32, #tpu.memory_space<vmem>>, vector<16xf32>,
        %add3A_1317 = arith.constant 1 : i32
        %add3A_1318 = arith.addi %add3A_1317, %squeeze3A_523 : i32
        %get3A_1319 = arith.index_cast %add3A_1318 : i32 to index
        %get3A_1320 = arith.constant 16 : index
        %get3A_1321 = tpu.vector_load %arg22[%get3A_1319, %get3A_1320] {strides = array<i32>} : memref<33x64xf32, #tpu.memory_space<vmem>>, vector<16xf32>,
        %mul3A_1322 = vector.broadcast %squeeze3A_527 : f32 to vector<16xf32>
        %mul3A_1323 = arith.mulf %mul3A_1322, %get3A_135 : vector<16xf32>
        %add3A_1324 = arith.addf %get3A_1321, %mul3A_1323 : vector<16xf32>
        %swap3A_1325 = arith.constant 0 : i32
        %swap3A_1326 = arith.index_cast %swap3A_1325 : i32 to index
        %swap3A_1327 = arith.index_cast %scan3A_512 : i32 to index
        %swap3A_1328 = arith.constant 16 : index
        %swap3A_1329 = tpu.vector_load %arg27[%swap3A_1326, %swap3A_1327, %swap3A_1328] {strides = array<i32>} : memref<2x32x128xf32, #tpu.memory_space<vmem>>, vector<16xf32>,
        tpu.vector_store %arg27[%swap3A_1326, %swap3A_1327, %swap3A_1328], %add3A_1324 {strides = array<i32>} : memref<2x32x128xf32, #tpu.memory_space<vmem>>, vector<16xf32>,
        %get3A_1330 = arith.index_cast %squeeze3A : i32 to index
        %get3A_1331 = arith.constant 32 : index
        %get3A_1332 = tpu.vector_load %arg21[%get3A_1330, %get3A_1331] {strides = array<i32>} : memref<102x64xf32, #tpu.memory_space<vmem>>, vector<16xf32>,
        %swap3A_1333 = arith.constant 0 : i32
        %swap3A_1334 = arith.index_cast %swap3A_1333 : i32 to index
        %swap3A_1335 = arith.index_cast %scan3A_512 : i32 to index
        %swap3A_1336 = arith.constant 96 : index
        %swap3A_1337 = tpu.vector_load %arg26[%swap3A_1334, %swap3A_1335, %swap3A_1336] {strides = array<i32>} : memref<2x32x128xf32, #tpu.memory_space<vmem>>, vector<16xf32>,
        tpu.vector_store %arg26[%swap3A_1334, %swap3A_1335, %swap3A_1336], %get3A_1332 {strides = array<i32>} : memref<2x32x128xf32, #tpu.memory_space<vmem>>, vector<16xf32>,
        %add3A_1338 = arith.constant 1 : i32
        %add3A_1339 = arith.addi %add3A_1338, %squeeze3A_523 : i32
        %get3A_1340 = arith.index_cast %add3A_1339 : i32 to index
        %get3A_1341 = arith.constant 32 : index
        %get3A_1342 = tpu.vector_load %arg22[%get3A_1340, %get3A_1341] {strides = array<i32>} : memref<33x64xf32, #tpu.memory_space<vmem>>, vector<16xf32>,
        %mul3A_1343 = vector.broadcast %squeeze3A_527 : f32 to vector<16xf32>
        %mul3A_1344 = arith.mulf %mul3A_1343, %get3A_139 : vector<16xf32>
        %add3A_1345 = arith.addf %get3A_1342, %mul3A_1344 : vector<16xf32>
        %swap3A_1346 = arith.constant 0 : i32
        %swap3A_1347 = arith.index_cast %swap3A_1346 : i32 to index
        %swap3A_1348 = arith.index_cast %scan3A_512 : i32 to index
        %swap3A_1349 = arith.constant 32 : index
        %swap3A_1350 = tpu.vector_load %arg27[%swap3A_1347, %swap3A_1348, %swap3A_1349] {strides = array<i32>} : memref<2x32x128xf32, #tpu.memory_space<vmem>>, vector<16xf32>,
        tpu.vector_store %arg27[%swap3A_1347, %swap3A_1348, %swap3A_1349], %add3A_1345 {strides = array<i32>} : memref<2x32x128xf32, #tpu.memory_space<vmem>>, vector<16xf32>,
        %get3A_1351 = arith.index_cast %squeeze3A : i32 to index
        %get3A_1352 = arith.constant 48 : index
        %get3A_1353 = tpu.vector_load %arg21[%get3A_1351, %get3A_1352] {strides = array<i32>} : memref<102x64xf32, #tpu.memory_space<vmem>>, vector<16xf32>,
        %swap3A_1354 = arith.constant 0 : i32
        %swap3A_1355 = arith.index_cast %swap3A_1354 : i32 to index
        %swap3A_1356 = arith.index_cast %scan3A_512 : i32 to index
        %swap3A_1357 = arith.constant 112 : index
        %swap3A_1358 = tpu.vector_load %arg26[%swap3A_1355, %swap3A_1356, %swap3A_1357] {strides = array<i32>} : memref<2x32x128xf32, #tpu.memory_space<vmem>>, vector<16xf32>,
        tpu.vector_store %arg26[%swap3A_1355, %swap3A_1356, %swap3A_1357], %get3A_1353 {strides = array<i32>} : memref<2x32x128xf32, #tpu.memory_space<vmem>>, vector<16xf32>,
        %add3A_1359 = arith.constant 1 : i32
        %add3A_1360 = arith.addi %add3A_1359, %squeeze3A_523 : i32
        %get3A_1361 = arith.index_cast %add3A_1360 : i32 to index
        %get3A_1362 = arith.constant 48 : index
        %get3A_1363 = tpu.vector_load %arg22[%get3A_1361, %get3A_1362] {strides = array<i32>} : memref<33x64xf32, #tpu.memory_space<vmem>>, vector<16xf32>,
        %mul3A_1364 = vector.broadcast %squeeze3A_527 : f32 to vector<16xf32>
        %mul3A_1365 = arith.mulf %mul3A_1364, %get3A_143 : vector<16xf32>
        %add3A_1366 = arith.addf %get3A_1363, %mul3A_1365 : vector<16xf32>
        %swap3A_1367 = arith.constant 0 : i32
        %swap3A_1368 = arith.index_cast %swap3A_1367 : i32 to index
        %swap3A_1369 = arith.index_cast %scan3A_512 : i32 to index
        %swap3A_1370 = arith.constant 48 : index
        %swap3A_1371 = tpu.vector_load %arg27[%swap3A_1368, %swap3A_1369, %swap3A_1370] {strides = array<i32>} : memref<2x32x128xf32, #tpu.memory_space<vmem>>, vector<16xf32>,
        tpu.vector_store %arg27[%swap3A_1368, %swap3A_1369, %swap3A_1370], %add3A_1366 {strides = array<i32>} : memref<2x32x128xf32, #tpu.memory_space<vmem>>, vector<16xf32>,
      }
      %scan3A_322 = arith.constant 32 : i32
      %mul3A_323 = arith.constant 32 : i32
      %mul3A_324 = arith.muli %add3A_205, %mul3A_323 : i32
      %add3A_325 = arith.addi %mul3A_2, %mul3A_324 : i32
      %dma_start3A_326 = arith.constant 0 : i32
      %dma_start3A_327 = arith.constant 0 : i32
      %dma_start3A_328 = arith.constant 0 : i32
      %dma_start3A_329 = tpu.memref_slice %arg26[%dma_start3A_326, %dma_start3A_327, %dma_start3A_328] : memref<2x32x128xf32, #tpu.memory_space<vmem>> -> memref<1x32x128xf32, #tpu.memory_space<vmem>>
      %dma_start3A_330 = tpu.memref_squeeze %dma_start3A_329 : memref<1x32x128xf32, #tpu.memory_space<vmem>> -> memref<32x128xf32, #tpu.memory_space<vmem>>
      %dma_start3A_331 = arith.constant 0 : i32
      %dma_start3A_332 = tpu.memref_slice %arg13[%add3A_325, %dma_start3A_331] : memref<51200x128xf32, #tpu.memory_space<hbm>> -> memref<32x128xf32, #tpu.memory_space<hbm>>
      %dma_start3A_333 = arith.constant 0 : i32
      %dma_start3A_334 = tpu.memref_slice %arg13[%add3A_325, %dma_start3A_333] : memref<51200x128xf32, #tpu.memory_space<hbm>> -> memref<32x128xf32, #tpu.memory_space<hbm>>
      %dma_start3A_335 = arith.constant 0 : i32
      %dma_start3A_336 = arith.constant 0 : i32
      %dma_start3A_337 = tpu.memref_slice %arg26[%dma_start3A_326, %dma_start3A_335, %dma_start3A_336] : memref<2x32x128xf32, #tpu.memory_space<vmem>> -> memref<1x32x128xf32, #tpu.memory_space<vmem>>
      %dma_start3A_338 = tpu.memref_squeeze %dma_start3A_337 : memref<1x32x128xf32, #tpu.memory_space<vmem>> -> memref<32x128xf32, #tpu.memory_space<vmem>>
      tpu.enqueue_dma source(%dma_start3A_338 : memref<32x128xf32, #tpu.memory_space<vmem>>) target(%dma_start3A_334 : memref<32x128xf32, #tpu.memory_space<hbm>>) target_semaphore(%arg30 : memref<!tpu.dma_semaphore, #tpu.memory_space<semaphore_mem>>)
      %mul3A_339 = arith.constant 32 : i32
      %mul3A_340 = arith.muli %add3A_205, %mul3A_339 : i32
      %add3A_341 = arith.addi %mul3A_2, %mul3A_340 : i32
      %dma_start3A_342 = arith.constant 0 : i32
      %dma_start3A_343 = arith.constant 0 : i32
      %dma_start3A_344 = arith.constant 0 : i32
      %dma_start3A_345 = tpu.memref_slice %arg27[%dma_start3A_342, %dma_start3A_343, %dma_start3A_344] : memref<2x32x128xf32, #tpu.memory_space<vmem>> -> memref<1x32x128xf32, #tpu.memory_space<vmem>>
      %dma_start3A_346 = tpu.memref_squeeze %dma_start3A_345 : memref<1x32x128xf32, #tpu.memory_space<vmem>> -> memref<32x128xf32, #tpu.memory_space<vmem>>
      %dma_start3A_347 = arith.constant 0 : i32
      %dma_start3A_348 = tpu.memref_slice %arg14[%add3A_341, %dma_start3A_347] : memref<51200x128xf32, #tpu.memory_space<hbm>> -> memref<32x128xf32, #tpu.memory_space<hbm>>
      %dma_start3A_349 = arith.constant 0 : i32
      %dma_start3A_350 = tpu.memref_slice %arg14[%add3A_341, %dma_start3A_349] : memref<51200x128xf32, #tpu.memory_space<hbm>> -> memref<32x128xf32, #tpu.memory_space<hbm>>
      %dma_start3A_351 = arith.constant 0 : i32
      %dma_start3A_352 = arith.constant 0 : i32
      %dma_start3A_353 = tpu.memref_slice %arg27[%dma_start3A_342, %dma_start3A_351, %dma_start3A_352] : memref<2x32x128xf32, #tpu.memory_space<vmem>> -> memref<1x32x128xf32, #tpu.memory_space<vmem>>
      %dma_start3A_354 = tpu.memref_squeeze %dma_start3A_353 : memref<1x32x128xf32, #tpu.memory_space<vmem>> -> memref<32x128xf32, #tpu.memory_space<vmem>>
      tpu.enqueue_dma source(%dma_start3A_354 : memref<32x128xf32, #tpu.memory_space<vmem>>) target(%dma_start3A_350 : memref<32x128xf32, #tpu.memory_space<hbm>>) target_semaphore(%arg30 : memref<!tpu.dma_semaphore, #tpu.memory_space<semaphore_mem>>)
      %mul3A_355 = arith.constant 2 : i32
      %mul3A_356 = arith.muli %scan3A_201, %mul3A_355 : i32
      %add3A_357 = arith.constant 1 : i32
      %add3A_358 = arith.addi %mul3A_356, %add3A_357 : i32
      %dma_wait3A_359 = arith.constant 1 : i32
      %dma_wait3A_360 = arith.constant 0 : i32
      %dma_wait3A_361 = arith.constant 1 : i32
      %dma_wait3A_362 = arith.constant 0 : i32
      %dma_wait3A_363 = arith.constant 0 : i32
      %dma_wait3A_364 = tpu.memref_slice %arg23[%dma_wait3A_361, %dma_wait3A_362, %dma_wait3A_363] : memref<2x640x32xi32, #tpu.memory_space<vmem>> -> memref<1x640x32xi32, #tpu.memory_space<vmem>>
      %dma_wait3A_365 = tpu.memref_squeeze %dma_wait3A_364 : memref<1x640x32xi32, #tpu.memory_space<vmem>> -> memref<640x32xi32, #tpu.memory_space<vmem>>
      %dma_wait3A_366 = arith.constant 0 : i32
      %dma_wait3A_367 = arith.constant 0 : i32
      %dma_wait3A_368 = tpu.memref_slice %dma_wait3A_365[%dma_wait3A_366, %dma_wait3A_367] : memref<640x32xi32, #tpu.memory_space<vmem>> -> memref<128x32xi32, #tpu.memory_space<vmem>>
      %dma_wait3A_369 = arith.constant 0 : i32
      %dma_wait3A_370 = tpu.memref_slice %arg15[%dma_wait3A_359, %dma_wait3A_360, %dma_wait3A_369] : memref<2x5x128xi32, #tpu.memory_space<vmem>> -> memref<1x1x128xi32, #tpu.memory_space<vmem>>
      %dma_wait3A_371 = tpu.memref_squeeze %dma_wait3A_370 : memref<1x1x128xi32, #tpu.memory_space<vmem>> -> memref<128xi32, #tpu.memory_space<vmem>>
      %dma_wait3A_372 = arith.constant 0 : i32
      %dma_wait3A_373 = arith.constant 0 : i32
      %dma_wait3A_374 = tpu.memref_slice %arg2[%dma_wait3A_372, %dma_wait3A_373] : memref<100002x32xi32, #tpu.memory_space<hbm>> -> memref<100002x32xi32, #tpu.memory_space<hbm>>
      tpu.wait_indirect_dma semaphore(%arg28 : memref<!tpu.dma_semaphore, #tpu.memory_space<semaphore_mem>>) src(%dma_wait3A_374 : memref<100002x32xi32, #tpu.memory_space<hbm>>) dst(%dma_wait3A_368 : memref<128x32xi32, #tpu.memory_space<vmem>>)
      %dma_wait3A_375 = arith.constant 1 : i32
      %dma_wait3A_376 = arith.constant 1 : i32
      %dma_wait3A_377 = arith.constant 1 : i32
      %dma_wait3A_378 = arith.constant 0 : i32
      %dma_wait3A_379 = arith.constant 0 : i32
      %dma_wait3A_380 = tpu.memref_slice %arg23[%dma_wait3A_377, %dma_wait3A_378, %dma_wait3A_379] : memref<2x640x32xi32, #tpu.memory_space<vmem>> -> memref<1x640x32xi32, #tpu.memory_space<vmem>>
      %dma_wait3A_381 = tpu.memref_squeeze %dma_wait3A_380 : memref<1x640x32xi32, #tpu.memory_space<vmem>> -> memref<640x32xi32, #tpu.memory_space<vmem>>
      %dma_wait3A_382 = arith.constant 128 : i32
      %dma_wait3A_383 = arith.constant 0 : i32
      %dma_wait3A_384 = tpu.memref_slice %dma_wait3A_381[%dma_wait3A_382, %dma_wait3A_383] : memref<640x32xi32, #tpu.memory_space<vmem>> -> memref<128x32xi32, #tpu.memory_space<vmem>>
      %dma_wait3A_385 = arith.constant 0 : i32
      %dma_wait3A_386 = tpu.memref_slice %arg15[%dma_wait3A_375, %dma_wait3A_376, %dma_wait3A_385] : memref<2x5x128xi32, #tpu.memory_space<vmem>> -> memref<1x1x128xi32, #tpu.memory_space<vmem>>
      %dma_wait3A_387 = tpu.memref_squeeze %dma_wait3A_386 : memref<1x1x128xi32, #tpu.memory_space<vmem>> -> memref<128xi32, #tpu.memory_space<vmem>>
      %dma_wait3A_388 = arith.constant 0 : i32
      %dma_wait3A_389 = arith.constant 0 : i32
      %dma_wait3A_390 = tpu.memref_slice %arg2[%dma_wait3A_388, %dma_wait3A_389] : memref<100002x32xi32, #tpu.memory_space<hbm>> -> memref<100002x32xi32, #tpu.memory_space<hbm>>
      tpu.wait_indirect_dma semaphore(%arg28 : memref<!tpu.dma_semaphore, #tpu.memory_space<semaphore_mem>>) src(%dma_wait3A_390 : memref<100002x32xi32, #tpu.memory_space<hbm>>) dst(%dma_wait3A_384 : memref<128x32xi32, #tpu.memory_space<vmem>>)
      %dma_wait3A_391 = arith.constant 1 : i32
      %dma_wait3A_392 = arith.constant 2 : i32
      %dma_wait3A_393 = arith.constant 1 : i32
      %dma_wait3A_394 = arith.constant 0 : i32
      %dma_wait3A_395 = arith.constant 0 : i32
      %dma_wait3A_396 = tpu.memref_slice %arg23[%dma_wait3A_393, %dma_wait3A_394, %dma_wait3A_395] : memref<2x640x32xi32, #tpu.memory_space<vmem>> -> memref<1x640x32xi32, #tpu.memory_space<vmem>>
      %dma_wait3A_397 = tpu.memref_squeeze %dma_wait3A_396 : memref<1x640x32xi32, #tpu.memory_space<vmem>> -> memref<640x32xi32, #tpu.memory_space<vmem>>
      %dma_wait3A_398 = arith.constant 256 : i32
      %dma_wait3A_399 = arith.constant 0 : i32
      %dma_wait3A_400 = tpu.memref_slice %dma_wait3A_397[%dma_wait3A_398, %dma_wait3A_399] : memref<640x32xi32, #tpu.memory_space<vmem>> -> memref<128x32xi32, #tpu.memory_space<vmem>>
      %dma_wait3A_401 = arith.constant 0 : i32
      %dma_wait3A_402 = tpu.memref_slice %arg15[%dma_wait3A_391, %dma_wait3A_392, %dma_wait3A_401] : memref<2x5x128xi32, #tpu.memory_space<vmem>> -> memref<1x1x128xi32, #tpu.memory_space<vmem>>
      %dma_wait3A_403 = tpu.memref_squeeze %dma_wait3A_402 : memref<1x1x128xi32, #tpu.memory_space<vmem>> -> memref<128xi32, #tpu.memory_space<vmem>>
      %dma_wait3A_404 = arith.constant 0 : i32
      %dma_wait3A_405 = arith.constant 0 : i32
      %dma_wait3A_406 = tpu.memref_slice %arg2[%dma_wait3A_404, %dma_wait3A_405] : memref<100002x32xi32, #tpu.memory_space<hbm>> -> memref<100002x32xi32, #tpu.memory_space<hbm>>
      tpu.wait_indirect_dma semaphore(%arg28 : memref<!tpu.dma_semaphore, #tpu.memory_space<semaphore_mem>>) src(%dma_wait3A_406 : memref<100002x32xi32, #tpu.memory_space<hbm>>) dst(%dma_wait3A_400 : memref<128x32xi32, #tpu.memory_space<vmem>>)
      %dma_wait3A_407 = arith.constant 1 : i32
      %dma_wait3A_408 = arith.constant 3 : i32
      %dma_wait3A_409 = arith.constant 1 : i32
      %dma_wait3A_410 = arith.constant 0 : i32
      %dma_wait3A_411 = arith.constant 0 : i32
      %dma_wait3A_412 = tpu.memref_slice %arg23[%dma_wait3A_409, %dma_wait3A_410, %dma_wait3A_411] : memref<2x640x32xi32, #tpu.memory_space<vmem>> -> memref<1x640x32xi32, #tpu.memory_space<vmem>>
      %dma_wait3A_413 = tpu.memref_squeeze %dma_wait3A_412 : memref<1x640x32xi32, #tpu.memory_space<vmem>> -> memref<640x32xi32, #tpu.memory_space<vmem>>
      %dma_wait3A_414 = arith.constant 384 : i32
      %dma_wait3A_415 = arith.constant 0 : i32
      %dma_wait3A_416 = tpu.memref_slice %dma_wait3A_413[%dma_wait3A_414, %dma_wait3A_415] : memref<640x32xi32, #tpu.memory_space<vmem>> -> memref<128x32xi32, #tpu.memory_space<vmem>>
      %dma_wait3A_417 = arith.constant 0 : i32
      %dma_wait3A_418 = tpu.memref_slice %arg15[%dma_wait3A_407, %dma_wait3A_408, %dma_wait3A_417] : memref<2x5x128xi32, #tpu.memory_space<vmem>> -> memref<1x1x128xi32, #tpu.memory_space<vmem>>
      %dma_wait3A_419 = tpu.memref_squeeze %dma_wait3A_418 : memref<1x1x128xi32, #tpu.memory_space<vmem>> -> memref<128xi32, #tpu.memory_space<vmem>>
      %dma_wait3A_420 = arith.constant 0 : i32
      %dma_wait3A_421 = arith.constant 0 : i32
      %dma_wait3A_422 = tpu.memref_slice %arg2[%dma_wait3A_420, %dma_wait3A_421] : memref<100002x32xi32, #tpu.memory_space<hbm>> -> memref<100002x32xi32, #tpu.memory_space<hbm>>
      tpu.wait_indirect_dma semaphore(%arg28 : memref<!tpu.dma_semaphore, #tpu.memory_space<semaphore_mem>>) src(%dma_wait3A_422 : memref<100002x32xi32, #tpu.memory_space<hbm>>) dst(%dma_wait3A_416 : memref<128x32xi32, #tpu.memory_space<vmem>>)
      %dma_wait3A_423 = arith.constant 1 : i32
      %dma_wait3A_424 = arith.constant 4 : i32
      %dma_wait3A_425 = arith.constant 1 : i32
      %dma_wait3A_426 = arith.constant 0 : i32
      %dma_wait3A_427 = arith.constant 0 : i32
      %dma_wait3A_428 = tpu.memref_slice %arg23[%dma_wait3A_425, %dma_wait3A_426, %dma_wait3A_427] : memref<2x640x32xi32, #tpu.memory_space<vmem>> -> memref<1x640x32xi32, #tpu.memory_space<vmem>>
      %dma_wait3A_429 = tpu.memref_squeeze %dma_wait3A_428 : memref<1x640x32xi32, #tpu.memory_space<vmem>> -> memref<640x32xi32, #tpu.memory_space<vmem>>
      %dma_wait3A_430 = arith.constant 512 : i32
      %dma_wait3A_431 = arith.constant 0 : i32
      %dma_wait3A_432 = tpu.memref_slice %dma_wait3A_429[%dma_wait3A_430, %dma_wait3A_431] : memref<640x32xi32, #tpu.memory_space<vmem>> -> memref<128x32xi32, #tpu.memory_space<vmem>>
      %dma_wait3A_433 = arith.constant 0 : i32
      %dma_wait3A_434 = tpu.memref_slice %arg15[%dma_wait3A_423, %dma_wait3A_424, %dma_wait3A_433] : memref<2x5x128xi32, #tpu.memory_space<vmem>> -> memref<1x1x128xi32, #tpu.memory_space<vmem>>
      %dma_wait3A_435 = tpu.memref_squeeze %dma_wait3A_434 : memref<1x1x128xi32, #tpu.memory_space<vmem>> -> memref<128xi32, #tpu.memory_space<vmem>>
      %dma_wait3A_436 = arith.constant 0 : i32
      %dma_wait3A_437 = arith.constant 0 : i32
      %dma_wait3A_438 = tpu.memref_slice %arg2[%dma_wait3A_436, %dma_wait3A_437] : memref<100002x32xi32, #tpu.memory_space<hbm>> -> memref<100002x32xi32, #tpu.memory_space<hbm>>
      tpu.wait_indirect_dma semaphore(%arg28 : memref<!tpu.dma_semaphore, #tpu.memory_space<semaphore_mem>>) src(%dma_wait3A_438 : memref<100002x32xi32, #tpu.memory_space<hbm>>) dst(%dma_wait3A_432 : memref<128x32xi32, #tpu.memory_space<vmem>>)
      %dma_wait3A_439 = arith.constant 1 : i32
      %dma_wait3A_440 = arith.constant 0 : i32
      %dma_wait3A_441 = arith.constant 0 : i32
      %dma_wait3A_442 = tpu.memref_slice %arg24[%dma_wait3A_439, %dma_wait3A_440, %dma_wait3A_441] : memref<2x32x32xi32, #tpu.memory_space<vmem>> -> memref<1x32x32xi32, #tpu.memory_space<vmem>>
      %dma_wait3A_443 = tpu.memref_squeeze %dma_wait3A_442 : memref<1x32x32xi32, #tpu.memory_space<vmem>> -> memref<32x32xi32, #tpu.memory_space<vmem>>
      %dma_wait3A_444 = arith.constant 0 : i32
      %dma_wait3A_445 = tpu.memref_slice %arg16[%dma_wait3A_444] : memref<1600xi32, #tpu.memory_space<vmem>> -> memref<32xi32, #tpu.memory_space<vmem>>
      %dma_wait3A_446 = arith.constant 0 : i32
      %dma_wait3A_447 = arith.constant 0 : i32
      %dma_wait3A_448 = tpu.memref_slice %arg3[%dma_wait3A_446, %dma_wait3A_447] : memref<100002x32xi32, #tpu.memory_space<hbm>> -> memref<100002x32xi32, #tpu.memory_space<hbm>>
      tpu.wait_indirect_dma semaphore(%arg28 : memref<!tpu.dma_semaphore, #tpu.memory_space<semaphore_mem>>) src(%dma_wait3A_448 : memref<100002x32xi32, #tpu.memory_space<hbm>>) dst(%dma_wait3A_443 : memref<32x32xi32, #tpu.memory_space<vmem>>)
      %dma_wait3A_449 = arith.constant 1 : i32
      %dma_wait3A_450 = arith.constant 0 : i32
      %dma_wait3A_451 = arith.constant 0 : i32
      %dma_wait3A_452 = tpu.memref_slice %arg25[%dma_wait3A_449, %dma_wait3A_450, %dma_wait3A_451] : memref<2x32x32xi32, #tpu.memory_space<vmem>> -> memref<1x32x32xi32, #tpu.memory_space<vmem>>
      %dma_wait3A_453 = tpu.memref_squeeze %dma_wait3A_452 : memref<1x32x32xi32, #tpu.memory_space<vmem>> -> memref<32x32xi32, #tpu.memory_space<vmem>>
      %dma_wait3A_454 = arith.constant 0 : i32
      %dma_wait3A_455 = tpu.memref_slice %arg17[%dma_wait3A_454] : memref<1600xi32, #tpu.memory_space<vmem>> -> memref<32xi32, #tpu.memory_space<vmem>>
      %dma_wait3A_456 = arith.constant 0 : i32
      %dma_wait3A_457 = arith.constant 0 : i32
      %dma_wait3A_458 = tpu.memref_slice %arg4[%dma_wait3A_456, %dma_wait3A_457] : memref<1001x32xi32, #tpu.memory_space<hbm>> -> memref<1001x32xi32, #tpu.memory_space<hbm>>
      tpu.wait_indirect_dma semaphore(%arg28 : memref<!tpu.dma_semaphore, #tpu.memory_space<semaphore_mem>>) src(%dma_wait3A_458 : memref<1001x32xi32, #tpu.memory_space<hbm>>) dst(%dma_wait3A_453 : memref<32x32xi32, #tpu.memory_space<vmem>>)
      %lt3A_459 = arith.constant 49 : i32
      %lt3A_460 = arith.cmpi slt, %add3A_358, %lt3A_459 : i32
      %convert_element_type3A_461 = arith.extui %lt3A_460 : i1 to i32
      %cond3A_462 = arith.constant 0 : i32
      %cond3A_463 = arith.cmpi ne, %convert_element_type3A_461, %cond3A_462 : i32
      scf.if %cond3A_463 {
        %add3A_512 = arith.constant 1 : i32
        %add3A_513 = arith.addi %mul3A_4, %add3A_512 : i32
        %dma_wait3A_514 = arith.constant 0 : i32
        %dma_wait3A_515 = arith.constant 0 : i32
        %dma_wait3A_516 = arith.constant 0 : i32
        %dma_wait3A_517 = tpu.memref_slice %arg15[%dma_wait3A_514, %dma_wait3A_515, %dma_wait3A_516] : memref<2x5x128xi32, #tpu.memory_space<vmem>> -> memref<1x5x128xi32, #tpu.memory_space<vmem>>
        %dma_wait3A_518 = tpu.memref_squeeze %dma_wait3A_517 : memref<1x5x128xi32, #tpu.memory_space<vmem>> -> memref<5x128xi32, #tpu.memory_space<vmem>>
        %dma_wait3A_519 = arith.constant 0 : i32
        %dma_wait3A_520 = arith.constant 0 : i32
        %dma_wait3A_521 = tpu.memref_slice %arg7[%add3A_513, %dma_wait3A_519, %dma_wait3A_520] : memref<1600x5x128xi32, #tpu.memory_space<hbm>> -> memref<1x5x128xi32, #tpu.memory_space<hbm>>
        %dma_wait3A_522 = tpu.memref_squeeze %dma_wait3A_521 : memref<1x5x128xi32, #tpu.memory_space<hbm>> -> memref<5x128xi32, #tpu.memory_space<hbm>>
        %dma_wait3A_523 = arith.constant 0 : i32
        %dma_wait3A_524 = arith.constant 0 : i32
        %dma_wait3A_525 = tpu.memref_slice %arg15[%dma_wait3A_514, %dma_wait3A_523, %dma_wait3A_524] : memref<2x5x128xi32, #tpu.memory_space<vmem>> -> memref<1x5x128xi32, #tpu.memory_space<vmem>>
        %dma_wait3A_526 = tpu.memref_squeeze %dma_wait3A_525 : memref<1x5x128xi32, #tpu.memory_space<vmem>> -> memref<5x128xi32, #tpu.memory_space<vmem>>
        %dma_wait3A_527 = arith.constant 0 : i32
        %dma_wait3A_528 = arith.constant 0 : i32
        %dma_wait3A_529 = tpu.memref_slice %arg7[%add3A_513, %dma_wait3A_527, %dma_wait3A_528] : memref<1600x5x128xi32, #tpu.memory_space<hbm>> -> memref<1x5x128xi32, #tpu.memory_space<hbm>>
        %dma_wait3A_530 = tpu.memref_squeeze %dma_wait3A_529 : memref<1x5x128xi32, #tpu.memory_space<hbm>> -> memref<5x128xi32, #tpu.memory_space<hbm>>
        tpu.wait_dma2 semaphore(%arg29 : memref<!tpu.dma_semaphore, #tpu.memory_space<semaphore_mem>>) src(%dma_wait3A_530 : memref<5x128xi32, #tpu.memory_space<hbm>>) dst(%dma_wait3A_526 : memref<5x128xi32, #tpu.memory_space<vmem>>)
        %add3A_531 = arith.constant 1 : i32
        %add3A_532 = arith.addi %add3A_358, %add3A_531 : i32
        %dma_start3A_533 = arith.constant 0 : i32
        %dma_start3A_534 = arith.constant 0 : i32
        %dma_start3A_535 = arith.constant 0 : i32
        %dma_start3A_536 = arith.constant 0 : i32
        %dma_start3A_537 = arith.constant 0 : i32
        %dma_start3A_538 = tpu.memref_slice %arg23[%dma_start3A_535, %dma_start3A_536, %dma_start3A_537] : memref<2x640x32xi32, #tpu.memory_space<vmem>> -> memref<1x640x32xi32, #tpu.memory_space<vmem>>
        %dma_start3A_539 = tpu.memref_squeeze %dma_start3A_538 : memref<1x640x32xi32, #tpu.memory_space<vmem>> -> memref<640x32xi32, #tpu.memory_space<vmem>>
        %dma_start3A_540 = arith.constant 0 : i32
        %dma_start3A_541 = arith.constant 0 : i32
        %dma_start3A_542 = tpu.memref_slice %dma_start3A_539[%dma_start3A_540, %dma_start3A_541] : memref<640x32xi32, #tpu.memory_space<vmem>> -> memref<128x32xi32, #tpu.memory_space<vmem>>
        %dma_start3A_543 = arith.constant 0 : i32
        %dma_start3A_544 = tpu.memref_slice %arg15[%dma_start3A_533, %dma_start3A_534, %dma_start3A_543] : memref<2x5x128xi32, #tpu.memory_space<vmem>> -> memref<1x1x128xi32, #tpu.memory_space<vmem>>
        %dma_start3A_545 = tpu.memref_squeeze %dma_start3A_544 : memref<1x1x128xi32, #tpu.memory_space<vmem>> -> memref<128xi32, #tpu.memory_space<vmem>>
        %dma_start3A_546 = arith.constant 0 : i32
        %dma_start3A_547 = arith.constant 0 : i32
        %dma_start3A_548 = tpu.memref_slice %arg2[%dma_start3A_546, %dma_start3A_547] : memref<100002x32xi32, #tpu.memory_space<hbm>> -> memref<100002x32xi32, #tpu.memory_space<hbm>>
        tpu.enqueue_indirect_dma source(%dma_start3A_548 : memref<100002x32xi32, #tpu.memory_space<hbm>>) target(%dma_start3A_542 : memref<128x32xi32, #tpu.memory_space<vmem>>) offsets(%dma_start3A_545 : memref<128xi32, #tpu.memory_space<vmem>>) semaphore(%arg28 : memref<!tpu.dma_semaphore, #tpu.memory_space<semaphore_mem>>)
        %dma_start3A_549 = arith.constant 0 : i32
        %dma_start3A_550 = arith.constant 1 : i32
        %dma_start3A_551 = arith.constant 0 : i32
        %dma_start3A_552 = arith.constant 0 : i32
        %dma_start3A_553 = arith.constant 0 : i32
        %dma_start3A_554 = tpu.memref_slice %arg23[%dma_start3A_551, %dma_start3A_552, %dma_start3A_553] : memref<2x640x32xi32, #tpu.memory_space<vmem>> -> memref<1x640x32xi32, #tpu.memory_space<vmem>>
        %dma_start3A_555 = tpu.memref_squeeze %dma_start3A_554 : memref<1x640x32xi32, #tpu.memory_space<vmem>> -> memref<640x32xi32, #tpu.memory_space<vmem>>
        %dma_start3A_556 = arith.constant 128 : i32
        %dma_start3A_557 = arith.constant 0 : i32
        %dma_start3A_558 = tpu.memref_slice %dma_start3A_555[%dma_start3A_556, %dma_start3A_557] : memref<640x32xi32, #tpu.memory_space<vmem>> -> memref<128x32xi32, #tpu.memory_space<vmem>>
        %dma_start3A_559 = arith.constant 0 : i32
        %dma_start3A_560 = tpu.memref_slice %arg15[%dma_start3A_549, %dma_start3A_550, %dma_start3A_559] : memref<2x5x128xi32, #tpu.memory_space<vmem>> -> memref<1x1x128xi32, #tpu.memory_space<vmem>>
        %dma_start3A_561 = tpu.memref_squeeze %dma_start3A_560 : memref<1x1x128xi32, #tpu.memory_space<vmem>> -> memref<128xi32, #tpu.memory_space<vmem>>
        %dma_start3A_562 = arith.constant 0 : i32
        %dma_start3A_563 = arith.constant 0 : i32
        %dma_start3A_564 = tpu.memref_slice %arg2[%dma_start3A_562, %dma_start3A_563] : memref<100002x32xi32, #tpu.memory_space<hbm>> -> memref<100002x32xi32, #tpu.memory_space<hbm>>
        tpu.enqueue_indirect_dma source(%dma_start3A_564 : memref<100002x32xi32, #tpu.memory_space<hbm>>) target(%dma_start3A_558 : memref<128x32xi32, #tpu.memory_space<vmem>>) offsets(%dma_start3A_561 : memref<128xi32, #tpu.memory_space<vmem>>) semaphore(%arg28 : memref<!tpu.dma_semaphore, #tpu.memory_space<semaphore_mem>>)
        %dma_start3A_565 = arith.constant 0 : i32
        %dma_start3A_566 = arith.constant 2 : i32
        %dma_start3A_567 = arith.constant 0 : i32
        %dma_start3A_568 = arith.constant 0 : i32
        %dma_start3A_569 = arith.constant 0 : i32
        %dma_start3A_570 = tpu.memref_slice %arg23[%dma_start3A_567, %dma_start3A_568, %dma_start3A_569] : memref<2x640x32xi32, #tpu.memory_space<vmem>> -> memref<1x640x32xi32, #tpu.memory_space<vmem>>
        %dma_start3A_571 = tpu.memref_squeeze %dma_start3A_570 : memref<1x640x32xi32, #tpu.memory_space<vmem>> -> memref<640x32xi32, #tpu.memory_space<vmem>>
        %dma_start3A_572 = arith.constant 256 : i32
        %dma_start3A_573 = arith.constant 0 : i32
        %dma_start3A_574 = tpu.memref_slice %dma_start3A_571[%dma_start3A_572, %dma_start3A_573] : memref<640x32xi32, #tpu.memory_space<vmem>> -> memref<128x32xi32, #tpu.memory_space<vmem>>
        %dma_start3A_575 = arith.constant 0 : i32
        %dma_start3A_576 = tpu.memref_slice %arg15[%dma_start3A_565, %dma_start3A_566, %dma_start3A_575] : memref<2x5x128xi32, #tpu.memory_space<vmem>> -> memref<1x1x128xi32, #tpu.memory_space<vmem>>
        %dma_start3A_577 = tpu.memref_squeeze %dma_start3A_576 : memref<1x1x128xi32, #tpu.memory_space<vmem>> -> memref<128xi32, #tpu.memory_space<vmem>>
        %dma_start3A_578 = arith.constant 0 : i32
        %dma_start3A_579 = arith.constant 0 : i32
        %dma_start3A_580 = tpu.memref_slice %arg2[%dma_start3A_578, %dma_start3A_579] : memref<100002x32xi32, #tpu.memory_space<hbm>> -> memref<100002x32xi32, #tpu.memory_space<hbm>>
        tpu.enqueue_indirect_dma source(%dma_start3A_580 : memref<100002x32xi32, #tpu.memory_space<hbm>>) target(%dma_start3A_574 : memref<128x32xi32, #tpu.memory_space<vmem>>) offsets(%dma_start3A_577 : memref<128xi32, #tpu.memory_space<vmem>>) semaphore(%arg28 : memref<!tpu.dma_semaphore, #tpu.memory_space<semaphore_mem>>)
        %dma_start3A_581 = arith.constant 0 : i32
        %dma_start3A_582 = arith.constant 3 : i32
        %dma_start3A_583 = arith.constant 0 : i32
        %dma_start3A_584 = arith.constant 0 : i32
        %dma_start3A_585 = arith.constant 0 : i32
        %dma_start3A_586 = tpu.memref_slice %arg23[%dma_start3A_583, %dma_start3A_584, %dma_start3A_585] : memref<2x640x32xi32, #tpu.memory_space<vmem>> -> memref<1x640x32xi32, #tpu.memory_space<vmem>>
        %dma_start3A_587 = tpu.memref_squeeze %dma_start3A_586 : memref<1x640x32xi32, #tpu.memory_space<vmem>> -> memref<640x32xi32, #tpu.memory_space<vmem>>
        %dma_start3A_588 = arith.constant 384 : i32
        %dma_start3A_589 = arith.constant 0 : i32
        %dma_start3A_590 = tpu.memref_slice %dma_start3A_587[%dma_start3A_588, %dma_start3A_589] : memref<640x32xi32, #tpu.memory_space<vmem>> -> memref<128x32xi32, #tpu.memory_space<vmem>>
        %dma_start3A_591 = arith.constant 0 : i32
        %dma_start3A_592 = tpu.memref_slice %arg15[%dma_start3A_581, %dma_start3A_582, %dma_start3A_591] : memref<2x5x128xi32, #tpu.memory_space<vmem>> -> memref<1x1x128xi32, #tpu.memory_space<vmem>>
        %dma_start3A_593 = tpu.memref_squeeze %dma_start3A_592 : memref<1x1x128xi32, #tpu.memory_space<vmem>> -> memref<128xi32, #tpu.memory_space<vmem>>
        %dma_start3A_594 = arith.constant 0 : i32
        %dma_start3A_595 = arith.constant 0 : i32
        %dma_start3A_596 = tpu.memref_slice %arg2[%dma_start3A_594, %dma_start3A_595] : memref<100002x32xi32, #tpu.memory_space<hbm>> -> memref<100002x32xi32, #tpu.memory_space<hbm>>
        tpu.enqueue_indirect_dma source(%dma_start3A_596 : memref<100002x32xi32, #tpu.memory_space<hbm>>) target(%dma_start3A_590 : memref<128x32xi32, #tpu.memory_space<vmem>>) offsets(%dma_start3A_593 : memref<128xi32, #tpu.memory_space<vmem>>) semaphore(%arg28 : memref<!tpu.dma_semaphore, #tpu.memory_space<semaphore_mem>>)
        %dma_start3A_597 = arith.constant 0 : i32
        %dma_start3A_598 = arith.constant 4 : i32
        %dma_start3A_599 = arith.constant 0 : i32
        %dma_start3A_600 = arith.constant 0 : i32
        %dma_start3A_601 = arith.constant 0 : i32
        %dma_start3A_602 = tpu.memref_slice %arg23[%dma_start3A_599, %dma_start3A_600, %dma_start3A_601] : memref<2x640x32xi32, #tpu.memory_space<vmem>> -> memref<1x640x32xi32, #tpu.memory_space<vmem>>
        %dma_start3A_603 = tpu.memref_squeeze %dma_start3A_602 : memref<1x640x32xi32, #tpu.memory_space<vmem>> -> memref<640x32xi32, #tpu.memory_space<vmem>>
        %dma_start3A_604 = arith.constant 512 : i32
        %dma_start3A_605 = arith.constant 0 : i32
        %dma_start3A_606 = tpu.memref_slice %dma_start3A_603[%dma_start3A_604, %dma_start3A_605] : memref<640x32xi32, #tpu.memory_space<vmem>> -> memref<128x32xi32, #tpu.memory_space<vmem>>
        %dma_start3A_607 = arith.constant 0 : i32
        %dma_start3A_608 = tpu.memref_slice %arg15[%dma_start3A_597, %dma_start3A_598, %dma_start3A_607] : memref<2x5x128xi32, #tpu.memory_space<vmem>> -> memref<1x1x128xi32, #tpu.memory_space<vmem>>
        %dma_start3A_609 = tpu.memref_squeeze %dma_start3A_608 : memref<1x1x128xi32, #tpu.memory_space<vmem>> -> memref<128xi32, #tpu.memory_space<vmem>>
        %dma_start3A_610 = arith.constant 0 : i32
        %dma_start3A_611 = arith.constant 0 : i32
        %dma_start3A_612 = tpu.memref_slice %arg2[%dma_start3A_610, %dma_start3A_611] : memref<100002x32xi32, #tpu.memory_space<hbm>> -> memref<100002x32xi32, #tpu.memory_space<hbm>>
        tpu.enqueue_indirect_dma source(%dma_start3A_612 : memref<100002x32xi32, #tpu.memory_space<hbm>>) target(%dma_start3A_606 : memref<128x32xi32, #tpu.memory_space<vmem>>) offsets(%dma_start3A_609 : memref<128xi32, #tpu.memory_space<vmem>>) semaphore(%arg28 : memref<!tpu.dma_semaphore, #tpu.memory_space<semaphore_mem>>)
        %mul3A_613 = arith.constant 32 : i32
        %mul3A_614 = arith.muli %add3A_532, %mul3A_613 : i32
        %dma_start3A_615 = arith.constant 0 : i32
        %dma_start3A_616 = arith.constant 0 : i32
        %dma_start3A_617 = arith.constant 0 : i32
        %dma_start3A_618 = tpu.memref_slice %arg24[%dma_start3A_615, %dma_start3A_616, %dma_start3A_617] : memref<2x32x32xi32, #tpu.memory_space<vmem>> -> memref<1x32x32xi32, #tpu.memory_space<vmem>>
        %dma_start3A_619 = tpu.memref_squeeze %dma_start3A_618 : memref<1x32x32xi32, #tpu.memory_space<vmem>> -> memref<32x32xi32, #tpu.memory_space<vmem>>
        %dma_start3A_620 = tpu.memref_slice %arg16[%mul3A_614] : memref<1600xi32, #tpu.memory_space<vmem>> -> memref<32xi32, #tpu.memory_space<vmem>>
        %dma_start3A_621 = arith.constant 0 : i32
        %dma_start3A_622 = arith.constant 0 : i32
        %dma_start3A_623 = tpu.memref_slice %arg3[%dma_start3A_621, %dma_start3A_622] : memref<100002x32xi32, #tpu.memory_space<hbm>> -> memref<100002x32xi32, #tpu.memory_space<hbm>>
        tpu.enqueue_indirect_dma source(%dma_start3A_623 : memref<100002x32xi32, #tpu.memory_space<hbm>>) target(%dma_start3A_619 : memref<32x32xi32, #tpu.memory_space<vmem>>) offsets(%dma_start3A_620 : memref<32xi32, #tpu.memory_space<vmem>>) semaphore(%arg28 : memref<!tpu.dma_semaphore, #tpu.memory_space<semaphore_mem>>)
        %dma_start3A_624 = arith.constant 0 : i32
        %dma_start3A_625 = arith.constant 0 : i32
        %dma_start3A_626 = arith.constant 0 : i32
        %dma_start3A_627 = tpu.memref_slice %arg25[%dma_start3A_624, %dma_start3A_625, %dma_start3A_626] : memref<2x32x32xi32, #tpu.memory_space<vmem>> -> memref<1x32x32xi32, #tpu.memory_space<vmem>>
        %dma_start3A_628 = tpu.memref_squeeze %dma_start3A_627 : memref<1x32x32xi32, #tpu.memory_space<vmem>> -> memref<32x32xi32, #tpu.memory_space<vmem>>
        %dma_start3A_629 = tpu.memref_slice %arg17[%mul3A_614] : memref<1600xi32, #tpu.memory_space<vmem>> -> memref<32xi32, #tpu.memory_space<vmem>>
        %dma_start3A_630 = arith.constant 0 : i32
        %dma_start3A_631 = arith.constant 0 : i32
        %dma_start3A_632 = tpu.memref_slice %arg4[%dma_start3A_630, %dma_start3A_631] : memref<1001x32xi32, #tpu.memory_space<hbm>> -> memref<1001x32xi32, #tpu.memory_space<hbm>>
        tpu.enqueue_indirect_dma source(%dma_start3A_632 : memref<1001x32xi32, #tpu.memory_space<hbm>>) target(%dma_start3A_628 : memref<32x32xi32, #tpu.memory_space<vmem>>) offsets(%dma_start3A_629 : memref<32xi32, #tpu.memory_space<vmem>>) semaphore(%arg28 : memref<!tpu.dma_semaphore, #tpu.memory_space<semaphore_mem>>)
      } else {
      }
      %lt3A_464 = arith.constant 48 : i32
      %lt3A_465 = arith.cmpi slt, %add3A_358, %lt3A_464 : i32
      %convert_element_type3A_466 = arith.extui %lt3A_465 : i1 to i32
      %cond3A_467 = arith.constant 0 : i32
      %cond3A_468 = arith.cmpi ne, %convert_element_type3A_466, %cond3A_467 : i32
      scf.if %cond3A_468 {
        %add3A_512 = arith.addi %mul3A_4, %add3A_358 : i32
        %add3A_513 = arith.constant 2 : i32
        %add3A_514 = arith.addi %add3A_512, %add3A_513 : i32
        %dma_start3A_515 = arith.constant 1 : i32
        %dma_start3A_516 = arith.constant 0 : i32
        %dma_start3A_517 = arith.constant 0 : i32
        %dma_start3A_518 = tpu.memref_slice %arg15[%dma_start3A_515, %dma_start3A_516, %dma_start3A_517] : memref<2x5x128xi32, #tpu.memory_space<vmem>> -> memref<1x5x128xi32, #tpu.memory_space<vmem>>
        %dma_start3A_519 = tpu.memref_squeeze %dma_start3A_518 : memref<1x5x128xi32, #tpu.memory_space<vmem>> -> memref<5x128xi32, #tpu.memory_space<vmem>>
        %dma_start3A_520 = arith.constant 0 : i32
        %dma_start3A_521 = arith.constant 0 : i32
        %dma_start3A_522 = tpu.memref_slice %arg7[%add3A_514, %dma_start3A_520, %dma_start3A_521] : memref<1600x5x128xi32, #tpu.memory_space<hbm>> -> memref<1x5x128xi32, #tpu.memory_space<hbm>>
        %dma_start3A_523 = tpu.memref_squeeze %dma_start3A_522 : memref<1x5x128xi32, #tpu.memory_space<hbm>> -> memref<5x128xi32, #tpu.memory_space<hbm>>
        %dma_start3A_524 = arith.constant 0 : i32
        %dma_start3A_525 = arith.constant 0 : i32
        %dma_start3A_526 = tpu.memref_slice %arg15[%dma_start3A_515, %dma_start3A_524, %dma_start3A_525] : memref<2x5x128xi32, #tpu.memory_space<vmem>> -> memref<1x5x128xi32, #tpu.memory_space<vmem>>
        %dma_start3A_527 = tpu.memref_squeeze %dma_start3A_526 : memref<1x5x128xi32, #tpu.memory_space<vmem>> -> memref<5x128xi32, #tpu.memory_space<vmem>>
        %dma_start3A_528 = arith.constant 0 : i32
        %dma_start3A_529 = arith.constant 0 : i32
        %dma_start3A_530 = tpu.memref_slice %arg7[%add3A_514, %dma_start3A_528, %dma_start3A_529] : memref<1600x5x128xi32, #tpu.memory_space<hbm>> -> memref<1x5x128xi32, #tpu.memory_space<hbm>>
        %dma_start3A_531 = tpu.memref_squeeze %dma_start3A_530 : memref<1x5x128xi32, #tpu.memory_space<hbm>> -> memref<5x128xi32, #tpu.memory_space<hbm>>
        tpu.enqueue_dma source(%dma_start3A_531 : memref<5x128xi32, #tpu.memory_space<hbm>>) target(%dma_start3A_527 : memref<5x128xi32, #tpu.memory_space<vmem>>) target_semaphore(%arg29 : memref<!tpu.dma_semaphore, #tpu.memory_space<semaphore_mem>>)
      } else {
      }
      %ge3A_469 = arith.constant 2 : i32
      %ge3A_470 = arith.cmpi sge, %add3A_358, %ge3A_469 : i32
      %convert_element_type3A_471 = arith.extui %ge3A_470 : i1 to i32
      %cond3A_472 = arith.constant 0 : i32
      %cond3A_473 = arith.cmpi ne, %convert_element_type3A_471, %cond3A_472 : i32
      scf.if %cond3A_473 {
        %dma_wait3A_512 = arith.constant 1 : i32
        %dma_wait3A_513 = arith.constant 0 : i32
        %dma_wait3A_514 = arith.constant 0 : i32
        %dma_wait3A_515 = tpu.memref_slice %arg26[%dma_wait3A_512, %dma_wait3A_513, %dma_wait3A_514] : memref<2x32x128xf32, #tpu.memory_space<vmem>> -> memref<1x32x128xf32, #tpu.memory_space<vmem>>
        %dma_wait3A_516 = tpu.memref_squeeze %dma_wait3A_515 : memref<1x32x128xf32, #tpu.memory_space<vmem>> -> memref<32x128xf32, #tpu.memory_space<vmem>>
        %dma_wait3A_517 = arith.constant 0 : i32
        %dma_wait3A_518 = tpu.memref_slice %arg13[%mul3A_2, %dma_wait3A_517] : memref<51200x128xf32, #tpu.memory_space<hbm>> -> memref<32x128xf32, #tpu.memory_space<hbm>>
        %dma_wait3A_519 = arith.constant 0 : i32
        %dma_wait3A_520 = tpu.memref_slice %arg13[%mul3A_2, %dma_wait3A_519] : memref<51200x128xf32, #tpu.memory_space<hbm>> -> memref<32x128xf32, #tpu.memory_space<hbm>>
        %dma_wait3A_521 = arith.constant 0 : i32
        %dma_wait3A_522 = arith.constant 0 : i32
        %dma_wait3A_523 = tpu.memref_slice %arg26[%dma_wait3A_512, %dma_wait3A_521, %dma_wait3A_522] : memref<2x32x128xf32, #tpu.memory_space<vmem>> -> memref<1x32x128xf32, #tpu.memory_space<vmem>>
        %dma_wait3A_524 = tpu.memref_squeeze %dma_wait3A_523 : memref<1x32x128xf32, #tpu.memory_space<vmem>> -> memref<32x128xf32, #tpu.memory_space<vmem>>
        tpu.wait_dma2 semaphore(%arg30 : memref<!tpu.dma_semaphore, #tpu.memory_space<semaphore_mem>>) src(%dma_wait3A_524 : memref<32x128xf32, #tpu.memory_space<vmem>>) dst(%dma_wait3A_520 : memref<32x128xf32, #tpu.memory_space<hbm>>)
        %dma_wait3A_525 = arith.constant 1 : i32
        %dma_wait3A_526 = arith.constant 0 : i32
        %dma_wait3A_527 = arith.constant 0 : i32
        %dma_wait3A_528 = tpu.memref_slice %arg27[%dma_wait3A_525, %dma_wait3A_526, %dma_wait3A_527] : memref<2x32x128xf32, #tpu.memory_space<vmem>> -> memref<1x32x128xf32, #tpu.memory_space<vmem>>
        %dma_wait3A_529 = tpu.memref_squeeze %dma_wait3A_528 : memref<1x32x128xf32, #tpu.memory_space<vmem>> -> memref<32x128xf32, #tpu.memory_space<vmem>>
        %dma_wait3A_530 = arith.constant 0 : i32
        %dma_wait3A_531 = tpu.memref_slice %arg14[%mul3A_2, %dma_wait3A_530] : memref<51200x128xf32, #tpu.memory_space<hbm>> -> memref<32x128xf32, #tpu.memory_space<hbm>>
        %dma_wait3A_532 = arith.constant 0 : i32
        %dma_wait3A_533 = tpu.memref_slice %arg14[%mul3A_2, %dma_wait3A_532] : memref<51200x128xf32, #tpu.memory_space<hbm>> -> memref<32x128xf32, #tpu.memory_space<hbm>>
        %dma_wait3A_534 = arith.constant 0 : i32
        %dma_wait3A_535 = arith.constant 0 : i32
        %dma_wait3A_536 = tpu.memref_slice %arg27[%dma_wait3A_525, %dma_wait3A_534, %dma_wait3A_535] : memref<2x32x128xf32, #tpu.memory_space<vmem>> -> memref<1x32x128xf32, #tpu.memory_space<vmem>>
        %dma_wait3A_537 = tpu.memref_squeeze %dma_wait3A_536 : memref<1x32x128xf32, #tpu.memory_space<vmem>> -> memref<32x128xf32, #tpu.memory_space<vmem>>
        tpu.wait_dma2 semaphore(%arg30 : memref<!tpu.dma_semaphore, #tpu.memory_space<semaphore_mem>>) src(%dma_wait3A_537 : memref<32x128xf32, #tpu.memory_space<vmem>>) dst(%dma_wait3A_533 : memref<32x128xf32, #tpu.memory_space<hbm>>)
      } else {
      }
      %scan3A_474 = arith.constant 0 : i32
      %scan3A_475 = arith.constant 0 : i32
      %scan3A_476 = arith.constant 32 : i32
      %scan3A_477 = arith.addi %scan3A_475, %scan3A_476 : i32
      %scan3A_478 = arith.constant 1 : i32
      scf.for %scan3A_512 = %scan3A_475 to %scan3A_477 step %scan3A_478  : i32 {
        %mul3A_513 = arith.constant 20 : i32
        %mul3A_514 = arith.muli %scan3A_512, %mul3A_513 : i32
        %mul3A_515 = arith.constant 32 : i32
        %mul3A_516 = arith.muli %add3A_358, %mul3A_515 : i32
        %add3A_517 = arith.addi %mul3A_516, %scan3A_512 : i32
        %get3A_518 = arith.index_cast %add3A_517 : i32 to index
        %get3A_519 = tpu.vector_load %arg18[%get3A_518] {strides = array<i32>} : memref<1616xi32, #tpu.memory_space<vmem>>, vector<16xi32>,
        %slice3A = vector.extract_strided_slice %get3A_519 {offsets = [0], sizes = [1], strides = [1]} : vector<16xi32> to vector<1xi32>
        %squeeze3A = vector.extract %slice3A[0] : i32 from vector<1xi32>
        %get3A_520 = arith.index_cast %add3A_517 : i32 to index
        %get3A_521 = tpu.vector_load %arg19[%get3A_520] {strides = array<i32>} : memref<1616xi32, #tpu.memory_space<vmem>>, vector<16xi32>,
        %slice3A_522 = vector.extract_strided_slice %get3A_521 {offsets = [0], sizes = [1], strides = [1]} : vector<16xi32> to vector<1xi32>
        %squeeze3A_523 = vector.extract %slice3A_522[0] : i32 from vector<1xi32>
        %get3A_524 = arith.index_cast %add3A_517 : i32 to index
        %get3A_525 = tpu.vector_load %arg20[%get3A_524] {strides = array<i32>} : memref<1616xf32, #tpu.memory_space<vmem>>, vector<16xf32>,
        %slice3A_526 = vector.extract_strided_slice %get3A_525 {offsets = [0], sizes = [1], strides = [1]} : vector<16xf32> to vector<1xf32>
        %squeeze3A_527 = vector.extract %slice3A_526[0] : f32 from vector<1xf32>
        %get3A_528 = arith.constant 1 : i32
        %get3A_529 = arith.index_cast %get3A_528 : i32 to index
        %get3A_530 = arith.index_cast %mul3A_514 : i32 to index
        %get3A_531 = arith.constant 0 : index
        %get3A_532 = tpu.vector_load %arg23[%get3A_529, %get3A_530, %get3A_531] {strides = array<i32>} : memref<2x640x32xi32, #tpu.memory_space<vmem>>, vector<16xi32>,
        %shift_left3A = arith.constant 16 : i32
        %shift_left3A_533 = vector.broadcast %shift_left3A : i32 to vector<16xi32>
        %shift_left3A_534 = arith.shli %get3A_532, %shift_left3A_533 : vector<16xi32>
        %bitcast3A = vector.bitcast %shift_left3A_534 : vector<16xi32> to vector<16xf32>
        %and3A = arith.constant -65536 : i32
        %and3A_535 = vector.broadcast %and3A : i32 to vector<16xi32>
        %and3A_536 = arith.andi %get3A_532, %and3A_535 : vector<16xi32>
        %bitcast3A_537 = vector.bitcast %and3A_536 : vector<16xi32> to vector<16xf32>
        %add3A_538 = arith.constant 1 : i32
        %add3A_539 = arith.addi %mul3A_514, %add3A_538 : i32
        %get3A_540 = arith.constant 1 : i32
        %get3A_541 = arith.index_cast %get3A_540 : i32 to index
        %get3A_542 = arith.index_cast %add3A_539 : i32 to index
        %get3A_543 = arith.constant 0 : index
        %get3A_544 = tpu.vector_load %arg23[%get3A_541, %get3A_542, %get3A_543] {strides = array<i32>} : memref<2x640x32xi32, #tpu.memory_space<vmem>>, vector<16xi32>,
        %shift_left3A_545 = arith.constant 16 : i32
        %shift_left3A_546 = vector.broadcast %shift_left3A_545 : i32 to vector<16xi32>
        %shift_left3A_547 = arith.shli %get3A_544, %shift_left3A_546 : vector<16xi32>
        %bitcast3A_548 = vector.bitcast %shift_left3A_547 : vector<16xi32> to vector<16xf32>
        %and3A_549 = arith.constant -65536 : i32
        %and3A_550 = vector.broadcast %and3A_549 : i32 to vector<16xi32>
        %and3A_551 = arith.andi %get3A_544, %and3A_550 : vector<16xi32>
        %bitcast3A_552 = vector.bitcast %and3A_551 : vector<16xi32> to vector<16xf32>
        %add3A_553 = arith.addf %bitcast3A, %bitcast3A_548 : vector<16xf32>
        %add3A_554 = arith.addf %bitcast3A_537, %bitcast3A_552 : vector<16xf32>
        %add3A_555 = arith.constant 2 : i32
        %add3A_556 = arith.addi %mul3A_514, %add3A_555 : i32
        %get3A_557 = arith.constant 1 : i32
        %get3A_558 = arith.index_cast %get3A_557 : i32 to index
        %get3A_559 = arith.index_cast %add3A_556 : i32 to index
        %get3A_560 = arith.constant 0 : index
        %get3A_561 = tpu.vector_load %arg23[%get3A_558, %get3A_559, %get3A_560] {strides = array<i32>} : memref<2x640x32xi32, #tpu.memory_space<vmem>>, vector<16xi32>,
        %shift_left3A_562 = arith.constant 16 : i32
        %shift_left3A_563 = vector.broadcast %shift_left3A_562 : i32 to vector<16xi32>
        %shift_left3A_564 = arith.shli %get3A_561, %shift_left3A_563 : vector<16xi32>
        %bitcast3A_565 = vector.bitcast %shift_left3A_564 : vector<16xi32> to vector<16xf32>
        %and3A_566 = arith.constant -65536 : i32
        %and3A_567 = vector.broadcast %and3A_566 : i32 to vector<16xi32>
        %and3A_568 = arith.andi %get3A_561, %and3A_567 : vector<16xi32>
        %bitcast3A_569 = vector.bitcast %and3A_568 : vector<16xi32> to vector<16xf32>
        %add3A_570 = arith.addf %add3A_553, %bitcast3A_565 : vector<16xf32>
        %add3A_571 = arith.addf %add3A_554, %bitcast3A_569 : vector<16xf32>
        %add3A_572 = arith.constant 3 : i32
        %add3A_573 = arith.addi %mul3A_514, %add3A_572 : i32
        %get3A_574 = arith.constant 1 : i32
        %get3A_575 = arith.index_cast %get3A_574 : i32 to index
        %get3A_576 = arith.index_cast %add3A_573 : i32 to index
        %get3A_577 = arith.constant 0 : index
        %get3A_578 = tpu.vector_load %arg23[%get3A_575, %get3A_576, %get3A_577] {strides = array<i32>} : memref<2x640x32xi32, #tpu.memory_space<vmem>>, vector<16xi32>,
        %shift_left3A_579 = arith.constant 16 : i32
        %shift_left3A_580 = vector.broadcast %shift_left3A_579 : i32 to vector<16xi32>
        %shift_left3A_581 = arith.shli %get3A_578, %shift_left3A_580 : vector<16xi32>
        %bitcast3A_582 = vector.bitcast %shift_left3A_581 : vector<16xi32> to vector<16xf32>
        %and3A_583 = arith.constant -65536 : i32
        %and3A_584 = vector.broadcast %and3A_583 : i32 to vector<16xi32>
        %and3A_585 = arith.andi %get3A_578, %and3A_584 : vector<16xi32>
        %bitcast3A_586 = vector.bitcast %and3A_585 : vector<16xi32> to vector<16xf32>
        %add3A_587 = arith.addf %add3A_570, %bitcast3A_582 : vector<16xf32>
        %add3A_588 = arith.addf %add3A_571, %bitcast3A_586 : vector<16xf32>
        %add3A_589 = arith.constant 4 : i32
        %add3A_590 = arith.addi %mul3A_514, %add3A_589 : i32
        %get3A_591 = arith.constant 1 : i32
        %get3A_592 = arith.index_cast %get3A_591 : i32 to index
        %get3A_593 = arith.index_cast %add3A_590 : i32 to index
        %get3A_594 = arith.constant 0 : index
        %get3A_595 = tpu.vector_load %arg23[%get3A_592, %get3A_593, %get3A_594] {strides = array<i32>} : memref<2x640x32xi32, #tpu.memory_space<vmem>>, vector<16xi32>,
        %shift_left3A_596 = arith.constant 16 : i32
        %shift_left3A_597 = vector.broadcast %shift_left3A_596 : i32 to vector<16xi32>
        %shift_left3A_598 = arith.shli %get3A_595, %shift_left3A_597 : vector<16xi32>
        %bitcast3A_599 = vector.bitcast %shift_left3A_598 : vector<16xi32> to vector<16xf32>
        %and3A_600 = arith.constant -65536 : i32
        %and3A_601 = vector.broadcast %and3A_600 : i32 to vector<16xi32>
        %and3A_602 = arith.andi %get3A_595, %and3A_601 : vector<16xi32>
        %bitcast3A_603 = vector.bitcast %and3A_602 : vector<16xi32> to vector<16xf32>
        %add3A_604 = arith.addf %add3A_587, %bitcast3A_599 : vector<16xf32>
        %add3A_605 = arith.addf %add3A_588, %bitcast3A_603 : vector<16xf32>
        %add3A_606 = arith.constant 5 : i32
        %add3A_607 = arith.addi %mul3A_514, %add3A_606 : i32
        %get3A_608 = arith.constant 1 : i32
        %get3A_609 = arith.index_cast %get3A_608 : i32 to index
        %get3A_610 = arith.index_cast %add3A_607 : i32 to index
        %get3A_611 = arith.constant 0 : index
        %get3A_612 = tpu.vector_load %arg23[%get3A_609, %get3A_610, %get3A_611] {strides = array<i32>} : memref<2x640x32xi32, #tpu.memory_space<vmem>>, vector<16xi32>,
        %shift_left3A_613 = arith.constant 16 : i32
        %shift_left3A_614 = vector.broadcast %shift_left3A_613 : i32 to vector<16xi32>
        %shift_left3A_615 = arith.shli %get3A_612, %shift_left3A_614 : vector<16xi32>
        %bitcast3A_616 = vector.bitcast %shift_left3A_615 : vector<16xi32> to vector<16xf32>
        %and3A_617 = arith.constant -65536 : i32
        %and3A_618 = vector.broadcast %and3A_617 : i32 to vector<16xi32>
        %and3A_619 = arith.andi %get3A_612, %and3A_618 : vector<16xi32>
        %bitcast3A_620 = vector.bitcast %and3A_619 : vector<16xi32> to vector<16xf32>
        %add3A_621 = arith.addf %add3A_604, %bitcast3A_616 : vector<16xf32>
        %add3A_622 = arith.addf %add3A_605, %bitcast3A_620 : vector<16xf32>
        %add3A_623 = arith.constant 6 : i32
        %add3A_624 = arith.addi %mul3A_514, %add3A_623 : i32
        %get3A_625 = arith.constant 1 : i32
        %get3A_626 = arith.index_cast %get3A_625 : i32 to index
        %get3A_627 = arith.index_cast %add3A_624 : i32 to index
        %get3A_628 = arith.constant 0 : index
        %get3A_629 = tpu.vector_load %arg23[%get3A_626, %get3A_627, %get3A_628] {strides = array<i32>} : memref<2x640x32xi32, #tpu.memory_space<vmem>>, vector<16xi32>,
        %shift_left3A_630 = arith.constant 16 : i32
        %shift_left3A_631 = vector.broadcast %shift_left3A_630 : i32 to vector<16xi32>
        %shift_left3A_632 = arith.shli %get3A_629, %shift_left3A_631 : vector<16xi32>
        %bitcast3A_633 = vector.bitcast %shift_left3A_632 : vector<16xi32> to vector<16xf32>
        %and3A_634 = arith.constant -65536 : i32
        %and3A_635 = vector.broadcast %and3A_634 : i32 to vector<16xi32>
        %and3A_636 = arith.andi %get3A_629, %and3A_635 : vector<16xi32>
        %bitcast3A_637 = vector.bitcast %and3A_636 : vector<16xi32> to vector<16xf32>
        %add3A_638 = arith.addf %add3A_621, %bitcast3A_633 : vector<16xf32>
        %add3A_639 = arith.addf %add3A_622, %bitcast3A_637 : vector<16xf32>
        %add3A_640 = arith.constant 7 : i32
        %add3A_641 = arith.addi %mul3A_514, %add3A_640 : i32
        %get3A_642 = arith.constant 1 : i32
        %get3A_643 = arith.index_cast %get3A_642 : i32 to index
        %get3A_644 = arith.index_cast %add3A_641 : i32 to index
        %get3A_645 = arith.constant 0 : index
        %get3A_646 = tpu.vector_load %arg23[%get3A_643, %get3A_644, %get3A_645] {strides = array<i32>} : memref<2x640x32xi32, #tpu.memory_space<vmem>>, vector<16xi32>,
        %shift_left3A_647 = arith.constant 16 : i32
        %shift_left3A_648 = vector.broadcast %shift_left3A_647 : i32 to vector<16xi32>
        %shift_left3A_649 = arith.shli %get3A_646, %shift_left3A_648 : vector<16xi32>
        %bitcast3A_650 = vector.bitcast %shift_left3A_649 : vector<16xi32> to vector<16xf32>
        %and3A_651 = arith.constant -65536 : i32
        %and3A_652 = vector.broadcast %and3A_651 : i32 to vector<16xi32>
        %and3A_653 = arith.andi %get3A_646, %and3A_652 : vector<16xi32>
        %bitcast3A_654 = vector.bitcast %and3A_653 : vector<16xi32> to vector<16xf32>
        %add3A_655 = arith.addf %add3A_638, %bitcast3A_650 : vector<16xf32>
        %add3A_656 = arith.addf %add3A_639, %bitcast3A_654 : vector<16xf32>
        %add3A_657 = arith.constant 8 : i32
        %add3A_658 = arith.addi %mul3A_514, %add3A_657 : i32
        %get3A_659 = arith.constant 1 : i32
        %get3A_660 = arith.index_cast %get3A_659 : i32 to index
        %get3A_661 = arith.index_cast %add3A_658 : i32 to index
        %get3A_662 = arith.constant 0 : index
        %get3A_663 = tpu.vector_load %arg23[%get3A_660, %get3A_661, %get3A_662] {strides = array<i32>} : memref<2x640x32xi32, #tpu.memory_space<vmem>>, vector<16xi32>,
        %shift_left3A_664 = arith.constant 16 : i32
        %shift_left3A_665 = vector.broadcast %shift_left3A_664 : i32 to vector<16xi32>
        %shift_left3A_666 = arith.shli %get3A_663, %shift_left3A_665 : vector<16xi32>
        %bitcast3A_667 = vector.bitcast %shift_left3A_666 : vector<16xi32> to vector<16xf32>
        %and3A_668 = arith.constant -65536 : i32
        %and3A_669 = vector.broadcast %and3A_668 : i32 to vector<16xi32>
        %and3A_670 = arith.andi %get3A_663, %and3A_669 : vector<16xi32>
        %bitcast3A_671 = vector.bitcast %and3A_670 : vector<16xi32> to vector<16xf32>
        %add3A_672 = arith.addf %add3A_655, %bitcast3A_667 : vector<16xf32>
        %add3A_673 = arith.addf %add3A_656, %bitcast3A_671 : vector<16xf32>
        %add3A_674 = arith.constant 9 : i32
        %add3A_675 = arith.addi %mul3A_514, %add3A_674 : i32
        %get3A_676 = arith.constant 1 : i32
        %get3A_677 = arith.index_cast %get3A_676 : i32 to index
        %get3A_678 = arith.index_cast %add3A_675 : i32 to index
        %get3A_679 = arith.constant 0 : index
        %get3A_680 = tpu.vector_load %arg23[%get3A_677, %get3A_678, %get3A_679] {strides = array<i32>} : memref<2x640x32xi32, #tpu.memory_space<vmem>>, vector<16xi32>,
        %shift_left3A_681 = arith.constant 16 : i32
        %shift_left3A_682 = vector.broadcast %shift_left3A_681 : i32 to vector<16xi32>
        %shift_left3A_683 = arith.shli %get3A_680, %shift_left3A_682 : vector<16xi32>
        %bitcast3A_684 = vector.bitcast %shift_left3A_683 : vector<16xi32> to vector<16xf32>
        %and3A_685 = arith.constant -65536 : i32
        %and3A_686 = vector.broadcast %and3A_685 : i32 to vector<16xi32>
        %and3A_687 = arith.andi %get3A_680, %and3A_686 : vector<16xi32>
        %bitcast3A_688 = vector.bitcast %and3A_687 : vector<16xi32> to vector<16xf32>
        %add3A_689 = arith.addf %add3A_672, %bitcast3A_684 : vector<16xf32>
        %add3A_690 = arith.addf %add3A_673, %bitcast3A_688 : vector<16xf32>
        %add3A_691 = arith.constant 10 : i32
        %add3A_692 = arith.addi %mul3A_514, %add3A_691 : i32
        %get3A_693 = arith.constant 1 : i32
        %get3A_694 = arith.index_cast %get3A_693 : i32 to index
        %get3A_695 = arith.index_cast %add3A_692 : i32 to index
        %get3A_696 = arith.constant 0 : index
        %get3A_697 = tpu.vector_load %arg23[%get3A_694, %get3A_695, %get3A_696] {strides = array<i32>} : memref<2x640x32xi32, #tpu.memory_space<vmem>>, vector<16xi32>,
        %shift_left3A_698 = arith.constant 16 : i32
        %shift_left3A_699 = vector.broadcast %shift_left3A_698 : i32 to vector<16xi32>
        %shift_left3A_700 = arith.shli %get3A_697, %shift_left3A_699 : vector<16xi32>
        %bitcast3A_701 = vector.bitcast %shift_left3A_700 : vector<16xi32> to vector<16xf32>
        %and3A_702 = arith.constant -65536 : i32
        %and3A_703 = vector.broadcast %and3A_702 : i32 to vector<16xi32>
        %and3A_704 = arith.andi %get3A_697, %and3A_703 : vector<16xi32>
        %bitcast3A_705 = vector.bitcast %and3A_704 : vector<16xi32> to vector<16xf32>
        %add3A_706 = arith.addf %add3A_689, %bitcast3A_701 : vector<16xf32>
        %add3A_707 = arith.addf %add3A_690, %bitcast3A_705 : vector<16xf32>
        %add3A_708 = arith.constant 11 : i32
        %add3A_709 = arith.addi %mul3A_514, %add3A_708 : i32
        %get3A_710 = arith.constant 1 : i32
        %get3A_711 = arith.index_cast %get3A_710 : i32 to index
        %get3A_712 = arith.index_cast %add3A_709 : i32 to index
        %get3A_713 = arith.constant 0 : index
        %get3A_714 = tpu.vector_load %arg23[%get3A_711, %get3A_712, %get3A_713] {strides = array<i32>} : memref<2x640x32xi32, #tpu.memory_space<vmem>>, vector<16xi32>,
        %shift_left3A_715 = arith.constant 16 : i32
        %shift_left3A_716 = vector.broadcast %shift_left3A_715 : i32 to vector<16xi32>
        %shift_left3A_717 = arith.shli %get3A_714, %shift_left3A_716 : vector<16xi32>
        %bitcast3A_718 = vector.bitcast %shift_left3A_717 : vector<16xi32> to vector<16xf32>
        %and3A_719 = arith.constant -65536 : i32
        %and3A_720 = vector.broadcast %and3A_719 : i32 to vector<16xi32>
        %and3A_721 = arith.andi %get3A_714, %and3A_720 : vector<16xi32>
        %bitcast3A_722 = vector.bitcast %and3A_721 : vector<16xi32> to vector<16xf32>
        %add3A_723 = arith.addf %add3A_706, %bitcast3A_718 : vector<16xf32>
        %add3A_724 = arith.addf %add3A_707, %bitcast3A_722 : vector<16xf32>
        %add3A_725 = arith.constant 12 : i32
        %add3A_726 = arith.addi %mul3A_514, %add3A_725 : i32
        %get3A_727 = arith.constant 1 : i32
        %get3A_728 = arith.index_cast %get3A_727 : i32 to index
        %get3A_729 = arith.index_cast %add3A_726 : i32 to index
        %get3A_730 = arith.constant 0 : index
        %get3A_731 = tpu.vector_load %arg23[%get3A_728, %get3A_729, %get3A_730] {strides = array<i32>} : memref<2x640x32xi32, #tpu.memory_space<vmem>>, vector<16xi32>,
        %shift_left3A_732 = arith.constant 16 : i32
        %shift_left3A_733 = vector.broadcast %shift_left3A_732 : i32 to vector<16xi32>
        %shift_left3A_734 = arith.shli %get3A_731, %shift_left3A_733 : vector<16xi32>
        %bitcast3A_735 = vector.bitcast %shift_left3A_734 : vector<16xi32> to vector<16xf32>
        %and3A_736 = arith.constant -65536 : i32
        %and3A_737 = vector.broadcast %and3A_736 : i32 to vector<16xi32>
        %and3A_738 = arith.andi %get3A_731, %and3A_737 : vector<16xi32>
        %bitcast3A_739 = vector.bitcast %and3A_738 : vector<16xi32> to vector<16xf32>
        %add3A_740 = arith.addf %add3A_723, %bitcast3A_735 : vector<16xf32>
        %add3A_741 = arith.addf %add3A_724, %bitcast3A_739 : vector<16xf32>
        %add3A_742 = arith.constant 13 : i32
        %add3A_743 = arith.addi %mul3A_514, %add3A_742 : i32
        %get3A_744 = arith.constant 1 : i32
        %get3A_745 = arith.index_cast %get3A_744 : i32 to index
        %get3A_746 = arith.index_cast %add3A_743 : i32 to index
        %get3A_747 = arith.constant 0 : index
        %get3A_748 = tpu.vector_load %arg23[%get3A_745, %get3A_746, %get3A_747] {strides = array<i32>} : memref<2x640x32xi32, #tpu.memory_space<vmem>>, vector<16xi32>,
        %shift_left3A_749 = arith.constant 16 : i32
        %shift_left3A_750 = vector.broadcast %shift_left3A_749 : i32 to vector<16xi32>
        %shift_left3A_751 = arith.shli %get3A_748, %shift_left3A_750 : vector<16xi32>
        %bitcast3A_752 = vector.bitcast %shift_left3A_751 : vector<16xi32> to vector<16xf32>
        %and3A_753 = arith.constant -65536 : i32
        %and3A_754 = vector.broadcast %and3A_753 : i32 to vector<16xi32>
        %and3A_755 = arith.andi %get3A_748, %and3A_754 : vector<16xi32>
        %bitcast3A_756 = vector.bitcast %and3A_755 : vector<16xi32> to vector<16xf32>
        %add3A_757 = arith.addf %add3A_740, %bitcast3A_752 : vector<16xf32>
        %add3A_758 = arith.addf %add3A_741, %bitcast3A_756 : vector<16xf32>
        %add3A_759 = arith.constant 14 : i32
        %add3A_760 = arith.addi %mul3A_514, %add3A_759 : i32
        %get3A_761 = arith.constant 1 : i32
        %get3A_762 = arith.index_cast %get3A_761 : i32 to index
        %get3A_763 = arith.index_cast %add3A_760 : i32 to index
        %get3A_764 = arith.constant 0 : index
        %get3A_765 = tpu.vector_load %arg23[%get3A_762, %get3A_763, %get3A_764] {strides = array<i32>} : memref<2x640x32xi32, #tpu.memory_space<vmem>>, vector<16xi32>,
        %shift_left3A_766 = arith.constant 16 : i32
        %shift_left3A_767 = vector.broadcast %shift_left3A_766 : i32 to vector<16xi32>
        %shift_left3A_768 = arith.shli %get3A_765, %shift_left3A_767 : vector<16xi32>
        %bitcast3A_769 = vector.bitcast %shift_left3A_768 : vector<16xi32> to vector<16xf32>
        %and3A_770 = arith.constant -65536 : i32
        %and3A_771 = vector.broadcast %and3A_770 : i32 to vector<16xi32>
        %and3A_772 = arith.andi %get3A_765, %and3A_771 : vector<16xi32>
        %bitcast3A_773 = vector.bitcast %and3A_772 : vector<16xi32> to vector<16xf32>
        %add3A_774 = arith.addf %add3A_757, %bitcast3A_769 : vector<16xf32>
        %add3A_775 = arith.addf %add3A_758, %bitcast3A_773 : vector<16xf32>
        %add3A_776 = arith.constant 15 : i32
        %add3A_777 = arith.addi %mul3A_514, %add3A_776 : i32
        %get3A_778 = arith.constant 1 : i32
        %get3A_779 = arith.index_cast %get3A_778 : i32 to index
        %get3A_780 = arith.index_cast %add3A_777 : i32 to index
        %get3A_781 = arith.constant 0 : index
        %get3A_782 = tpu.vector_load %arg23[%get3A_779, %get3A_780, %get3A_781] {strides = array<i32>} : memref<2x640x32xi32, #tpu.memory_space<vmem>>, vector<16xi32>,
        %shift_left3A_783 = arith.constant 16 : i32
        %shift_left3A_784 = vector.broadcast %shift_left3A_783 : i32 to vector<16xi32>
        %shift_left3A_785 = arith.shli %get3A_782, %shift_left3A_784 : vector<16xi32>
        %bitcast3A_786 = vector.bitcast %shift_left3A_785 : vector<16xi32> to vector<16xf32>
        %and3A_787 = arith.constant -65536 : i32
        %and3A_788 = vector.broadcast %and3A_787 : i32 to vector<16xi32>
        %and3A_789 = arith.andi %get3A_782, %and3A_788 : vector<16xi32>
        %bitcast3A_790 = vector.bitcast %and3A_789 : vector<16xi32> to vector<16xf32>
        %add3A_791 = arith.addf %add3A_774, %bitcast3A_786 : vector<16xf32>
        %add3A_792 = arith.addf %add3A_775, %bitcast3A_790 : vector<16xf32>
        %add3A_793 = arith.constant 16 : i32
        %add3A_794 = arith.addi %mul3A_514, %add3A_793 : i32
        %get3A_795 = arith.constant 1 : i32
        %get3A_796 = arith.index_cast %get3A_795 : i32 to index
        %get3A_797 = arith.index_cast %add3A_794 : i32 to index
        %get3A_798 = arith.constant 0 : index
        %get3A_799 = tpu.vector_load %arg23[%get3A_796, %get3A_797, %get3A_798] {strides = array<i32>} : memref<2x640x32xi32, #tpu.memory_space<vmem>>, vector<16xi32>,
        %shift_left3A_800 = arith.constant 16 : i32
        %shift_left3A_801 = vector.broadcast %shift_left3A_800 : i32 to vector<16xi32>
        %shift_left3A_802 = arith.shli %get3A_799, %shift_left3A_801 : vector<16xi32>
        %bitcast3A_803 = vector.bitcast %shift_left3A_802 : vector<16xi32> to vector<16xf32>
        %and3A_804 = arith.constant -65536 : i32
        %and3A_805 = vector.broadcast %and3A_804 : i32 to vector<16xi32>
        %and3A_806 = arith.andi %get3A_799, %and3A_805 : vector<16xi32>
        %bitcast3A_807 = vector.bitcast %and3A_806 : vector<16xi32> to vector<16xf32>
        %add3A_808 = arith.addf %add3A_791, %bitcast3A_803 : vector<16xf32>
        %add3A_809 = arith.addf %add3A_792, %bitcast3A_807 : vector<16xf32>
        %add3A_810 = arith.constant 17 : i32
        %add3A_811 = arith.addi %mul3A_514, %add3A_810 : i32
        %get3A_812 = arith.constant 1 : i32
        %get3A_813 = arith.index_cast %get3A_812 : i32 to index
        %get3A_814 = arith.index_cast %add3A_811 : i32 to index
        %get3A_815 = arith.constant 0 : index
        %get3A_816 = tpu.vector_load %arg23[%get3A_813, %get3A_814, %get3A_815] {strides = array<i32>} : memref<2x640x32xi32, #tpu.memory_space<vmem>>, vector<16xi32>,
        %shift_left3A_817 = arith.constant 16 : i32
        %shift_left3A_818 = vector.broadcast %shift_left3A_817 : i32 to vector<16xi32>
        %shift_left3A_819 = arith.shli %get3A_816, %shift_left3A_818 : vector<16xi32>
        %bitcast3A_820 = vector.bitcast %shift_left3A_819 : vector<16xi32> to vector<16xf32>
        %and3A_821 = arith.constant -65536 : i32
        %and3A_822 = vector.broadcast %and3A_821 : i32 to vector<16xi32>
        %and3A_823 = arith.andi %get3A_816, %and3A_822 : vector<16xi32>
        %bitcast3A_824 = vector.bitcast %and3A_823 : vector<16xi32> to vector<16xf32>
        %add3A_825 = arith.addf %add3A_808, %bitcast3A_820 : vector<16xf32>
        %add3A_826 = arith.addf %add3A_809, %bitcast3A_824 : vector<16xf32>
        %add3A_827 = arith.constant 18 : i32
        %add3A_828 = arith.addi %mul3A_514, %add3A_827 : i32
        %get3A_829 = arith.constant 1 : i32
        %get3A_830 = arith.index_cast %get3A_829 : i32 to index
        %get3A_831 = arith.index_cast %add3A_828 : i32 to index
        %get3A_832 = arith.constant 0 : index
        %get3A_833 = tpu.vector_load %arg23[%get3A_830, %get3A_831, %get3A_832] {strides = array<i32>} : memref<2x640x32xi32, #tpu.memory_space<vmem>>, vector<16xi32>,
        %shift_left3A_834 = arith.constant 16 : i32
        %shift_left3A_835 = vector.broadcast %shift_left3A_834 : i32 to vector<16xi32>
        %shift_left3A_836 = arith.shli %get3A_833, %shift_left3A_835 : vector<16xi32>
        %bitcast3A_837 = vector.bitcast %shift_left3A_836 : vector<16xi32> to vector<16xf32>
        %and3A_838 = arith.constant -65536 : i32
        %and3A_839 = vector.broadcast %and3A_838 : i32 to vector<16xi32>
        %and3A_840 = arith.andi %get3A_833, %and3A_839 : vector<16xi32>
        %bitcast3A_841 = vector.bitcast %and3A_840 : vector<16xi32> to vector<16xf32>
        %add3A_842 = arith.addf %add3A_825, %bitcast3A_837 : vector<16xf32>
        %add3A_843 = arith.addf %add3A_826, %bitcast3A_841 : vector<16xf32>
        %add3A_844 = arith.constant 19 : i32
        %add3A_845 = arith.addi %mul3A_514, %add3A_844 : i32
        %get3A_846 = arith.constant 1 : i32
        %get3A_847 = arith.index_cast %get3A_846 : i32 to index
        %get3A_848 = arith.index_cast %add3A_845 : i32 to index
        %get3A_849 = arith.constant 0 : index
        %get3A_850 = tpu.vector_load %arg23[%get3A_847, %get3A_848, %get3A_849] {strides = array<i32>} : memref<2x640x32xi32, #tpu.memory_space<vmem>>, vector<16xi32>,
        %shift_left3A_851 = arith.constant 16 : i32
        %shift_left3A_852 = vector.broadcast %shift_left3A_851 : i32 to vector<16xi32>
        %shift_left3A_853 = arith.shli %get3A_850, %shift_left3A_852 : vector<16xi32>
        %bitcast3A_854 = vector.bitcast %shift_left3A_853 : vector<16xi32> to vector<16xf32>
        %and3A_855 = arith.constant -65536 : i32
        %and3A_856 = vector.broadcast %and3A_855 : i32 to vector<16xi32>
        %and3A_857 = arith.andi %get3A_850, %and3A_856 : vector<16xi32>
        %bitcast3A_858 = vector.bitcast %and3A_857 : vector<16xi32> to vector<16xf32>
        %add3A_859 = arith.addf %add3A_842, %bitcast3A_854 : vector<16xf32>
        %add3A_860 = arith.addf %add3A_843, %bitcast3A_858 : vector<16xf32>
        %get3A_861 = arith.constant 1 : i32
        %get3A_862 = arith.index_cast %get3A_861 : i32 to index
        %get3A_863 = arith.index_cast %scan3A_512 : i32 to index
        %get3A_864 = arith.constant 0 : index
        %get3A_865 = tpu.vector_load %arg24[%get3A_862, %get3A_863, %get3A_864] {strides = array<i32>} : memref<2x32x32xi32, #tpu.memory_space<vmem>>, vector<16xi32>,
        %shift_left3A_866 = arith.constant 16 : i32
        %shift_left3A_867 = vector.broadcast %shift_left3A_866 : i32 to vector<16xi32>
        %shift_left3A_868 = arith.shli %get3A_865, %shift_left3A_867 : vector<16xi32>
        %bitcast3A_869 = vector.bitcast %shift_left3A_868 : vector<16xi32> to vector<16xf32>
        %and3A_870 = arith.constant -65536 : i32
        %and3A_871 = vector.broadcast %and3A_870 : i32 to vector<16xi32>
        %and3A_872 = arith.andi %get3A_865, %and3A_871 : vector<16xi32>
        %bitcast3A_873 = vector.bitcast %and3A_872 : vector<16xi32> to vector<16xf32>
        %get3A_874 = arith.constant 1 : i32
        %get3A_875 = arith.index_cast %get3A_874 : i32 to index
        %get3A_876 = arith.index_cast %scan3A_512 : i32 to index
        %get3A_877 = arith.constant 0 : index
        %get3A_878 = tpu.vector_load %arg25[%get3A_875, %get3A_876, %get3A_877] {strides = array<i32>} : memref<2x32x32xi32, #tpu.memory_space<vmem>>, vector<16xi32>,
        %shift_left3A_879 = arith.constant 16 : i32
        %shift_left3A_880 = vector.broadcast %shift_left3A_879 : i32 to vector<16xi32>
        %shift_left3A_881 = arith.shli %get3A_878, %shift_left3A_880 : vector<16xi32>
        %bitcast3A_882 = vector.bitcast %shift_left3A_881 : vector<16xi32> to vector<16xf32>
        %and3A_883 = arith.constant -65536 : i32
        %and3A_884 = vector.broadcast %and3A_883 : i32 to vector<16xi32>
        %and3A_885 = arith.andi %get3A_878, %and3A_884 : vector<16xi32>
        %bitcast3A_886 = vector.bitcast %and3A_885 : vector<16xi32> to vector<16xf32>
        %mul3A_887 = arith.constant 5.000000e-02 : f32
        %mul3A_888 = vector.broadcast %mul3A_887 : f32 to vector<16xf32>
        %mul3A_889 = arith.mulf %add3A_859, %mul3A_888 : vector<16xf32>
        %add3A_890 = arith.addf %mul3A_889, %bitcast3A_869 : vector<16xf32>
        %add3A_891 = arith.addf %add3A_890, %bitcast3A_882 : vector<16xf32>
        %swap3A = arith.constant 1 : i32
        %swap3A_892 = arith.index_cast %swap3A : i32 to index
        %swap3A_893 = arith.index_cast %scan3A_512 : i32 to index
        %swap3A_894 = arith.constant 0 : index
        %swap3A_895 = tpu.vector_load %arg26[%swap3A_892, %swap3A_893, %swap3A_894] {strides = array<i32>} : memref<2x32x128xf32, #tpu.memory_space<vmem>>, vector<16xf32>,
        tpu.vector_store %arg26[%swap3A_892, %swap3A_893, %swap3A_894], %add3A_891 {strides = array<i32>} : memref<2x32x128xf32, #tpu.memory_space<vmem>>, vector<16xf32>,
        %mul3A_896 = arith.constant 5.000000e-02 : f32
        %mul3A_897 = vector.broadcast %mul3A_896 : f32 to vector<16xf32>
        %mul3A_898 = arith.mulf %add3A_860, %mul3A_897 : vector<16xf32>
        %add3A_899 = arith.addf %mul3A_898, %bitcast3A_873 : vector<16xf32>
        %add3A_900 = arith.addf %add3A_899, %bitcast3A_886 : vector<16xf32>
        %swap3A_901 = arith.constant 1 : i32
        %swap3A_902 = arith.index_cast %swap3A_901 : i32 to index
        %swap3A_903 = arith.index_cast %scan3A_512 : i32 to index
        %swap3A_904 = arith.constant 32 : index
        %swap3A_905 = tpu.vector_load %arg26[%swap3A_902, %swap3A_903, %swap3A_904] {strides = array<i32>} : memref<2x32x128xf32, #tpu.memory_space<vmem>>, vector<16xf32>,
        tpu.vector_store %arg26[%swap3A_902, %swap3A_903, %swap3A_904], %add3A_900 {strides = array<i32>} : memref<2x32x128xf32, #tpu.memory_space<vmem>>, vector<16xf32>,
        %get3A_906 = arith.constant 1 : i32
        %get3A_907 = arith.index_cast %get3A_906 : i32 to index
        %get3A_908 = arith.index_cast %mul3A_514 : i32 to index
        %get3A_909 = arith.constant 16 : index
        %get3A_910 = tpu.vector_load %arg23[%get3A_907, %get3A_908, %get3A_909] {strides = array<i32>} : memref<2x640x32xi32, #tpu.memory_space<vmem>>, vector<16xi32>,
        %shift_left3A_911 = arith.constant 16 : i32
        %shift_left3A_912 = vector.broadcast %shift_left3A_911 : i32 to vector<16xi32>
        %shift_left3A_913 = arith.shli %get3A_910, %shift_left3A_912 : vector<16xi32>
        %bitcast3A_914 = vector.bitcast %shift_left3A_913 : vector<16xi32> to vector<16xf32>
        %and3A_915 = arith.constant -65536 : i32
        %and3A_916 = vector.broadcast %and3A_915 : i32 to vector<16xi32>
        %and3A_917 = arith.andi %get3A_910, %and3A_916 : vector<16xi32>
        %bitcast3A_918 = vector.bitcast %and3A_917 : vector<16xi32> to vector<16xf32>
        %add3A_919 = arith.constant 1 : i32
        %add3A_920 = arith.addi %mul3A_514, %add3A_919 : i32
        %get3A_921 = arith.constant 1 : i32
        %get3A_922 = arith.index_cast %get3A_921 : i32 to index
        %get3A_923 = arith.index_cast %add3A_920 : i32 to index
        %get3A_924 = arith.constant 16 : index
        %get3A_925 = tpu.vector_load %arg23[%get3A_922, %get3A_923, %get3A_924] {strides = array<i32>} : memref<2x640x32xi32, #tpu.memory_space<vmem>>, vector<16xi32>,
        %shift_left3A_926 = arith.constant 16 : i32
        %shift_left3A_927 = vector.broadcast %shift_left3A_926 : i32 to vector<16xi32>
        %shift_left3A_928 = arith.shli %get3A_925, %shift_left3A_927 : vector<16xi32>
        %bitcast3A_929 = vector.bitcast %shift_left3A_928 : vector<16xi32> to vector<16xf32>
        %and3A_930 = arith.constant -65536 : i32
        %and3A_931 = vector.broadcast %and3A_930 : i32 to vector<16xi32>
        %and3A_932 = arith.andi %get3A_925, %and3A_931 : vector<16xi32>
        %bitcast3A_933 = vector.bitcast %and3A_932 : vector<16xi32> to vector<16xf32>
        %add3A_934 = arith.addf %bitcast3A_914, %bitcast3A_929 : vector<16xf32>
        %add3A_935 = arith.addf %bitcast3A_918, %bitcast3A_933 : vector<16xf32>
        %add3A_936 = arith.constant 2 : i32
        %add3A_937 = arith.addi %mul3A_514, %add3A_936 : i32
        %get3A_938 = arith.constant 1 : i32
        %get3A_939 = arith.index_cast %get3A_938 : i32 to index
        %get3A_940 = arith.index_cast %add3A_937 : i32 to index
        %get3A_941 = arith.constant 16 : index
        %get3A_942 = tpu.vector_load %arg23[%get3A_939, %get3A_940, %get3A_941] {strides = array<i32>} : memref<2x640x32xi32, #tpu.memory_space<vmem>>, vector<16xi32>,
        %shift_left3A_943 = arith.constant 16 : i32
        %shift_left3A_944 = vector.broadcast %shift_left3A_943 : i32 to vector<16xi32>
        %shift_left3A_945 = arith.shli %get3A_942, %shift_left3A_944 : vector<16xi32>
        %bitcast3A_946 = vector.bitcast %shift_left3A_945 : vector<16xi32> to vector<16xf32>
        %and3A_947 = arith.constant -65536 : i32
        %and3A_948 = vector.broadcast %and3A_947 : i32 to vector<16xi32>
        %and3A_949 = arith.andi %get3A_942, %and3A_948 : vector<16xi32>
        %bitcast3A_950 = vector.bitcast %and3A_949 : vector<16xi32> to vector<16xf32>
        %add3A_951 = arith.addf %add3A_934, %bitcast3A_946 : vector<16xf32>
        %add3A_952 = arith.addf %add3A_935, %bitcast3A_950 : vector<16xf32>
        %add3A_953 = arith.constant 3 : i32
        %add3A_954 = arith.addi %mul3A_514, %add3A_953 : i32
        %get3A_955 = arith.constant 1 : i32
        %get3A_956 = arith.index_cast %get3A_955 : i32 to index
        %get3A_957 = arith.index_cast %add3A_954 : i32 to index
        %get3A_958 = arith.constant 16 : index
        %get3A_959 = tpu.vector_load %arg23[%get3A_956, %get3A_957, %get3A_958] {strides = array<i32>} : memref<2x640x32xi32, #tpu.memory_space<vmem>>, vector<16xi32>,
        %shift_left3A_960 = arith.constant 16 : i32
        %shift_left3A_961 = vector.broadcast %shift_left3A_960 : i32 to vector<16xi32>
        %shift_left3A_962 = arith.shli %get3A_959, %shift_left3A_961 : vector<16xi32>
        %bitcast3A_963 = vector.bitcast %shift_left3A_962 : vector<16xi32> to vector<16xf32>
        %and3A_964 = arith.constant -65536 : i32
        %and3A_965 = vector.broadcast %and3A_964 : i32 to vector<16xi32>
        %and3A_966 = arith.andi %get3A_959, %and3A_965 : vector<16xi32>
        %bitcast3A_967 = vector.bitcast %and3A_966 : vector<16xi32> to vector<16xf32>
        %add3A_968 = arith.addf %add3A_951, %bitcast3A_963 : vector<16xf32>
        %add3A_969 = arith.addf %add3A_952, %bitcast3A_967 : vector<16xf32>
        %add3A_970 = arith.constant 4 : i32
        %add3A_971 = arith.addi %mul3A_514, %add3A_970 : i32
        %get3A_972 = arith.constant 1 : i32
        %get3A_973 = arith.index_cast %get3A_972 : i32 to index
        %get3A_974 = arith.index_cast %add3A_971 : i32 to index
        %get3A_975 = arith.constant 16 : index
        %get3A_976 = tpu.vector_load %arg23[%get3A_973, %get3A_974, %get3A_975] {strides = array<i32>} : memref<2x640x32xi32, #tpu.memory_space<vmem>>, vector<16xi32>,
        %shift_left3A_977 = arith.constant 16 : i32
        %shift_left3A_978 = vector.broadcast %shift_left3A_977 : i32 to vector<16xi32>
        %shift_left3A_979 = arith.shli %get3A_976, %shift_left3A_978 : vector<16xi32>
        %bitcast3A_980 = vector.bitcast %shift_left3A_979 : vector<16xi32> to vector<16xf32>
        %and3A_981 = arith.constant -65536 : i32
        %and3A_982 = vector.broadcast %and3A_981 : i32 to vector<16xi32>
        %and3A_983 = arith.andi %get3A_976, %and3A_982 : vector<16xi32>
        %bitcast3A_984 = vector.bitcast %and3A_983 : vector<16xi32> to vector<16xf32>
        %add3A_985 = arith.addf %add3A_968, %bitcast3A_980 : vector<16xf32>
        %add3A_986 = arith.addf %add3A_969, %bitcast3A_984 : vector<16xf32>
        %add3A_987 = arith.constant 5 : i32
        %add3A_988 = arith.addi %mul3A_514, %add3A_987 : i32
        %get3A_989 = arith.constant 1 : i32
        %get3A_990 = arith.index_cast %get3A_989 : i32 to index
        %get3A_991 = arith.index_cast %add3A_988 : i32 to index
        %get3A_992 = arith.constant 16 : index
        %get3A_993 = tpu.vector_load %arg23[%get3A_990, %get3A_991, %get3A_992] {strides = array<i32>} : memref<2x640x32xi32, #tpu.memory_space<vmem>>, vector<16xi32>,
        %shift_left3A_994 = arith.constant 16 : i32
        %shift_left3A_995 = vector.broadcast %shift_left3A_994 : i32 to vector<16xi32>
        %shift_left3A_996 = arith.shli %get3A_993, %shift_left3A_995 : vector<16xi32>
        %bitcast3A_997 = vector.bitcast %shift_left3A_996 : vector<16xi32> to vector<16xf32>
        %and3A_998 = arith.constant -65536 : i32
        %and3A_999 = vector.broadcast %and3A_998 : i32 to vector<16xi32>
        %and3A_1000 = arith.andi %get3A_993, %and3A_999 : vector<16xi32>
        %bitcast3A_1001 = vector.bitcast %and3A_1000 : vector<16xi32> to vector<16xf32>
        %add3A_1002 = arith.addf %add3A_985, %bitcast3A_997 : vector<16xf32>
        %add3A_1003 = arith.addf %add3A_986, %bitcast3A_1001 : vector<16xf32>
        %add3A_1004 = arith.constant 6 : i32
        %add3A_1005 = arith.addi %mul3A_514, %add3A_1004 : i32
        %get3A_1006 = arith.constant 1 : i32
        %get3A_1007 = arith.index_cast %get3A_1006 : i32 to index
        %get3A_1008 = arith.index_cast %add3A_1005 : i32 to index
        %get3A_1009 = arith.constant 16 : index
        %get3A_1010 = tpu.vector_load %arg23[%get3A_1007, %get3A_1008, %get3A_1009] {strides = array<i32>} : memref<2x640x32xi32, #tpu.memory_space<vmem>>, vector<16xi32>,
        %shift_left3A_1011 = arith.constant 16 : i32
        %shift_left3A_1012 = vector.broadcast %shift_left3A_1011 : i32 to vector<16xi32>
        %shift_left3A_1013 = arith.shli %get3A_1010, %shift_left3A_1012 : vector<16xi32>
        %bitcast3A_1014 = vector.bitcast %shift_left3A_1013 : vector<16xi32> to vector<16xf32>
        %and3A_1015 = arith.constant -65536 : i32
        %and3A_1016 = vector.broadcast %and3A_1015 : i32 to vector<16xi32>
        %and3A_1017 = arith.andi %get3A_1010, %and3A_1016 : vector<16xi32>
        %bitcast3A_1018 = vector.bitcast %and3A_1017 : vector<16xi32> to vector<16xf32>
        %add3A_1019 = arith.addf %add3A_1002, %bitcast3A_1014 : vector<16xf32>
        %add3A_1020 = arith.addf %add3A_1003, %bitcast3A_1018 : vector<16xf32>
        %add3A_1021 = arith.constant 7 : i32
        %add3A_1022 = arith.addi %mul3A_514, %add3A_1021 : i32
        %get3A_1023 = arith.constant 1 : i32
        %get3A_1024 = arith.index_cast %get3A_1023 : i32 to index
        %get3A_1025 = arith.index_cast %add3A_1022 : i32 to index
        %get3A_1026 = arith.constant 16 : index
        %get3A_1027 = tpu.vector_load %arg23[%get3A_1024, %get3A_1025, %get3A_1026] {strides = array<i32>} : memref<2x640x32xi32, #tpu.memory_space<vmem>>, vector<16xi32>,
        %shift_left3A_1028 = arith.constant 16 : i32
        %shift_left3A_1029 = vector.broadcast %shift_left3A_1028 : i32 to vector<16xi32>
        %shift_left3A_1030 = arith.shli %get3A_1027, %shift_left3A_1029 : vector<16xi32>
        %bitcast3A_1031 = vector.bitcast %shift_left3A_1030 : vector<16xi32> to vector<16xf32>
        %and3A_1032 = arith.constant -65536 : i32
        %and3A_1033 = vector.broadcast %and3A_1032 : i32 to vector<16xi32>
        %and3A_1034 = arith.andi %get3A_1027, %and3A_1033 : vector<16xi32>
        %bitcast3A_1035 = vector.bitcast %and3A_1034 : vector<16xi32> to vector<16xf32>
        %add3A_1036 = arith.addf %add3A_1019, %bitcast3A_1031 : vector<16xf32>
        %add3A_1037 = arith.addf %add3A_1020, %bitcast3A_1035 : vector<16xf32>
        %add3A_1038 = arith.constant 8 : i32
        %add3A_1039 = arith.addi %mul3A_514, %add3A_1038 : i32
        %get3A_1040 = arith.constant 1 : i32
        %get3A_1041 = arith.index_cast %get3A_1040 : i32 to index
        %get3A_1042 = arith.index_cast %add3A_1039 : i32 to index
        %get3A_1043 = arith.constant 16 : index
        %get3A_1044 = tpu.vector_load %arg23[%get3A_1041, %get3A_1042, %get3A_1043] {strides = array<i32>} : memref<2x640x32xi32, #tpu.memory_space<vmem>>, vector<16xi32>,
        %shift_left3A_1045 = arith.constant 16 : i32
        %shift_left3A_1046 = vector.broadcast %shift_left3A_1045 : i32 to vector<16xi32>
        %shift_left3A_1047 = arith.shli %get3A_1044, %shift_left3A_1046 : vector<16xi32>
        %bitcast3A_1048 = vector.bitcast %shift_left3A_1047 : vector<16xi32> to vector<16xf32>
        %and3A_1049 = arith.constant -65536 : i32
        %and3A_1050 = vector.broadcast %and3A_1049 : i32 to vector<16xi32>
        %and3A_1051 = arith.andi %get3A_1044, %and3A_1050 : vector<16xi32>
        %bitcast3A_1052 = vector.bitcast %and3A_1051 : vector<16xi32> to vector<16xf32>
        %add3A_1053 = arith.addf %add3A_1036, %bitcast3A_1048 : vector<16xf32>
        %add3A_1054 = arith.addf %add3A_1037, %bitcast3A_1052 : vector<16xf32>
        %add3A_1055 = arith.constant 9 : i32
        %add3A_1056 = arith.addi %mul3A_514, %add3A_1055 : i32
        %get3A_1057 = arith.constant 1 : i32
        %get3A_1058 = arith.index_cast %get3A_1057 : i32 to index
        %get3A_1059 = arith.index_cast %add3A_1056 : i32 to index
        %get3A_1060 = arith.constant 16 : index
        %get3A_1061 = tpu.vector_load %arg23[%get3A_1058, %get3A_1059, %get3A_1060] {strides = array<i32>} : memref<2x640x32xi32, #tpu.memory_space<vmem>>, vector<16xi32>,
        %shift_left3A_1062 = arith.constant 16 : i32
        %shift_left3A_1063 = vector.broadcast %shift_left3A_1062 : i32 to vector<16xi32>
        %shift_left3A_1064 = arith.shli %get3A_1061, %shift_left3A_1063 : vector<16xi32>
        %bitcast3A_1065 = vector.bitcast %shift_left3A_1064 : vector<16xi32> to vector<16xf32>
        %and3A_1066 = arith.constant -65536 : i32
        %and3A_1067 = vector.broadcast %and3A_1066 : i32 to vector<16xi32>
        %and3A_1068 = arith.andi %get3A_1061, %and3A_1067 : vector<16xi32>
        %bitcast3A_1069 = vector.bitcast %and3A_1068 : vector<16xi32> to vector<16xf32>
        %add3A_1070 = arith.addf %add3A_1053, %bitcast3A_1065 : vector<16xf32>
        %add3A_1071 = arith.addf %add3A_1054, %bitcast3A_1069 : vector<16xf32>
        %add3A_1072 = arith.constant 10 : i32
        %add3A_1073 = arith.addi %mul3A_514, %add3A_1072 : i32
        %get3A_1074 = arith.constant 1 : i32
        %get3A_1075 = arith.index_cast %get3A_1074 : i32 to index
        %get3A_1076 = arith.index_cast %add3A_1073 : i32 to index
        %get3A_1077 = arith.constant 16 : index
        %get3A_1078 = tpu.vector_load %arg23[%get3A_1075, %get3A_1076, %get3A_1077] {strides = array<i32>} : memref<2x640x32xi32, #tpu.memory_space<vmem>>, vector<16xi32>,
        %shift_left3A_1079 = arith.constant 16 : i32
        %shift_left3A_1080 = vector.broadcast %shift_left3A_1079 : i32 to vector<16xi32>
        %shift_left3A_1081 = arith.shli %get3A_1078, %shift_left3A_1080 : vector<16xi32>
        %bitcast3A_1082 = vector.bitcast %shift_left3A_1081 : vector<16xi32> to vector<16xf32>
        %and3A_1083 = arith.constant -65536 : i32
        %and3A_1084 = vector.broadcast %and3A_1083 : i32 to vector<16xi32>
        %and3A_1085 = arith.andi %get3A_1078, %and3A_1084 : vector<16xi32>
        %bitcast3A_1086 = vector.bitcast %and3A_1085 : vector<16xi32> to vector<16xf32>
        %add3A_1087 = arith.addf %add3A_1070, %bitcast3A_1082 : vector<16xf32>
        %add3A_1088 = arith.addf %add3A_1071, %bitcast3A_1086 : vector<16xf32>
        %add3A_1089 = arith.constant 11 : i32
        %add3A_1090 = arith.addi %mul3A_514, %add3A_1089 : i32
        %get3A_1091 = arith.constant 1 : i32
        %get3A_1092 = arith.index_cast %get3A_1091 : i32 to index
        %get3A_1093 = arith.index_cast %add3A_1090 : i32 to index
        %get3A_1094 = arith.constant 16 : index
        %get3A_1095 = tpu.vector_load %arg23[%get3A_1092, %get3A_1093, %get3A_1094] {strides = array<i32>} : memref<2x640x32xi32, #tpu.memory_space<vmem>>, vector<16xi32>,
        %shift_left3A_1096 = arith.constant 16 : i32
        %shift_left3A_1097 = vector.broadcast %shift_left3A_1096 : i32 to vector<16xi32>
        %shift_left3A_1098 = arith.shli %get3A_1095, %shift_left3A_1097 : vector<16xi32>
        %bitcast3A_1099 = vector.bitcast %shift_left3A_1098 : vector<16xi32> to vector<16xf32>
        %and3A_1100 = arith.constant -65536 : i32
        %and3A_1101 = vector.broadcast %and3A_1100 : i32 to vector<16xi32>
        %and3A_1102 = arith.andi %get3A_1095, %and3A_1101 : vector<16xi32>
        %bitcast3A_1103 = vector.bitcast %and3A_1102 : vector<16xi32> to vector<16xf32>
        %add3A_1104 = arith.addf %add3A_1087, %bitcast3A_1099 : vector<16xf32>
        %add3A_1105 = arith.addf %add3A_1088, %bitcast3A_1103 : vector<16xf32>
        %add3A_1106 = arith.constant 12 : i32
        %add3A_1107 = arith.addi %mul3A_514, %add3A_1106 : i32
        %get3A_1108 = arith.constant 1 : i32
        %get3A_1109 = arith.index_cast %get3A_1108 : i32 to index
        %get3A_1110 = arith.index_cast %add3A_1107 : i32 to index
        %get3A_1111 = arith.constant 16 : index
        %get3A_1112 = tpu.vector_load %arg23[%get3A_1109, %get3A_1110, %get3A_1111] {strides = array<i32>} : memref<2x640x32xi32, #tpu.memory_space<vmem>>, vector<16xi32>,
        %shift_left3A_1113 = arith.constant 16 : i32
        %shift_left3A_1114 = vector.broadcast %shift_left3A_1113 : i32 to vector<16xi32>
        %shift_left3A_1115 = arith.shli %get3A_1112, %shift_left3A_1114 : vector<16xi32>
        %bitcast3A_1116 = vector.bitcast %shift_left3A_1115 : vector<16xi32> to vector<16xf32>
        %and3A_1117 = arith.constant -65536 : i32
        %and3A_1118 = vector.broadcast %and3A_1117 : i32 to vector<16xi32>
        %and3A_1119 = arith.andi %get3A_1112, %and3A_1118 : vector<16xi32>
        %bitcast3A_1120 = vector.bitcast %and3A_1119 : vector<16xi32> to vector<16xf32>
        %add3A_1121 = arith.addf %add3A_1104, %bitcast3A_1116 : vector<16xf32>
        %add3A_1122 = arith.addf %add3A_1105, %bitcast3A_1120 : vector<16xf32>
        %add3A_1123 = arith.constant 13 : i32
        %add3A_1124 = arith.addi %mul3A_514, %add3A_1123 : i32
        %get3A_1125 = arith.constant 1 : i32
        %get3A_1126 = arith.index_cast %get3A_1125 : i32 to index
        %get3A_1127 = arith.index_cast %add3A_1124 : i32 to index
        %get3A_1128 = arith.constant 16 : index
        %get3A_1129 = tpu.vector_load %arg23[%get3A_1126, %get3A_1127, %get3A_1128] {strides = array<i32>} : memref<2x640x32xi32, #tpu.memory_space<vmem>>, vector<16xi32>,
        %shift_left3A_1130 = arith.constant 16 : i32
        %shift_left3A_1131 = vector.broadcast %shift_left3A_1130 : i32 to vector<16xi32>
        %shift_left3A_1132 = arith.shli %get3A_1129, %shift_left3A_1131 : vector<16xi32>
        %bitcast3A_1133 = vector.bitcast %shift_left3A_1132 : vector<16xi32> to vector<16xf32>
        %and3A_1134 = arith.constant -65536 : i32
        %and3A_1135 = vector.broadcast %and3A_1134 : i32 to vector<16xi32>
        %and3A_1136 = arith.andi %get3A_1129, %and3A_1135 : vector<16xi32>
        %bitcast3A_1137 = vector.bitcast %and3A_1136 : vector<16xi32> to vector<16xf32>
        %add3A_1138 = arith.addf %add3A_1121, %bitcast3A_1133 : vector<16xf32>
        %add3A_1139 = arith.addf %add3A_1122, %bitcast3A_1137 : vector<16xf32>
        %add3A_1140 = arith.constant 14 : i32
        %add3A_1141 = arith.addi %mul3A_514, %add3A_1140 : i32
        %get3A_1142 = arith.constant 1 : i32
        %get3A_1143 = arith.index_cast %get3A_1142 : i32 to index
        %get3A_1144 = arith.index_cast %add3A_1141 : i32 to index
        %get3A_1145 = arith.constant 16 : index
        %get3A_1146 = tpu.vector_load %arg23[%get3A_1143, %get3A_1144, %get3A_1145] {strides = array<i32>} : memref<2x640x32xi32, #tpu.memory_space<vmem>>, vector<16xi32>,
        %shift_left3A_1147 = arith.constant 16 : i32
        %shift_left3A_1148 = vector.broadcast %shift_left3A_1147 : i32 to vector<16xi32>
        %shift_left3A_1149 = arith.shli %get3A_1146, %shift_left3A_1148 : vector<16xi32>
        %bitcast3A_1150 = vector.bitcast %shift_left3A_1149 : vector<16xi32> to vector<16xf32>
        %and3A_1151 = arith.constant -65536 : i32
        %and3A_1152 = vector.broadcast %and3A_1151 : i32 to vector<16xi32>
        %and3A_1153 = arith.andi %get3A_1146, %and3A_1152 : vector<16xi32>
        %bitcast3A_1154 = vector.bitcast %and3A_1153 : vector<16xi32> to vector<16xf32>
        %add3A_1155 = arith.addf %add3A_1138, %bitcast3A_1150 : vector<16xf32>
        %add3A_1156 = arith.addf %add3A_1139, %bitcast3A_1154 : vector<16xf32>
        %add3A_1157 = arith.constant 15 : i32
        %add3A_1158 = arith.addi %mul3A_514, %add3A_1157 : i32
        %get3A_1159 = arith.constant 1 : i32
        %get3A_1160 = arith.index_cast %get3A_1159 : i32 to index
        %get3A_1161 = arith.index_cast %add3A_1158 : i32 to index
        %get3A_1162 = arith.constant 16 : index
        %get3A_1163 = tpu.vector_load %arg23[%get3A_1160, %get3A_1161, %get3A_1162] {strides = array<i32>} : memref<2x640x32xi32, #tpu.memory_space<vmem>>, vector<16xi32>,
        %shift_left3A_1164 = arith.constant 16 : i32
        %shift_left3A_1165 = vector.broadcast %shift_left3A_1164 : i32 to vector<16xi32>
        %shift_left3A_1166 = arith.shli %get3A_1163, %shift_left3A_1165 : vector<16xi32>
        %bitcast3A_1167 = vector.bitcast %shift_left3A_1166 : vector<16xi32> to vector<16xf32>
        %and3A_1168 = arith.constant -65536 : i32
        %and3A_1169 = vector.broadcast %and3A_1168 : i32 to vector<16xi32>
        %and3A_1170 = arith.andi %get3A_1163, %and3A_1169 : vector<16xi32>
        %bitcast3A_1171 = vector.bitcast %and3A_1170 : vector<16xi32> to vector<16xf32>
        %add3A_1172 = arith.addf %add3A_1155, %bitcast3A_1167 : vector<16xf32>
        %add3A_1173 = arith.addf %add3A_1156, %bitcast3A_1171 : vector<16xf32>
        %add3A_1174 = arith.constant 16 : i32
        %add3A_1175 = arith.addi %mul3A_514, %add3A_1174 : i32
        %get3A_1176 = arith.constant 1 : i32
        %get3A_1177 = arith.index_cast %get3A_1176 : i32 to index
        %get3A_1178 = arith.index_cast %add3A_1175 : i32 to index
        %get3A_1179 = arith.constant 16 : index
        %get3A_1180 = tpu.vector_load %arg23[%get3A_1177, %get3A_1178, %get3A_1179] {strides = array<i32>} : memref<2x640x32xi32, #tpu.memory_space<vmem>>, vector<16xi32>,
        %shift_left3A_1181 = arith.constant 16 : i32
        %shift_left3A_1182 = vector.broadcast %shift_left3A_1181 : i32 to vector<16xi32>
        %shift_left3A_1183 = arith.shli %get3A_1180, %shift_left3A_1182 : vector<16xi32>
        %bitcast3A_1184 = vector.bitcast %shift_left3A_1183 : vector<16xi32> to vector<16xf32>
        %and3A_1185 = arith.constant -65536 : i32
        %and3A_1186 = vector.broadcast %and3A_1185 : i32 to vector<16xi32>
        %and3A_1187 = arith.andi %get3A_1180, %and3A_1186 : vector<16xi32>
        %bitcast3A_1188 = vector.bitcast %and3A_1187 : vector<16xi32> to vector<16xf32>
        %add3A_1189 = arith.addf %add3A_1172, %bitcast3A_1184 : vector<16xf32>
        %add3A_1190 = arith.addf %add3A_1173, %bitcast3A_1188 : vector<16xf32>
        %add3A_1191 = arith.constant 17 : i32
        %add3A_1192 = arith.addi %mul3A_514, %add3A_1191 : i32
        %get3A_1193 = arith.constant 1 : i32
        %get3A_1194 = arith.index_cast %get3A_1193 : i32 to index
        %get3A_1195 = arith.index_cast %add3A_1192 : i32 to index
        %get3A_1196 = arith.constant 16 : index
        %get3A_1197 = tpu.vector_load %arg23[%get3A_1194, %get3A_1195, %get3A_1196] {strides = array<i32>} : memref<2x640x32xi32, #tpu.memory_space<vmem>>, vector<16xi32>,
        %shift_left3A_1198 = arith.constant 16 : i32
        %shift_left3A_1199 = vector.broadcast %shift_left3A_1198 : i32 to vector<16xi32>
        %shift_left3A_1200 = arith.shli %get3A_1197, %shift_left3A_1199 : vector<16xi32>
        %bitcast3A_1201 = vector.bitcast %shift_left3A_1200 : vector<16xi32> to vector<16xf32>
        %and3A_1202 = arith.constant -65536 : i32
        %and3A_1203 = vector.broadcast %and3A_1202 : i32 to vector<16xi32>
        %and3A_1204 = arith.andi %get3A_1197, %and3A_1203 : vector<16xi32>
        %bitcast3A_1205 = vector.bitcast %and3A_1204 : vector<16xi32> to vector<16xf32>
        %add3A_1206 = arith.addf %add3A_1189, %bitcast3A_1201 : vector<16xf32>
        %add3A_1207 = arith.addf %add3A_1190, %bitcast3A_1205 : vector<16xf32>
        %add3A_1208 = arith.constant 18 : i32
        %add3A_1209 = arith.addi %mul3A_514, %add3A_1208 : i32
        %get3A_1210 = arith.constant 1 : i32
        %get3A_1211 = arith.index_cast %get3A_1210 : i32 to index
        %get3A_1212 = arith.index_cast %add3A_1209 : i32 to index
        %get3A_1213 = arith.constant 16 : index
        %get3A_1214 = tpu.vector_load %arg23[%get3A_1211, %get3A_1212, %get3A_1213] {strides = array<i32>} : memref<2x640x32xi32, #tpu.memory_space<vmem>>, vector<16xi32>,
        %shift_left3A_1215 = arith.constant 16 : i32
        %shift_left3A_1216 = vector.broadcast %shift_left3A_1215 : i32 to vector<16xi32>
        %shift_left3A_1217 = arith.shli %get3A_1214, %shift_left3A_1216 : vector<16xi32>
        %bitcast3A_1218 = vector.bitcast %shift_left3A_1217 : vector<16xi32> to vector<16xf32>
        %and3A_1219 = arith.constant -65536 : i32
        %and3A_1220 = vector.broadcast %and3A_1219 : i32 to vector<16xi32>
        %and3A_1221 = arith.andi %get3A_1214, %and3A_1220 : vector<16xi32>
        %bitcast3A_1222 = vector.bitcast %and3A_1221 : vector<16xi32> to vector<16xf32>
        %add3A_1223 = arith.addf %add3A_1206, %bitcast3A_1218 : vector<16xf32>
        %add3A_1224 = arith.addf %add3A_1207, %bitcast3A_1222 : vector<16xf32>
        %add3A_1225 = arith.constant 19 : i32
        %add3A_1226 = arith.addi %mul3A_514, %add3A_1225 : i32
        %get3A_1227 = arith.constant 1 : i32
        %get3A_1228 = arith.index_cast %get3A_1227 : i32 to index
        %get3A_1229 = arith.index_cast %add3A_1226 : i32 to index
        %get3A_1230 = arith.constant 16 : index
        %get3A_1231 = tpu.vector_load %arg23[%get3A_1228, %get3A_1229, %get3A_1230] {strides = array<i32>} : memref<2x640x32xi32, #tpu.memory_space<vmem>>, vector<16xi32>,
        %shift_left3A_1232 = arith.constant 16 : i32
        %shift_left3A_1233 = vector.broadcast %shift_left3A_1232 : i32 to vector<16xi32>
        %shift_left3A_1234 = arith.shli %get3A_1231, %shift_left3A_1233 : vector<16xi32>
        %bitcast3A_1235 = vector.bitcast %shift_left3A_1234 : vector<16xi32> to vector<16xf32>
        %and3A_1236 = arith.constant -65536 : i32
        %and3A_1237 = vector.broadcast %and3A_1236 : i32 to vector<16xi32>
        %and3A_1238 = arith.andi %get3A_1231, %and3A_1237 : vector<16xi32>
        %bitcast3A_1239 = vector.bitcast %and3A_1238 : vector<16xi32> to vector<16xf32>
        %add3A_1240 = arith.addf %add3A_1223, %bitcast3A_1235 : vector<16xf32>
        %add3A_1241 = arith.addf %add3A_1224, %bitcast3A_1239 : vector<16xf32>
        %get3A_1242 = arith.constant 1 : i32
        %get3A_1243 = arith.index_cast %get3A_1242 : i32 to index
        %get3A_1244 = arith.index_cast %scan3A_512 : i32 to index
        %get3A_1245 = arith.constant 16 : index
        %get3A_1246 = tpu.vector_load %arg24[%get3A_1243, %get3A_1244, %get3A_1245] {strides = array<i32>} : memref<2x32x32xi32, #tpu.memory_space<vmem>>, vector<16xi32>,
        %shift_left3A_1247 = arith.constant 16 : i32
        %shift_left3A_1248 = vector.broadcast %shift_left3A_1247 : i32 to vector<16xi32>
        %shift_left3A_1249 = arith.shli %get3A_1246, %shift_left3A_1248 : vector<16xi32>
        %bitcast3A_1250 = vector.bitcast %shift_left3A_1249 : vector<16xi32> to vector<16xf32>
        %and3A_1251 = arith.constant -65536 : i32
        %and3A_1252 = vector.broadcast %and3A_1251 : i32 to vector<16xi32>
        %and3A_1253 = arith.andi %get3A_1246, %and3A_1252 : vector<16xi32>
        %bitcast3A_1254 = vector.bitcast %and3A_1253 : vector<16xi32> to vector<16xf32>
        %get3A_1255 = arith.constant 1 : i32
        %get3A_1256 = arith.index_cast %get3A_1255 : i32 to index
        %get3A_1257 = arith.index_cast %scan3A_512 : i32 to index
        %get3A_1258 = arith.constant 16 : index
        %get3A_1259 = tpu.vector_load %arg25[%get3A_1256, %get3A_1257, %get3A_1258] {strides = array<i32>} : memref<2x32x32xi32, #tpu.memory_space<vmem>>, vector<16xi32>,
        %shift_left3A_1260 = arith.constant 16 : i32
        %shift_left3A_1261 = vector.broadcast %shift_left3A_1260 : i32 to vector<16xi32>
        %shift_left3A_1262 = arith.shli %get3A_1259, %shift_left3A_1261 : vector<16xi32>
        %bitcast3A_1263 = vector.bitcast %shift_left3A_1262 : vector<16xi32> to vector<16xf32>
        %and3A_1264 = arith.constant -65536 : i32
        %and3A_1265 = vector.broadcast %and3A_1264 : i32 to vector<16xi32>
        %and3A_1266 = arith.andi %get3A_1259, %and3A_1265 : vector<16xi32>
        %bitcast3A_1267 = vector.bitcast %and3A_1266 : vector<16xi32> to vector<16xf32>
        %mul3A_1268 = arith.constant 5.000000e-02 : f32
        %mul3A_1269 = vector.broadcast %mul3A_1268 : f32 to vector<16xf32>
        %mul3A_1270 = arith.mulf %add3A_1240, %mul3A_1269 : vector<16xf32>
        %add3A_1271 = arith.addf %mul3A_1270, %bitcast3A_1250 : vector<16xf32>
        %add3A_1272 = arith.addf %add3A_1271, %bitcast3A_1263 : vector<16xf32>
        %swap3A_1273 = arith.constant 1 : i32
        %swap3A_1274 = arith.index_cast %swap3A_1273 : i32 to index
        %swap3A_1275 = arith.index_cast %scan3A_512 : i32 to index
        %swap3A_1276 = arith.constant 16 : index
        %swap3A_1277 = tpu.vector_load %arg26[%swap3A_1274, %swap3A_1275, %swap3A_1276] {strides = array<i32>} : memref<2x32x128xf32, #tpu.memory_space<vmem>>, vector<16xf32>,
        tpu.vector_store %arg26[%swap3A_1274, %swap3A_1275, %swap3A_1276], %add3A_1272 {strides = array<i32>} : memref<2x32x128xf32, #tpu.memory_space<vmem>>, vector<16xf32>,
        %mul3A_1278 = arith.constant 5.000000e-02 : f32
        %mul3A_1279 = vector.broadcast %mul3A_1278 : f32 to vector<16xf32>
        %mul3A_1280 = arith.mulf %add3A_1241, %mul3A_1279 : vector<16xf32>
        %add3A_1281 = arith.addf %mul3A_1280, %bitcast3A_1254 : vector<16xf32>
        %add3A_1282 = arith.addf %add3A_1281, %bitcast3A_1267 : vector<16xf32>
        %swap3A_1283 = arith.constant 1 : i32
        %swap3A_1284 = arith.index_cast %swap3A_1283 : i32 to index
        %swap3A_1285 = arith.index_cast %scan3A_512 : i32 to index
        %swap3A_1286 = arith.constant 48 : index
        %swap3A_1287 = tpu.vector_load %arg26[%swap3A_1284, %swap3A_1285, %swap3A_1286] {strides = array<i32>} : memref<2x32x128xf32, #tpu.memory_space<vmem>>, vector<16xf32>,
        tpu.vector_store %arg26[%swap3A_1284, %swap3A_1285, %swap3A_1286], %add3A_1282 {strides = array<i32>} : memref<2x32x128xf32, #tpu.memory_space<vmem>>, vector<16xf32>,
        %get3A_1288 = arith.index_cast %squeeze3A : i32 to index
        %get3A_1289 = arith.constant 0 : index
        %get3A_1290 = tpu.vector_load %arg21[%get3A_1288, %get3A_1289] {strides = array<i32>} : memref<102x64xf32, #tpu.memory_space<vmem>>, vector<16xf32>,
        %swap3A_1291 = arith.constant 1 : i32
        %swap3A_1292 = arith.index_cast %swap3A_1291 : i32 to index
        %swap3A_1293 = arith.index_cast %scan3A_512 : i32 to index
        %swap3A_1294 = arith.constant 64 : index
        %swap3A_1295 = tpu.vector_load %arg26[%swap3A_1292, %swap3A_1293, %swap3A_1294] {strides = array<i32>} : memref<2x32x128xf32, #tpu.memory_space<vmem>>, vector<16xf32>,
        tpu.vector_store %arg26[%swap3A_1292, %swap3A_1293, %swap3A_1294], %get3A_1290 {strides = array<i32>} : memref<2x32x128xf32, #tpu.memory_space<vmem>>, vector<16xf32>,
        %add3A_1296 = arith.constant 1 : i32
        %add3A_1297 = arith.addi %add3A_1296, %squeeze3A_523 : i32
        %get3A_1298 = arith.index_cast %add3A_1297 : i32 to index
        %get3A_1299 = arith.constant 0 : index
        %get3A_1300 = tpu.vector_load %arg22[%get3A_1298, %get3A_1299] {strides = array<i32>} : memref<33x64xf32, #tpu.memory_space<vmem>>, vector<16xf32>,
        %mul3A_1301 = vector.broadcast %squeeze3A_527 : f32 to vector<16xf32>
        %mul3A_1302 = arith.mulf %mul3A_1301, %get3A_131 : vector<16xf32>
        %add3A_1303 = arith.addf %get3A_1300, %mul3A_1302 : vector<16xf32>
        %swap3A_1304 = arith.constant 1 : i32
        %swap3A_1305 = arith.index_cast %swap3A_1304 : i32 to index
        %swap3A_1306 = arith.index_cast %scan3A_512 : i32 to index
        %swap3A_1307 = arith.constant 0 : index
        %swap3A_1308 = tpu.vector_load %arg27[%swap3A_1305, %swap3A_1306, %swap3A_1307] {strides = array<i32>} : memref<2x32x128xf32, #tpu.memory_space<vmem>>, vector<16xf32>,
        tpu.vector_store %arg27[%swap3A_1305, %swap3A_1306, %swap3A_1307], %add3A_1303 {strides = array<i32>} : memref<2x32x128xf32, #tpu.memory_space<vmem>>, vector<16xf32>,
        %get3A_1309 = arith.index_cast %squeeze3A : i32 to index
        %get3A_1310 = arith.constant 16 : index
        %get3A_1311 = tpu.vector_load %arg21[%get3A_1309, %get3A_1310] {strides = array<i32>} : memref<102x64xf32, #tpu.memory_space<vmem>>, vector<16xf32>,
        %swap3A_1312 = arith.constant 1 : i32
        %swap3A_1313 = arith.index_cast %swap3A_1312 : i32 to index
        %swap3A_1314 = arith.index_cast %scan3A_512 : i32 to index
        %swap3A_1315 = arith.constant 80 : index
        %swap3A_1316 = tpu.vector_load %arg26[%swap3A_1313, %swap3A_1314, %swap3A_1315] {strides = array<i32>} : memref<2x32x128xf32, #tpu.memory_space<vmem>>, vector<16xf32>,
        tpu.vector_store %arg26[%swap3A_1313, %swap3A_1314, %swap3A_1315], %get3A_1311 {strides = array<i32>} : memref<2x32x128xf32, #tpu.memory_space<vmem>>, vector<16xf32>,
        %add3A_1317 = arith.constant 1 : i32
        %add3A_1318 = arith.addi %add3A_1317, %squeeze3A_523 : i32
        %get3A_1319 = arith.index_cast %add3A_1318 : i32 to index
        %get3A_1320 = arith.constant 16 : index
        %get3A_1321 = tpu.vector_load %arg22[%get3A_1319, %get3A_1320] {strides = array<i32>} : memref<33x64xf32, #tpu.memory_space<vmem>>, vector<16xf32>,
        %mul3A_1322 = vector.broadcast %squeeze3A_527 : f32 to vector<16xf32>
        %mul3A_1323 = arith.mulf %mul3A_1322, %get3A_135 : vector<16xf32>
        %add3A_1324 = arith.addf %get3A_1321, %mul3A_1323 : vector<16xf32>
        %swap3A_1325 = arith.constant 1 : i32
        %swap3A_1326 = arith.index_cast %swap3A_1325 : i32 to index
        %swap3A_1327 = arith.index_cast %scan3A_512 : i32 to index
        %swap3A_1328 = arith.constant 16 : index
        %swap3A_1329 = tpu.vector_load %arg27[%swap3A_1326, %swap3A_1327, %swap3A_1328] {strides = array<i32>} : memref<2x32x128xf32, #tpu.memory_space<vmem>>, vector<16xf32>,
        tpu.vector_store %arg27[%swap3A_1326, %swap3A_1327, %swap3A_1328], %add3A_1324 {strides = array<i32>} : memref<2x32x128xf32, #tpu.memory_space<vmem>>, vector<16xf32>,
        %get3A_1330 = arith.index_cast %squeeze3A : i32 to index
        %get3A_1331 = arith.constant 32 : index
        %get3A_1332 = tpu.vector_load %arg21[%get3A_1330, %get3A_1331] {strides = array<i32>} : memref<102x64xf32, #tpu.memory_space<vmem>>, vector<16xf32>,
        %swap3A_1333 = arith.constant 1 : i32
        %swap3A_1334 = arith.index_cast %swap3A_1333 : i32 to index
        %swap3A_1335 = arith.index_cast %scan3A_512 : i32 to index
        %swap3A_1336 = arith.constant 96 : index
        %swap3A_1337 = tpu.vector_load %arg26[%swap3A_1334, %swap3A_1335, %swap3A_1336] {strides = array<i32>} : memref<2x32x128xf32, #tpu.memory_space<vmem>>, vector<16xf32>,
        tpu.vector_store %arg26[%swap3A_1334, %swap3A_1335, %swap3A_1336], %get3A_1332 {strides = array<i32>} : memref<2x32x128xf32, #tpu.memory_space<vmem>>, vector<16xf32>,
        %add3A_1338 = arith.constant 1 : i32
        %add3A_1339 = arith.addi %add3A_1338, %squeeze3A_523 : i32
        %get3A_1340 = arith.index_cast %add3A_1339 : i32 to index
        %get3A_1341 = arith.constant 32 : index
        %get3A_1342 = tpu.vector_load %arg22[%get3A_1340, %get3A_1341] {strides = array<i32>} : memref<33x64xf32, #tpu.memory_space<vmem>>, vector<16xf32>,
        %mul3A_1343 = vector.broadcast %squeeze3A_527 : f32 to vector<16xf32>
        %mul3A_1344 = arith.mulf %mul3A_1343, %get3A_139 : vector<16xf32>
        %add3A_1345 = arith.addf %get3A_1342, %mul3A_1344 : vector<16xf32>
        %swap3A_1346 = arith.constant 1 : i32
        %swap3A_1347 = arith.index_cast %swap3A_1346 : i32 to index
        %swap3A_1348 = arith.index_cast %scan3A_512 : i32 to index
        %swap3A_1349 = arith.constant 32 : index
        %swap3A_1350 = tpu.vector_load %arg27[%swap3A_1347, %swap3A_1348, %swap3A_1349] {strides = array<i32>} : memref<2x32x128xf32, #tpu.memory_space<vmem>>, vector<16xf32>,
        tpu.vector_store %arg27[%swap3A_1347, %swap3A_1348, %swap3A_1349], %add3A_1345 {strides = array<i32>} : memref<2x32x128xf32, #tpu.memory_space<vmem>>, vector<16xf32>,
        %get3A_1351 = arith.index_cast %squeeze3A : i32 to index
        %get3A_1352 = arith.constant 48 : index
        %get3A_1353 = tpu.vector_load %arg21[%get3A_1351, %get3A_1352] {strides = array<i32>} : memref<102x64xf32, #tpu.memory_space<vmem>>, vector<16xf32>,
        %swap3A_1354 = arith.constant 1 : i32
        %swap3A_1355 = arith.index_cast %swap3A_1354 : i32 to index
        %swap3A_1356 = arith.index_cast %scan3A_512 : i32 to index
        %swap3A_1357 = arith.constant 112 : index
        %swap3A_1358 = tpu.vector_load %arg26[%swap3A_1355, %swap3A_1356, %swap3A_1357] {strides = array<i32>} : memref<2x32x128xf32, #tpu.memory_space<vmem>>, vector<16xf32>,
        tpu.vector_store %arg26[%swap3A_1355, %swap3A_1356, %swap3A_1357], %get3A_1353 {strides = array<i32>} : memref<2x32x128xf32, #tpu.memory_space<vmem>>, vector<16xf32>,
        %add3A_1359 = arith.constant 1 : i32
        %add3A_1360 = arith.addi %add3A_1359, %squeeze3A_523 : i32
        %get3A_1361 = arith.index_cast %add3A_1360 : i32 to index
        %get3A_1362 = arith.constant 48 : index
        %get3A_1363 = tpu.vector_load %arg22[%get3A_1361, %get3A_1362] {strides = array<i32>} : memref<33x64xf32, #tpu.memory_space<vmem>>, vector<16xf32>,
        %mul3A_1364 = vector.broadcast %squeeze3A_527 : f32 to vector<16xf32>
        %mul3A_1365 = arith.mulf %mul3A_1364, %get3A_143 : vector<16xf32>
        %add3A_1366 = arith.addf %get3A_1363, %mul3A_1365 : vector<16xf32>
        %swap3A_1367 = arith.constant 1 : i32
        %swap3A_1368 = arith.index_cast %swap3A_1367 : i32 to index
        %swap3A_1369 = arith.index_cast %scan3A_512 : i32 to index
        %swap3A_1370 = arith.constant 48 : index
        %swap3A_1371 = tpu.vector_load %arg27[%swap3A_1368, %swap3A_1369, %swap3A_1370] {strides = array<i32>} : memref<2x32x128xf32, #tpu.memory_space<vmem>>, vector<16xf32>,
        tpu.vector_store %arg27[%swap3A_1368, %swap3A_1369, %swap3A_1370], %add3A_1366 {strides = array<i32>} : memref<2x32x128xf32, #tpu.memory_space<vmem>>, vector<16xf32>,
      }
      %scan3A_479 = arith.constant 32 : i32
      %mul3A_480 = arith.constant 32 : i32
      %mul3A_481 = arith.muli %add3A_358, %mul3A_480 : i32
      %add3A_482 = arith.addi %mul3A_2, %mul3A_481 : i32
      %dma_start3A_483 = arith.constant 1 : i32
      %dma_start3A_484 = arith.constant 0 : i32
      %dma_start3A_485 = arith.constant 0 : i32
      %dma_start3A_486 = tpu.memref_slice %arg26[%dma_start3A_483, %dma_start3A_484, %dma_start3A_485] : memref<2x32x128xf32, #tpu.memory_space<vmem>> -> memref<1x32x128xf32, #tpu.memory_space<vmem>>
      %dma_start3A_487 = tpu.memref_squeeze %dma_start3A_486 : memref<1x32x128xf32, #tpu.memory_space<vmem>> -> memref<32x128xf32, #tpu.memory_space<vmem>>
      %dma_start3A_488 = arith.constant 0 : i32
      %dma_start3A_489 = tpu.memref_slice %arg13[%add3A_482, %dma_start3A_488] : memref<51200x128xf32, #tpu.memory_space<hbm>> -> memref<32x128xf32, #tpu.memory_space<hbm>>
      %dma_start3A_490 = arith.constant 0 : i32
      %dma_start3A_491 = tpu.memref_slice %arg13[%add3A_482, %dma_start3A_490] : memref<51200x128xf32, #tpu.memory_space<hbm>> -> memref<32x128xf32, #tpu.memory_space<hbm>>
      %dma_start3A_492 = arith.constant 0 : i32
      %dma_start3A_493 = arith.constant 0 : i32
      %dma_start3A_494 = tpu.memref_slice %arg26[%dma_start3A_483, %dma_start3A_492, %dma_start3A_493] : memref<2x32x128xf32, #tpu.memory_space<vmem>> -> memref<1x32x128xf32, #tpu.memory_space<vmem>>
      %dma_start3A_495 = tpu.memref_squeeze %dma_start3A_494 : memref<1x32x128xf32, #tpu.memory_space<vmem>> -> memref<32x128xf32, #tpu.memory_space<vmem>>
      tpu.enqueue_dma source(%dma_start3A_495 : memref<32x128xf32, #tpu.memory_space<vmem>>) target(%dma_start3A_491 : memref<32x128xf32, #tpu.memory_space<hbm>>) target_semaphore(%arg30 : memref<!tpu.dma_semaphore, #tpu.memory_space<semaphore_mem>>)
      %mul3A_496 = arith.constant 32 : i32
      %mul3A_497 = arith.muli %add3A_358, %mul3A_496 : i32
      %add3A_498 = arith.addi %mul3A_2, %mul3A_497 : i32
      %dma_start3A_499 = arith.constant 1 : i32
      %dma_start3A_500 = arith.constant 0 : i32
      %dma_start3A_501 = arith.constant 0 : i32
      %dma_start3A_502 = tpu.memref_slice %arg27[%dma_start3A_499, %dma_start3A_500, %dma_start3A_501] : memref<2x32x128xf32, #tpu.memory_space<vmem>> -> memref<1x32x128xf32, #tpu.memory_space<vmem>>
      %dma_start3A_503 = tpu.memref_squeeze %dma_start3A_502 : memref<1x32x128xf32, #tpu.memory_space<vmem>> -> memref<32x128xf32, #tpu.memory_space<vmem>>
      %dma_start3A_504 = arith.constant 0 : i32
      %dma_start3A_505 = tpu.memref_slice %arg14[%add3A_498, %dma_start3A_504] : memref<51200x128xf32, #tpu.memory_space<hbm>> -> memref<32x128xf32, #tpu.memory_space<hbm>>
      %dma_start3A_506 = arith.constant 0 : i32
      %dma_start3A_507 = tpu.memref_slice %arg14[%add3A_498, %dma_start3A_506] : memref<51200x128xf32, #tpu.memory_space<hbm>> -> memref<32x128xf32, #tpu.memory_space<hbm>>
      %dma_start3A_508 = arith.constant 0 : i32
      %dma_start3A_509 = arith.constant 0 : i32
      %dma_start3A_510 = tpu.memref_slice %arg27[%dma_start3A_499, %dma_start3A_508, %dma_start3A_509] : memref<2x32x128xf32, #tpu.memory_space<vmem>> -> memref<1x32x128xf32, #tpu.memory_space<vmem>>
      %dma_start3A_511 = tpu.memref_squeeze %dma_start3A_510 : memref<1x32x128xf32, #tpu.memory_space<vmem>> -> memref<32x128xf32, #tpu.memory_space<vmem>>
      tpu.enqueue_dma source(%dma_start3A_511 : memref<32x128xf32, #tpu.memory_space<vmem>>) target(%dma_start3A_507 : memref<32x128xf32, #tpu.memory_space<hbm>>) target_semaphore(%arg30 : memref<!tpu.dma_semaphore, #tpu.memory_space<semaphore_mem>>)
    }
    %scan3A_149 = arith.constant 25 : i32
    %dma_wait3A = arith.constant 0 : i32
    %dma_wait3A_150 = arith.constant 0 : i32
    %dma_wait3A_151 = arith.constant 0 : i32
    %dma_wait3A_152 = tpu.memref_slice %arg26[%dma_wait3A, %dma_wait3A_150, %dma_wait3A_151] : memref<2x32x128xf32, #tpu.memory_space<vmem>> -> memref<1x32x128xf32, #tpu.memory_space<vmem>>
    %dma_wait3A_153 = tpu.memref_squeeze %dma_wait3A_152 : memref<1x32x128xf32, #tpu.memory_space<vmem>> -> memref<32x128xf32, #tpu.memory_space<vmem>>
    %dma_wait3A_154 = arith.constant 0 : i32
    %dma_wait3A_155 = tpu.memref_slice %arg13[%mul3A_2, %dma_wait3A_154] : memref<51200x128xf32, #tpu.memory_space<hbm>> -> memref<32x128xf32, #tpu.memory_space<hbm>>
    %dma_wait3A_156 = arith.constant 0 : i32
    %dma_wait3A_157 = tpu.memref_slice %arg13[%mul3A_2, %dma_wait3A_156] : memref<51200x128xf32, #tpu.memory_space<hbm>> -> memref<32x128xf32, #tpu.memory_space<hbm>>
    %dma_wait3A_158 = arith.constant 0 : i32
    %dma_wait3A_159 = arith.constant 0 : i32
    %dma_wait3A_160 = tpu.memref_slice %arg26[%dma_wait3A, %dma_wait3A_158, %dma_wait3A_159] : memref<2x32x128xf32, #tpu.memory_space<vmem>> -> memref<1x32x128xf32, #tpu.memory_space<vmem>>
    %dma_wait3A_161 = tpu.memref_squeeze %dma_wait3A_160 : memref<1x32x128xf32, #tpu.memory_space<vmem>> -> memref<32x128xf32, #tpu.memory_space<vmem>>
    tpu.wait_dma2 semaphore(%arg30 : memref<!tpu.dma_semaphore, #tpu.memory_space<semaphore_mem>>) src(%dma_wait3A_161 : memref<32x128xf32, #tpu.memory_space<vmem>>) dst(%dma_wait3A_157 : memref<32x128xf32, #tpu.memory_space<hbm>>)
    %dma_wait3A_162 = arith.constant 0 : i32
    %dma_wait3A_163 = arith.constant 0 : i32
    %dma_wait3A_164 = arith.constant 0 : i32
    %dma_wait3A_165 = tpu.memref_slice %arg27[%dma_wait3A_162, %dma_wait3A_163, %dma_wait3A_164] : memref<2x32x128xf32, #tpu.memory_space<vmem>> -> memref<1x32x128xf32, #tpu.memory_space<vmem>>
    %dma_wait3A_166 = tpu.memref_squeeze %dma_wait3A_165 : memref<1x32x128xf32, #tpu.memory_space<vmem>> -> memref<32x128xf32, #tpu.memory_space<vmem>>
    %dma_wait3A_167 = arith.constant 0 : i32
    %dma_wait3A_168 = tpu.memref_slice %arg14[%mul3A_2, %dma_wait3A_167] : memref<51200x128xf32, #tpu.memory_space<hbm>> -> memref<32x128xf32, #tpu.memory_space<hbm>>
    %dma_wait3A_169 = arith.constant 0 : i32
    %dma_wait3A_170 = tpu.memref_slice %arg14[%mul3A_2, %dma_wait3A_169] : memref<51200x128xf32, #tpu.memory_space<hbm>> -> memref<32x128xf32, #tpu.memory_space<hbm>>
    %dma_wait3A_171 = arith.constant 0 : i32
    %dma_wait3A_172 = arith.constant 0 : i32
    %dma_wait3A_173 = tpu.memref_slice %arg27[%dma_wait3A_162, %dma_wait3A_171, %dma_wait3A_172] : memref<2x32x128xf32, #tpu.memory_space<vmem>> -> memref<1x32x128xf32, #tpu.memory_space<vmem>>
    %dma_wait3A_174 = tpu.memref_squeeze %dma_wait3A_173 : memref<1x32x128xf32, #tpu.memory_space<vmem>> -> memref<32x128xf32, #tpu.memory_space<vmem>>
    tpu.wait_dma2 semaphore(%arg30 : memref<!tpu.dma_semaphore, #tpu.memory_space<semaphore_mem>>) src(%dma_wait3A_174 : memref<32x128xf32, #tpu.memory_space<vmem>>) dst(%dma_wait3A_170 : memref<32x128xf32, #tpu.memory_space<hbm>>)
    %dma_wait3A_175 = arith.constant 0 : i32
    %dma_wait3A_176 = arith.constant 0 : i32
    %dma_wait3A_177 = arith.constant 0 : i32
    %dma_wait3A_178 = tpu.memref_slice %arg26[%dma_wait3A_175, %dma_wait3A_176, %dma_wait3A_177] : memref<2x32x128xf32, #tpu.memory_space<vmem>> -> memref<1x32x128xf32, #tpu.memory_space<vmem>>
    %dma_wait3A_179 = tpu.memref_squeeze %dma_wait3A_178 : memref<1x32x128xf32, #tpu.memory_space<vmem>> -> memref<32x128xf32, #tpu.memory_space<vmem>>
    %dma_wait3A_180 = arith.constant 0 : i32
    %dma_wait3A_181 = tpu.memref_slice %arg13[%mul3A_2, %dma_wait3A_180] : memref<51200x128xf32, #tpu.memory_space<hbm>> -> memref<32x128xf32, #tpu.memory_space<hbm>>
    %dma_wait3A_182 = arith.constant 0 : i32
    %dma_wait3A_183 = tpu.memref_slice %arg13[%mul3A_2, %dma_wait3A_182] : memref<51200x128xf32, #tpu.memory_space<hbm>> -> memref<32x128xf32, #tpu.memory_space<hbm>>
    %dma_wait3A_184 = arith.constant 0 : i32
    %dma_wait3A_185 = arith.constant 0 : i32
    %dma_wait3A_186 = tpu.memref_slice %arg26[%dma_wait3A_175, %dma_wait3A_184, %dma_wait3A_185] : memref<2x32x128xf32, #tpu.memory_space<vmem>> -> memref<1x32x128xf32, #tpu.memory_space<vmem>>
    %dma_wait3A_187 = tpu.memref_squeeze %dma_wait3A_186 : memref<1x32x128xf32, #tpu.memory_space<vmem>> -> memref<32x128xf32, #tpu.memory_space<vmem>>
    tpu.wait_dma2 semaphore(%arg30 : memref<!tpu.dma_semaphore, #tpu.memory_space<semaphore_mem>>) src(%dma_wait3A_187 : memref<32x128xf32, #tpu.memory_space<vmem>>) dst(%dma_wait3A_183 : memref<32x128xf32, #tpu.memory_space<hbm>>)
    %dma_wait3A_188 = arith.constant 0 : i32
    %dma_wait3A_189 = arith.constant 0 : i32
    %dma_wait3A_190 = arith.constant 0 : i32
    %dma_wait3A_191 = tpu.memref_slice %arg27[%dma_wait3A_188, %dma_wait3A_189, %dma_wait3A_190] : memref<2x32x128xf32, #tpu.memory_space<vmem>> -> memref<1x32x128xf32, #tpu.memory_space<vmem>>
    %dma_wait3A_192 = tpu.memref_squeeze %dma_wait3A_191 : memref<1x32x128xf32, #tpu.memory_space<vmem>> -> memref<32x128xf32, #tpu.memory_space<vmem>>
    %dma_wait3A_193 = arith.constant 0 : i32
    %dma_wait3A_194 = tpu.memref_slice %arg14[%mul3A_2, %dma_wait3A_193] : memref<51200x128xf32, #tpu.memory_space<hbm>> -> memref<32x128xf32, #tpu.memory_space<hbm>>
    %dma_wait3A_195 = arith.constant 0 : i32
    %dma_wait3A_196 = tpu.memref_slice %arg14[%mul3A_2, %dma_wait3A_195] : memref<51200x128xf32, #tpu.memory_space<hbm>> -> memref<32x128xf32, #tpu.memory_space<hbm>>
    %dma_wait3A_197 = arith.constant 0 : i32
    %dma_wait3A_198 = arith.constant 0 : i32
    %dma_wait3A_199 = tpu.memref_slice %arg27[%dma_wait3A_188, %dma_wait3A_197, %dma_wait3A_198] : memref<2x32x128xf32, #tpu.memory_space<vmem>> -> memref<1x32x128xf32, #tpu.memory_space<vmem>>
    %dma_wait3A_200 = tpu.memref_squeeze %dma_wait3A_199 : memref<1x32x128xf32, #tpu.memory_space<vmem>> -> memref<32x128xf32, #tpu.memory_space<vmem>>
    tpu.wait_dma2 semaphore(%arg30 : memref<!tpu.dma_semaphore, #tpu.memory_space<semaphore_mem>>) src(%dma_wait3A_200 : memref<32x128xf32, #tpu.memory_space<vmem>>) dst(%dma_wait3A_196 : memref<32x128xf32, #tpu.memory_space<hbm>>)
    return
  }
}

</mosaic_0001>

<sc_bundles>
// kernel: _sc_gather_sum.3.cloned.1.call-start
scs
__scs_entry_jumppad:
0x0: {  	(pc) =	sbr.rel $0x88, $3  }
0x1: {  	(tag) =	ssettag $0x0;
	lr =	simm.s32 $0x1  }
0x2: {  	[smem:$0x3F96] =	sst lr;
	_ =	strace $0xD0000000  }
0x3: {  	_ = 	snop  }
0x4: {  	_ = 	snop  }
0x5: {  	_ = 	snop  }
0x6: {  	_ = 	snop  }
0x7: {  	_ = 	snop  }
__scs_overlays_trampoline_lowered:
0x8: {  	[smem:$0x3FA5] =	sst s0  }
0x9: {  	[smem:$0x3FA6] =	sst s1  }
0xa: {  	[smem:$0x3FA7] =	sst s2  }
0xb: {  	[smem:$0x3FA8] =	sst s3  }
0xc: {  	[smem:$0x3FA9] =	sst s4  }
0xd: {  	[smem:$0x3FAA] =	sst s5  }
0xe: {  	[smem:$0x3FAB] =	sst s6  }
0xf: {  	[smem:$0x3FAC] =	sst s7  }
0x10: {  	[smem:$0x3FAD] =	sst s8  }
0x11: {  	[smem:$0x3FAE] =	sst s9;
	s0 =	simm.s32 @!p0 $0x0  }
0x12: {  	s1 =	sld [smem:$0x3F94];
	s0 =	simm.s32 @p0 $0x1  }
0x13: {  	[smem:$0x3FAF] =	sst s0;
	s0 =	simm.s32 @!p1 $0x0  }
0x14: {  	s2 =	sld [smem:$0x3F93];
	s0 =	simm.s32 @p1 $0x1  }
0x15: {  	[smem:$0x3FB0] =	sst s0;
	s0 =	simm.s32 @!p2 $0x0  }
0x16: {  	s3 =	sld [smem:$0x3FDB];
	s0 =	simm.s32 @p2 $0x1  }
0x17: {  	s4 =	simm.s32 $0x1BF5;
	[smem:$0x3FB2] =	sst s0  }
0x18: {  	s0 =	sld [smem:$0x3F95];
	_ =	swait.ge [sflag:s4], $0x0  }
0x19: {  	s7 =	sld [smem:$0x3F96]  }
0x1a: {  	s8 =	sadd.s32 $0xFFFFE003, lr  }
0x1b: {  	s9 =	sadd.s32 $0xFFFFFEF7, lr;
	s5 =	simm.s32 $0xFFFFFFFF;
	p2 =	slt.u32 s8, $0xFFFFF086  }
0x1c: {  	p1 =	slt.u32 s9, $0xF7A;
	s5 =	simm.s32 @!p2 $0x0  }
0x1d: {  	s5 =	simm.s32 @p1 $0x1;
	p0 =	seq.s32 s7, s2  }
0x1e: {  	s7 =	smul.u32 @!p0 $0xF7A, s2;
	p2 =	seq.s32 @!p0 s5, $0x0  }
0x1f: {  	s9 =	smul.u32 $0xF7A, s1;
	s8 =	simm.s32 @!p0 $0x1BF5;
	p2 =	por !p2, p0  }
0x20: {  	[sflag:s8] =	ssyncset.s32 @!p0 $0xFFFFF086;
	s6 =	sadd.s32 @!p0 s3, s7;
	s7 =	simm.s32 @!p0 $0x108  }
0x21: {  	s3 =	sadd.s32 s3, s9;
	s6 =	sadd.s32 @!p0 $0x88, s6;
	s7 =	simm.s32 @p2 $0x1082  }
0x22: {  	[simem:s7], [sflag:s8] =	dma.local @!p0 [hbm:s6], $0xF7A  }
0x23: {  	s9 =	sor.u32 $0xD0000000, s2;
	s6 =	simm.s32 $0x108;
	_ =	swait.ge @!p0 [sflag:s8], $0x0  }
0x24: {  	s3 =	sadd.s32 $0x88, s3;
	s6 =	simm.s32 @!p1 $0x1082;
	[sflag:s4] =	ssyncset.s32 $0xFFFFF086  }
0x25: {  	[simem:s6], [sflag:s4] =	dma.local [hbm:s3], $0xF7A  }
0x26: {  	[smem:$0x3F96] =	sst s1;
	(tag) =	ssettag s2;
	_ =	strace s9  }
0x27: {  	s1 =	sld [smem:$0x3FA6]  }
0x28: {  	s2 =	sld [smem:$0x3FA7]  }
0x29: {  	s4 =	sld [smem:$0x3FA9]  }
0x2a: {  	p0 =	seq.s32 s5, $0x0;
	s5 =	sld [smem:$0x3FAA]  }
0x2b: {  	s6 =	sld [smem:$0x3FAB]  }
0x2c: {  	s7 =	sld [smem:$0x3FAC]  }
0x2d: {  	s3 =	simm.s32 $0x108;
	s8 =	sld [smem:$0x3FAD]  }
0x2e: {  	s3 =	simm.s32 @!p0 $0x1082;
	s9 =	sld [smem:$0x3FAE]  }
0x2f: {  	lr =	sadd.s32 s0, s3;
	s0 =	sld [smem:$0x3FA5]  }
0x30: {  	s3 =	sld [smem:$0x3FA8]  }
0x31: {  	[smem:$0x3FB1] =	sst s10  }
0x32: {  	s10 =	sld [smem:$0x3FAF];
	_ =	sdelay $0x3  }
0x33: {  	p0 =	seq.s32 s10, $0x1;
	s10 =	sld [smem:$0x3FB1];
	_ =	sdelay $0x3  }
0x34: {  	[smem:$0x3FB1] =	sst s10  }
0x35: {  	s10 =	sld [smem:$0x3FB0];
	_ =	sdelay $0x3  }
0x36: {  	p1 =	seq.s32 s10, $0x1;
	s10 =	sld [smem:$0x3FB1];
	_ =	sdelay $0x3  }
0x37: {  	[smem:$0x3FB1] =	sst s10  }
0x38: {  	s10 =	sld [smem:$0x3FB2]  }
0x39: {  	_ = 	snop;
	(pc) =	sbr.ind lr, $3  }
0x3a: {  	_ = 	snop  }
0x3b: {  	_ = 	snop  }
0x3c: {  	p2 =	seq.s32 s10, $0x1;
	s10 =	sld [smem:$0x3FB1]  }
0x3d: {  	_ =	shalt  }
0x3e: {  	_ =	shalt  }
0x3f: {  	_ =	shalt  }
0x40: {  	_ =	shalt  }
0x41: {  	_ =	shalt  }
0x42: {  	_ =	shalt  }
0x43: {  	_ =	shalt  }
0x44: {  	_ =	shalt  }
0x45: {  	_ =	shalt  }
0x46: {  	_ =	shalt  }
0x47: {  	_ =	shalt  }
0x48: {  	_ =	shalt  }
0x49: {  	_ =	shalt  }
0x4a: {  	_ =	shalt  }
0x4b: {  	_ =	shalt  }
0x4c: {  	_ =	shalt  }
0x4d: {  	_ =	shalt  }
0x4e: {  	_ =	shalt  }
0x4f: {  	_ =	shalt  }
0x50: {  	_ =	shalt  }
0x51: {  	_ =	shalt  }
0x52: {  	_ =	shalt  }
0x53: {  	_ =	shalt  }
0x54: {  	_ =	shalt  }
0x55: {  	_ =	shalt  }
0x56: {  	_ =	shalt  }
0x57: {  	_ =	shalt  }
0x58: {  	_ =	shalt  }
0x59: {  	_ =	shalt  }
0x5a: {  	_ =	shalt  }
0x5b: {  	_ =	shalt  }
0x5c: {  	_ =	shalt  }
0x5d: {  	_ =	shalt  }
0x5e: {  	_ =	shalt  }
0x5f: {  	_ =	shalt  }
0x60: {  	_ =	shalt  }
0x61: {  	_ =	shalt  }
0x62: {  	_ =	shalt  }
0x63: {  	_ =	shalt  }
0x64: {  	_ =	shalt  }
0x65: {  	_ =	shalt  }
0x66: {  	_ =	shalt  }
0x67: {  	_ =	shalt  }
0x68: {  	_ =	shalt  }
0x69: {  	_ =	shalt  }
0x6a: {  	_ =	shalt  }
0x6b: {  	_ =	shalt  }
0x6c: {  	_ =	shalt  }
0x6d: {  	_ =	shalt  }
0x6e: {  	_ =	shalt  }
0x6f: {  	_ =	shalt  }
0x70: {  	_ =	shalt  }
0x71: {  	_ =	shalt  }
0x72: {  	_ =	shalt  }
0x73: {  	_ =	shalt  }
0x74: {  	_ =	shalt  }
0x75: {  	_ =	shalt  }
0x76: {  	_ =	shalt  }
0x77: {  	_ =	shalt  }
0x78: {  	_ =	shalt  }
0x79: {  	_ =	shalt  }
0x7a: {  	_ =	shalt  }
0x7b: {  	_ =	shalt  }
0x7c: {  	_ =	shalt  }
0x7d: {  	_ =	shalt  }
0x7e: {  	_ =	shalt  }
0x7f: {  	_ =	shalt  }
0x80: {  	_ =	shalt  }
0x81: {  	_ =	shalt  }
0x82: {  	_ =	shalt  }
0x83: {  	_ =	shalt  }
0x84: {  	_ =	shalt  }
0x85: {  	_ =	shalt  }
0x86: {  	_ =	shalt  }
0x87: {  	_ =	shalt  }
.Lfunc_end0:
.L_simem_size_0:
called_computation_lowered:
.L_overlay_start_0:
0x88: {  	s2 =	sld [smem:$0x3FD9]  }
0x89: {  	s3 =	sld [smem:$0x3FFE];
	_ =	sdelay $0x1  }
0x8a: {  	s1 =	srdreg.scid  }
0x8b: {  	s0 =	sand.u32 $0x1, s1  }
0x8c: {  	s14 =	sshll.u32 s0, $0xA;
	s2 =	sadd.s32 s3, s2  }
0x8d: {  	s2 =	sadd.s32 s2, s14  }
0x8e: {  	[smem:$0x3FBD] =	sst s2  }
0x8f: {  	_ = 	snop  }
0x90: {  	s2 =	sld [smem:$0x3FC3]  }
0x91: {  	s15 =	sld [smem:$0x3FC2]  }
0x92: {  	s4 =	sld [smem:$0x3FD0]  }
0x93: {  	s5 =	sld [smem:$0x3FC1]  }
0x94: {  	s6 =	sld [smem:$0x3FC0]  }
0x95: {  	s8 =	simm.s32 $0xA;
	s9 =	simm.s32 $0x10;
	s7 =	sld [smem:$0x3FBF]  }
0x96: {  	[smem:s9], [sflag:s8] =	dma.local [hbm:s4], $0x1  }
0x97: {  	_ =	swait.eq [sflag:s8], $0x1  }
0x98: {  	[sflag:s8] =	ssyncset.done $0x0  }
0x99: {  	s16 =	sld [smem:$0x10];
	[sflag:s8] =	ssyncadd.s32 $0xFFFFFFFF  }
0x9a: {  	s17 =	sld [smem:$0x11];
	(tm) =	ssettm $0x1  }
0x9b: {  	s18 =	sld [smem:$0x3FFB];
	_ =	sdelay $0x3  }
0x9c: {  	_ =	strace s18  }
0x9d: {  	s9 =	sld [smem:$0x3FFC];
	_ =	sdelay $0x3  }
0x9e: {  	_ =	strace s9  }
0x9f: {  	s9 =	sld [smem:$0x3FFD];
	_ =	sdelay $0x3  }
0xa0: {  	_ =	strace s9  }
0xa1: {  	_ =	strace $0x8FFFFFFF  }
0xa2: {  	s19 =	sld [smem:$0x3FDB];
	_ =	sdelay $0x1  }
0xa3: {  	s10 =	simm.s32 $_scs_section_size  }
0xa4: {  	s11 =	simm.s32 $_size__tile_overlayer_lowered;
	s12 =	simm.s32 $_tile_overlayer_lowered  }
0xa5: {  	s22 =	simm.s32 $0x1BFF;
	s21 =	sshll.u32 s12, $0x1;
	s9 =	sadd.s32 s10, s19  }
0xa6: {  	s13 =	simm.s32 $0x0;
	s20 =	sshll.u32 s11, $0x1;
	s11 =	sadd.s32 s21, s9  }
0xa7: {  	[timem:s13], [sflag:s22] =	dma.local [hbm:s11], s20  }
0xa8: {  	_ =	swait.ge [sflag:s22], s20  }
0xa9: {  	s10 =	ssub.s32 $0x0, s20;
	[sflag:s22] =	ssyncset.done $0x0  }
0xaa: {  	[sflag:s22] =	ssyncadd.s32 s10;
	_ =	sdelay $0x1  }
0xab: {  	s23 =	simm.s32 $0x1B8B  }
0xac: {  	_ =	swait.ge [sflag:s23], $0x1  }
0xad: {  	[sflag:s23] =	ssyncset.done $0x0  }
0xae: {  	s25 =	simm.s32 $0x1B8E;
	s24 =	sld [smem:$0x3FFE];
	[sflag:s23] =	ssyncadd.s32 $0xFFFFFFFF  }
0xaf: {  	s26 =	simm.s32 $execute0_lowered;
	[smem:$0x3FD2] =	sst s25  }
0xb0: {  	s11 =	sshll.u32 s26, $0x1;
	_ =	strace $0x80000046;
	[dreg:$0x1] =	wrdreg $0xFFFFFFFF  }
0xb1: {  	s28 =	simm.s32 $_size_execute0_lowered;
	s9 =	sadd.s32 s9, s11;
	[dreg:$0x0] =	wrdreg $0x0  }
0xb2: {  	s11 =	sshll.u32 s28, $0x1;
	[dreg:$0x2] =	wrdreg s9  }
0xb3: {  	[dreg:$0x3] =	wrdreg s11  }
0xb4: {  	[dreg:$0x4] =	wrdreg $0xC0  }
0xb5: {  	_ =	task [dreg:s13], $0x5FFFF  }
0xb6: {  	[dreg:$0x1] =	wrdreg $0xFFFFFFFF  }
0xb7: {  	[dreg:$0x0] =	wrdreg $0x60  }
0xb8: {  	[dreg:$0x2] =	wrdreg s24  }
0xb9: {  	[dreg:$0x3] =	wrdreg s2  }
0xba: {  	[dreg:$0x4] =	wrdreg s15  }
0xbb: {  	[dreg:$0x5] =	wrdreg s5  }
0xbc: {  	[dreg:$0x6] =	wrdreg s6  }
0xbd: {  	[dreg:$0x7] =	wrdreg s7  }
0xbe: {  	[dreg:$0x8] =	wrdreg s16  }
0xbf: {  	[dreg:$0x9] =	wrdreg s17  }
0xc0: {  	[dreg:$0xa] =	wrdreg $0x9  }
0xc1: {  	_ =	task.clear_ibuf [dreg:s13], $0xBFFFF;
	_ =	strace $0x90000046  }
0xc2: {  	s29 =	simm.s32 $0x9;
	_ =	strace $0x80000048  }
0xc3: {  	_ =	swait.ge [sflag:s29], $0x1  }
0xc4: {  	[sflag:s29] =	ssyncadd.s32 $0xFFFFFFFF  }
0xc5: {  	_ =	strace $0x90000048  }
0xc6: {  	_ =	sfence  }
0xc7: {  	s30 =	sld [smem:$0x0];
	_ =	sdelay $0x2  }
0xc8: {  	s31 =	sshll.u32 s1, $0xD;
	s1 =	sshrl.u32 s1, $0x2  }
0xc9: {  	s3 =	sand.u32 $0x4000, s31;
	s1 =	sadd.s32 s1, s30  }
0xca: {  	s0 =	sor.u32 s3, s0;
	s1 =	sshll.u32 s1, $0x11  }
0xcb: {  	s0 =	sor.u32 s1, s0  }
0xcc: {  	s0 =	sadd.s32 $0x8F2B, s0  }
0xcd: {  	[sflag:s0] =	ssyncadd.remote.s32 $0x1  }
0xce: {  	_ =	sfence.sel $0xFFFF  }
0xcf: {  	[dreg:$0x0] =	wrdreg $0xFFFFFFFF;
	(pc) =	sbr.abs _section_cstart, $3  }
0xd0: {  	[dreg:$0x1] =	wrdreg $0xFFFFFFFF  }
0xd1: {  	_ =	task.clear_ibuf [dreg:s13], $0x2FFFF;
	_ =	strace $0x9FFFFFFF  }
0xd2: {  	(tm) =	ssettm $0x7FFFFFFF  }
0xd3: {  	_ =	shalt  }
tec
execute0_lowered:
.L_overlay_start_1:
0x0: {  	(tag) =	ssettag $0x1  }
0x1: {  	s0 =	rddreg [dreg:$0x0]  }
0x2: {  	s4 =	rddreg [dreg:$0x1]  }
0x3: {  	s8 =	rddreg [dreg:$0x2]  }
0x4: {  	s9 =	rddreg [dreg:$0x3]  }
0x5: {  	s12 =	rddreg [dreg:$0x4]  }
0x6: {  	s13 =	rddreg [dreg:$0x5]  }
0x7: {  	s1 =	rddreg [dreg:$0x6]  }
0x8: {  	s2 =	rddreg [dreg:$0x7];
	s3 =	simm.s32 $0x0  }
0x9: {  	s7 =	srdreg.scid;
	s11 =	stileid.u32;
	s29 =	simm.s32 $0x20  }
0xa: {  	[smem:$0x7FF] =	sst s3;
	s10 =	sand.u32 $0x1, s7;
	s11 =	sshll.u32 s11, $0x1  }
0xb: {  	s5 =	sadd.s32 $0x1A9000, s0;
	s6 =	sadd.s32 $0x20AC00, s0;
	s20 =	sor.u32 s10, s11  }
0xc: {  	s14 =	sadd.s32 $0x1C00, s0;
	s21 =	sadd.s32 $0x1A00, s0;
	s15 =	smul.u32 $0xC8, s20  }
0xd: {  	_ =	strace $0x80000047;
	[dreg:$0x9] =	wrdreg s14;
	s16 =	smul.u32 $0x7D00, s20  }
0xe: {  	s7 =	sadd.s32 $0x2000, s0;
	[dreg:$0xa] =	wrdreg s21;
	s11 =	smul.u32 $0x32, s20  }
0xf: {  	s22 =	ssub.s32 $0x2, s10;
	s10 =	sadd.s32 $0x3000, s0;
	s25 =	smul.u32 $0xFA0, s20  }
0x10: {  	s14 =	simm.s32 $0xB40;
	s23 =	sshrl.u32 s22, $0x1;
	s19 =	smul.u32 $0x32000, s20  }
0x11: {  	s20 =	simm.s32 $0x3;
	s0 =	ssub.s32 s22, s23;
	s4 =	sadd.s32 s4, s15  }
0x12: {  	s24 =	sadd.s32 s8, s15;
	s26 =	sshrl.u32 s16, $0x3;
	[dreg:$0xb] =	wrdreg s4  }
0x13: {  	s9 =	sadd.s32 s9, s15;
	s28 =	sadd.s32 s12, s15;
	[dreg:$0xc] =	wrdreg s24  }
0x14: {  	s30 =	sadd.s32 s13, s15;
	s0 =	smax.u32 s0, $0x1;
	[dreg:$0xd] =	wrdreg s9  }
0x15: {  	s12 =	simm.s32 $0x500;
	s13 =	simm.s32 $0x4;
	[dreg:$0xe] =	wrdreg s28  }
0x16: {  	s8 =	sadd.s32 s10, s26;
	[dreg:$0xf] =	wrdreg s30;
	s4 =	sadd.s32 s10, s25  }
0x17: {  	[dreg:$0x12] =	wrdreg s0;
	s0 =	simm.s32 $0x280;
	s24 =	simm.s32 $0x2  }
0x18: {  	s25 =	simm.s32 $0x80;
	[dreg:$0x10] =	wrdreg s4;
	s31 =	sadd.s32 $0x50, s8  }
0x19: {  	v0 =	vimm.f32 $0.0e+00;
	s9 =	simm.s32 $0x0;
	s4 =	simm.s32 $0x1;
	[dreg:$0x11] =	wrdreg s31  }
.LBB2_1:
0x1a: {  	[dreg:$0x13] =	wrdreg s9  }
0x1b: {  	s8 =	rddreg [dreg:$0xb]  }
0x1c: {  	[tilespmem:s12], [sflag:$0x4] =	stream.linear.gather [hbm4b:s8+s3], $0x640, $0x38;
	[tilespmem:$0x13630] =	vst v63  }
0x1d: {  	_ =	swait.ge [sflag:s13], $0x640  }
0x1e: {  	[sflag:s13] =	ssyncset.done $0x0  }
0x1f: {  	s15 =	rddreg [dreg:$0xc];
	[sflag:s13] =	ssyncadd.s32 $0xFFFFF9C0  }
0x20: {  	[tilespmem:s14], [sflag:$0x4] =	stream.linear.gather [hbm4b:s15+s3], $0x640, $0x38;
	[tilespmem:$0x13630] =	vst v63  }
0x21: {  	_ =	swait.ge [sflag:s13], $0x640  }
0x22: {  	[sflag:s13] =	ssyncset.done $0x0  }
0x23: {  	s17 =	simm.s32 $0x1180;
	s16 =	rddreg [dreg:$0xd];
	[sflag:s13] =	ssyncadd.s32 $0xFFFFF9C0  }
0x24: {  	[tilespmem:s17], [sflag:$0x4] =	stream.linear.gather [hbm4b:s16+s3], $0x640, $0x38;
	[tilespmem:$0x13630] =	vst v63  }
0x25: {  	_ =	swait.ge [sflag:s13], $0x640  }
0x26: {  	[sflag:s13] =	ssyncset.done $0x0  }
0x27: {  	s21 =	simm.s32 $0x17D0;
	s18 =	rddreg [dreg:$0xe];
	[sflag:s13] =	ssyncadd.s32 $0xFFFFF9C0  }
0x28: {  	[tilespmem:s21], [sflag:$0x4] =	stream.linear.gather [hbm4b:s18+s3], $0x640, $0x38;
	[tilespmem:$0x13630] =	vst v63  }
0x29: {  	_ =	swait.ge [sflag:s13], $0x640  }
0x2a: {  	[sflag:s13] =	ssyncset.done $0x0  }
0x2b: {  	s23 =	simm.s32 $0x1E20;
	s22 =	rddreg [dreg:$0xf];
	[sflag:s13] =	ssyncadd.s32 $0xFFFFF9C0  }
0x2c: {  	[tilespmem:s23], [sflag:$0x4] =	stream.linear.gather [hbm4b:s22+s3], $0x640, $0x38;
	[tilespmem:$0x13630] =	vst v63  }
0x2d: {  	_ =	swait.ge [sflag:s13], $0x640  }
0x2e: {  	[sflag:s13] =	ssyncset.done $0x0  }
0x2f: {  	s28 =	simm.s32 $0x2470;
	s26 =	rddreg [dreg:$0x9];
	[sflag:s13] =	ssyncadd.s32 $0xFFFFF9C0  }
0x30: {  	[tilespmem:s28], [sflag:$0x4] =	stream.linear.gather [hbm4b:s26+s3], $0x1980, $0x38;
	[tilespmem:$0x13630] =	vst v63  }
0x31: {  	_ =	swait.ge [sflag:s13], $0x1980  }
0x32: {  	[sflag:s13] =	ssyncset.done $0x0  }
0x33: {  	s31 =	simm.s32 $0x3DF0;
	s30 =	rddreg [dreg:$0xa];
	[sflag:s13] =	ssyncadd.s32 $0xFFFFE680  }
0x34: {  	[tilespmem:s31], [sflag:$0x4] =	stream.linear.gather [hbm4b:s30+s3], $0x840, $0x38;
	[tilespmem:$0x13630] =	vst v63  }
0x35: {  	_ =	swait.ge [sflag:s13], $0x840  }
0x36: {  	[sflag:s13] =	ssyncset.done $0x0  }
0x37: {  	s9 =	simm.s32 $0xFFFFC200;
	s8 =	simm.s32 $0xFFFFF000;
	[sflag:s13] =	ssyncadd.s32 $0xFFFFF7C0  }
.LBB2_2:
0x38: {  	p0 =	sne.s32 s9, $0xFFFFFE00;
	[tilespmem:s8+$0x136A0] =	vst v0  }
0x39: {  	[tilespmem:s8+$0x12670] =	vst v0  }
0x3a: {  	[tilespmem:s8+$0x12680] =	vst v0  }
.Ltmp0:
0x3b: {  	[tilespmem:s8+$0x12690] =	vst v0;
	(pc) =	sbr.rel @p0 .LBB2_2-.Ltmp0, $4  }
0x3c: {  	[tilespmem:s8+$0x126A0] =	vst v0  }
0x3d: {  	[tilespmem:s8+$0x13670] =	vst v0  }
0x3e: {  	[tilespmem:s8+$0x13680] =	vst v0  }
0x3f: {  	[tilespmem:s8+$0x13690] =	vst v0;
	s8 =	sshra.s32 s9, $0x2;
	s9 =	sadd.s32 $0x200, s9  }
0x40: {  	[tilespmem:s8+$0x136A0] =	vst v0  }
0x41: {  	[tilespmem:s8+$0x12670] =	vst v0  }
0x42: {  	[tilespmem:s8+$0x12680] =	vst v0  }
0x43: {  	[tilespmem:s8+$0x12690] =	vst v0  }
0x44: {  	[tilespmem:s8+$0x126A0] =	vst v0  }
0x45: {  	[tilespmem:s8+$0x13670] =	vst v0  }
0x46: {  	[tilespmem:s8+$0x13680] =	vst v0  }
0x47: {  	[tilespmem:s8+$0x13690] =	vst v0;
	s22 =	simm.s32 $0x0;
	s17 =	rddreg [dreg:$0x10]  }
0x48: {  	[tilespmem:s22], [sflag:$0x4] =	stream.linear.gather [hbm4b:s17+s22], $0x280, $0x38;
	[tilespmem:$0x13630] =	vst v63  }
0x49: {  	_ =	swait.ge [sflag:s13], $0x280  }
0x4a: {  	[sflag:s13] =	ssyncset.done $0x0  }
0x4b: {  	s26 =	simm.s32 $0x80;
	s18 =	simm.s32 $0x4630;
	[sflag:s13] =	ssyncadd.s32 $0xFFFFFD80  }
0x4c: {  	[tilespmem:s18], [sflag:$0x1] =	stream.indirect.gather [hbm4b:s5+s26], $0x20, s22, s26, $0xb8;
	[tilespmem:$0x13630] =	vst v63  }
0x4d: {  	s21 =	simm.s32 $0x5630  }
0x4e: {  	[tilespmem:s21], [sflag:$0x1] =	stream.indirect.gather [hbm4b:s5+s26], $0x20, s26, s26, $0xb8;
	[tilespmem:$0x13630] =	vst v63  }
0x4f: {  	s23 =	simm.s32 $0x100;
	s9 =	simm.s32 $0x6630  }
0x50: {  	[tilespmem:s9], [sflag:$0x1] =	stream.indirect.gather [hbm4b:s5+s26], $0x20, s23, s26, $0xb8;
	[tilespmem:$0x13630] =	vst v63  }
0x51: {  	s15 =	simm.s32 $0x7630;
	s13 =	simm.s32 $0x180  }
0x52: {  	[tilespmem:s15], [sflag:$0x1] =	stream.indirect.gather [hbm4b:s5+s26], $0x20, s13, s26, $0xb8;
	[tilespmem:$0x13630] =	vst v63  }
0x53: {  	s16 =	simm.s32 $0x200;
	s17 =	simm.s32 $0x8630  }
0x54: {  	[tilespmem:s17], [sflag:$0x1] =	stream.indirect.gather [hbm4b:s5+s26], $0x20, s16, s26, $0xb8;
	[tilespmem:$0x13630] =	vst v63  }
0x55: {  	s18 =	simm.s32 $0xE630  }
0x56: {  	[tilespmem:s18], [sflag:$0x1] =	stream.indirect.gather [hbm4b:s6+s29], $0x20, s12, s29, $0xb8;
	[tilespmem:$0x13630] =	vst v63  }
0x57: {  	s21 =	simm.s32 $0xEE30  }
0x58: {  	[tilespmem:s21], [sflag:$0x1] =	stream.indirect.gather [hbm4b:s7+s29], $0x20, s14, s29, $0xb8;
	[tilespmem:$0x13630] =	vst v63  }
0x59: {  	s23 =	rddreg [dreg:$0x11]  }
0x5a: {  	[tilespmem:s0], [sflag:$0x2] =	stream.linear.gather [hbm4b:s23+s22], $0x280, $0x38;
	[tilespmem:$0x13630] =	vst v63  }
0x5b: {  	v4 =	vld [tilespmem:$0x3E20]  }
0x5c: {  	v1 =	vld [tilespmem:$0x3DF0]  }
0x5d: {  	v2 =	vld [tilespmem:$0x3E00]  }
0x5e: {  	s28 =	simm.s32 $0x1E20;
	s30 =	simm.s32 $0x17D0;
	s31 =	simm.s32 $0x1180;
	v3 =	vld [tilespmem:$0x3E10]  }
.LBB2_4:
0x5f: {  	_ =	swait.ge [sflag:s4], $0x1000  }
0x60: {  	[sflag:s4] =	ssyncset.done $0x0  }
0x61: {  	[sflag:s4] =	ssyncadd.s32 $0xFFFFF000  }
0x62: {  	_ =	swait.ge [sflag:s4], $0x1000  }
0x63: {  	[sflag:s4] =	ssyncset.done $0x0  }
0x64: {  	[sflag:s4] =	ssyncadd.s32 $0xFFFFF000  }
0x65: {  	_ =	swait.ge [sflag:s4], $0x1000  }
0x66: {  	[sflag:s4] =	ssyncset.done $0x0  }
0x67: {  	[sflag:s4] =	ssyncadd.s32 $0xFFFFF000  }
0x68: {  	_ =	swait.ge [sflag:s4], $0x1000  }
0x69: {  	[sflag:s4] =	ssyncset.done $0x0  }
0x6a: {  	[sflag:s4] =	ssyncadd.s32 $0xFFFFF000  }
0x6b: {  	_ =	swait.ge [sflag:s4], $0x1000  }
0x6c: {  	[sflag:s4] =	ssyncset.done $0x0  }
0x6d: {  	[sflag:s4] =	ssyncadd.s32 $0xFFFFF000  }
0x6e: {  	_ =	swait.ge [sflag:s4], $0x400  }
0x6f: {  	[sflag:s4] =	ssyncset.done $0x0  }
0x70: {  	[sflag:s4] =	ssyncadd.s32 $0xFFFFFC00  }
0x71: {  	_ =	swait.ge [sflag:s4], $0x400  }
0x72: {  	[sflag:s4] =	ssyncset.done $0x0  }
0x73: {  	[sflag:s4] =	ssyncadd.s32 $0xFFFFFC00  }
0x74: {  	_ =	swait.ge [sflag:s24], $0x280  }
0x75: {  	[sflag:s24] =	ssyncset.done $0x0  }
0x76: {  	s8 =	simm.s32 $0x9630;
	[sflag:s24] =	ssyncadd.s32 $0xFFFFFD80  }
0x77: {  	[tilespmem:s8], [sflag:$0x1] =	stream.indirect.gather [hbm4b:s5+s25], $0x20, s0, s25, $0xb8;
	[tilespmem:$0x13630] =	vst v63  }
0x78: {  	s16 =	simm.s32 $0x300;
	s9 =	simm.s32 $0xA630  }
0x79: {  	[tilespmem:s9], [sflag:$0x1] =	stream.indirect.gather [hbm4b:s5+s25], $0x20, s16, s25, $0xb8;
	[tilespmem:$0x13630] =	vst v63  }
0x7a: {  	s17 =	simm.s32 $0x380;
	s18 =	simm.s32 $0xB630  }
0x7b: {  	[tilespmem:s18], [sflag:$0x1] =	stream.indirect.gather [hbm4b:s5+s25], $0x20, s17, s25, $0xb8;
	[tilespmem:$0x13630] =	vst v63  }
0x7c: {  	s21 =	simm.s32 $0x400;
	s23 =	simm.s32 $0xC630  }
0x7d: {  	[tilespmem:s23], [sflag:$0x1] =	stream.indirect.gather [hbm4b:s5+s25], $0x20, s21, s25, $0xb8;
	[tilespmem:$0x13630] =	vst v63  }
0x7e: {  	s12 =	simm.s32 $0x480;
	p0 =	seq.s32 s22, $0x18;
	s23 =	sshll.u32 s22, $0x1  }
0x7f: {  	s13 =	simm.s32 $0xD630;
	s21 =	sshll.u32 s22, $0x6;
	s8 =	sadd.s32 @!p0 s11, s23  }
0x80: {  	[tilespmem:s13], [sflag:$0x1] =	stream.indirect.gather [hbm4b:s5+s25], $0x20, s12, s25, $0xb8;
	[tilespmem:$0x13630] =	vst v63  }
0x81: {  	s15 =	simm.s32 $0xEA30;
	s14 =	sadd.s32 $0x520, s21;
	s8 =	smul.u32 @!p0 $0x280, s8  }
0x82: {  	[tilespmem:s15], [sflag:$0x1] =	stream.indirect.gather [hbm4b:s6+s29], $0x20, s14, s29, $0xb8;
	[tilespmem:$0x13630] =	vst v63  }
0x83: {  	p1 =	seq.s32 @!p0 s22, $0x0;
	s8 =	sshrl.u32 @!p0 s8, $0x3  }
0x84: {  	s16 =	sadd.s32 $0xB60, s21;
	s12 =	simm.s32 $0xF230;
	s8 =	sadd.s32 @!p0 s10, s8  }
0x85: {  	[tilespmem:s12], [sflag:$0x1] =	stream.indirect.gather [hbm4b:s7+s29], $0x20, s16, s29, $0xb8;
	[tilespmem:$0x13630] =	vst v63  }
0x86: {  	p1 =	por p0, !p1;
	s9 =	simm.s32 @!p0 $0x0;
	s8 =	sadd.s32 @!p0 $0xA0, s8  }
0x87: {  	[tilespmem:s9], [sflag:$0x2] =	stream.linear.gather @!p0 [hbm4b:s8+s9], $0x280, $0x38;
	[tilespmem:$0x13630] =	vst v63  }
0x88: {  	_ =	swait.ge @p1 [sflag:s20], $0x1000  }
0x89: {  	[sflag:s20] =	ssyncset.done @p1 $0x0  }
0x8a: {  	[sflag:s20] =	ssyncadd.s32 @p1 $0xFFFFF000  }
0x8b: {  	_ =	swait.ge @p1 [sflag:s20], $0x1000  }
0x8c: {  	[sflag:s20] =	ssyncset.done @p1 $0x0  }
0x8d: {  	s8 =	simm.s32 $0x4770;
	[sflag:s20] =	ssyncadd.s32 @p1 $0xFFFFF000  }
0x8e: {  	v5 =	vld [tilespmem:s8+$0xFFFFFEC0]  }
0x8f: {  	v6 =	vld [tilespmem:s8+$0xFFFFFEE0];
	_ =	sdelay $0x1  }
0x90: {  	v7 =	vld [tilespmem:s8+$0xFFFFFF00];
	_ =	sdelay $0x1  }
0x91: {  	v8 =	vld [tilespmem:s8+$0xFFFFFF20]  }
0x92: {  	v9 =	vshll.u32 v5, $0x10;
	v10 =	vshll.u32 v6, $0x10  }
0x93: {  	v5 =	vand.u32 $0xFFFF0000, v5;
	v6 =	vand.u32 $0xFFFF0000, v6;
	v9 =	vadd.f32 v10, v9;
	v10 =	vld [tilespmem:s8+$0xFFFFFF40]  }
0x94: {  	v5 =	vadd.f32 v6, v5;
	v6 =	vshll.u32 v7, $0x10  }
0x95: {  	v7 =	vand.u32 $0xFFFF0000, v7;
	v6 =	vadd.f32 v6, v9;
	v9 =	vld [tilespmem:s8+$0xFFFFFF60]  }
0x96: {  	v5 =	vadd.f32 v7, v5;
	v7 =	vshll.u32 v8, $0x10  }
0x97: {  	v8 =	vand.u32 $0xFFFF0000, v8;
	v6 =	vadd.f32 v7, v6;
	v7 =	vld [tilespmem:s8+$0xFFFFFF80]  }
0x98: {  	v5 =	vadd.f32 v8, v5;
	v8 =	vshll.u32 v10, $0x10  }
0x99: {  	v10 =	vand.u32 $0xFFFF0000, v10;
	v6 =	vadd.f32 v8, v6;
	v8 =	vld [tilespmem:s8+$0xFFFFFFA0]  }
0x9a: {  	v5 =	vadd.f32 v10, v5;
	v10 =	vshll.u32 v9, $0x10  }
0x9b: {  	v9 =	vand.u32 $0xFFFF0000, v9;
	v6 =	vadd.f32 v10, v6;
	v10 =	vld [tilespmem:s8+$0xFFFFFFC0]  }
0x9c: {  	v5 =	vadd.f32 v9, v5;
	v9 =	vshll.u32 v7, $0x10  }
0x9d: {  	v7 =	vand.u32 $0xFFFF0000, v7;
	v6 =	vadd.f32 v9, v6;
	v9 =	vld [tilespmem:s8+$0xFFFFFFE0]  }
0x9e: {  	v5 =	vadd.f32 v7, v5;
	v7 =	vshll.u32 v8, $0x10  }
0x9f: {  	v8 =	vand.u32 $0xFFFF0000, v8;
	v6 =	vadd.f32 v7, v6;
	v7 =	vld [tilespmem:s8+$0x0]  }
0xa0: {  	v5 =	vadd.f32 v8, v5;
	v8 =	vshll.u32 v10, $0x10  }
0xa1: {  	v10 =	vand.u32 $0xFFFF0000, v10;
	v6 =	vadd.f32 v8, v6;
	v8 =	vld [tilespmem:s8+$0x20]  }
0xa2: {  	v5 =	vadd.f32 v10, v5;
	v10 =	vshll.u32 v9, $0x10  }
0xa3: {  	v9 =	vand.u32 $0xFFFF0000, v9;
	v6 =	vadd.f32 v10, v6;
	v10 =	vld [tilespmem:s8+$0x40]  }
0xa4: {  	v5 =	vadd.f32 v9, v5;
	v9 =	vshll.u32 v7, $0x10  }
0xa5: {  	v7 =	vand.u32 $0xFFFF0000, v7;
	v6 =	vadd.f32 v9, v6;
	v9 =	vld [tilespmem:s8+$0x60]  }
0xa6: {  	v5 =	vadd.f32 v7, v5;
	v7 =	vshll.u32 v8, $0x10  }
0xa7: {  	v8 =	vand.u32 $0xFFFF0000, v8;
	v6 =	vadd.f32 v7, v6;
	v7 =	vld [tilespmem:s8+$0x80]  }
0xa8: {  	v5 =	vadd.f32 v8, v5;
	v8 =	vshll.u32 v10, $0x10  }
0xa9: {  	v10 =	vand.u32 $0xFFFF0000, v10;
	v6 =	vadd.f32 v8, v6;
	v8 =	vld [tilespmem:s8+$0xA0]  }
0xaa: {  	v5 =	vadd.f32 v10, v5;
	v10 =	vshll.u32 v9, $0x10  }
0xab: {  	v9 =	vand.u32 $0xFFFF0000, v9;
	v6 =	vadd.f32 v10, v6;
	v10 =	vld [tilespmem:s8+$0xC0]  }
0xac: {  	v5 =	vadd.f32 v9, v5;
	v9 =	vshll.u32 v7, $0x10  }
0xad: {  	v7 =	vand.u32 $0xFFFF0000, v7;
	v6 =	vadd.f32 v9, v6;
	v9 =	vld [tilespmem:s8+$0xE0]  }
0xae: {  	v5 =	vadd.f32 v7, v5;
	v7 =	vshll.u32 v8, $0x10  }
0xaf: {  	v8 =	vand.u32 $0xFFFF0000, v8;
	v6 =	vadd.f32 v7, v6;
	v7 =	vld [tilespmem:s8+$0x100]  }
0xb0: {  	v5 =	vadd.f32 v8, v5;
	v8 =	vshll.u32 v10, $0x10  }
0xb1: {  	v10 =	vand.u32 $0xFFFF0000, v10;
	v6 =	vadd.f32 v8, v6;
	v8 =	vld [tilespmem:s8+$0x120]  }
0xb2: {  	v5 =	vadd.f32 v10, v5;
	v10 =	vshll.u32 v9, $0x10  }
0xb3: {  	v9 =	vand.u32 $0xFFFF0000, v9;
	v6 =	vadd.f32 v10, v6  }
0xb4: {  	s9 =	simm.s32 $0xE640;
	v5 =	vadd.f32 v9, v5;
	v9 =	vshll.u32 v7, $0x10  }
0xb5: {  	v7 =	vand.u32 $0xFFFF0000, v7;
	v6 =	vadd.f32 v9, v6;
	v9 =	vld [tilespmem:s9+$0xFFFFFFF0]  }
0xb6: {  	s12 =	simm.s32 $0xEE40;
	v7 =	vadd.f32 v7, v5;
	v5 =	vshll.u32 v8, $0x10  }
0xb7: {  	v11 =	vld [tilespmem:s12+$0xFFFFFFF0];
	v8 =	vand.u32 $0xFFFF0000, v8;
	v10 =	vadd.f32 v5, v6  }
0xb8: {  	v7 =	vadd.f32 v8, v7  }
0xb9: {  	v5 =	vmov s30;
	v8 =	vmul.f32 $5.000000070e-02, v10  }
0xba: {  	v6 =	vmov s31;
	v7 =	vmul.f32 $5.000000070e-02, v7;
	v10 =	vshll.u32 v9, $0x10  }
0xbb: {  	v9 =	vand.u32 $0xFFFF0000, v9;
	v8 =	vadd.f32 v10, v8  }
0xbc: {  	s13 =	sadd.s32 $0x0, s28;
	v9 =	vadd.f32 v9, v7;
	v10 =	vshll.u32 v11, $0x10  }
0xbd: {  	s15 =	simm.s32 $0x0;
	v7 =	vld.msk [tilespmem:s13+$0x0 ss:$0x0], $0xffff;
	v11 =	vand.u32 $0xFFFF0000, v11;
	v8 =	vadd.f32 v10, v8  }
0xbe: {  	s14 =	simm.s32 $0xF670;
	v12 =	vld.idx.msk [tilespmem:v5+s15+$0x0 ss:$0x1], $0xffff;
	v9 =	vadd.f32 v11, v9  }
0xbf: {  	v10 =	vld.idx.msk [tilespmem:v6+s15+$0x0 ss:$0x1], $0xffff;
	[tilespmem:s14+$0xFFFFFFC0] =	vst v8  }
0xc0: {  	[tilespmem:s14+$0xFFFFFFE0] =	vst v9  }
0xc1: {  	v8 =	vld [tilespmem:s8+$0xFFFFFED0]  }
0xc2: {  	v9 =	vld [tilespmem:s8+$0xFFFFFEF0];
	_ =	sdelay $0x1  }
0xc3: {  	v11 =	vld [tilespmem:s8+$0xFFFFFF10];
	_ =	sdelay $0x1  }
0xc4: {  	v13 =	vld [tilespmem:s8+$0xFFFFFF30]  }
0xc5: {  	v14 =	vshll.u32 v8, $0x10;
	v15 =	vshll.u32 v9, $0x10  }
0xc6: {  	v39 =	vld [tilespmem:s8+$0xFFFFFF50];
	v8 =	vand.u32 $0xFFFF0000, v8;
	v9 =	vand.u32 $0xFFFF0000, v9;
	v14 =	vadd.f32 v15, v14  }
0xc7: {  	v8 =	vadd.f32 v9, v8;
	v9 =	vshll.u32 v11, $0x10  }
0xc8: {  	v40 =	vld [tilespmem:s8+$0xFFFFFF70];
	v11 =	vand.u32 $0xFFFF0000, v11;
	v9 =	vadd.f32 v9, v14  }
0xc9: {  	v8 =	vadd.f32 v11, v8;
	v11 =	vshll.u32 v13, $0x10  }
0xca: {  	v13 =	vand.u32 $0xFFFF0000, v13;
	v9 =	vadd.f32 v11, v9;
	v11 =	vld [tilespmem:s8+$0xFFFFFF90]  }
0xcb: {  	v41 =	vshll.u32 v39, $0x10;
	v8 =	vadd.f32 v13, v8  }
0xcc: {  	v42 =	vld [tilespmem:s8+$0xFFFFFFB0];
	v15 =	vand.u32 $0xFFFF0000, v39;
	v9 =	vadd.f32 v41, v9  }
0xcd: {  	v43 =	vshll.u32 v40, $0x10;
	v8 =	vadd.f32 v15, v8  }
0xce: {  	v44 =	vld [tilespmem:s8+$0xFFFFFFD0];
	v14 =	vand.u32 $0xFFFF0000, v40;
	v9 =	vadd.f32 v43, v9  }
0xcf: {  	v8 =	vadd.f32 v14, v8;
	v45 =	vshll.u32 v11, $0x10  }
0xd0: {  	v46 =	vld [tilespmem:s8+$0xFFFFFFF0];
	v11 =	vand.u32 $0xFFFF0000, v11;
	v9 =	vadd.f32 v45, v9  }
0xd1: {  	v8 =	vadd.f32 v11, v8;
	v11 =	vshll.u32 v42, $0x10  }
0xd2: {  	v13 =	vand.u32 $0xFFFF0000, v42;
	v9 =	vadd.f32 v11, v9;
	v11 =	vld [tilespmem:s8+$0x10]  }
0xd3: {  	v47 =	vshll.u32 v44, $0x10;
	v8 =	vadd.f32 v13, v8  }
0xd4: {  	v48 =	vld [tilespmem:s8+$0x30];
	v15 =	vand.u32 $0xFFFF0000, v44;
	v9 =	vadd.f32 v47, v9  }
0xd5: {  	v49 =	vshll.u32 v46, $0x10;
	v8 =	vadd.f32 v15, v8  }
0xd6: {  	v50 =	vld [tilespmem:s8+$0x50];
	v14 =	vand.u32 $0xFFFF0000, v46;
	v9 =	vadd.f32 v49, v9  }
0xd7: {  	v8 =	vadd.f32 v14, v8;
	v51 =	vshll.u32 v11, $0x10  }
0xd8: {  	v52 =	vld [tilespmem:s8+$0x70];
	v11 =	vand.u32 $0xFFFF0000, v11;
	v9 =	vadd.f32 v51, v9  }
0xd9: {  	v8 =	vadd.f32 v11, v8;
	v11 =	vshll.u32 v48, $0x10  }
0xda: {  	v13 =	vand.u32 $0xFFFF0000, v48;
	v9 =	vadd.f32 v11, v9;
	v11 =	vld [tilespmem:s8+$0x90]  }
0xdb: {  	v53 =	vshll.u32 v50, $0x10;
	v8 =	vadd.f32 v13, v8  }
0xdc: {  	v54 =	vld [tilespmem:s8+$0xB0];
	v15 =	vand.u32 $0xFFFF0000, v50;
	v9 =	vadd.f32 v53, v9  }
0xdd: {  	v55 =	vshll.u32 v52, $0x10;
	v8 =	vadd.f32 v15, v8  }
0xde: {  	v56 =	vld [tilespmem:s8+$0xD0];
	v14 =	vand.u32 $0xFFFF0000, v52;
	v9 =	vadd.f32 v55, v9  }
0xdf: {  	v8 =	vadd.f32 v14, v8;
	v57 =	vshll.u32 v11, $0x10  }
0xe0: {  	v58 =	vld [tilespmem:s8+$0xF0];
	v11 =	vand.u32 $0xFFFF0000, v11;
	v9 =	vadd.f32 v57, v9  }
0xe1: {  	(v2sf) =	vpush v12, $0x0;
	v8 =	vadd.f32 v11, v8;
	v11 =	vshll.u32 v54, $0x10  }
0xe2: {  	(v2sf) =	vpush v10, $0x0;
	v10 =	vand.u32 $0xFFFF0000, v54;
	v9 =	vadd.f32 v11, v9;
	v11 =	vld [tilespmem:s8+$0x110]  }
0xe3: {  	v8 =	vadd.f32 v10, v8;
	v10 =	vshll.u32 v56, $0x10  }
0xe4: {  	v59 =	vand.u32 $0xFFFF0000, v56;
	v9 =	vadd.f32 v10, v9;
	v10 =	vld [tilespmem:s8+$0x130]  }
0xe5: {  	v60 =	vshll.u32 v58, $0x10;
	v8 =	vadd.f32 v59, v8  }
0xe6: {  	v61 =	vand.u32 $0xFFFF0000, v58;
	v9 =	vadd.f32 v60, v9  }
0xe7: {  	v8 =	vadd.f32 v61, v8;
	v62 =	vshll.u32 v11, $0x10  }
0xe8: {  	v63 =	vld [tilespmem:s9+$0x0];
	v11 =	vand.u32 $0xFFFF0000, v11;
	v9 =	vadd.f32 v62, v9  }
0xe9: {  	v8 =	vadd.f32 v11, v8;
	v11 =	vshll.u32 v10, $0x10  }
0xea: {  	v10 =	vand.u32 $0xFFFF0000, v10;
	v9 =	vadd.f32 v11, v9;
	v11 =	vld [tilespmem:s12+$0x0]  }
0xeb: {  	v8 =	vadd.f32 v10, v8  }
0xec: {  	v9 =	vmul.f32 $5.000000070e-02, v9  }
0xed: {  	v10 =	vshll.u32 v63, $0x10;
	v8 =	vmul.f32 $5.000000070e-02, v8  }
0xee: {  	v12 =	vand.u32 $0xFFFF0000, v63;
	v9 =	vadd.f32 v10, v9  }
0xef: {  	v8 =	vadd.f32 v12, v8;
	v10 =	vshll.u32 v11, $0x10  }
0xf0: {  	s17 =	spop (v2sf);
	v11 =	vand.u32 $0xFFFF0000, v11;
	v9 =	vadd.f32 v10, v9  }
0xf1: {  	s18 =	spop (v2sf);
	v8 =	vadd.f32 v11, v8  }
0xf2: {  	s15 =	sshll.u32 s18, $0x8;
	[tilespmem:s14+$0xFFFFFFD0] =	vst v9  }
0xf3: {  	s15 =	sshra.s32 s15, $0x2;
	[tilespmem:s14+$0xFFFFFFF0] =	vst v8  }
0xf4: {  	v8 =	vld [tilespmem:s15+$0x2470];
	_ =	sdelay $0x3  }
0xf5: {  	s13 =	sshll.u32 s17, $0x8  }
0xf6: {  	s16 =	sshra.s32 s13, $0x2;
	[tilespmem:s14+$0x0] =	vst v8  }
0xf7: {  	v8 =	vld [tilespmem:s16+$0x3E30];
	_ =	sdelay $0x2  }
0xf8: {  	v9 =	vmul.f32 v7, v1;
	_ =	sdelay $0x1  }
0xf9: {  	v8 =	vadd.f32 v8, v9  }
0xfa: {  	s13 =	simm.s32 $0x11650  }
0xfb: {  	[tilespmem:s13+$0xFFFFFFE0] =	vst v8  }
0xfc: {  	v8 =	vld [tilespmem:s15+$0x2480];
	_ =	sdelay $0x4  }
0xfd: {  	[tilespmem:s14+$0x10] =	vst v8  }
0xfe: {  	v8 =	vld [tilespmem:s16+$0x3E40];
	_ =	sdelay $0x2  }
0xff: {  	v9 =	vmul.f32 v7, v2;
	_ =	sdelay $0x1  }
0x100: {  	v8 =	vadd.f32 v8, v9;
	_ =	sdelay $0x1  }
0x101: {  	[tilespmem:s13+$0xFFFFFFF0] =	vst v8  }
0x102: {  	v8 =	vld [tilespmem:s15+$0x2490];
	_ =	sdelay $0x4  }
0x103: {  	[tilespmem:s14+$0x20] =	vst v8  }
0x104: {  	v8 =	vld [tilespmem:s16+$0x3E50];
	_ =	sdelay $0x2  }
0x105: {  	v9 =	vmul.f32 v7, v3;
	_ =	sdelay $0x1  }
0x106: {  	v8 =	vadd.f32 v8, v9;
	_ =	sdelay $0x1  }
0x107: {  	[tilespmem:s13+$0x0] =	vst v8  }
0x108: {  	v8 =	vld [tilespmem:s15+$0x24A0];
	_ =	sdelay $0x4  }
0x109: {  	[tilespmem:s14+$0x30] =	vst v8  }
0x10a: {  	v8 =	vld [tilespmem:s16+$0x3E60];
	_ =	sdelay $0x1  }
0x10b: {  	v7 =	vmul.f32 v7, v4;
	s15 =	simm.s32 $0x116D0;
	s14 =	simm.s32 $0x4;
	s16 =	simm.s32 $0xF6F0  }
.LBB2_5:
0x10c: {  	s8 =	sadd.s32 $0x280, s8;
	s12 =	sadd.s32 $0x20, s12;
	s9 =	sadd.s32 $0x20, s9  }
0x10d: {  	p2 =	sne.s32 s14, $0x7C;
	s17 =	smov.u32 s14;
	s14 =	sadd.s32 $0x4, s14  }
0x10e: {  	v7 =	vadd.f32 v8, v7;
	_ =	sdelay $0x1  }
0x10f: {  	[tilespmem:s13+$0x10] =	vst v7;
	s13 =	smov.u32 s15  }
0x110: {  	v7 =	vld [tilespmem:s8+$0xFFFFFEC0]  }
0x111: {  	v8 =	vld [tilespmem:s8+$0xFFFFFEE0];
	_ =	sdelay $0x1  }
0x112: {  	v9 =	vld [tilespmem:s8+$0xFFFFFF00];
	_ =	sdelay $0x1  }
0x113: {  	v10 =	vshll.u32 v7, $0x10;
	v11 =	vld [tilespmem:s8+$0xFFFFFF20]  }
0x114: {  	v7 =	vand.u32 $0xFFFF0000, v7;
	v12 =	vshll.u32 v8, $0x10;
	v8 =	vand.u32 $0xFFFF0000, v8  }
0x115: {  	v10 =	vadd.f32 v12, v10;
	v7 =	vadd.f32 v8, v7;
	v8 =	vld [tilespmem:s8+$0xFFFFFF40]  }
0x116: {  	v12 =	vshll.u32 v9, $0x10;
	v9 =	vand.u32 $0xFFFF0000, v9  }
0x117: {  	v10 =	vadd.f32 v12, v10;
	v7 =	vadd.f32 v9, v7;
	v9 =	vld [tilespmem:s8+$0xFFFFFF60]  }
0x118: {  	v12 =	vshll.u32 v11, $0x10;
	v11 =	vand.u32 $0xFFFF0000, v11  }
0x119: {  	v10 =	vadd.f32 v12, v10;
	v7 =	vadd.f32 v11, v7;
	v11 =	vld [tilespmem:s8+$0xFFFFFF80]  }
0x11a: {  	v12 =	vshll.u32 v8, $0x10;
	v8 =	vand.u32 $0xFFFF0000, v8  }
0x11b: {  	v10 =	vadd.f32 v12, v10;
	v7 =	vadd.f32 v8, v7;
	v8 =	vld [tilespmem:s8+$0xFFFFFFA0]  }
0x11c: {  	v12 =	vshll.u32 v9, $0x10;
	v9 =	vand.u32 $0xFFFF0000, v9  }
0x11d: {  	v10 =	vadd.f32 v12, v10;
	v7 =	vadd.f32 v9, v7;
	v9 =	vld [tilespmem:s8+$0xFFFFFFC0]  }
0x11e: {  	v12 =	vshll.u32 v11, $0x10;
	v11 =	vand.u32 $0xFFFF0000, v11  }
0x11f: {  	v10 =	vadd.f32 v12, v10;
	v7 =	vadd.f32 v11, v7;
	v11 =	vld [tilespmem:s8+$0xFFFFFFE0]  }
0x120: {  	v12 =	vshll.u32 v8, $0x10;
	v8 =	vand.u32 $0xFFFF0000, v8  }
0x121: {  	v10 =	vadd.f32 v12, v10;
	v7 =	vadd.f32 v8, v7;
	v8 =	vld [tilespmem:s8+$0x0]  }
0x122: {  	v12 =	vshll.u32 v9, $0x10;
	v9 =	vand.u32 $0xFFFF0000, v9  }
0x123: {  	v10 =	vadd.f32 v12, v10;
	v7 =	vadd.f32 v9, v7;
	v9 =	vld [tilespmem:s8+$0x20]  }
0x124: {  	v12 =	vshll.u32 v11, $0x10;
	v11 =	vand.u32 $0xFFFF0000, v11  }
0x125: {  	v10 =	vadd.f32 v12, v10;
	v7 =	vadd.f32 v11, v7;
	v11 =	vld [tilespmem:s8+$0x40]  }
0x126: {  	v12 =	vshll.u32 v8, $0x10;
	v8 =	vand.u32 $0xFFFF0000, v8  }
0x127: {  	v10 =	vadd.f32 v12, v10;
	v7 =	vadd.f32 v8, v7;
	v8 =	vld [tilespmem:s8+$0x60]  }
0x128: {  	v12 =	vshll.u32 v9, $0x10;
	v9 =	vand.u32 $0xFFFF0000, v9  }
0x129: {  	v10 =	vadd.f32 v12, v10;
	v7 =	vadd.f32 v9, v7;
	v9 =	vld [tilespmem:s8+$0x80]  }
0x12a: {  	v12 =	vshll.u32 v11, $0x10;
	v11 =	vand.u32 $0xFFFF0000, v11  }
0x12b: {  	v10 =	vadd.f32 v12, v10;
	v7 =	vadd.f32 v11, v7;
	v11 =	vld [tilespmem:s8+$0xA0]  }
0x12c: {  	v12 =	vshll.u32 v8, $0x10;
	v8 =	vand.u32 $0xFFFF0000, v8  }
0x12d: {  	v10 =	vadd.f32 v12, v10;
	v7 =	vadd.f32 v8, v7;
	v8 =	vld [tilespmem:s8+$0xC0]  }
0x12e: {  	v12 =	vshll.u32 v9, $0x10;
	v9 =	vand.u32 $0xFFFF0000, v9  }
0x12f: {  	v10 =	vadd.f32 v12, v10;
	v7 =	vadd.f32 v9, v7;
	v9 =	vld [tilespmem:s8+$0xE0]  }
0x130: {  	v12 =	vshll.u32 v11, $0x10;
	v11 =	vand.u32 $0xFFFF0000, v11  }
0x131: {  	v10 =	vadd.f32 v12, v10;
	v7 =	vadd.f32 v11, v7;
	v11 =	vld [tilespmem:s8+$0x100]  }
0x132: {  	v12 =	vshll.u32 v8, $0x10;
	v8 =	vand.u32 $0xFFFF0000, v8  }
0x133: {  	v10 =	vadd.f32 v12, v10;
	v7 =	vadd.f32 v8, v7;
	v8 =	vld [tilespmem:s8+$0x120]  }
0x134: {  	v12 =	vshll.u32 v9, $0x10;
	v9 =	vand.u32 $0xFFFF0000, v9  }
0x135: {  	v10 =	vadd.f32 v12, v10;
	v7 =	vadd.f32 v9, v7  }
0x136: {  	v9 =	vshll.u32 v11, $0x10;
	v11 =	vand.u32 $0xFFFF0000, v11  }
0x137: {  	v9 =	vadd.f32 v9, v10;
	v7 =	vadd.f32 v11, v7;
	v10 =	vld [tilespmem:s9+$0xFFFFFFF0]  }
0x138: {  	v11 =	vshll.u32 v8, $0x10;
	v8 =	vand.u32 $0xFFFF0000, v8  }
0x139: {  	v9 =	vadd.f32 v11, v9;
	v7 =	vadd.f32 v8, v7;
	v8 =	vld [tilespmem:s12+$0xFFFFFFF0];
	_ =	sdelay $0x1  }
0x13a: {  	v9 =	vmul.f32 $5.000000070e-02, v9;
	v7 =	vmul.f32 $5.000000070e-02, v7  }
0x13b: {  	s17 =	sshra.s32 s17, $0x2;
	v11 =	vshll.u32 v10, $0x10;
	v10 =	vand.u32 $0xFFFF0000, v10  }
0x13c: {  	s18 =	sadd.s32 s17, s28;
	v9 =	vadd.f32 v11, v9;
	v10 =	vadd.f32 v10, v7  }
0x13d: {  	v11 =	vshll.u32 v8, $0x10;
	v8 =	vand.u32 $0xFFFF0000, v8;
	v7 =	vld.msk [tilespmem:s18+$0x0 ss:$0x0], $0xffff  }
0x13e: {  	v12 =	vld.idx.msk [tilespmem:v5+s17+$0x0 ss:$0x1], $0xffff;
	v9 =	vadd.f32 v11, v9;
	v8 =	vadd.f32 v8, v10  }
0x13f: {  	v10 =	vld.idx.msk [tilespmem:v6+s17+$0x0 ss:$0x1], $0xffff  }
0x140: {  	[tilespmem:s16+$0xFFFFFFC0] =	vst v9  }
0x141: {  	[tilespmem:s16+$0xFFFFFFE0] =	vst v8  }
0x142: {  	v8 =	vld [tilespmem:s8+$0xFFFFFED0]  }
0x143: {  	v9 =	vld [tilespmem:s8+$0xFFFFFEF0]  }
0x144: {  	(v2sf) =	vpush v12, $0x0  }
0x145: {  	v11 =	vld [tilespmem:s8+$0xFFFFFF10];
	(v2sf) =	vpush v10, $0x0;
	_ =	sdelay $0x1  }
0x146: {  	v10 =	vshll.u32 v8, $0x10;
	v8 =	vand.u32 $0xFFFF0000, v8;
	v12 =	vld [tilespmem:s8+$0xFFFFFF30]  }
0x147: {  	v13 =	vshll.u32 v9, $0x10;
	v9 =	vand.u32 $0xFFFF0000, v9  }
0x148: {  	v10 =	vadd.f32 v13, v10;
	v8 =	vadd.f32 v9, v8;
	v9 =	vld [tilespmem:s8+$0xFFFFFF50]  }
0x149: {  	v13 =	vshll.u32 v11, $0x10;
	v11 =	vand.u32 $0xFFFF0000, v11  }
0x14a: {  	v10 =	vadd.f32 v13, v10;
	v8 =	vadd.f32 v11, v8;
	v11 =	vld [tilespmem:s8+$0xFFFFFF70]  }
0x14b: {  	v13 =	vshll.u32 v12, $0x10;
	v12 =	vand.u32 $0xFFFF0000, v12  }
0x14c: {  	v10 =	vadd.f32 v13, v10;
	v8 =	vadd.f32 v12, v8;
	v12 =	vld [tilespmem:s8+$0xFFFFFF90]  }
0x14d: {  	v13 =	vshll.u32 v9, $0x10;
	v9 =	vand.u32 $0xFFFF0000, v9  }
0x14e: {  	v10 =	vadd.f32 v13, v10;
	v8 =	vadd.f32 v9, v8;
	v9 =	vld [tilespmem:s8+$0xFFFFFFB0]  }
0x14f: {  	v13 =	vshll.u32 v11, $0x10;
	v11 =	vand.u32 $0xFFFF0000, v11  }
0x150: {  	v10 =	vadd.f32 v13, v10;
	v8 =	vadd.f32 v11, v8;
	v11 =	vld [tilespmem:s8+$0xFFFFFFD0]  }
0x151: {  	v13 =	vshll.u32 v12, $0x10;
	v12 =	vand.u32 $0xFFFF0000, v12  }
0x152: {  	v10 =	vadd.f32 v13, v10;
	v8 =	vadd.f32 v12, v8;
	v12 =	vld [tilespmem:s8+$0xFFFFFFF0];
	s17 =	spop (v2sf)  }
0x153: {  	v13 =	vshll.u32 v9, $0x10;
	v9 =	vand.u32 $0xFFFF0000, v9;
	s17 =	sshll.u32 s17, $0x8;
	s18 =	spop (v2sf)  }
0x154: {  	v10 =	vadd.f32 v13, v10;
	v8 =	vadd.f32 v9, v8;
	v9 =	vld [tilespmem:s8+$0x10];
	s18 =	sshll.u32 s18, $0x8  }
0x155: {  	v13 =	vshll.u32 v11, $0x10;
	v11 =	vand.u32 $0xFFFF0000, v11  }
0x156: {  	v10 =	vadd.f32 v13, v10;
	v8 =	vadd.f32 v11, v8;
	v11 =	vld [tilespmem:s8+$0x30]  }
0x157: {  	v13 =	vshll.u32 v12, $0x10;
	v12 =	vand.u32 $0xFFFF0000, v12  }
0x158: {  	v10 =	vadd.f32 v13, v10;
	v8 =	vadd.f32 v12, v8;
	v12 =	vld [tilespmem:s8+$0x50]  }
0x159: {  	v13 =	vshll.u32 v9, $0x10;
	v9 =	vand.u32 $0xFFFF0000, v9  }
0x15a: {  	v10 =	vadd.f32 v13, v10;
	v8 =	vadd.f32 v9, v8;
	v9 =	vld [tilespmem:s8+$0x70]  }
0x15b: {  	v13 =	vshll.u32 v11, $0x10;
	v11 =	vand.u32 $0xFFFF0000, v11  }
0x15c: {  	v10 =	vadd.f32 v13, v10;
	v8 =	vadd.f32 v11, v8;
	v11 =	vld [tilespmem:s8+$0x90]  }
0x15d: {  	v13 =	vshll.u32 v12, $0x10;
	v12 =	vand.u32 $0xFFFF0000, v12  }
0x15e: {  	v10 =	vadd.f32 v13, v10;
	v8 =	vadd.f32 v12, v8;
	v12 =	vld [tilespmem:s8+$0xB0]  }
0x15f: {  	v13 =	vshll.u32 v9, $0x10;
	v9 =	vand.u32 $0xFFFF0000, v9  }
0x160: {  	v10 =	vadd.f32 v13, v10;
	v8 =	vadd.f32 v9, v8;
	v9 =	vld [tilespmem:s8+$0xD0]  }
0x161: {  	v13 =	vshll.u32 v11, $0x10;
	v11 =	vand.u32 $0xFFFF0000, v11  }
0x162: {  	v10 =	vadd.f32 v13, v10;
	v8 =	vadd.f32 v11, v8;
	v11 =	vld [tilespmem:s8+$0xF0]  }
0x163: {  	v13 =	vshll.u32 v12, $0x10;
	v12 =	vand.u32 $0xFFFF0000, v12  }
0x164: {  	v10 =	vadd.f32 v13, v10;
	v8 =	vadd.f32 v12, v8;
	v12 =	vld [tilespmem:s8+$0x110]  }
0x165: {  	v13 =	vshll.u32 v9, $0x10;
	v9 =	vand.u32 $0xFFFF0000, v9  }
0x166: {  	v10 =	vadd.f32 v13, v10;
	v8 =	vadd.f32 v9, v8;
	v9 =	vld [tilespmem:s8+$0x130]  }
0x167: {  	v13 =	vshll.u32 v11, $0x10;
	v11 =	vand.u32 $0xFFFF0000, v11  }
0x168: {  	v10 =	vadd.f32 v13, v10;
	v8 =	vadd.f32 v11, v8  }
0x169: {  	v11 =	vshll.u32 v12, $0x10;
	v12 =	vand.u32 $0xFFFF0000, v12  }
0x16a: {  	v10 =	vadd.f32 v11, v10;
	v8 =	vadd.f32 v12, v8;
	v11 =	vld [tilespmem:s9+$0x0]  }
0x16b: {  	v12 =	vshll.u32 v9, $0x10;
	v9 =	vand.u32 $0xFFFF0000, v9  }
0x16c: {  	v10 =	vadd.f32 v12, v10;
	v8 =	vadd.f32 v9, v8;
	v9 =	vld [tilespmem:s12+$0x0];
	_ =	sdelay $0x1  }
0x16d: {  	v10 =	vmul.f32 $5.000000070e-02, v10;
	v8 =	vmul.f32 $5.000000070e-02, v8  }
0x16e: {  	v12 =	vshll.u32 v11, $0x10;
	v11 =	vand.u32 $0xFFFF0000, v11  }
0x16f: {  	v10 =	vadd.f32 v12, v10;
	v8 =	vadd.f32 v11, v8  }
0x170: {  	v11 =	vshll.u32 v9, $0x10;
	v9 =	vand.u32 $0xFFFF0000, v9  }
0x171: {  	v10 =	vadd.f32 v11, v10;
	v8 =	vadd.f32 v9, v8;
	_ =	sdelay $0x1  }
0x172: {  	s18 =	sshra.s32 s18, $0x2;
	[tilespmem:s16+$0xFFFFFFD0] =	vst v10  }
0x173: {  	[tilespmem:s16+$0xFFFFFFF0] =	vst v8  }
0x174: {  	v8 =	vld [tilespmem:s18+$0x2470];
	_ =	sdelay $0x3  }
0x175: {  	s17 =	sshra.s32 s17, $0x2  }
0x176: {  	[tilespmem:s16+$0x0] =	vst v8  }
0x177: {  	v8 =	vld [tilespmem:s17+$0x3E30];
	_ =	sdelay $0x1  }
0x178: {  	v9 =	vmul.f32 v7, v1;
	_ =	sdelay $0x2  }
0x179: {  	v8 =	vadd.f32 v8, v9;
	_ =	sdelay $0x1  }
0x17a: {  	[tilespmem:s15+$0xFFFFFFE0] =	vst v8  }
0x17b: {  	v8 =	vld [tilespmem:s18+$0x2480];
	_ =	sdelay $0x4  }
0x17c: {  	[tilespmem:s16+$0x10] =	vst v8  }
0x17d: {  	v8 =	vld [tilespmem:s17+$0x3E40];
	_ =	sdelay $0x1  }
0x17e: {  	v9 =	vmul.f32 v7, v2;
	_ =	sdelay $0x2  }
0x17f: {  	v8 =	vadd.f32 v8, v9;
	_ =	sdelay $0x1  }
0x180: {  	[tilespmem:s15+$0xFFFFFFF0] =	vst v8  }
0x181: {  	v8 =	vld [tilespmem:s18+$0x2490];
	_ =	sdelay $0x4  }
0x182: {  	[tilespmem:s16+$0x20] =	vst v8  }
0x183: {  	v8 =	vld [tilespmem:s17+$0x3E50];
	_ =	sdelay $0x1  }
0x184: {  	v9 =	vmul.f32 v7, v3;
	_ =	sdelay $0x2  }
0x185: {  	v8 =	vadd.f32 v8, v9;
	_ =	sdelay $0x1  }
0x186: {  	[tilespmem:s15+$0x0] =	vst v8  }
0x187: {  	v8 =	vld [tilespmem:s18+$0x24A0];
	_ =	sdelay $0x3  }
.Ltmp1:
0x188: {  	(pc) =	sbr.rel @p2 .LBB2_5-.Ltmp1, $3  }
0x189: {  	[tilespmem:s16+$0x30] =	vst v8  }
0x18a: {  	v8 =	vld [tilespmem:s17+$0x3E60];
	_ =	sdelay $0x1  }
0x18b: {  	v7 =	vmul.f32 v7, v4;
	s15 =	sadd.s32 $0x80, s15;
	s16 =	sadd.s32 $0x80, s16  }
0x18c: {  	_ = 	snop  }
0x18d: {  	s8 =	sshll.u32 s22, $0xD  }
0x18e: {  	s8 =	sadd.s32 s19, s8;
	v5 =	vadd.f32 v8, v7  }
0x18f: {  	s8 =	sshrl.u32 s8, $0x3  }
0x190: {  	s12 =	simm.s32 $0xF630;
	s9 =	sadd.s32 s1, s8;
	[tilespmem:s13+$0x10] =	vst v5  }
0x191: {  	[hbm4b:s9+s3] =	stream.linear.scatter [tilespmem:s12], [sflag:$0x3], $0x1000, $0x38;
	[tilespmem:$0x13630] =	vst v63  }
0x192: {  	s8 =	sadd.s32 s2, s8;
	s12 =	simm.s32 $0x11630  }
0x193: {  	[hbm4b:s8+s3] =	stream.linear.scatter [tilespmem:s12], [sflag:$0x3], $0x1000, $0x38;
	[tilespmem:$0x13630] =	vst v63  }
0x194: {  	_ =	swait.ge [sflag:s4], $0x1000  }
0x195: {  	[sflag:s4] =	ssyncset.done $0x0  }
0x196: {  	[sflag:s4] =	ssyncadd.s32 $0xFFFFF000  }
0x197: {  	_ =	swait.ge [sflag:s4], $0x1000  }
0x198: {  	[sflag:s4] =	ssyncset.done $0x0  }
0x199: {  	[sflag:s4] =	ssyncadd.s32 $0xFFFFF000  }
0x19a: {  	_ =	swait.ge [sflag:s4], $0x1000  }
0x19b: {  	[sflag:s4] =	ssyncset.done $0x0  }
0x19c: {  	[sflag:s4] =	ssyncadd.s32 $0xFFFFF000  }
0x19d: {  	_ =	swait.ge [sflag:s4], $0x1000  }
0x19e: {  	[sflag:s4] =	ssyncset.done $0x0  }
0x19f: {  	[sflag:s4] =	ssyncadd.s32 $0xFFFFF000  }
0x1a0: {  	_ =	swait.ge [sflag:s4], $0x1000  }
0x1a1: {  	[sflag:s4] =	ssyncset.done $0x0  }
0x1a2: {  	[sflag:s4] =	ssyncadd.s32 $0xFFFFF000  }
0x1a3: {  	_ =	swait.ge [sflag:s4], $0x400  }
0x1a4: {  	[sflag:s4] =	ssyncset.done $0x0  }
0x1a5: {  	[sflag:s4] =	ssyncadd.s32 $0xFFFFFC00  }
0x1a6: {  	s23 =	sor.u32 $0x1, s23;
	_ =	swait.ge [sflag:s4], $0x400  }
0x1a7: {  	p2 =	sgt.u32 s23, $0x30;
	[sflag:s4] =	ssyncset.done $0x0  }
0x1a8: {  	s8 =	simm.s32 @!p2 $0x2;
	[sflag:s4] =	ssyncadd.s32 $0xFFFFFC00  }
0x1a9: {  	_ =	swait.ge @!p2 [sflag:s8], $0x280  }
0x1aa: {  	s9 =	simm.s32 @!p2 $0x0;
	[sflag:s8] =	ssyncset.done @!p2 $0x0  }
0x1ab: {  	s12 =	simm.s32 @!p2 $0x4630;
	[sflag:s8] =	ssyncadd.s32 @!p2 $0xFFFFFD80;
	s8 =	simm.s32 @!p2 $0x80  }
0x1ac: {  	[tilespmem:s12], [sflag:$0x1] =	stream.indirect.gather @!p2 [hbm4b:s5+s8], $0x20, s9, s8, $0xb8;
	[tilespmem:$0x13630] =	vst v63  }
0x1ad: {  	s9 =	simm.s32 @!p2 $0x5630  }
0x1ae: {  	[tilespmem:s9], [sflag:$0x1] =	stream.indirect.gather @!p2 [hbm4b:s5+s8], $0x20, s8, s8, $0xb8;
	[tilespmem:$0x13630] =	vst v63  }
0x1af: {  	s12 =	simm.s32 @!p2 $0x6630;
	s9 =	simm.s32 @!p2 $0x100  }
0x1b0: {  	[tilespmem:s12], [sflag:$0x1] =	stream.indirect.gather @!p2 [hbm4b:s5+s8], $0x20, s9, s8, $0xb8;
	[tilespmem:$0x13630] =	vst v63  }
0x1b1: {  	s9 =	simm.s32 @!p2 $0x180;
	s12 =	simm.s32 @!p2 $0x7630  }
0x1b2: {  	[tilespmem:s12], [sflag:$0x1] =	stream.indirect.gather @!p2 [hbm4b:s5+s8], $0x20, s9, s8, $0xb8;
	[tilespmem:$0x13630] =	vst v63  }
0x1b3: {  	s9 =	simm.s32 @!p2 $0x200;
	s12 =	simm.s32 @!p2 $0x8630  }
0x1b4: {  	[tilespmem:s12], [sflag:$0x1] =	stream.indirect.gather @!p2 [hbm4b:s5+s8], $0x20, s9, s8, $0xb8;
	[tilespmem:$0x13630] =	vst v63  }
0x1b5: {  	s8 =	sadd.s32 @!p2 $0x540, s21;
	s9 =	simm.s32 @!p2 $0x20;
	s12 =	simm.s32 @!p2 $0xE630  }
0x1b6: {  	[tilespmem:s12], [sflag:$0x1] =	stream.indirect.gather @!p2 [hbm4b:s6+s9], $0x20, s8, s9, $0xb8;
	[tilespmem:$0x13630] =	vst v63  }
0x1b7: {  	s8 =	sadd.s32 @!p0 s11, s23  }
0x1b8: {  	s13 =	simm.s32 @!p2 $0xEE30;
	s12 =	sadd.s32 @!p2 $0xB80, s21;
	s8 =	smul.u32 @!p0 $0x280, s8  }
0x1b9: {  	[tilespmem:s13], [sflag:$0x1] =	stream.indirect.gather @!p2 [hbm4b:s7+s9], $0x20, s12, s9, $0xb8;
	[tilespmem:$0x13630] =	vst v63  }
0x1ba: {  	s8 =	sshrl.u32 @!p0 s8, $0x3  }
0x1bb: {  	s8 =	sadd.s32 @!p0 s10, s8  }
0x1bc: {  	s9 =	simm.s32 @!p0 $0x0;
	s12 =	simm.s32 @!p0 $0x280;
	s8 =	sadd.s32 @!p0 $0xA0, s8  }
0x1bd: {  	[tilespmem:s12], [sflag:$0x2] =	stream.linear.gather @!p0 [hbm4b:s8+s9], $0x280, $0x38;
	[tilespmem:$0x13630] =	vst v63  }
0x1be: {  	_ =	swait.ge @p1 [sflag:s20], $0x1000  }
0x1bf: {  	[sflag:s20] =	ssyncset.done @p1 $0x0  }
0x1c0: {  	[sflag:s20] =	ssyncadd.s32 @p1 $0xFFFFF000  }
0x1c1: {  	_ =	swait.ge @p1 [sflag:s20], $0x1000  }
0x1c2: {  	[sflag:s20] =	ssyncset.done @p1 $0x0  }
0x1c3: {  	s13 =	simm.s32 $0x0;
	[sflag:s20] =	ssyncadd.s32 @p1 $0xFFFFF000  }
0x1c4: {  	v5 =	vld [tilespmem:s13+$0x9630]  }
0x1c5: {  	v6 =	vld [tilespmem:s13+$0x9650];
	_ =	sdelay $0x1  }
0x1c6: {  	v7 =	vld [tilespmem:s13+$0x9670];
	_ =	sdelay $0x1  }
0x1c7: {  	v8 =	vld [tilespmem:s13+$0x9690]  }
0x1c8: {  	v9 =	vshll.u32 v5, $0x10;
	v10 =	vshll.u32 v6, $0x10  }
0x1c9: {  	v61 =	vld [tilespmem:s13+$0x96B0];
	v5 =	vand.u32 $0xFFFF0000, v5;
	v6 =	vand.u32 $0xFFFF0000, v6;
	v9 =	vadd.f32 v10, v9  }
0x1ca: {  	v5 =	vadd.f32 v6, v5;
	v6 =	vshll.u32 v7, $0x10  }
0x1cb: {  	v62 =	vld [tilespmem:s13+$0x96D0];
	v7 =	vand.u32 $0xFFFF0000, v7;
	v6 =	vadd.f32 v6, v9  }
0x1cc: {  	v5 =	vadd.f32 v7, v5;
	v7 =	vshll.u32 v8, $0x10  }
0x1cd: {  	v8 =	vand.u32 $0xFFFF0000, v8;
	v6 =	vadd.f32 v7, v6;
	v7 =	vld [tilespmem:s13+$0x96F0]  }
0x1ce: {  	v5 =	vadd.f32 v8, v5;
	v8 =	vshll.u32 v61, $0x10  }
0x1cf: {  	v10 =	vand.u32 $0xFFFF0000, v61;
	v6 =	vadd.f32 v8, v6;
	v8 =	vld [tilespmem:s13+$0x9710]  }
0x1d0: {  	v63 =	vshll.u32 v62, $0x10;
	v5 =	vadd.f32 v10, v5  }
0x1d1: {  	v12 =	vld [tilespmem:s13+$0x9730];
	v9 =	vand.u32 $0xFFFF0000, v62;
	v6 =	vadd.f32 v63, v6  }
0x1d2: {  	v5 =	vadd.f32 v9, v5;
	v13 =	vshll.u32 v7, $0x10  }
0x1d3: {  	v14 =	vld [tilespmem:s13+$0x9750];
	v7 =	vand.u32 $0xFFFF0000, v7;
	v6 =	vadd.f32 v13, v6  }
0x1d4: {  	v5 =	vadd.f32 v7, v5;
	v7 =	vshll.u32 v8, $0x10  }
0x1d5: {  	v8 =	vand.u32 $0xFFFF0000, v8;
	v6 =	vadd.f32 v7, v6;
	v7 =	vld [tilespmem:s13+$0x9770]  }
0x1d6: {  	v5 =	vadd.f32 v8, v5;
	v8 =	vshll.u32 v12, $0x10  }
0x1d7: {  	v10 =	vand.u32 $0xFFFF0000, v12;
	v6 =	vadd.f32 v8, v6;
	v8 =	vld [tilespmem:s13+$0x9790]  }
0x1d8: {  	v15 =	vshll.u32 v14, $0x10;
	v5 =	vadd.f32 v10, v5  }
0x1d9: {  	v16 =	vld [tilespmem:s13+$0x97B0];
	v9 =	vand.u32 $0xFFFF0000, v14;
	v6 =	vadd.f32 v15, v6  }
0x1da: {  	v5 =	vadd.f32 v9, v5;
	v17 =	vshll.u32 v7, $0x10  }
0x1db: {  	v18 =	vld [tilespmem:s13+$0x97D0];
	v7 =	vand.u32 $0xFFFF0000, v7;
	v6 =	vadd.f32 v17, v6  }
0x1dc: {  	v5 =	vadd.f32 v7, v5;
	v7 =	vshll.u32 v8, $0x10  }
0x1dd: {  	v8 =	vand.u32 $0xFFFF0000, v8;
	v6 =	vadd.f32 v7, v6;
	v7 =	vld [tilespmem:s13+$0x97F0]  }
0x1de: {  	v5 =	vadd.f32 v8, v5;
	v8 =	vshll.u32 v16, $0x10  }
0x1df: {  	v10 =	vand.u32 $0xFFFF0000, v16;
	v6 =	vadd.f32 v8, v6;
	v8 =	vld [tilespmem:s13+$0x9810]  }
0x1e0: {  	v19 =	vshll.u32 v18, $0x10;
	v5 =	vadd.f32 v10, v5  }
0x1e1: {  	v20 =	vld [tilespmem:s13+$0x9830];
	v9 =	vand.u32 $0xFFFF0000, v18;
	v6 =	vadd.f32 v19, v6  }
0x1e2: {  	v5 =	vadd.f32 v9, v5;
	v21 =	vshll.u32 v7, $0x10  }
0x1e3: {  	v22 =	vld [tilespmem:s13+$0x9850];
	v7 =	vand.u32 $0xFFFF0000, v7;
	v6 =	vadd.f32 v21, v6  }
0x1e4: {  	v5 =	vadd.f32 v7, v5;
	v7 =	vshll.u32 v8, $0x10  }
0x1e5: {  	v8 =	vand.u32 $0xFFFF0000, v8;
	v6 =	vadd.f32 v7, v6;
	v7 =	vld [tilespmem:s13+$0x9870]  }
0x1e6: {  	v5 =	vadd.f32 v8, v5;
	v8 =	vshll.u32 v20, $0x10  }
0x1e7: {  	v10 =	vand.u32 $0xFFFF0000, v20;
	v6 =	vadd.f32 v8, v6;
	v8 =	vld [tilespmem:s13+$0x9890]  }
0x1e8: {  	v23 =	vshll.u32 v22, $0x10;
	v5 =	vadd.f32 v10, v5  }
0x1e9: {  	v9 =	vand.u32 $0xFFFF0000, v22;
	v6 =	vadd.f32 v23, v6  }
0x1ea: {  	s15 =	simm.s32 $0xEA40;
	v5 =	vadd.f32 v9, v5;
	v24 =	vshll.u32 v7, $0x10  }
0x1eb: {  	v25 =	vld [tilespmem:s15+$0xFFFFFFF0];
	v7 =	vand.u32 $0xFFFF0000, v7;
	v6 =	vadd.f32 v24, v6  }
0x1ec: {  	s16 =	simm.s32 $0xF240;
	v5 =	vadd.f32 v7, v5;
	v7 =	vshll.u32 v8, $0x10  }
0x1ed: {  	v8 =	vand.u32 $0xFFFF0000, v8;
	v6 =	vadd.f32 v7, v6;
	v7 =	vld [tilespmem:s16+$0xFFFFFFF0]  }
0x1ee: {  	v5 =	vadd.f32 v8, v5  }
0x1ef: {  	v6 =	vmul.f32 $5.000000070e-02, v6  }
0x1f0: {  	v8 =	vshll.u32 v25, $0x10;
	v5 =	vmul.f32 $5.000000070e-02, v5  }
0x1f1: {  	v9 =	vand.u32 $0xFFFF0000, v25;
	v6 =	vadd.f32 v8, v6  }
0x1f2: {  	s14 =	sshra.s32 s26, $0x2;
	v8 =	vadd.f32 v9, v5;
	v26 =	vshll.u32 v7, $0x10  }
0x1f3: {  	v27 =	vld [tilespmem:s14+$0x17D0];
	v7 =	vand.u32 $0xFFFF0000, v7;
	v6 =	vadd.f32 v26, v6  }
0x1f4: {  	s8 =	simm.s32 $0x106A0;
	v5 =	vld.msk [tilespmem:s14+$0x1E20 ss:$0x0], $0xffff;
	v7 =	vadd.f32 v7, v8  }
0x1f5: {  	v8 =	vld [tilespmem:s14+$0x1180];
	[tilespmem:s8+$0xFFFFFF90] =	vst v6  }
0x1f6: {  	[tilespmem:s8+$0xFFFFFFB0] =	vst v7  }
0x1f7: {  	v6 =	vld [tilespmem:s13+$0x9640]  }
0x1f8: {  	v7 =	vld [tilespmem:s13+$0x9660];
	_ =	sdelay $0x1  }
0x1f9: {  	v28 =	vld [tilespmem:s13+$0x9680];
	_ =	sdelay $0x1  }
0x1fa: {  	v11 =	vld [tilespmem:s13+$0x96A0]  }
0x1fb: {  	v12 =	vshll.u32 v6, $0x10;
	v13 =	vshll.u32 v7, $0x10  }
0x1fc: {  	v29 =	vld [tilespmem:s13+$0x96C0];
	v6 =	vand.u32 $0xFFFF0000, v6;
	v7 =	vand.u32 $0xFFFF0000, v7;
	v12 =	vadd.f32 v13, v12  }
0x1fd: {  	v6 =	vadd.f32 v7, v6;
	v7 =	vshll.u32 v28, $0x10  }
0x1fe: {  	v30 =	vld [tilespmem:s13+$0x96E0];
	v9 =	vand.u32 $0xFFFF0000, v28;
	v7 =	vadd.f32 v7, v12  }
0x1ff: {  	v31 =	vshll.u32 v11, $0x10;
	v6 =	vadd.f32 v9, v6  }
0x200: {  	v32 =	vld [tilespmem:s13+$0x9700];
	v11 =	vand.u32 $0xFFFF0000, v11;
	v7 =	vadd.f32 v31, v7  }
0x201: {  	v33 =	vshll.u32 v29, $0x10;
	v6 =	vadd.f32 v11, v6  }
0x202: {  	v34 =	vld [tilespmem:s13+$0x9720];
	v13 =	vand.u32 $0xFFFF0000, v29;
	v7 =	vadd.f32 v33, v7  }
0x203: {  	v35 =	vshll.u32 v30, $0x10;
	v6 =	vadd.f32 v13, v6  }
0x204: {  	v36 =	vld [tilespmem:s13+$0x9740];
	v12 =	vand.u32 $0xFFFF0000, v30;
	v7 =	vadd.f32 v35, v7  }
0x205: {  	v37 =	vshll.u32 v32, $0x10;
	v6 =	vadd.f32 v12, v6  }
0x206: {  	v38 =	vld [tilespmem:s13+$0x9760];
	v9 =	vand.u32 $0xFFFF0000, v32;
	v7 =	vadd.f32 v37, v7  }
0x207: {  	v39 =	vshll.u32 v34, $0x10;
	v6 =	vadd.f32 v9, v6  }
0x208: {  	v40 =	vld [tilespmem:s13+$0x9780];
	v11 =	vand.u32 $0xFFFF0000, v34;
	v7 =	vadd.f32 v39, v7  }
0x209: {  	v41 =	vshll.u32 v36, $0x10;
	v6 =	vadd.f32 v11, v6  }
0x20a: {  	v42 =	vld [tilespmem:s13+$0x97A0];
	v13 =	vand.u32 $0xFFFF0000, v36;
	v7 =	vadd.f32 v41, v7  }
0x20b: {  	v43 =	vshll.u32 v38, $0x10;
	v6 =	vadd.f32 v13, v6  }
0x20c: {  	v44 =	vld [tilespmem:s13+$0x97C0];
	v12 =	vand.u32 $0xFFFF0000, v38;
	v7 =	vadd.f32 v43, v7  }
0x20d: {  	v45 =	vshll.u32 v40, $0x10;
	v6 =	vadd.f32 v12, v6  }
0x20e: {  	v46 =	vld [tilespmem:s13+$0x97E0];
	v9 =	vand.u32 $0xFFFF0000, v40;
	v7 =	vadd.f32 v45, v7  }
0x20f: {  	v47 =	vshll.u32 v42, $0x10;
	v6 =	vadd.f32 v9, v6  }
0x210: {  	v48 =	vld [tilespmem:s13+$0x9800];
	v11 =	vand.u32 $0xFFFF0000, v42;
	v7 =	vadd.f32 v47, v7  }
0x211: {  	v49 =	vshll.u32 v44, $0x10;
	v6 =	vadd.f32 v11, v6  }
0x212: {  	v50 =	vld [tilespmem:s13+$0x9820];
	v13 =	vand.u32 $0xFFFF0000, v44;
	v7 =	vadd.f32 v49, v7  }
0x213: {  	v51 =	vshll.u32 v46, $0x10;
	v6 =	vadd.f32 v13, v6  }
0x214: {  	v52 =	vld [tilespmem:s13+$0x9840];
	v12 =	vand.u32 $0xFFFF0000, v46;
	v7 =	vadd.f32 v51, v7  }
0x215: {  	v53 =	vshll.u32 v48, $0x10;
	v6 =	vadd.f32 v12, v6  }
0x216: {  	v54 =	vld [tilespmem:s13+$0x9860];
	v9 =	vand.u32 $0xFFFF0000, v48;
	v7 =	vadd.f32 v53, v7  }
0x217: {  	(v2sf) =	vpush v27, $0x0;
	v55 =	vshll.u32 v50, $0x10;
	v6 =	vadd.f32 v9, v6  }
0x218: {  	v56 =	vld [tilespmem:s13+$0x9880];
	(v2sf) =	vpush v8, $0x0;
	v8 =	vand.u32 $0xFFFF0000, v50;
	v7 =	vadd.f32 v55, v7  }
0x219: {  	v6 =	vadd.f32 v8, v6;
	v8 =	vshll.u32 v52, $0x10  }
0x21a: {  	v57 =	vand.u32 $0xFFFF0000, v52;
	v7 =	vadd.f32 v8, v7;
	v8 =	vld [tilespmem:s13+$0x98A0]  }
0x21b: {  	v58 =	vshll.u32 v54, $0x10;
	v6 =	vadd.f32 v57, v6  }
0x21c: {  	v59 =	vand.u32 $0xFFFF0000, v54;
	v7 =	vadd.f32 v58, v7  }
0x21d: {  	v60 =	vshll.u32 v56, $0x10;
	v6 =	vadd.f32 v59, v6  }
0x21e: {  	v61 =	vld [tilespmem:s15+$0x0];
	v9 =	vand.u32 $0xFFFF0000, v56;
	v7 =	vadd.f32 v60, v7  }
0x21f: {  	v6 =	vadd.f32 v9, v6;
	v62 =	vshll.u32 v8, $0x10  }
0x220: {  	v63 =	vld [tilespmem:s16+$0x0];
	v8 =	vand.u32 $0xFFFF0000, v8;
	v7 =	vadd.f32 v62, v7  }
0x221: {  	v6 =	vadd.f32 v8, v6  }
0x222: {  	v7 =	vmul.f32 $5.000000070e-02, v7  }
0x223: {  	v8 =	vshll.u32 v61, $0x10;
	v6 =	vmul.f32 $5.000000070e-02, v6  }
0x224: {  	v10 =	vand.u32 $0xFFFF0000, v61;
	v7 =	vadd.f32 v8, v7  }
0x225: {  	v6 =	vadd.f32 v10, v6;
	v8 =	vshll.u32 v63, $0x10  }
0x226: {  	s17 =	spop (v2sf);
	v9 =	vand.u32 $0xFFFF0000, v63;
	v7 =	vadd.f32 v8, v7  }
0x227: {  	s18 =	spop (v2sf);
	v6 =	vadd.f32 v9, v6  }
0x228: {  	s12 =	sshll.u32 s18, $0x8;
	[tilespmem:s8+$0xFFFFFFA0] =	vst v7  }
0x229: {  	s12 =	sshra.s32 s12, $0x2;
	[tilespmem:s8+$0xFFFFFFC0] =	vst v6  }
0x22a: {  	v6 =	vld [tilespmem:s12+$0x2470];
	_ =	sdelay $0x3  }
0x22b: {  	s9 =	sshll.u32 s17, $0x8  }
0x22c: {  	s21 =	sshra.s32 s9, $0x2;
	[tilespmem:s8+$0xFFFFFFD0] =	vst v6  }
0x22d: {  	v6 =	vld [tilespmem:s21+$0x3E30];
	_ =	sdelay $0x2  }
0x22e: {  	v7 =	vmul.f32 v5, v1;
	_ =	sdelay $0x1  }
0x22f: {  	v6 =	vadd.f32 v6, v7  }
0x230: {  	s9 =	simm.s32 $0x12660  }
0x231: {  	[tilespmem:s9+$0xFFFFFFD0] =	vst v6  }
0x232: {  	v6 =	vld [tilespmem:s12+$0x2480];
	_ =	sdelay $0x4  }
0x233: {  	[tilespmem:s8+$0xFFFFFFE0] =	vst v6  }
0x234: {  	v6 =	vld [tilespmem:s21+$0x3E40];
	_ =	sdelay $0x2  }
0x235: {  	v7 =	vmul.f32 v5, v2;
	_ =	sdelay $0x1  }
0x236: {  	v6 =	vadd.f32 v6, v7;
	_ =	sdelay $0x1  }
0x237: {  	[tilespmem:s9+$0xFFFFFFE0] =	vst v6  }
0x238: {  	v6 =	vld [tilespmem:s12+$0x2490];
	_ =	sdelay $0x4  }
0x239: {  	[tilespmem:s8+$0xFFFFFFF0] =	vst v6  }
0x23a: {  	v6 =	vld [tilespmem:s21+$0x3E50];
	_ =	sdelay $0x2  }
0x23b: {  	v7 =	vmul.f32 v5, v3;
	_ =	sdelay $0x1  }
0x23c: {  	v6 =	vadd.f32 v6, v7;
	_ =	sdelay $0x1  }
0x23d: {  	[tilespmem:s9+$0xFFFFFFF0] =	vst v6  }
0x23e: {  	v6 =	vld [tilespmem:s12+$0x24A0];
	_ =	sdelay $0x4  }
0x23f: {  	s14 =	simm.s32 $0xEA60;
	s15 =	smov.u32 s26;
	[tilespmem:s8+$0x0] =	vst v6  }
0x240: {  	s13 =	simm.s32 $0x12660;
	s12 =	simm.s32 $0xA00;
	v6 =	vld [tilespmem:s21+$0x3E60];
	s21 =	simm.s32 $0xF260  }
.LBB2_7:
0x241: {  	s15 =	sadd.s32 $0x4, s15;
	s9 =	sadd.s32 $0x80, s9;
	s8 =	sadd.s32 $0x80, s8  }
0x242: {  	p0 =	sne.s32 s12, $0x13600;
	v5 =	vmul.f32 v5, v4;
	s16 =	smov.u32 s12;
	s12 =	sadd.s32 $0xA00, s12  }
0x243: {  	_ =	sdelay $0x1  }
0x244: {  	s16 =	sshra.s32 s16, $0x2;
	v5 =	vadd.f32 v6, v5;
	_ =	sdelay $0x1  }
0x245: {  	[tilespmem:s13+$0x0] =	vst v5;
	s13 =	smov.u32 s9  }
0x246: {  	v5 =	vld [tilespmem:s16+$0x9630]  }
0x247: {  	v6 =	vld [tilespmem:s16+$0x9650]  }
0x248: {  	v7 =	vld [tilespmem:s16+$0x9670];
	_ =	sdelay $0x2  }
0x249: {  	v8 =	vand.u32 $0xFFFF0000, v5;
	v9 =	vld [tilespmem:s16+$0x9690]  }
0x24a: {  	v5 =	vshll.u32 v5, $0x10;
	v10 =	vshll.u32 v6, $0x10;
	v6 =	vand.u32 $0xFFFF0000, v6  }
0x24b: {  	v5 =	vadd.f32 v10, v5;
	v6 =	vadd.f32 v6, v8;
	v8 =	vld [tilespmem:s16+$0x96B0]  }
0x24c: {  	v10 =	vshll.u32 v7, $0x10;
	v7 =	vand.u32 $0xFFFF0000, v7  }
0x24d: {  	v5 =	vadd.f32 v10, v5;
	v6 =	vadd.f32 v7, v6;
	v7 =	vld [tilespmem:s16+$0x96D0]  }
0x24e: {  	v10 =	vshll.u32 v9, $0x10;
	v9 =	vand.u32 $0xFFFF0000, v9  }
0x24f: {  	v5 =	vadd.f32 v10, v5;
	v6 =	vadd.f32 v9, v6;
	v9 =	vld [tilespmem:s16+$0x96F0]  }
0x250: {  	v10 =	vshll.u32 v8, $0x10;
	v8 =	vand.u32 $0xFFFF0000, v8  }
0x251: {  	v5 =	vadd.f32 v10, v5;
	v6 =	vadd.f32 v8, v6;
	v8 =	vld [tilespmem:s16+$0x9710]  }
0x252: {  	v10 =	vshll.u32 v7, $0x10;
	v7 =	vand.u32 $0xFFFF0000, v7  }
0x253: {  	v5 =	vadd.f32 v10, v5;
	v6 =	vadd.f32 v7, v6;
	v7 =	vld [tilespmem:s16+$0x9730]  }
0x254: {  	v10 =	vshll.u32 v9, $0x10;
	v9 =	vand.u32 $0xFFFF0000, v9  }
0x255: {  	v5 =	vadd.f32 v10, v5;
	v6 =	vadd.f32 v9, v6;
	v9 =	vld [tilespmem:s16+$0x9750]  }
0x256: {  	v10 =	vshll.u32 v8, $0x10;
	v8 =	vand.u32 $0xFFFF0000, v8  }
0x257: {  	v5 =	vadd.f32 v10, v5;
	v6 =	vadd.f32 v8, v6;
	v8 =	vld [tilespmem:s16+$0x9770]  }
0x258: {  	v10 =	vshll.u32 v7, $0x10;
	v7 =	vand.u32 $0xFFFF0000, v7  }
0x259: {  	v5 =	vadd.f32 v10, v5;
	v6 =	vadd.f32 v7, v6;
	v7 =	vld [tilespmem:s16+$0x9790]  }
0x25a: {  	v10 =	vshll.u32 v9, $0x10;
	v9 =	vand.u32 $0xFFFF0000, v9  }
0x25b: {  	v5 =	vadd.f32 v10, v5;
	v6 =	vadd.f32 v9, v6;
	v9 =	vld [tilespmem:s16+$0x97B0]  }
0x25c: {  	v10 =	vshll.u32 v8, $0x10;
	v8 =	vand.u32 $0xFFFF0000, v8  }
0x25d: {  	v5 =	vadd.f32 v10, v5;
	v6 =	vadd.f32 v8, v6;
	v8 =	vld [tilespmem:s16+$0x97D0]  }
0x25e: {  	v10 =	vshll.u32 v7, $0x10;
	v7 =	vand.u32 $0xFFFF0000, v7  }
0x25f: {  	v5 =	vadd.f32 v10, v5;
	v6 =	vadd.f32 v7, v6;
	v7 =	vld [tilespmem:s16+$0x97F0]  }
0x260: {  	v10 =	vshll.u32 v9, $0x10;
	v9 =	vand.u32 $0xFFFF0000, v9  }
0x261: {  	v5 =	vadd.f32 v10, v5;
	v6 =	vadd.f32 v9, v6;
	v9 =	vld [tilespmem:s16+$0x9810]  }
0x262: {  	v10 =	vshll.u32 v8, $0x10;
	v8 =	vand.u32 $0xFFFF0000, v8  }
0x263: {  	v5 =	vadd.f32 v10, v5;
	v6 =	vadd.f32 v8, v6;
	v8 =	vld [tilespmem:s16+$0x9830]  }
0x264: {  	v10 =	vshll.u32 v7, $0x10;
	v7 =	vand.u32 $0xFFFF0000, v7  }
0x265: {  	v5 =	vadd.f32 v10, v5;
	v6 =	vadd.f32 v7, v6;
	v7 =	vld [tilespmem:s16+$0x9850]  }
0x266: {  	v10 =	vshll.u32 v9, $0x10;
	v9 =	vand.u32 $0xFFFF0000, v9  }
0x267: {  	v5 =	vadd.f32 v10, v5;
	v6 =	vadd.f32 v9, v6;
	v9 =	vld [tilespmem:s16+$0x9870]  }
0x268: {  	v10 =	vshll.u32 v8, $0x10;
	v8 =	vand.u32 $0xFFFF0000, v8  }
0x269: {  	v5 =	vadd.f32 v10, v5;
	v6 =	vadd.f32 v8, v6;
	v8 =	vld [tilespmem:s16+$0x9890]  }
0x26a: {  	v10 =	vshll.u32 v7, $0x10;
	v7 =	vand.u32 $0xFFFF0000, v7  }
0x26b: {  	v5 =	vadd.f32 v10, v5;
	v6 =	vadd.f32 v7, v6  }
0x26c: {  	v7 =	vshll.u32 v9, $0x10;
	v9 =	vand.u32 $0xFFFF0000, v9  }
0x26d: {  	v5 =	vadd.f32 v7, v5;
	v6 =	vadd.f32 v9, v6;
	v7 =	vld [tilespmem:s14+$0xFFFFFFF0]  }
0x26e: {  	v9 =	vshll.u32 v8, $0x10;
	v8 =	vand.u32 $0xFFFF0000, v8  }
0x26f: {  	v5 =	vadd.f32 v9, v5;
	v6 =	vadd.f32 v8, v6;
	v8 =	vld [tilespmem:s21+$0xFFFFFFF0];
	_ =	sdelay $0x1  }
0x270: {  	v5 =	vmul.f32 $5.000000070e-02, v5;
	v6 =	vmul.f32 $5.000000070e-02, v6  }
0x271: {  	v9 =	vshll.u32 v7, $0x10;
	v7 =	vand.u32 $0xFFFF0000, v7  }
0x272: {  	s17 =	sshra.s32 s15, $0x2;
	v9 =	vadd.f32 v9, v5;
	v6 =	vadd.f32 v7, v6  }
0x273: {  	v7 =	vshll.u32 v8, $0x10;
	v8 =	vand.u32 $0xFFFF0000, v8;
	v5 =	vld.msk [tilespmem:s17+$0x1E20 ss:$0x0], $0xffff  }
0x274: {  	v10 =	vld [tilespmem:s17+$0x17D0];
	v7 =	vadd.f32 v7, v9;
	v6 =	vadd.f32 v8, v6  }
0x275: {  	v8 =	vld [tilespmem:s17+$0x1180]  }
0x276: {  	[tilespmem:s8+$0xFFFFFF90] =	vst v7  }
0x277: {  	[tilespmem:s8+$0xFFFFFFB0] =	vst v6  }
0x278: {  	v6 =	vld [tilespmem:s16+$0x9640]  }
0x279: {  	v7 =	vld [tilespmem:s16+$0x9660];
	(v2sf) =	vpush v10, $0x0  }
0x27a: {  	(v2sf) =	vpush v8, $0x0  }
0x27b: {  	v8 =	vld [tilespmem:s16+$0x9680];
	_ =	sdelay $0x1  }
0x27c: {  	v9 =	vshll.u32 v6, $0x10;
	v6 =	vand.u32 $0xFFFF0000, v6;
	v10 =	vld [tilespmem:s16+$0x96A0]  }
0x27d: {  	v11 =	vshll.u32 v7, $0x10;
	v7 =	vand.u32 $0xFFFF0000, v7  }
0x27e: {  	v9 =	vadd.f32 v11, v9;
	v6 =	vadd.f32 v7, v6;
	v7 =	vld [tilespmem:s16+$0x96C0]  }
0x27f: {  	v11 =	vshll.u32 v8, $0x10;
	v8 =	vand.u32 $0xFFFF0000, v8  }
0x280: {  	v9 =	vadd.f32 v11, v9;
	v6 =	vadd.f32 v8, v6;
	v8 =	vld [tilespmem:s16+$0x96E0]  }
0x281: {  	v11 =	vshll.u32 v10, $0x10;
	v10 =	vand.u32 $0xFFFF0000, v10  }
0x282: {  	v9 =	vadd.f32 v11, v9;
	v6 =	vadd.f32 v10, v6;
	v10 =	vld [tilespmem:s16+$0x9700]  }
0x283: {  	v11 =	vshll.u32 v7, $0x10;
	v7 =	vand.u32 $0xFFFF0000, v7  }
0x284: {  	v9 =	vadd.f32 v11, v9;
	v6 =	vadd.f32 v7, v6;
	v7 =	vld [tilespmem:s16+$0x9720]  }
0x285: {  	v11 =	vshll.u32 v8, $0x10;
	v8 =	vand.u32 $0xFFFF0000, v8  }
0x286: {  	v9 =	vadd.f32 v11, v9;
	v6 =	vadd.f32 v8, v6;
	v8 =	vld [tilespmem:s16+$0x9740]  }
0x287: {  	v11 =	vshll.u32 v10, $0x10;
	v10 =	vand.u32 $0xFFFF0000, v10;
	s17 =	spop (v2sf)  }
0x288: {  	v9 =	vadd.f32 v11, v9;
	v6 =	vadd.f32 v10, v6;
	v10 =	vld [tilespmem:s16+$0x9760];
	s17 =	sshll.u32 s17, $0x8;
	s18 =	spop (v2sf)  }
0x289: {  	v11 =	vshll.u32 v7, $0x10;
	v7 =	vand.u32 $0xFFFF0000, v7;
	s18 =	sshll.u32 s18, $0x8  }
0x28a: {  	v9 =	vadd.f32 v11, v9;
	v6 =	vadd.f32 v7, v6;
	v7 =	vld [tilespmem:s16+$0x9780]  }
0x28b: {  	v11 =	vshll.u32 v8, $0x10;
	v8 =	vand.u32 $0xFFFF0000, v8  }
0x28c: {  	v9 =	vadd.f32 v11, v9;
	v6 =	vadd.f32 v8, v6;
	v8 =	vld [tilespmem:s16+$0x97A0]  }
0x28d: {  	v11 =	vshll.u32 v10, $0x10;
	v10 =	vand.u32 $0xFFFF0000, v10  }
0x28e: {  	v9 =	vadd.f32 v11, v9;
	v6 =	vadd.f32 v10, v6;
	v10 =	vld [tilespmem:s16+$0x97C0]  }
0x28f: {  	v11 =	vshll.u32 v7, $0x10;
	v7 =	vand.u32 $0xFFFF0000, v7  }
0x290: {  	v9 =	vadd.f32 v11, v9;
	v6 =	vadd.f32 v7, v6;
	v7 =	vld [tilespmem:s16+$0x97E0]  }
0x291: {  	v11 =	vshll.u32 v8, $0x10;
	v8 =	vand.u32 $0xFFFF0000, v8  }
0x292: {  	v9 =	vadd.f32 v11, v9;
	v6 =	vadd.f32 v8, v6;
	v8 =	vld [tilespmem:s16+$0x9800]  }
0x293: {  	v11 =	vshll.u32 v10, $0x10;
	v10 =	vand.u32 $0xFFFF0000, v10  }
0x294: {  	v9 =	vadd.f32 v11, v9;
	v6 =	vadd.f32 v10, v6;
	v10 =	vld [tilespmem:s16+$0x9820]  }
0x295: {  	v11 =	vshll.u32 v7, $0x10;
	v7 =	vand.u32 $0xFFFF0000, v7  }
0x296: {  	v9 =	vadd.f32 v11, v9;
	v6 =	vadd.f32 v7, v6;
	v7 =	vld [tilespmem:s16+$0x9840]  }
0x297: {  	v11 =	vshll.u32 v8, $0x10;
	v8 =	vand.u32 $0xFFFF0000, v8  }
0x298: {  	v9 =	vadd.f32 v11, v9;
	v6 =	vadd.f32 v8, v6;
	v8 =	vld [tilespmem:s16+$0x9860]  }
0x299: {  	v11 =	vshll.u32 v10, $0x10;
	v10 =	vand.u32 $0xFFFF0000, v10  }
0x29a: {  	v9 =	vadd.f32 v11, v9;
	v6 =	vadd.f32 v10, v6;
	v10 =	vld [tilespmem:s16+$0x9880]  }
0x29b: {  	v11 =	vshll.u32 v7, $0x10;
	v7 =	vand.u32 $0xFFFF0000, v7  }
0x29c: {  	v9 =	vadd.f32 v11, v9;
	v6 =	vadd.f32 v7, v6;
	v7 =	vld [tilespmem:s16+$0x98A0]  }
0x29d: {  	v11 =	vshll.u32 v8, $0x10;
	v8 =	vand.u32 $0xFFFF0000, v8  }
0x29e: {  	v9 =	vadd.f32 v11, v9;
	v6 =	vadd.f32 v8, v6  }
0x29f: {  	v8 =	vshll.u32 v10, $0x10;
	v10 =	vand.u32 $0xFFFF0000, v10  }
0x2a0: {  	v8 =	vadd.f32 v8, v9;
	v6 =	vadd.f32 v10, v6;
	v9 =	vld [tilespmem:s14+$0x0]  }
0x2a1: {  	v10 =	vshll.u32 v7, $0x10;
	v7 =	vand.u32 $0xFFFF0000, v7  }
0x2a2: {  	v8 =	vadd.f32 v10, v8;
	v6 =	vadd.f32 v7, v6;
	v7 =	vld [tilespmem:s21+$0x0];
	_ =	sdelay $0x1  }
0x2a3: {  	v8 =	vmul.f32 $5.000000070e-02, v8;
	v6 =	vmul.f32 $5.000000070e-02, v6  }
0x2a4: {  	v10 =	vshll.u32 v9, $0x10;
	v9 =	vand.u32 $0xFFFF0000, v9  }
0x2a5: {  	v8 =	vadd.f32 v10, v8;
	v6 =	vadd.f32 v9, v6  }
0x2a6: {  	v9 =	vshll.u32 v7, $0x10;
	v7 =	vand.u32 $0xFFFF0000, v7  }
0x2a7: {  	v8 =	vadd.f32 v9, v8;
	v6 =	vadd.f32 v7, v6;
	_ =	sdelay $0x1  }
0x2a8: {  	s16 =	sshra.s32 s18, $0x2;
	[tilespmem:s8+$0xFFFFFFA0] =	vst v8  }
0x2a9: {  	[tilespmem:s8+$0xFFFFFFC0] =	vst v6  }
0x2aa: {  	v6 =	vld [tilespmem:s16+$0x2470];
	_ =	sdelay $0x3  }
0x2ab: {  	s17 =	sshra.s32 s17, $0x2  }
0x2ac: {  	[tilespmem:s8+$0xFFFFFFD0] =	vst v6  }
0x2ad: {  	v6 =	vld [tilespmem:s17+$0x3E30];
	_ =	sdelay $0x1  }
0x2ae: {  	v7 =	vmul.f32 v5, v1;
	_ =	sdelay $0x2  }
0x2af: {  	v6 =	vadd.f32 v6, v7;
	_ =	sdelay $0x1  }
0x2b0: {  	[tilespmem:s9+$0xFFFFFFD0] =	vst v6  }
0x2b1: {  	v6 =	vld [tilespmem:s16+$0x2480];
	_ =	sdelay $0x4  }
0x2b2: {  	[tilespmem:s8+$0xFFFFFFE0] =	vst v6  }
0x2b3: {  	v6 =	vld [tilespmem:s17+$0x3E40];
	_ =	sdelay $0x1  }
0x2b4: {  	v7 =	vmul.f32 v5, v2;
	_ =	sdelay $0x2  }
0x2b5: {  	v6 =	vadd.f32 v6, v7;
	_ =	sdelay $0x1  }
0x2b6: {  	[tilespmem:s9+$0xFFFFFFE0] =	vst v6  }
0x2b7: {  	v6 =	vld [tilespmem:s16+$0x2490];
	_ =	sdelay $0x4  }
0x2b8: {  	[tilespmem:s8+$0xFFFFFFF0] =	vst v6  }
0x2b9: {  	v6 =	vld [tilespmem:s17+$0x3E50];
	_ =	sdelay $0x1  }
0x2ba: {  	v7 =	vmul.f32 v5, v3;
	_ =	sdelay $0x2  }
0x2bb: {  	v6 =	vadd.f32 v6, v7;
	_ =	sdelay $0x1  }
0x2bc: {  	[tilespmem:s9+$0xFFFFFFF0] =	vst v6  }
0x2bd: {  	v6 =	vld [tilespmem:s16+$0x24A0];
	_ =	sdelay $0x1  }
.Ltmp2:
0x2be: {  	(pc) =	sbr.rel @p0 .LBB2_7-.Ltmp2, $3  }
0x2bf: {  	_ =	sdelay $0x1  }
0x2c0: {  	[tilespmem:s8+$0x0] =	vst v6  }
0x2c1: {  	s14 =	sadd.s32 $0x20, s14;
	s21 =	sadd.s32 $0x20, s21;
	v6 =	vld [tilespmem:s17+$0x3E60]  }
0x2c2: {  	_ =	sdelay $0x1  }
0x2c3: {  	v5 =	vmul.f32 v5, v4  }
0x2c4: {  	s8 =	sshll.u32 s23, $0xC;
	s22 =	sadd.s32 $0x1, s22  }
0x2c5: {  	s12 =	simm.s32 $0x10630;
	s8 =	sadd.s32 s19, s8;
	p0 =	sne.s32 s22, $0x19;
	v5 =	vadd.f32 v6, v5  }
.Ltmp3:
0x2c6: {  	s23 =	simm.s32 $0x12630;
	s8 =	sshrl.u32 s8, $0x3;
	(pc) =	sbr.rel @p0 .LBB2_4-.Ltmp3, $4  }
0x2c7: {  	s28 =	sadd.s32 $0x40, s28;
	s30 =	sadd.s32 $0x40, s30;
	s9 =	sadd.s32 s1, s8;
	[tilespmem:s13+$0x0] =	vst v5  }
0x2c8: {  	[hbm4b:s9+s3] =	stream.linear.scatter [tilespmem:s12], [sflag:$0x3], $0x1000, $0x38;
	[tilespmem:$0x13630] =	vst v63  }
0x2c9: {  	s31 =	sadd.s32 $0x40, s31;
	s26 =	sadd.s32 $0x100, s26;
	s8 =	sadd.s32 s2, s8  }
0x2ca: {  	[hbm4b:s8+s3] =	stream.linear.scatter [tilespmem:s23], [sflag:$0x3], $0x1000, $0x38;
	[tilespmem:$0x13630] =	vst v63  }
0x2cb: {  	_ =	swait.ge [sflag:s20], $0x1000  }
0x2cc: {  	[sflag:s20] =	ssyncset.done $0x0  }
0x2cd: {  	[sflag:s20] =	ssyncadd.s32 $0xFFFFF000  }
0x2ce: {  	_ =	swait.ge [sflag:s20], $0x1000  }
0x2cf: {  	[sflag:s20] =	ssyncset.done $0x0  }
0x2d0: {  	[sflag:s20] =	ssyncadd.s32 $0xFFFFF000  }
0x2d1: {  	_ =	swait.ge [sflag:s20], $0x1000  }
0x2d2: {  	[sflag:s20] =	ssyncset.done $0x0  }
0x2d3: {  	[sflag:s20] =	ssyncadd.s32 $0xFFFFF000  }
0x2d4: {  	_ =	swait.ge [sflag:s20], $0x1000  }
0x2d5: {  	s9 =	rddreg [dreg:$0x13]  }
0x2d6: {  	s8 =	rddreg [dreg:$0x12];
	s9 =	sadd.s32 $0x1, s9  }
0x2d7: {  	p0 =	sne.s32 s9, s8  }
.Ltmp4:
0x2d8: {  	_ = 	snop;
	(pc) =	sbr.rel @p0 .LBB2_1-.Ltmp4, $3  }
0x2d9: {  	_ =	sdelay $0x1  }
0x2da: {  	s12 =	simm.s32 $0x500;
	[sflag:s20] =	ssyncset.done $0x0  }
0x2db: {  	s13 =	simm.s32 $0x4;
	s14 =	simm.s32 $0xB40;
	[sflag:s20] =	ssyncadd.s32 $0xFFFFF000  }
0x2dc: {  	_ =	sfence.sel $0x180000  }
0x2dd: {  	[bflag:$0x0] =	sbarrier.arrive $0xFFFF  }
0x2de: {  	_ =	strace $0x90000047  }
0x2df: {  	s0 =	stileid.u32;
	[bflag:$0x2] =	sbarrier.arrive $0xFFFF  }
0x2e0: {  	p0 =	sne.s32 s0, $0x0;
	s0 =	rddreg [dreg:$0x8]  }
0x2e1: {  	s0 =	sadd.s32 @!p0 $0x100000, s0  }
0x2e2: {  	[sflag:s0] =	ssyncadd.tile.s32 @!p0 $0x1;
	_ =	shalt  }
.Lfunc_end2:
_tile_overlayer_lowered:
.L_overlay_start_2:
0x2e3: {  	(tag) =	ssettag $0x2  }
0x2e4: {  	s0 =	rddreg [dreg:$0x0];
	s2 =	stileid.u32  }
0x2e5: {  	s1 =	rddreg [dreg:$0x1];
	p0 =	sne.s32 s2, $0x0  }
0x2e6: {  	s3 =	rddreg [dreg:$0x2];
	[bflag:$0x3] =	sbarrier.arrive $0xFFFF;
	s2 =	simm.s32 @!p0 $0x1C04  }
0x2e7: {  	[timem:s3], [sflag:s2] =	dma.local @!p0 [hbm:s0], s1  }
0x2e8: {  	s0 =	simm.s32 @!p0 $0x4  }
0x2e9: {  	_ =	swait.ge @!p0 [sflag:s0], s1  }
0x2ea: {  	s1 =	ssub.s32 @!p0 $0x0, s1;
	[sflag:s0] =	ssyncset.done @!p0 $0x0  }
0x2eb: {  	[sflag:s0] =	ssyncadd.s32 @!p0 s1  }
0x2ec: {  	[bflag:$0x3] =	sbarrier.arrive $0xFFFF  }
0x2ed: {  	_ =	shalt  }

</sc_bundles>
